<compile_context>
chip_gen: v7x
topology: tpu7x:2x2x1
jax: 0.10.2.dev20260603
libtpu: 0.0.44.dev20260713+nightly
codegen_flags: <defaults>
</compile_context>

<pallas_src>
import functools
import math

import jax
import jax.numpy as jnp
from jax import lax
from jax.experimental import pallas as pl
from jax.experimental.pallas import tpu as pltpu
from jax.experimental.pallas import tpu_sc as plsc

EMB = 64
SCALE = 8.0

NC = 2
NS = 16
NW = NC * NS

NBATCH = 4096
SEQ = 200
B_TOTAL = NBATCH * SEQ
ROWS_PER_W = B_TOTAL // NW
BATCH_PER_W = NBATCH // NW
CHUNK = 128
NBUF = 4

_mesh = plsc.VectorSubcoreMesh(
    core_axis_name="c", subcore_axis_name="s", num_cores=NC, num_subcores=NS)


@functools.partial(
    pl.kernel,
    out_type=jax.ShapeDtypeStruct((NBATCH, SEQ, EMB), jnp.float32),
    mesh=_mesh,
    scratch_types=[
        pltpu.VMEM((ROWS_PER_W,), jnp.int32),
    ] + [pltpu.VMEM((SEQ, EMB), jnp.float32) for _ in range(NBUF)]
      + [pltpu.SemaphoreType.DMA for _ in range(2 * NBUF)],
    compiler_params=pltpu.CompilerParams(
        use_tc_tiling_on_sc=False, allow_input_fusion=[False, True]),
)
def _emb_lookup(tok_hbm, table_hbm, out_hbm, idx_v,
                a0, a1, a2, a3,
                g0, g1, g2, g3, o0, o1, o2, o3):
    bufs = [a0, a1, a2, a3]
    gsems = [g0, g1, g2, g3]
    osems = [o0, o1, o2, o3]

    wid = lax.axis_index("s") * NC + lax.axis_index("c")
    pltpu.sync_copy(tok_hbm.at[pl.ds(wid * ROWS_PER_W, ROWS_PER_W)], idx_v)
    batch_base = wid * BATCH_PER_W

    def fire_gather(k, j):
        pltpu.async_copy(
            table_hbm.at[idx_v.at[pl.ds(k * SEQ, CHUNK)]],
            bufs[j].at[pl.ds(0, CHUNK)], gsems[j])
        pltpu.async_copy(
            table_hbm.at[idx_v.at[pl.ds(k * SEQ + CHUNK, SEQ - CHUNK)]],
            bufs[j].at[pl.ds(CHUNK, SEQ - CHUNK)], gsems[j])

    def wait_gather(j):
        pltpu.make_async_copy(
            table_hbm.at[idx_v.at[pl.ds(0, CHUNK)]],
            bufs[j].at[pl.ds(0, CHUNK)], gsems[j]).wait()
        pltpu.make_async_copy(
            table_hbm.at[idx_v.at[pl.ds(0, SEQ - CHUNK)]],
            bufs[j].at[pl.ds(CHUNK, SEQ - CHUNK)], gsems[j]).wait()

    def fire_out(k, j):
        pltpu.async_copy(bufs[j], out_hbm.at[batch_base + k], osems[j])

    def wait_out(j):
        pltpu.make_async_copy(bufs[j], out_hbm.at[0], osems[j]).wait()

    def scale(j):
        buf = bufs[j]

        def body(r, carry):
            for l in range(EMB // 16):
                sl = pl.ds(l * 16, 16)
                buf[r, sl] = buf[r, sl] * SCALE
            return carry

        lax.fori_loop(0, SEQ, body, 0, unroll=8)

    fire_gather(0, 0)
    fire_gather(1, 1)

    for k in (0, 1):
        fire_gather(k + 2, (k + 2) % NBUF)
        wait_gather(k % NBUF)
        scale(k % NBUF)
        fire_out(k, k % NBUF)

    def loop_body(t, carry):
        for jj in range(NBUF):
            k = NBUF * t + 2 + jj
            j = (2 + jj) % NBUF
            wait_out(jj)
            fire_gather(k + 2, jj)
            wait_gather(j)
            scale(j)
            fire_out(k, j)
        return carry

    lax.fori_loop(0, (BATCH_PER_W - NBUF) // NBUF, loop_body, 0)

    for k in (BATCH_PER_W - 2, BATCH_PER_W - 1):
        wait_out((k + 2) % NBUF)
        wait_gather(k % NBUF)
        scale(k % NBUF)
        fire_out(k, k % NBUF)

    wait_out((BATCH_PER_W - 2) % NBUF)
    wait_out((BATCH_PER_W - 1) % NBUF)


def kernel(tokens, embedding):
    tok = jnp.maximum(tokens.astype(jnp.int32), 0).reshape(B_TOTAL)
    return _emb_lookup(tok, embedding)

# --- scband reference (transcript-rebuilt; emitter-appended) ---
"""Pipeline reference for scband-token-embedding-9955734192316 (READ-ONLY COPY).

The authoritative reference and input builder live on the scoring server;
editing this copy changes nothing except your own understanding.
"""

import jax, jax.numpy as jnp
import numpy as np
import math

VOCAB_SIZE = 1000000
EMB_SIZE = 64

def setup_inputs(seed: int = 0) -> dict:
    key = jax.random.key(seed)
    k_tok, k_emb = jax.random.split(key)
    tokens = jax.random.randint(k_tok, (4096, 200), 0, VOCAB_SIZE, dtype=jnp.int64 if jax.config.read('jax_enable_x64') else jnp.int32)
    embedding = jax.random.normal(k_emb, (VOCAB_SIZE, EMB_SIZE), dtype=jnp.float32)
    return {"tokens": tokens, "embedding": embedding}

def reference(tokens, embedding):
    # TokenEmbedding.forward: embedding(tokens.long()) * sqrt(emb_size)
    emb = jnp.take(embedding, tokens.astype(jnp.int32), axis=0)
    return emb * math.sqrt(EMB_SIZE)

if __name__ == "__main__":
    import jax
    _d = setup_inputs()
    print(jax.jit(kernel)(*tuple(_d.values())))

</pallas_src>

<mosaic_0001>
#map = affine_map<(d0, d1) -> (0)>
#map1 = affine_map<(d0, d1) -> (0, 0)>
#map2 = affine_map<(d0, d1) -> (0, 0, 0)>
module attributes {stable_mosaic.version = 14 : i64} {
  func.func @_emb_lookup(%arg0: i32, %arg1: i32, %arg2: memref<819200xi32, #tpu.memory_space<hbm>>, %arg3: memref<1000000x64xf32, #tpu.memory_space<hbm>>, %arg4: memref<4096x200x64xf32, #tpu.memory_space<hbm>>, %arg5: memref<25600xi32, #tpu.memory_space<vmem>>, %arg6: memref<200x64xf32, #tpu.memory_space<vmem>>, %arg7: memref<200x64xf32, #tpu.memory_space<vmem>>, %arg8: memref<200x64xf32, #tpu.memory_space<vmem>>, %arg9: memref<200x64xf32, #tpu.memory_space<vmem>>, %arg10: memref<!tpu.dma_semaphore, #tpu.memory_space<semaphore_mem>>, %arg11: memref<!tpu.dma_semaphore, #tpu.memory_space<semaphore_mem>>, %arg12: memref<!tpu.dma_semaphore, #tpu.memory_space<semaphore_mem>>, %arg13: memref<!tpu.dma_semaphore, #tpu.memory_space<semaphore_mem>>, %arg14: memref<!tpu.dma_semaphore, #tpu.memory_space<semaphore_mem>>, %arg15: memref<!tpu.dma_semaphore, #tpu.memory_space<semaphore_mem>>, %arg16: memref<!tpu.dma_semaphore, #tpu.memory_space<semaphore_mem>>, %arg17: memref<!tpu.dma_semaphore, #tpu.memory_space<semaphore_mem>>) attributes {dimension_semantics = [#tpu.dimension_semantics<core_parallel>, #tpu.dimension_semantics<subcore_parallel>], iteration_bounds = array<i64: 2, 16>, scalar_prefetch = 0 : i64, scratch_operands = 13 : i64, tpu.core_type = #tpu.core_type<sc_vector_subcore>, window_params = [{transform_indices = #map}, {transform_indices = #map1}, {transform_indices = #map2}]} {
    %mul3A = arith.constant 2 : i32
    %mul3A_0 = arith.muli %arg1, %mul3A : i32
    %add3A = arith.addi %mul3A_0, %arg0 : i32
    %mul3A_1 = arith.constant 25600 : i32
    %mul3A_2 = arith.muli %add3A, %mul3A_1 : i32
    "tpu.region"() ({
      %run_scoped3A = tpu.sem_alloc : memref<!tpu.dma_semaphore, #tpu.memory_space<semaphore_mem>>
      %dma_start3A_236 = tpu.memref_slice %arg2[%mul3A_2] : memref<819200xi32, #tpu.memory_space<hbm>> -> memref<25600xi32, #tpu.memory_space<hbm>>
      %dma_start3A_237 = tpu.memref_slice %arg2[%mul3A_2] : memref<819200xi32, #tpu.memory_space<hbm>> -> memref<25600xi32, #tpu.memory_space<hbm>>
      tpu.enqueue_dma source(%dma_start3A_237 : memref<25600xi32, #tpu.memory_space<hbm>>) target(%arg5 : memref<25600xi32, #tpu.memory_space<vmem>>) target_semaphore(%run_scoped3A : memref<!tpu.dma_semaphore, #tpu.memory_space<semaphore_mem>>)
      %dma_wait3A_238 = tpu.memref_slice %arg2[%mul3A_2] : memref<819200xi32, #tpu.memory_space<hbm>> -> memref<25600xi32, #tpu.memory_space<hbm>>
      %dma_wait3A_239 = tpu.memref_slice %arg2[%mul3A_2] : memref<819200xi32, #tpu.memory_space<hbm>> -> memref<25600xi32, #tpu.memory_space<hbm>>
      tpu.wait_dma2 semaphore(%run_scoped3A : memref<!tpu.dma_semaphore, #tpu.memory_space<semaphore_mem>>) src(%dma_wait3A_239 : memref<25600xi32, #tpu.memory_space<hbm>>) dst(%arg5 : memref<25600xi32, #tpu.memory_space<vmem>>)
      tpu.yield
    }) : () -> ()
    %mul3A_3 = arith.constant 128 : i32
    %mul3A_4 = arith.muli %add3A, %mul3A_3 : i32
    %dma_start3A = arith.constant 0 : i32
    %dma_start3A_5 = arith.constant 0 : i32
    %dma_start3A_6 = tpu.memref_slice %arg6[%dma_start3A, %dma_start3A_5] : memref<200x64xf32, #tpu.memory_space<vmem>> -> memref<128x64xf32, #tpu.memory_space<vmem>>
    %dma_start3A_7 = arith.constant 0 : i32
    %dma_start3A_8 = tpu.memref_slice %arg5[%dma_start3A_7] : memref<25600xi32, #tpu.memory_space<vmem>> -> memref<128xi32, #tpu.memory_space<vmem>>
    %dma_start3A_9 = arith.constant 0 : i32
    %dma_start3A_10 = arith.constant 0 : i32
    %dma_start3A_11 = tpu.memref_slice %arg3[%dma_start3A_9, %dma_start3A_10] : memref<1000000x64xf32, #tpu.memory_space<hbm>> -> memref<1000000x64xf32, #tpu.memory_space<hbm>>
    tpu.enqueue_indirect_dma source(%dma_start3A_11 : memref<1000000x64xf32, #tpu.memory_space<hbm>>) target(%dma_start3A_6 : memref<128x64xf32, #tpu.memory_space<vmem>>) offsets(%dma_start3A_8 : memref<128xi32, #tpu.memory_space<vmem>>) semaphore(%arg10 : memref<!tpu.dma_semaphore, #tpu.memory_space<semaphore_mem>>)
    %dma_start3A_12 = arith.constant 128 : i32
    %dma_start3A_13 = arith.constant 0 : i32
    %dma_start3A_14 = tpu.memref_slice %arg6[%dma_start3A_12, %dma_start3A_13] : memref<200x64xf32, #tpu.memory_space<vmem>> -> memref<72x64xf32, #tpu.memory_space<vmem>>
    %dma_start3A_15 = arith.constant 128 : i32
    %dma_start3A_16 = tpu.memref_slice %arg5[%dma_start3A_15] : memref<25600xi32, #tpu.memory_space<vmem>> -> memref<72xi32, #tpu.memory_space<vmem>>
    %dma_start3A_17 = arith.constant 0 : i32
    %dma_start3A_18 = arith.constant 0 : i32
    %dma_start3A_19 = tpu.memref_slice %arg3[%dma_start3A_17, %dma_start3A_18] : memref<1000000x64xf32, #tpu.memory_space<hbm>> -> memref<1000000x64xf32, #tpu.memory_space<hbm>>
    tpu.enqueue_indirect_dma source(%dma_start3A_19 : memref<1000000x64xf32, #tpu.memory_space<hbm>>) target(%dma_start3A_14 : memref<72x64xf32, #tpu.memory_space<vmem>>) offsets(%dma_start3A_16 : memref<72xi32, #tpu.memory_space<vmem>>) semaphore(%arg10 : memref<!tpu.dma_semaphore, #tpu.memory_space<semaphore_mem>>)
    %dma_start3A_20 = arith.constant 0 : i32
    %dma_start3A_21 = arith.constant 0 : i32
    %dma_start3A_22 = tpu.memref_slice %arg7[%dma_start3A_20, %dma_start3A_21] : memref<200x64xf32, #tpu.memory_space<vmem>> -> memref<128x64xf32, #tpu.memory_space<vmem>>
    %dma_start3A_23 = arith.constant 200 : i32
    %dma_start3A_24 = tpu.memref_slice %arg5[%dma_start3A_23] : memref<25600xi32, #tpu.memory_space<vmem>> -> memref<128xi32, #tpu.memory_space<vmem>>
    %dma_start3A_25 = arith.constant 0 : i32
    %dma_start3A_26 = arith.constant 0 : i32
    %dma_start3A_27 = tpu.memref_slice %arg3[%dma_start3A_25, %dma_start3A_26] : memref<1000000x64xf32, #tpu.memory_space<hbm>> -> memref<1000000x64xf32, #tpu.memory_space<hbm>>
    tpu.enqueue_indirect_dma source(%dma_start3A_27 : memref<1000000x64xf32, #tpu.memory_space<hbm>>) target(%dma_start3A_22 : memref<128x64xf32, #tpu.memory_space<vmem>>) offsets(%dma_start3A_24 : memref<128xi32, #tpu.memory_space<vmem>>) semaphore(%arg11 : memref<!tpu.dma_semaphore, #tpu.memory_space<semaphore_mem>>)
    %dma_start3A_28 = arith.constant 128 : i32
    %dma_start3A_29 = arith.constant 0 : i32
    %dma_start3A_30 = tpu.memref_slice %arg7[%dma_start3A_28, %dma_start3A_29] : memref<200x64xf32, #tpu.memory_space<vmem>> -> memref<72x64xf32, #tpu.memory_space<vmem>>
    %dma_start3A_31 = arith.constant 328 : i32
    %dma_start3A_32 = tpu.memref_slice %arg5[%dma_start3A_31] : memref<25600xi32, #tpu.memory_space<vmem>> -> memref<72xi32, #tpu.memory_space<vmem>>
    %dma_start3A_33 = arith.constant 0 : i32
    %dma_start3A_34 = arith.constant 0 : i32
    %dma_start3A_35 = tpu.memref_slice %arg3[%dma_start3A_33, %dma_start3A_34] : memref<1000000x64xf32, #tpu.memory_space<hbm>> -> memref<1000000x64xf32, #tpu.memory_space<hbm>>
    tpu.enqueue_indirect_dma source(%dma_start3A_35 : memref<1000000x64xf32, #tpu.memory_space<hbm>>) target(%dma_start3A_30 : memref<72x64xf32, #tpu.memory_space<vmem>>) offsets(%dma_start3A_32 : memref<72xi32, #tpu.memory_space<vmem>>) semaphore(%arg11 : memref<!tpu.dma_semaphore, #tpu.memory_space<semaphore_mem>>)
    %dma_start3A_36 = arith.constant 0 : i32
    %dma_start3A_37 = arith.constant 0 : i32
    %dma_start3A_38 = tpu.memref_slice %arg8[%dma_start3A_36, %dma_start3A_37] : memref<200x64xf32, #tpu.memory_space<vmem>> -> memref<128x64xf32, #tpu.memory_space<vmem>>
    %dma_start3A_39 = arith.constant 400 : i32
    %dma_start3A_40 = tpu.memref_slice %arg5[%dma_start3A_39] : memref<25600xi32, #tpu.memory_space<vmem>> -> memref<128xi32, #tpu.memory_space<vmem>>
    %dma_start3A_41 = arith.constant 0 : i32
    %dma_start3A_42 = arith.constant 0 : i32
    %dma_start3A_43 = tpu.memref_slice %arg3[%dma_start3A_41, %dma_start3A_42] : memref<1000000x64xf32, #tpu.memory_space<hbm>> -> memref<1000000x64xf32, #tpu.memory_space<hbm>>
    tpu.enqueue_indirect_dma source(%dma_start3A_43 : memref<1000000x64xf32, #tpu.memory_space<hbm>>) target(%dma_start3A_38 : memref<128x64xf32, #tpu.memory_space<vmem>>) offsets(%dma_start3A_40 : memref<128xi32, #tpu.memory_space<vmem>>) semaphore(%arg12 : memref<!tpu.dma_semaphore, #tpu.memory_space<semaphore_mem>>)
    %dma_start3A_44 = arith.constant 128 : i32
    %dma_start3A_45 = arith.constant 0 : i32
    %dma_start3A_46 = tpu.memref_slice %arg8[%dma_start3A_44, %dma_start3A_45] : memref<200x64xf32, #tpu.memory_space<vmem>> -> memref<72x64xf32, #tpu.memory_space<vmem>>
    %dma_start3A_47 = arith.constant 528 : i32
    %dma_start3A_48 = tpu.memref_slice %arg5[%dma_start3A_47] : memref<25600xi32, #tpu.memory_space<vmem>> -> memref<72xi32, #tpu.memory_space<vmem>>
    %dma_start3A_49 = arith.constant 0 : i32
    %dma_start3A_50 = arith.constant 0 : i32
    %dma_start3A_51 = tpu.memref_slice %arg3[%dma_start3A_49, %dma_start3A_50] : memref<1000000x64xf32, #tpu.memory_space<hbm>> -> memref<1000000x64xf32, #tpu.memory_space<hbm>>
    tpu.enqueue_indirect_dma source(%dma_start3A_51 : memref<1000000x64xf32, #tpu.memory_space<hbm>>) target(%dma_start3A_46 : memref<72x64xf32, #tpu.memory_space<vmem>>) offsets(%dma_start3A_48 : memref<72xi32, #tpu.memory_space<vmem>>) semaphore(%arg12 : memref<!tpu.dma_semaphore, #tpu.memory_space<semaphore_mem>>)
    %dma_wait3A = arith.constant 0 : i32
    %dma_wait3A_52 = arith.constant 0 : i32
    %dma_wait3A_53 = tpu.memref_slice %arg6[%dma_wait3A, %dma_wait3A_52] : memref<200x64xf32, #tpu.memory_space<vmem>> -> memref<128x64xf32, #tpu.memory_space<vmem>>
    %dma_wait3A_54 = arith.constant 0 : i32
    %dma_wait3A_55 = tpu.memref_slice %arg5[%dma_wait3A_54] : memref<25600xi32, #tpu.memory_space<vmem>> -> memref<128xi32, #tpu.memory_space<vmem>>
    %dma_wait3A_56 = arith.constant 0 : i32
    %dma_wait3A_57 = arith.constant 0 : i32
    %dma_wait3A_58 = tpu.memref_slice %arg3[%dma_wait3A_56, %dma_wait3A_57] : memref<1000000x64xf32, #tpu.memory_space<hbm>> -> memref<1000000x64xf32, #tpu.memory_space<hbm>>
    tpu.wait_indirect_dma semaphore(%arg10 : memref<!tpu.dma_semaphore, #tpu.memory_space<semaphore_mem>>) src(%dma_wait3A_58 : memref<1000000x64xf32, #tpu.memory_space<hbm>>) dst(%dma_wait3A_53 : memref<128x64xf32, #tpu.memory_space<vmem>>)
    %dma_wait3A_59 = arith.constant 128 : i32
    %dma_wait3A_60 = arith.constant 0 : i32
    %dma_wait3A_61 = tpu.memref_slice %arg6[%dma_wait3A_59, %dma_wait3A_60] : memref<200x64xf32, #tpu.memory_space<vmem>> -> memref<72x64xf32, #tpu.memory_space<vmem>>
    %dma_wait3A_62 = arith.constant 0 : i32
    %dma_wait3A_63 = tpu.memref_slice %arg5[%dma_wait3A_62] : memref<25600xi32, #tpu.memory_space<vmem>> -> memref<72xi32, #tpu.memory_space<vmem>>
    %dma_wait3A_64 = arith.constant 0 : i32
    %dma_wait3A_65 = arith.constant 0 : i32
    %dma_wait3A_66 = tpu.memref_slice %arg3[%dma_wait3A_64, %dma_wait3A_65] : memref<1000000x64xf32, #tpu.memory_space<hbm>> -> memref<1000000x64xf32, #tpu.memory_space<hbm>>
    tpu.wait_indirect_dma semaphore(%arg10 : memref<!tpu.dma_semaphore, #tpu.memory_space<semaphore_mem>>) src(%dma_wait3A_66 : memref<1000000x64xf32, #tpu.memory_space<hbm>>) dst(%dma_wait3A_61 : memref<72x64xf32, #tpu.memory_space<vmem>>)
    %scan3A = arith.constant 0 : i32
    %scan3A_67 = arith.constant 0 : i32
    %scan3A_68 = arith.constant 200 : i32
    %scan3A_69 = arith.addi %scan3A_67, %scan3A_68 : i32
    %scan3A_70 = arith.constant 8 : i32
    scf.for %scan3A_236 = %scan3A_67 to %scan3A_69 step %scan3A_70  : i32 {
      %get3A = arith.index_cast %scan3A_236 : i32 to index
      %get3A_237 = arith.constant 0 : index
      %get3A_238 = tpu.vector_load %arg6[%get3A, %get3A_237] {strides = array<i32>} : memref<200x64xf32, #tpu.memory_space<vmem>>, vector<1x16xf32>,
      %get3A_239 = vector.shape_cast %get3A_238 : vector<1x16xf32> to vector<16xf32>
      %mul3A_240 = arith.constant 8.000000e+00 : f32
      %mul3A_241 = vector.broadcast %mul3A_240 : f32 to vector<16xf32>
      %mul3A_242 = arith.mulf %get3A_239, %mul3A_241 : vector<16xf32>
      %swap3A = arith.index_cast %scan3A_236 : i32 to index
      %swap3A_243 = arith.constant 0 : index
      %swap3A_244 = tpu.vector_load %arg6[%swap3A, %swap3A_243] {strides = array<i32>} : memref<200x64xf32, #tpu.memory_space<vmem>>, vector<1x16xf32>,
      %swap3A_245 = vector.shape_cast %swap3A_244 : vector<1x16xf32> to vector<16xf32>
      %swap3A_246 = vector.shape_cast %mul3A_242 : vector<16xf32> to vector<1x16xf32>
      tpu.vector_store %arg6[%swap3A, %swap3A_243], %swap3A_246 {strides = array<i32>} : memref<200x64xf32, #tpu.memory_space<vmem>>, vector<1x16xf32>,
      %get3A_247 = arith.index_cast %scan3A_236 : i32 to index
      %get3A_248 = arith.constant 16 : index
      %get3A_249 = tpu.vector_load %arg6[%get3A_247, %get3A_248] {strides = array<i32>} : memref<200x64xf32, #tpu.memory_space<vmem>>, vector<1x16xf32>,
      %get3A_250 = vector.shape_cast %get3A_249 : vector<1x16xf32> to vector<16xf32>
      %mul3A_251 = arith.constant 8.000000e+00 : f32
      %mul3A_252 = vector.broadcast %mul3A_251 : f32 to vector<16xf32>
      %mul3A_253 = arith.mulf %get3A_250, %mul3A_252 : vector<16xf32>
      %swap3A_254 = arith.index_cast %scan3A_236 : i32 to index
      %swap3A_255 = arith.constant 16 : index
      %swap3A_256 = tpu.vector_load %arg6[%swap3A_254, %swap3A_255] {strides = array<i32>} : memref<200x64xf32, #tpu.memory_space<vmem>>, vector<1x16xf32>,
      %swap3A_257 = vector.shape_cast %swap3A_256 : vector<1x16xf32> to vector<16xf32>
      %swap3A_258 = vector.shape_cast %mul3A_253 : vector<16xf32> to vector<1x16xf32>
      tpu.vector_store %arg6[%swap3A_254, %swap3A_255], %swap3A_258 {strides = array<i32>} : memref<200x64xf32, #tpu.memory_space<vmem>>, vector<1x16xf32>,
      %get3A_259 = arith.index_cast %scan3A_236 : i32 to index
      %get3A_260 = arith.constant 32 : index
      %get3A_261 = tpu.vector_load %arg6[%get3A_259, %get3A_260] {strides = array<i32>} : memref<200x64xf32, #tpu.memory_space<vmem>>, vector<1x16xf32>,
      %get3A_262 = vector.shape_cast %get3A_261 : vector<1x16xf32> to vector<16xf32>
      %mul3A_263 = arith.constant 8.000000e+00 : f32
      %mul3A_264 = vector.broadcast %mul3A_263 : f32 to vector<16xf32>
      %mul3A_265 = arith.mulf %get3A_262, %mul3A_264 : vector<16xf32>
      %swap3A_266 = arith.index_cast %scan3A_236 : i32 to index
      %swap3A_267 = arith.constant 32 : index
      %swap3A_268 = tpu.vector_load %arg6[%swap3A_266, %swap3A_267] {strides = array<i32>} : memref<200x64xf32, #tpu.memory_space<vmem>>, vector<1x16xf32>,
      %swap3A_269 = vector.shape_cast %swap3A_268 : vector<1x16xf32> to vector<16xf32>
      %swap3A_270 = vector.shape_cast %mul3A_265 : vector<16xf32> to vector<1x16xf32>
      tpu.vector_store %arg6[%swap3A_266, %swap3A_267], %swap3A_270 {strides = array<i32>} : memref<200x64xf32, #tpu.memory_space<vmem>>, vector<1x16xf32>,
      %get3A_271 = arith.index_cast %scan3A_236 : i32 to index
      %get3A_272 = arith.constant 48 : index
      %get3A_273 = tpu.vector_load %arg6[%get3A_271, %get3A_272] {strides = array<i32>} : memref<200x64xf32, #tpu.memory_space<vmem>>, vector<1x16xf32>,
      %get3A_274 = vector.shape_cast %get3A_273 : vector<1x16xf32> to vector<16xf32>
      %mul3A_275 = arith.constant 8.000000e+00 : f32
      %mul3A_276 = vector.broadcast %mul3A_275 : f32 to vector<16xf32>
      %mul3A_277 = arith.mulf %get3A_274, %mul3A_276 : vector<16xf32>
      %swap3A_278 = arith.index_cast %scan3A_236 : i32 to index
      %swap3A_279 = arith.constant 48 : index
      %swap3A_280 = tpu.vector_load %arg6[%swap3A_278, %swap3A_279] {strides = array<i32>} : memref<200x64xf32, #tpu.memory_space<vmem>>, vector<1x16xf32>,
      %swap3A_281 = vector.shape_cast %swap3A_280 : vector<1x16xf32> to vector<16xf32>
      %swap3A_282 = vector.shape_cast %mul3A_277 : vector<16xf32> to vector<1x16xf32>
      tpu.vector_store %arg6[%swap3A_278, %swap3A_279], %swap3A_282 {strides = array<i32>} : memref<200x64xf32, #tpu.memory_space<vmem>>, vector<1x16xf32>,
      %scan3A_283 = arith.constant 1 : i32
      %scan3A_284 = arith.addi %scan3A_236, %scan3A_283 : i32
      %get3A_285 = arith.index_cast %scan3A_284 : i32 to index
      %get3A_286 = arith.constant 0 : index
      %get3A_287 = tpu.vector_load %arg6[%get3A_285, %get3A_286] {strides = array<i32>} : memref<200x64xf32, #tpu.memory_space<vmem>>, vector<1x16xf32>,
      %get3A_288 = vector.shape_cast %get3A_287 : vector<1x16xf32> to vector<16xf32>
      %mul3A_289 = arith.constant 8.000000e+00 : f32
      %mul3A_290 = vector.broadcast %mul3A_289 : f32 to vector<16xf32>
      %mul3A_291 = arith.mulf %get3A_288, %mul3A_290 : vector<16xf32>
      %swap3A_292 = arith.index_cast %scan3A_284 : i32 to index
      %swap3A_293 = arith.constant 0 : index
      %swap3A_294 = tpu.vector_load %arg6[%swap3A_292, %swap3A_293] {strides = array<i32>} : memref<200x64xf32, #tpu.memory_space<vmem>>, vector<1x16xf32>,
      %swap3A_295 = vector.shape_cast %swap3A_294 : vector<1x16xf32> to vector<16xf32>
      %swap3A_296 = vector.shape_cast %mul3A_291 : vector<16xf32> to vector<1x16xf32>
      tpu.vector_store %arg6[%swap3A_292, %swap3A_293], %swap3A_296 {strides = array<i32>} : memref<200x64xf32, #tpu.memory_space<vmem>>, vector<1x16xf32>,
      %get3A_297 = arith.index_cast %scan3A_284 : i32 to index
      %get3A_298 = arith.constant 16 : index
      %get3A_299 = tpu.vector_load %arg6[%get3A_297, %get3A_298] {strides = array<i32>} : memref<200x64xf32, #tpu.memory_space<vmem>>, vector<1x16xf32>,
      %get3A_300 = vector.shape_cast %get3A_299 : vector<1x16xf32> to vector<16xf32>
      %mul3A_301 = arith.constant 8.000000e+00 : f32
      %mul3A_302 = vector.broadcast %mul3A_301 : f32 to vector<16xf32>
      %mul3A_303 = arith.mulf %get3A_300, %mul3A_302 : vector<16xf32>
      %swap3A_304 = arith.index_cast %scan3A_284 : i32 to index
      %swap3A_305 = arith.constant 16 : index
      %swap3A_306 = tpu.vector_load %arg6[%swap3A_304, %swap3A_305] {strides = array<i32>} : memref<200x64xf32, #tpu.memory_space<vmem>>, vector<1x16xf32>,
      %swap3A_307 = vector.shape_cast %swap3A_306 : vector<1x16xf32> to vector<16xf32>
      %swap3A_308 = vector.shape_cast %mul3A_303 : vector<16xf32> to vector<1x16xf32>
      tpu.vector_store %arg6[%swap3A_304, %swap3A_305], %swap3A_308 {strides = array<i32>} : memref<200x64xf32, #tpu.memory_space<vmem>>, vector<1x16xf32>,
      %get3A_309 = arith.index_cast %scan3A_284 : i32 to index
      %get3A_310 = arith.constant 32 : index
      %get3A_311 = tpu.vector_load %arg6[%get3A_309, %get3A_310] {strides = array<i32>} : memref<200x64xf32, #tpu.memory_space<vmem>>, vector<1x16xf32>,
      %get3A_312 = vector.shape_cast %get3A_311 : vector<1x16xf32> to vector<16xf32>
      %mul3A_313 = arith.constant 8.000000e+00 : f32
      %mul3A_314 = vector.broadcast %mul3A_313 : f32 to vector<16xf32>
      %mul3A_315 = arith.mulf %get3A_312, %mul3A_314 : vector<16xf32>
      %swap3A_316 = arith.index_cast %scan3A_284 : i32 to index
      %swap3A_317 = arith.constant 32 : index
      %swap3A_318 = tpu.vector_load %arg6[%swap3A_316, %swap3A_317] {strides = array<i32>} : memref<200x64xf32, #tpu.memory_space<vmem>>, vector<1x16xf32>,
      %swap3A_319 = vector.shape_cast %swap3A_318 : vector<1x16xf32> to vector<16xf32>
      %swap3A_320 = vector.shape_cast %mul3A_315 : vector<16xf32> to vector<1x16xf32>
      tpu.vector_store %arg6[%swap3A_316, %swap3A_317], %swap3A_320 {strides = array<i32>} : memref<200x64xf32, #tpu.memory_space<vmem>>, vector<1x16xf32>,
      %get3A_321 = arith.index_cast %scan3A_284 : i32 to index
      %get3A_322 = arith.constant 48 : index
      %get3A_323 = tpu.vector_load %arg6[%get3A_321, %get3A_322] {strides = array<i32>} : memref<200x64xf32, #tpu.memory_space<vmem>>, vector<1x16xf32>,
      %get3A_324 = vector.shape_cast %get3A_323 : vector<1x16xf32> to vector<16xf32>
      %mul3A_325 = arith.constant 8.000000e+00 : f32
      %mul3A_326 = vector.broadcast %mul3A_325 : f32 to vector<16xf32>
      %mul3A_327 = arith.mulf %get3A_324, %mul3A_326 : vector<16xf32>
      %swap3A_328 = arith.index_cast %scan3A_284 : i32 to index
      %swap3A_329 = arith.constant 48 : index
      %swap3A_330 = tpu.vector_load %arg6[%swap3A_328, %swap3A_329] {strides = array<i32>} : memref<200x64xf32, #tpu.memory_space<vmem>>, vector<1x16xf32>,
      %swap3A_331 = vector.shape_cast %swap3A_330 : vector<1x16xf32> to vector<16xf32>
      %swap3A_332 = vector.shape_cast %mul3A_327 : vector<16xf32> to vector<1x16xf32>
      tpu.vector_store %arg6[%swap3A_328, %swap3A_329], %swap3A_332 {strides = array<i32>} : memref<200x64xf32, #tpu.memory_space<vmem>>, vector<1x16xf32>,
      %scan3A_333 = arith.constant 2 : i32
      %scan3A_334 = arith.addi %scan3A_236, %scan3A_333 : i32
      %get3A_335 = arith.index_cast %scan3A_334 : i32 to index
      %get3A_336 = arith.constant 0 : index
      %get3A_337 = tpu.vector_load %arg6[%get3A_335, %get3A_336] {strides = array<i32>} : memref<200x64xf32, #tpu.memory_space<vmem>>, vector<1x16xf32>,
      %get3A_338 = vector.shape_cast %get3A_337 : vector<1x16xf32> to vector<16xf32>
      %mul3A_339 = arith.constant 8.000000e+00 : f32
      %mul3A_340 = vector.broadcast %mul3A_339 : f32 to vector<16xf32>
      %mul3A_341 = arith.mulf %get3A_338, %mul3A_340 : vector<16xf32>
      %swap3A_342 = arith.index_cast %scan3A_334 : i32 to index
      %swap3A_343 = arith.constant 0 : index
      %swap3A_344 = tpu.vector_load %arg6[%swap3A_342, %swap3A_343] {strides = array<i32>} : memref<200x64xf32, #tpu.memory_space<vmem>>, vector<1x16xf32>,
      %swap3A_345 = vector.shape_cast %swap3A_344 : vector<1x16xf32> to vector<16xf32>
      %swap3A_346 = vector.shape_cast %mul3A_341 : vector<16xf32> to vector<1x16xf32>
      tpu.vector_store %arg6[%swap3A_342, %swap3A_343], %swap3A_346 {strides = array<i32>} : memref<200x64xf32, #tpu.memory_space<vmem>>, vector<1x16xf32>,
      %get3A_347 = arith.index_cast %scan3A_334 : i32 to index
      %get3A_348 = arith.constant 16 : index
      %get3A_349 = tpu.vector_load %arg6[%get3A_347, %get3A_348] {strides = array<i32>} : memref<200x64xf32, #tpu.memory_space<vmem>>, vector<1x16xf32>,
      %get3A_350 = vector.shape_cast %get3A_349 : vector<1x16xf32> to vector<16xf32>
      %mul3A_351 = arith.constant 8.000000e+00 : f32
      %mul3A_352 = vector.broadcast %mul3A_351 : f32 to vector<16xf32>
      %mul3A_353 = arith.mulf %get3A_350, %mul3A_352 : vector<16xf32>
      %swap3A_354 = arith.index_cast %scan3A_334 : i32 to index
      %swap3A_355 = arith.constant 16 : index
      %swap3A_356 = tpu.vector_load %arg6[%swap3A_354, %swap3A_355] {strides = array<i32>} : memref<200x64xf32, #tpu.memory_space<vmem>>, vector<1x16xf32>,
      %swap3A_357 = vector.shape_cast %swap3A_356 : vector<1x16xf32> to vector<16xf32>
      %swap3A_358 = vector.shape_cast %mul3A_353 : vector<16xf32> to vector<1x16xf32>
      tpu.vector_store %arg6[%swap3A_354, %swap3A_355], %swap3A_358 {strides = array<i32>} : memref<200x64xf32, #tpu.memory_space<vmem>>, vector<1x16xf32>,
      %get3A_359 = arith.index_cast %scan3A_334 : i32 to index
      %get3A_360 = arith.constant 32 : index
      %get3A_361 = tpu.vector_load %arg6[%get3A_359, %get3A_360] {strides = array<i32>} : memref<200x64xf32, #tpu.memory_space<vmem>>, vector<1x16xf32>,
      %get3A_362 = vector.shape_cast %get3A_361 : vector<1x16xf32> to vector<16xf32>
      %mul3A_363 = arith.constant 8.000000e+00 : f32
      %mul3A_364 = vector.broadcast %mul3A_363 : f32 to vector<16xf32>
      %mul3A_365 = arith.mulf %get3A_362, %mul3A_364 : vector<16xf32>
      %swap3A_366 = arith.index_cast %scan3A_334 : i32 to index
      %swap3A_367 = arith.constant 32 : index
      %swap3A_368 = tpu.vector_load %arg6[%swap3A_366, %swap3A_367] {strides = array<i32>} : memref<200x64xf32, #tpu.memory_space<vmem>>, vector<1x16xf32>,
      %swap3A_369 = vector.shape_cast %swap3A_368 : vector<1x16xf32> to vector<16xf32>
      %swap3A_370 = vector.shape_cast %mul3A_365 : vector<16xf32> to vector<1x16xf32>
      tpu.vector_store %arg6[%swap3A_366, %swap3A_367], %swap3A_370 {strides = array<i32>} : memref<200x64xf32, #tpu.memory_space<vmem>>, vector<1x16xf32>,
      %get3A_371 = arith.index_cast %scan3A_334 : i32 to index
      %get3A_372 = arith.constant 48 : index
      %get3A_373 = tpu.vector_load %arg6[%get3A_371, %get3A_372] {strides = array<i32>} : memref<200x64xf32, #tpu.memory_space<vmem>>, vector<1x16xf32>,
      %get3A_374 = vector.shape_cast %get3A_373 : vector<1x16xf32> to vector<16xf32>
      %mul3A_375 = arith.constant 8.000000e+00 : f32
      %mul3A_376 = vector.broadcast %mul3A_375 : f32 to vector<16xf32>
      %mul3A_377 = arith.mulf %get3A_374, %mul3A_376 : vector<16xf32>
      %swap3A_378 = arith.index_cast %scan3A_334 : i32 to index
      %swap3A_379 = arith.constant 48 : index
      %swap3A_380 = tpu.vector_load %arg6[%swap3A_378, %swap3A_379] {strides = array<i32>} : memref<200x64xf32, #tpu.memory_space<vmem>>, vector<1x16xf32>,
      %swap3A_381 = vector.shape_cast %swap3A_380 : vector<1x16xf32> to vector<16xf32>
      %swap3A_382 = vector.shape_cast %mul3A_377 : vector<16xf32> to vector<1x16xf32>
      tpu.vector_store %arg6[%swap3A_378, %swap3A_379], %swap3A_382 {strides = array<i32>} : memref<200x64xf32, #tpu.memory_space<vmem>>, vector<1x16xf32>,
      %scan3A_383 = arith.constant 3 : i32
      %scan3A_384 = arith.addi %scan3A_236, %scan3A_383 : i32
      %get3A_385 = arith.index_cast %scan3A_384 : i32 to index
      %get3A_386 = arith.constant 0 : index
      %get3A_387 = tpu.vector_load %arg6[%get3A_385, %get3A_386] {strides = array<i32>} : memref<200x64xf32, #tpu.memory_space<vmem>>, vector<1x16xf32>,
      %get3A_388 = vector.shape_cast %get3A_387 : vector<1x16xf32> to vector<16xf32>
      %mul3A_389 = arith.constant 8.000000e+00 : f32
      %mul3A_390 = vector.broadcast %mul3A_389 : f32 to vector<16xf32>
      %mul3A_391 = arith.mulf %get3A_388, %mul3A_390 : vector<16xf32>
      %swap3A_392 = arith.index_cast %scan3A_384 : i32 to index
      %swap3A_393 = arith.constant 0 : index
      %swap3A_394 = tpu.vector_load %arg6[%swap3A_392, %swap3A_393] {strides = array<i32>} : memref<200x64xf32, #tpu.memory_space<vmem>>, vector<1x16xf32>,
      %swap3A_395 = vector.shape_cast %swap3A_394 : vector<1x16xf32> to vector<16xf32>
      %swap3A_396 = vector.shape_cast %mul3A_391 : vector<16xf32> to vector<1x16xf32>
      tpu.vector_store %arg6[%swap3A_392, %swap3A_393], %swap3A_396 {strides = array<i32>} : memref<200x64xf32, #tpu.memory_space<vmem>>, vector<1x16xf32>,
      %get3A_397 = arith.index_cast %scan3A_384 : i32 to index
      %get3A_398 = arith.constant 16 : index
      %get3A_399 = tpu.vector_load %arg6[%get3A_397, %get3A_398] {strides = array<i32>} : memref<200x64xf32, #tpu.memory_space<vmem>>, vector<1x16xf32>,
      %get3A_400 = vector.shape_cast %get3A_399 : vector<1x16xf32> to vector<16xf32>
      %mul3A_401 = arith.constant 8.000000e+00 : f32
      %mul3A_402 = vector.broadcast %mul3A_401 : f32 to vector<16xf32>
      %mul3A_403 = arith.mulf %get3A_400, %mul3A_402 : vector<16xf32>
      %swap3A_404 = arith.index_cast %scan3A_384 : i32 to index
      %swap3A_405 = arith.constant 16 : index
      %swap3A_406 = tpu.vector_load %arg6[%swap3A_404, %swap3A_405] {strides = array<i32>} : memref<200x64xf32, #tpu.memory_space<vmem>>, vector<1x16xf32>,
      %swap3A_407 = vector.shape_cast %swap3A_406 : vector<1x16xf32> to vector<16xf32>
      %swap3A_408 = vector.shape_cast %mul3A_403 : vector<16xf32> to vector<1x16xf32>
      tpu.vector_store %arg6[%swap3A_404, %swap3A_405], %swap3A_408 {strides = array<i32>} : memref<200x64xf32, #tpu.memory_space<vmem>>, vector<1x16xf32>,
      %get3A_409 = arith.index_cast %scan3A_384 : i32 to index
      %get3A_410 = arith.constant 32 : index
      %get3A_411 = tpu.vector_load %arg6[%get3A_409, %get3A_410] {strides = array<i32>} : memref<200x64xf32, #tpu.memory_space<vmem>>, vector<1x16xf32>,
      %get3A_412 = vector.shape_cast %get3A_411 : vector<1x16xf32> to vector<16xf32>
      %mul3A_413 = arith.constant 8.000000e+00 : f32
      %mul3A_414 = vector.broadcast %mul3A_413 : f32 to vector<16xf32>
      %mul3A_415 = arith.mulf %get3A_412, %mul3A_414 : vector<16xf32>
      %swap3A_416 = arith.index_cast %scan3A_384 : i32 to index
      %swap3A_417 = arith.constant 32 : index
      %swap3A_418 = tpu.vector_load %arg6[%swap3A_416, %swap3A_417] {strides = array<i32>} : memref<200x64xf32, #tpu.memory_space<vmem>>, vector<1x16xf32>,
      %swap3A_419 = vector.shape_cast %swap3A_418 : vector<1x16xf32> to vector<16xf32>
      %swap3A_420 = vector.shape_cast %mul3A_415 : vector<16xf32> to vector<1x16xf32>
      tpu.vector_store %arg6[%swap3A_416, %swap3A_417], %swap3A_420 {strides = array<i32>} : memref<200x64xf32, #tpu.memory_space<vmem>>, vector<1x16xf32>,
      %get3A_421 = arith.index_cast %scan3A_384 : i32 to index
      %get3A_422 = arith.constant 48 : index
      %get3A_423 = tpu.vector_load %arg6[%get3A_421, %get3A_422] {strides = array<i32>} : memref<200x64xf32, #tpu.memory_space<vmem>>, vector<1x16xf32>,
      %get3A_424 = vector.shape_cast %get3A_423 : vector<1x16xf32> to vector<16xf32>
      %mul3A_425 = arith.constant 8.000000e+00 : f32
      %mul3A_426 = vector.broadcast %mul3A_425 : f32 to vector<16xf32>
      %mul3A_427 = arith.mulf %get3A_424, %mul3A_426 : vector<16xf32>
      %swap3A_428 = arith.index_cast %scan3A_384 : i32 to index
      %swap3A_429 = arith.constant 48 : index
      %swap3A_430 = tpu.vector_load %arg6[%swap3A_428, %swap3A_429] {strides = array<i32>} : memref<200x64xf32, #tpu.memory_space<vmem>>, vector<1x16xf32>,
      %swap3A_431 = vector.shape_cast %swap3A_430 : vector<1x16xf32> to vector<16xf32>
      %swap3A_432 = vector.shape_cast %mul3A_427 : vector<16xf32> to vector<1x16xf32>
      tpu.vector_store %arg6[%swap3A_428, %swap3A_429], %swap3A_432 {strides = array<i32>} : memref<200x64xf32, #tpu.memory_space<vmem>>, vector<1x16xf32>,
      %scan3A_433 = arith.constant 4 : i32
      %scan3A_434 = arith.addi %scan3A_236, %scan3A_433 : i32
      %get3A_435 = arith.index_cast %scan3A_434 : i32 to index
      %get3A_436 = arith.constant 0 : index
      %get3A_437 = tpu.vector_load %arg6[%get3A_435, %get3A_436] {strides = array<i32>} : memref<200x64xf32, #tpu.memory_space<vmem>>, vector<1x16xf32>,
      %get3A_438 = vector.shape_cast %get3A_437 : vector<1x16xf32> to vector<16xf32>
      %mul3A_439 = arith.constant 8.000000e+00 : f32
      %mul3A_440 = vector.broadcast %mul3A_439 : f32 to vector<16xf32>
      %mul3A_441 = arith.mulf %get3A_438, %mul3A_440 : vector<16xf32>
      %swap3A_442 = arith.index_cast %scan3A_434 : i32 to index
      %swap3A_443 = arith.constant 0 : index
      %swap3A_444 = tpu.vector_load %arg6[%swap3A_442, %swap3A_443] {strides = array<i32>} : memref<200x64xf32, #tpu.memory_space<vmem>>, vector<1x16xf32>,
      %swap3A_445 = vector.shape_cast %swap3A_444 : vector<1x16xf32> to vector<16xf32>
      %swap3A_446 = vector.shape_cast %mul3A_441 : vector<16xf32> to vector<1x16xf32>
      tpu.vector_store %arg6[%swap3A_442, %swap3A_443], %swap3A_446 {strides = array<i32>} : memref<200x64xf32, #tpu.memory_space<vmem>>, vector<1x16xf32>,
      %get3A_447 = arith.index_cast %scan3A_434 : i32 to index
      %get3A_448 = arith.constant 16 : index
      %get3A_449 = tpu.vector_load %arg6[%get3A_447, %get3A_448] {strides = array<i32>} : memref<200x64xf32, #tpu.memory_space<vmem>>, vector<1x16xf32>,
      %get3A_450 = vector.shape_cast %get3A_449 : vector<1x16xf32> to vector<16xf32>
      %mul3A_451 = arith.constant 8.000000e+00 : f32
      %mul3A_452 = vector.broadcast %mul3A_451 : f32 to vector<16xf32>
      %mul3A_453 = arith.mulf %get3A_450, %mul3A_452 : vector<16xf32>
      %swap3A_454 = arith.index_cast %scan3A_434 : i32 to index
      %swap3A_455 = arith.constant 16 : index
      %swap3A_456 = tpu.vector_load %arg6[%swap3A_454, %swap3A_455] {strides = array<i32>} : memref<200x64xf32, #tpu.memory_space<vmem>>, vector<1x16xf32>,
      %swap3A_457 = vector.shape_cast %swap3A_456 : vector<1x16xf32> to vector<16xf32>
      %swap3A_458 = vector.shape_cast %mul3A_453 : vector<16xf32> to vector<1x16xf32>
      tpu.vector_store %arg6[%swap3A_454, %swap3A_455], %swap3A_458 {strides = array<i32>} : memref<200x64xf32, #tpu.memory_space<vmem>>, vector<1x16xf32>,
      %get3A_459 = arith.index_cast %scan3A_434 : i32 to index
      %get3A_460 = arith.constant 32 : index
      %get3A_461 = tpu.vector_load %arg6[%get3A_459, %get3A_460] {strides = array<i32>} : memref<200x64xf32, #tpu.memory_space<vmem>>, vector<1x16xf32>,
      %get3A_462 = vector.shape_cast %get3A_461 : vector<1x16xf32> to vector<16xf32>
      %mul3A_463 = arith.constant 8.000000e+00 : f32
      %mul3A_464 = vector.broadcast %mul3A_463 : f32 to vector<16xf32>
      %mul3A_465 = arith.mulf %get3A_462, %mul3A_464 : vector<16xf32>
      %swap3A_466 = arith.index_cast %scan3A_434 : i32 to index
      %swap3A_467 = arith.constant 32 : index
      %swap3A_468 = tpu.vector_load %arg6[%swap3A_466, %swap3A_467] {strides = array<i32>} : memref<200x64xf32, #tpu.memory_space<vmem>>, vector<1x16xf32>,
      %swap3A_469 = vector.shape_cast %swap3A_468 : vector<1x16xf32> to vector<16xf32>
      %swap3A_470 = vector.shape_cast %mul3A_465 : vector<16xf32> to vector<1x16xf32>
      tpu.vector_store %arg6[%swap3A_466, %swap3A_467], %swap3A_470 {strides = array<i32>} : memref<200x64xf32, #tpu.memory_space<vmem>>, vector<1x16xf32>,
      %get3A_471 = arith.index_cast %scan3A_434 : i32 to index
      %get3A_472 = arith.constant 48 : index
      %get3A_473 = tpu.vector_load %arg6[%get3A_471, %get3A_472] {strides = array<i32>} : memref<200x64xf32, #tpu.memory_space<vmem>>, vector<1x16xf32>,
      %get3A_474 = vector.shape_cast %get3A_473 : vector<1x16xf32> to vector<16xf32>
      %mul3A_475 = arith.constant 8.000000e+00 : f32
      %mul3A_476 = vector.broadcast %mul3A_475 : f32 to vector<16xf32>
      %mul3A_477 = arith.mulf %get3A_474, %mul3A_476 : vector<16xf32>
      %swap3A_478 = arith.index_cast %scan3A_434 : i32 to index
      %swap3A_479 = arith.constant 48 : index
      %swap3A_480 = tpu.vector_load %arg6[%swap3A_478, %swap3A_479] {strides = array<i32>} : memref<200x64xf32, #tpu.memory_space<vmem>>, vector<1x16xf32>,
      %swap3A_481 = vector.shape_cast %swap3A_480 : vector<1x16xf32> to vector<16xf32>
      %swap3A_482 = vector.shape_cast %mul3A_477 : vector<16xf32> to vector<1x16xf32>
      tpu.vector_store %arg6[%swap3A_478, %swap3A_479], %swap3A_482 {strides = array<i32>} : memref<200x64xf32, #tpu.memory_space<vmem>>, vector<1x16xf32>,
      %scan3A_483 = arith.constant 5 : i32
      %scan3A_484 = arith.addi %scan3A_236, %scan3A_483 : i32
      %get3A_485 = arith.index_cast %scan3A_484 : i32 to index
      %get3A_486 = arith.constant 0 : index
      %get3A_487 = tpu.vector_load %arg6[%get3A_485, %get3A_486] {strides = array<i32>} : memref<200x64xf32, #tpu.memory_space<vmem>>, vector<1x16xf32>,
      %get3A_488 = vector.shape_cast %get3A_487 : vector<1x16xf32> to vector<16xf32>
      %mul3A_489 = arith.constant 8.000000e+00 : f32
      %mul3A_490 = vector.broadcast %mul3A_489 : f32 to vector<16xf32>
      %mul3A_491 = arith.mulf %get3A_488, %mul3A_490 : vector<16xf32>
      %swap3A_492 = arith.index_cast %scan3A_484 : i32 to index
      %swap3A_493 = arith.constant 0 : index
      %swap3A_494 = tpu.vector_load %arg6[%swap3A_492, %swap3A_493] {strides = array<i32>} : memref<200x64xf32, #tpu.memory_space<vmem>>, vector<1x16xf32>,
      %swap3A_495 = vector.shape_cast %swap3A_494 : vector<1x16xf32> to vector<16xf32>
      %swap3A_496 = vector.shape_cast %mul3A_491 : vector<16xf32> to vector<1x16xf32>
      tpu.vector_store %arg6[%swap3A_492, %swap3A_493], %swap3A_496 {strides = array<i32>} : memref<200x64xf32, #tpu.memory_space<vmem>>, vector<1x16xf32>,
      %get3A_497 = arith.index_cast %scan3A_484 : i32 to index
      %get3A_498 = arith.constant 16 : index
      %get3A_499 = tpu.vector_load %arg6[%get3A_497, %get3A_498] {strides = array<i32>} : memref<200x64xf32, #tpu.memory_space<vmem>>, vector<1x16xf32>,
      %get3A_500 = vector.shape_cast %get3A_499 : vector<1x16xf32> to vector<16xf32>
      %mul3A_501 = arith.constant 8.000000e+00 : f32
      %mul3A_502 = vector.broadcast %mul3A_501 : f32 to vector<16xf32>
      %mul3A_503 = arith.mulf %get3A_500, %mul3A_502 : vector<16xf32>
      %swap3A_504 = arith.index_cast %scan3A_484 : i32 to index
      %swap3A_505 = arith.constant 16 : index
      %swap3A_506 = tpu.vector_load %arg6[%swap3A_504, %swap3A_505] {strides = array<i32>} : memref<200x64xf32, #tpu.memory_space<vmem>>, vector<1x16xf32>,
      %swap3A_507 = vector.shape_cast %swap3A_506 : vector<1x16xf32> to vector<16xf32>
      %swap3A_508 = vector.shape_cast %mul3A_503 : vector<16xf32> to vector<1x16xf32>
      tpu.vector_store %arg6[%swap3A_504, %swap3A_505], %swap3A_508 {strides = array<i32>} : memref<200x64xf32, #tpu.memory_space<vmem>>, vector<1x16xf32>,
      %get3A_509 = arith.index_cast %scan3A_484 : i32 to index
      %get3A_510 = arith.constant 32 : index
      %get3A_511 = tpu.vector_load %arg6[%get3A_509, %get3A_510] {strides = array<i32>} : memref<200x64xf32, #tpu.memory_space<vmem>>, vector<1x16xf32>,
      %get3A_512 = vector.shape_cast %get3A_511 : vector<1x16xf32> to vector<16xf32>
      %mul3A_513 = arith.constant 8.000000e+00 : f32
      %mul3A_514 = vector.broadcast %mul3A_513 : f32 to vector<16xf32>
      %mul3A_515 = arith.mulf %get3A_512, %mul3A_514 : vector<16xf32>
      %swap3A_516 = arith.index_cast %scan3A_484 : i32 to index
      %swap3A_517 = arith.constant 32 : index
      %swap3A_518 = tpu.vector_load %arg6[%swap3A_516, %swap3A_517] {strides = array<i32>} : memref<200x64xf32, #tpu.memory_space<vmem>>, vector<1x16xf32>,
      %swap3A_519 = vector.shape_cast %swap3A_518 : vector<1x16xf32> to vector<16xf32>
      %swap3A_520 = vector.shape_cast %mul3A_515 : vector<16xf32> to vector<1x16xf32>
      tpu.vector_store %arg6[%swap3A_516, %swap3A_517], %swap3A_520 {strides = array<i32>} : memref<200x64xf32, #tpu.memory_space<vmem>>, vector<1x16xf32>,
      %get3A_521 = arith.index_cast %scan3A_484 : i32 to index
      %get3A_522 = arith.constant 48 : index
      %get3A_523 = tpu.vector_load %arg6[%get3A_521, %get3A_522] {strides = array<i32>} : memref<200x64xf32, #tpu.memory_space<vmem>>, vector<1x16xf32>,
      %get3A_524 = vector.shape_cast %get3A_523 : vector<1x16xf32> to vector<16xf32>
      %mul3A_525 = arith.constant 8.000000e+00 : f32
      %mul3A_526 = vector.broadcast %mul3A_525 : f32 to vector<16xf32>
      %mul3A_527 = arith.mulf %get3A_524, %mul3A_526 : vector<16xf32>
      %swap3A_528 = arith.index_cast %scan3A_484 : i32 to index
      %swap3A_529 = arith.constant 48 : index
      %swap3A_530 = tpu.vector_load %arg6[%swap3A_528, %swap3A_529] {strides = array<i32>} : memref<200x64xf32, #tpu.memory_space<vmem>>, vector<1x16xf32>,
      %swap3A_531 = vector.shape_cast %swap3A_530 : vector<1x16xf32> to vector<16xf32>
      %swap3A_532 = vector.shape_cast %mul3A_527 : vector<16xf32> to vector<1x16xf32>
      tpu.vector_store %arg6[%swap3A_528, %swap3A_529], %swap3A_532 {strides = array<i32>} : memref<200x64xf32, #tpu.memory_space<vmem>>, vector<1x16xf32>,
      %scan3A_533 = arith.constant 6 : i32
      %scan3A_534 = arith.addi %scan3A_236, %scan3A_533 : i32
      %get3A_535 = arith.index_cast %scan3A_534 : i32 to index
      %get3A_536 = arith.constant 0 : index
      %get3A_537 = tpu.vector_load %arg6[%get3A_535, %get3A_536] {strides = array<i32>} : memref<200x64xf32, #tpu.memory_space<vmem>>, vector<1x16xf32>,
      %get3A_538 = vector.shape_cast %get3A_537 : vector<1x16xf32> to vector<16xf32>
      %mul3A_539 = arith.constant 8.000000e+00 : f32
      %mul3A_540 = vector.broadcast %mul3A_539 : f32 to vector<16xf32>
      %mul3A_541 = arith.mulf %get3A_538, %mul3A_540 : vector<16xf32>
      %swap3A_542 = arith.index_cast %scan3A_534 : i32 to index
      %swap3A_543 = arith.constant 0 : index
      %swap3A_544 = tpu.vector_load %arg6[%swap3A_542, %swap3A_543] {strides = array<i32>} : memref<200x64xf32, #tpu.memory_space<vmem>>, vector<1x16xf32>,
      %swap3A_545 = vector.shape_cast %swap3A_544 : vector<1x16xf32> to vector<16xf32>
      %swap3A_546 = vector.shape_cast %mul3A_541 : vector<16xf32> to vector<1x16xf32>
      tpu.vector_store %arg6[%swap3A_542, %swap3A_543], %swap3A_546 {strides = array<i32>} : memref<200x64xf32, #tpu.memory_space<vmem>>, vector<1x16xf32>,
      %get3A_547 = arith.index_cast %scan3A_534 : i32 to index
      %get3A_548 = arith.constant 16 : index
      %get3A_549 = tpu.vector_load %arg6[%get3A_547, %get3A_548] {strides = array<i32>} : memref<200x64xf32, #tpu.memory_space<vmem>>, vector<1x16xf32>,
      %get3A_550 = vector.shape_cast %get3A_549 : vector<1x16xf32> to vector<16xf32>
      %mul3A_551 = arith.constant 8.000000e+00 : f32
      %mul3A_552 = vector.broadcast %mul3A_551 : f32 to vector<16xf32>
      %mul3A_553 = arith.mulf %get3A_550, %mul3A_552 : vector<16xf32>
      %swap3A_554 = arith.index_cast %scan3A_534 : i32 to index
      %swap3A_555 = arith.constant 16 : index
      %swap3A_556 = tpu.vector_load %arg6[%swap3A_554, %swap3A_555] {strides = array<i32>} : memref<200x64xf32, #tpu.memory_space<vmem>>, vector<1x16xf32>,
      %swap3A_557 = vector.shape_cast %swap3A_556 : vector<1x16xf32> to vector<16xf32>
      %swap3A_558 = vector.shape_cast %mul3A_553 : vector<16xf32> to vector<1x16xf32>
      tpu.vector_store %arg6[%swap3A_554, %swap3A_555], %swap3A_558 {strides = array<i32>} : memref<200x64xf32, #tpu.memory_space<vmem>>, vector<1x16xf32>,
      %get3A_559 = arith.index_cast %scan3A_534 : i32 to index
      %get3A_560 = arith.constant 32 : index
      %get3A_561 = tpu.vector_load %arg6[%get3A_559, %get3A_560] {strides = array<i32>} : memref<200x64xf32, #tpu.memory_space<vmem>>, vector<1x16xf32>,
      %get3A_562 = vector.shape_cast %get3A_561 : vector<1x16xf32> to vector<16xf32>
      %mul3A_563 = arith.constant 8.000000e+00 : f32
      %mul3A_564 = vector.broadcast %mul3A_563 : f32 to vector<16xf32>
      %mul3A_565 = arith.mulf %get3A_562, %mul3A_564 : vector<16xf32>
      %swap3A_566 = arith.index_cast %scan3A_534 : i32 to index
      %swap3A_567 = arith.constant 32 : index
      %swap3A_568 = tpu.vector_load %arg6[%swap3A_566, %swap3A_567] {strides = array<i32>} : memref<200x64xf32, #tpu.memory_space<vmem>>, vector<1x16xf32>,
      %swap3A_569 = vector.shape_cast %swap3A_568 : vector<1x16xf32> to vector<16xf32>
      %swap3A_570 = vector.shape_cast %mul3A_565 : vector<16xf32> to vector<1x16xf32>
      tpu.vector_store %arg6[%swap3A_566, %swap3A_567], %swap3A_570 {strides = array<i32>} : memref<200x64xf32, #tpu.memory_space<vmem>>, vector<1x16xf32>,
      %get3A_571 = arith.index_cast %scan3A_534 : i32 to index
      %get3A_572 = arith.constant 48 : index
      %get3A_573 = tpu.vector_load %arg6[%get3A_571, %get3A_572] {strides = array<i32>} : memref<200x64xf32, #tpu.memory_space<vmem>>, vector<1x16xf32>,
      %get3A_574 = vector.shape_cast %get3A_573 : vector<1x16xf32> to vector<16xf32>
      %mul3A_575 = arith.constant 8.000000e+00 : f32
      %mul3A_576 = vector.broadcast %mul3A_575 : f32 to vector<16xf32>
      %mul3A_577 = arith.mulf %get3A_574, %mul3A_576 : vector<16xf32>
      %swap3A_578 = arith.index_cast %scan3A_534 : i32 to index
      %swap3A_579 = arith.constant 48 : index
      %swap3A_580 = tpu.vector_load %arg6[%swap3A_578, %swap3A_579] {strides = array<i32>} : memref<200x64xf32, #tpu.memory_space<vmem>>, vector<1x16xf32>,
      %swap3A_581 = vector.shape_cast %swap3A_580 : vector<1x16xf32> to vector<16xf32>
      %swap3A_582 = vector.shape_cast %mul3A_577 : vector<16xf32> to vector<1x16xf32>
      tpu.vector_store %arg6[%swap3A_578, %swap3A_579], %swap3A_582 {strides = array<i32>} : memref<200x64xf32, #tpu.memory_space<vmem>>, vector<1x16xf32>,
      %scan3A_583 = arith.constant 7 : i32
      %scan3A_584 = arith.addi %scan3A_236, %scan3A_583 : i32
      %get3A_585 = arith.index_cast %scan3A_584 : i32 to index
      %get3A_586 = arith.constant 0 : index
      %get3A_587 = tpu.vector_load %arg6[%get3A_585, %get3A_586] {strides = array<i32>} : memref<200x64xf32, #tpu.memory_space<vmem>>, vector<1x16xf32>,
      %get3A_588 = vector.shape_cast %get3A_587 : vector<1x16xf32> to vector<16xf32>
      %mul3A_589 = arith.constant 8.000000e+00 : f32
      %mul3A_590 = vector.broadcast %mul3A_589 : f32 to vector<16xf32>
      %mul3A_591 = arith.mulf %get3A_588, %mul3A_590 : vector<16xf32>
      %swap3A_592 = arith.index_cast %scan3A_584 : i32 to index
      %swap3A_593 = arith.constant 0 : index
      %swap3A_594 = tpu.vector_load %arg6[%swap3A_592, %swap3A_593] {strides = array<i32>} : memref<200x64xf32, #tpu.memory_space<vmem>>, vector<1x16xf32>,
      %swap3A_595 = vector.shape_cast %swap3A_594 : vector<1x16xf32> to vector<16xf32>
      %swap3A_596 = vector.shape_cast %mul3A_591 : vector<16xf32> to vector<1x16xf32>
      tpu.vector_store %arg6[%swap3A_592, %swap3A_593], %swap3A_596 {strides = array<i32>} : memref<200x64xf32, #tpu.memory_space<vmem>>, vector<1x16xf32>,
      %get3A_597 = arith.index_cast %scan3A_584 : i32 to index
      %get3A_598 = arith.constant 16 : index
      %get3A_599 = tpu.vector_load %arg6[%get3A_597, %get3A_598] {strides = array<i32>} : memref<200x64xf32, #tpu.memory_space<vmem>>, vector<1x16xf32>,
      %get3A_600 = vector.shape_cast %get3A_599 : vector<1x16xf32> to vector<16xf32>
      %mul3A_601 = arith.constant 8.000000e+00 : f32
      %mul3A_602 = vector.broadcast %mul3A_601 : f32 to vector<16xf32>
      %mul3A_603 = arith.mulf %get3A_600, %mul3A_602 : vector<16xf32>
      %swap3A_604 = arith.index_cast %scan3A_584 : i32 to index
      %swap3A_605 = arith.constant 16 : index
      %swap3A_606 = tpu.vector_load %arg6[%swap3A_604, %swap3A_605] {strides = array<i32>} : memref<200x64xf32, #tpu.memory_space<vmem>>, vector<1x16xf32>,
      %swap3A_607 = vector.shape_cast %swap3A_606 : vector<1x16xf32> to vector<16xf32>
      %swap3A_608 = vector.shape_cast %mul3A_603 : vector<16xf32> to vector<1x16xf32>
      tpu.vector_store %arg6[%swap3A_604, %swap3A_605], %swap3A_608 {strides = array<i32>} : memref<200x64xf32, #tpu.memory_space<vmem>>, vector<1x16xf32>,
      %get3A_609 = arith.index_cast %scan3A_584 : i32 to index
      %get3A_610 = arith.constant 32 : index
      %get3A_611 = tpu.vector_load %arg6[%get3A_609, %get3A_610] {strides = array<i32>} : memref<200x64xf32, #tpu.memory_space<vmem>>, vector<1x16xf32>,
      %get3A_612 = vector.shape_cast %get3A_611 : vector<1x16xf32> to vector<16xf32>
      %mul3A_613 = arith.constant 8.000000e+00 : f32
      %mul3A_614 = vector.broadcast %mul3A_613 : f32 to vector<16xf32>
      %mul3A_615 = arith.mulf %get3A_612, %mul3A_614 : vector<16xf32>
      %swap3A_616 = arith.index_cast %scan3A_584 : i32 to index
      %swap3A_617 = arith.constant 32 : index
      %swap3A_618 = tpu.vector_load %arg6[%swap3A_616, %swap3A_617] {strides = array<i32>} : memref<200x64xf32, #tpu.memory_space<vmem>>, vector<1x16xf32>,
      %swap3A_619 = vector.shape_cast %swap3A_618 : vector<1x16xf32> to vector<16xf32>
      %swap3A_620 = vector.shape_cast %mul3A_615 : vector<16xf32> to vector<1x16xf32>
      tpu.vector_store %arg6[%swap3A_616, %swap3A_617], %swap3A_620 {strides = array<i32>} : memref<200x64xf32, #tpu.memory_space<vmem>>, vector<1x16xf32>,
      %get3A_621 = arith.index_cast %scan3A_584 : i32 to index
      %get3A_622 = arith.constant 48 : index
      %get3A_623 = tpu.vector_load %arg6[%get3A_621, %get3A_622] {strides = array<i32>} : memref<200x64xf32, #tpu.memory_space<vmem>>, vector<1x16xf32>,
      %get3A_624 = vector.shape_cast %get3A_623 : vector<1x16xf32> to vector<16xf32>
      %mul3A_625 = arith.constant 8.000000e+00 : f32
      %mul3A_626 = vector.broadcast %mul3A_625 : f32 to vector<16xf32>
      %mul3A_627 = arith.mulf %get3A_624, %mul3A_626 : vector<16xf32>
      %swap3A_628 = arith.index_cast %scan3A_584 : i32 to index
      %swap3A_629 = arith.constant 48 : index
      %swap3A_630 = tpu.vector_load %arg6[%swap3A_628, %swap3A_629] {strides = array<i32>} : memref<200x64xf32, #tpu.memory_space<vmem>>, vector<1x16xf32>,
      %swap3A_631 = vector.shape_cast %swap3A_630 : vector<1x16xf32> to vector<16xf32>
      %swap3A_632 = vector.shape_cast %mul3A_627 : vector<16xf32> to vector<1x16xf32>
      tpu.vector_store %arg6[%swap3A_628, %swap3A_629], %swap3A_632 {strides = array<i32>} : memref<200x64xf32, #tpu.memory_space<vmem>>, vector<1x16xf32>,
    }
    %scan3A_71 = arith.constant 200 : i32
    %add3A_72 = arith.constant 0 : i32
    %add3A_73 = arith.addi %mul3A_4, %add3A_72 : i32
    %dma_start3A_74 = arith.constant 0 : i32
    %dma_start3A_75 = arith.constant 0 : i32
    %dma_start3A_76 = tpu.memref_slice %arg4[%add3A_73, %dma_start3A_74, %dma_start3A_75] : memref<4096x200x64xf32, #tpu.memory_space<hbm>> -> memref<1x200x64xf32, #tpu.memory_space<hbm>>
    %dma_start3A_77 = tpu.memref_squeeze %dma_start3A_76 : memref<1x200x64xf32, #tpu.memory_space<hbm>> -> memref<200x64xf32, #tpu.memory_space<hbm>>
    %dma_start3A_78 = arith.constant 0 : i32
    %dma_start3A_79 = arith.constant 0 : i32
    %dma_start3A_80 = tpu.memref_slice %arg4[%add3A_73, %dma_start3A_78, %dma_start3A_79] : memref<4096x200x64xf32, #tpu.memory_space<hbm>> -> memref<1x200x64xf32, #tpu.memory_space<hbm>>
    %dma_start3A_81 = tpu.memref_squeeze %dma_start3A_80 : memref<1x200x64xf32, #tpu.memory_space<hbm>> -> memref<200x64xf32, #tpu.memory_space<hbm>>
    tpu.enqueue_dma source(%arg6 : memref<200x64xf32, #tpu.memory_space<vmem>>) target(%dma_start3A_81 : memref<200x64xf32, #tpu.memory_space<hbm>>) target_semaphore(%arg14 : memref<!tpu.dma_semaphore, #tpu.memory_space<semaphore_mem>>)
    %dma_start3A_82 = arith.constant 0 : i32
    %dma_start3A_83 = arith.constant 0 : i32
    %dma_start3A_84 = tpu.memref_slice %arg9[%dma_start3A_82, %dma_start3A_83] : memref<200x64xf32, #tpu.memory_space<vmem>> -> memref<128x64xf32, #tpu.memory_space<vmem>>
    %dma_start3A_85 = arith.constant 600 : i32
    %dma_start3A_86 = tpu.memref_slice %arg5[%dma_start3A_85] : memref<25600xi32, #tpu.memory_space<vmem>> -> memref<128xi32, #tpu.memory_space<vmem>>
    %dma_start3A_87 = arith.constant 0 : i32
    %dma_start3A_88 = arith.constant 0 : i32
    %dma_start3A_89 = tpu.memref_slice %arg3[%dma_start3A_87, %dma_start3A_88] : memref<1000000x64xf32, #tpu.memory_space<hbm>> -> memref<1000000x64xf32, #tpu.memory_space<hbm>>
    tpu.enqueue_indirect_dma source(%dma_start3A_89 : memref<1000000x64xf32, #tpu.memory_space<hbm>>) target(%dma_start3A_84 : memref<128x64xf32, #tpu.memory_space<vmem>>) offsets(%dma_start3A_86 : memref<128xi32, #tpu.memory_space<vmem>>) semaphore(%arg13 : memref<!tpu.dma_semaphore, #tpu.memory_space<semaphore_mem>>)
    %dma_start3A_90 = arith.constant 128 : i32
    %dma_start3A_91 = arith.constant 0 : i32
    %dma_start3A_92 = tpu.memref_slice %arg9[%dma_start3A_90, %dma_start3A_91] : memref<200x64xf32, #tpu.memory_space<vmem>> -> memref<72x64xf32, #tpu.memory_space<vmem>>
    %dma_start3A_93 = arith.constant 728 : i32
    %dma_start3A_94 = tpu.memref_slice %arg5[%dma_start3A_93] : memref<25600xi32, #tpu.memory_space<vmem>> -> memref<72xi32, #tpu.memory_space<vmem>>
    %dma_start3A_95 = arith.constant 0 : i32
    %dma_start3A_96 = arith.constant 0 : i32
    %dma_start3A_97 = tpu.memref_slice %arg3[%dma_start3A_95, %dma_start3A_96] : memref<1000000x64xf32, #tpu.memory_space<hbm>> -> memref<1000000x64xf32, #tpu.memory_space<hbm>>
    tpu.enqueue_indirect_dma source(%dma_start3A_97 : memref<1000000x64xf32, #tpu.memory_space<hbm>>) target(%dma_start3A_92 : memref<72x64xf32, #tpu.memory_space<vmem>>) offsets(%dma_start3A_94 : memref<72xi32, #tpu.memory_space<vmem>>) semaphore(%arg13 : memref<!tpu.dma_semaphore, #tpu.memory_space<semaphore_mem>>)
    %dma_wait3A_98 = arith.constant 0 : i32
    %dma_wait3A_99 = arith.constant 0 : i32
    %dma_wait3A_100 = tpu.memref_slice %arg7[%dma_wait3A_98, %dma_wait3A_99] : memref<200x64xf32, #tpu.memory_space<vmem>> -> memref<128x64xf32, #tpu.memory_space<vmem>>
    %dma_wait3A_101 = arith.constant 0 : i32
    %dma_wait3A_102 = tpu.memref_slice %arg5[%dma_wait3A_101] : memref<25600xi32, #tpu.memory_space<vmem>> -> memref<128xi32, #tpu.memory_space<vmem>>
    %dma_wait3A_103 = arith.constant 0 : i32
    %dma_wait3A_104 = arith.constant 0 : i32
    %dma_wait3A_105 = tpu.memref_slice %arg3[%dma_wait3A_103, %dma_wait3A_104] : memref<1000000x64xf32, #tpu.memory_space<hbm>> -> memref<1000000x64xf32, #tpu.memory_space<hbm>>
    tpu.wait_indirect_dma semaphore(%arg11 : memref<!tpu.dma_semaphore, #tpu.memory_space<semaphore_mem>>) src(%dma_wait3A_105 : memref<1000000x64xf32, #tpu.memory_space<hbm>>) dst(%dma_wait3A_100 : memref<128x64xf32, #tpu.memory_space<vmem>>)
    %dma_wait3A_106 = arith.constant 128 : i32
    %dma_wait3A_107 = arith.constant 0 : i32
    %dma_wait3A_108 = tpu.memref_slice %arg7[%dma_wait3A_106, %dma_wait3A_107] : memref<200x64xf32, #tpu.memory_space<vmem>> -> memref<72x64xf32, #tpu.memory_space<vmem>>
    %dma_wait3A_109 = arith.constant 0 : i32
    %dma_wait3A_110 = tpu.memref_slice %arg5[%dma_wait3A_109] : memref<25600xi32, #tpu.memory_space<vmem>> -> memref<72xi32, #tpu.memory_space<vmem>>
    %dma_wait3A_111 = arith.constant 0 : i32
    %dma_wait3A_112 = arith.constant 0 : i32
    %dma_wait3A_113 = tpu.memref_slice %arg3[%dma_wait3A_111, %dma_wait3A_112] : memref<1000000x64xf32, #tpu.memory_space<hbm>> -> memref<1000000x64xf32, #tpu.memory_space<hbm>>
    tpu.wait_indirect_dma semaphore(%arg11 : memref<!tpu.dma_semaphore, #tpu.memory_space<semaphore_mem>>) src(%dma_wait3A_113 : memref<1000000x64xf32, #tpu.memory_space<hbm>>) dst(%dma_wait3A_108 : memref<72x64xf32, #tpu.memory_space<vmem>>)
    %scan3A_114 = arith.constant 0 : i32
    %scan3A_115 = arith.constant 0 : i32
    %scan3A_116 = arith.constant 200 : i32
    %scan3A_117 = arith.addi %scan3A_115, %scan3A_116 : i32
    %scan3A_118 = arith.constant 8 : i32
    scf.for %scan3A_236 = %scan3A_115 to %scan3A_117 step %scan3A_118  : i32 {
      %get3A = arith.index_cast %scan3A_236 : i32 to index
      %get3A_237 = arith.constant 0 : index
      %get3A_238 = tpu.vector_load %arg7[%get3A, %get3A_237] {strides = array<i32>} : memref<200x64xf32, #tpu.memory_space<vmem>>, vector<1x16xf32>,
      %get3A_239 = vector.shape_cast %get3A_238 : vector<1x16xf32> to vector<16xf32>
      %mul3A_240 = arith.constant 8.000000e+00 : f32
      %mul3A_241 = vector.broadcast %mul3A_240 : f32 to vector<16xf32>
      %mul3A_242 = arith.mulf %get3A_239, %mul3A_241 : vector<16xf32>
      %swap3A = arith.index_cast %scan3A_236 : i32 to index
      %swap3A_243 = arith.constant 0 : index
      %swap3A_244 = tpu.vector_load %arg7[%swap3A, %swap3A_243] {strides = array<i32>} : memref<200x64xf32, #tpu.memory_space<vmem>>, vector<1x16xf32>,
      %swap3A_245 = vector.shape_cast %swap3A_244 : vector<1x16xf32> to vector<16xf32>
      %swap3A_246 = vector.shape_cast %mul3A_242 : vector<16xf32> to vector<1x16xf32>
      tpu.vector_store %arg7[%swap3A, %swap3A_243], %swap3A_246 {strides = array<i32>} : memref<200x64xf32, #tpu.memory_space<vmem>>, vector<1x16xf32>,
      %get3A_247 = arith.index_cast %scan3A_236 : i32 to index
      %get3A_248 = arith.constant 16 : index
      %get3A_249 = tpu.vector_load %arg7[%get3A_247, %get3A_248] {strides = array<i32>} : memref<200x64xf32, #tpu.memory_space<vmem>>, vector<1x16xf32>,
      %get3A_250 = vector.shape_cast %get3A_249 : vector<1x16xf32> to vector<16xf32>
      %mul3A_251 = arith.constant 8.000000e+00 : f32
      %mul3A_252 = vector.broadcast %mul3A_251 : f32 to vector<16xf32>
      %mul3A_253 = arith.mulf %get3A_250, %mul3A_252 : vector<16xf32>
      %swap3A_254 = arith.index_cast %scan3A_236 : i32 to index
      %swap3A_255 = arith.constant 16 : index
      %swap3A_256 = tpu.vector_load %arg7[%swap3A_254, %swap3A_255] {strides = array<i32>} : memref<200x64xf32, #tpu.memory_space<vmem>>, vector<1x16xf32>,
      %swap3A_257 = vector.shape_cast %swap3A_256 : vector<1x16xf32> to vector<16xf32>
      %swap3A_258 = vector.shape_cast %mul3A_253 : vector<16xf32> to vector<1x16xf32>
      tpu.vector_store %arg7[%swap3A_254, %swap3A_255], %swap3A_258 {strides = array<i32>} : memref<200x64xf32, #tpu.memory_space<vmem>>, vector<1x16xf32>,
      %get3A_259 = arith.index_cast %scan3A_236 : i32 to index
      %get3A_260 = arith.constant 32 : index
      %get3A_261 = tpu.vector_load %arg7[%get3A_259, %get3A_260] {strides = array<i32>} : memref<200x64xf32, #tpu.memory_space<vmem>>, vector<1x16xf32>,
      %get3A_262 = vector.shape_cast %get3A_261 : vector<1x16xf32> to vector<16xf32>
      %mul3A_263 = arith.constant 8.000000e+00 : f32
      %mul3A_264 = vector.broadcast %mul3A_263 : f32 to vector<16xf32>
      %mul3A_265 = arith.mulf %get3A_262, %mul3A_264 : vector<16xf32>
      %swap3A_266 = arith.index_cast %scan3A_236 : i32 to index
      %swap3A_267 = arith.constant 32 : index
      %swap3A_268 = tpu.vector_load %arg7[%swap3A_266, %swap3A_267] {strides = array<i32>} : memref<200x64xf32, #tpu.memory_space<vmem>>, vector<1x16xf32>,
      %swap3A_269 = vector.shape_cast %swap3A_268 : vector<1x16xf32> to vector<16xf32>
      %swap3A_270 = vector.shape_cast %mul3A_265 : vector<16xf32> to vector<1x16xf32>
      tpu.vector_store %arg7[%swap3A_266, %swap3A_267], %swap3A_270 {strides = array<i32>} : memref<200x64xf32, #tpu.memory_space<vmem>>, vector<1x16xf32>,
      %get3A_271 = arith.index_cast %scan3A_236 : i32 to index
      %get3A_272 = arith.constant 48 : index
      %get3A_273 = tpu.vector_load %arg7[%get3A_271, %get3A_272] {strides = array<i32>} : memref<200x64xf32, #tpu.memory_space<vmem>>, vector<1x16xf32>,
      %get3A_274 = vector.shape_cast %get3A_273 : vector<1x16xf32> to vector<16xf32>
      %mul3A_275 = arith.constant 8.000000e+00 : f32
      %mul3A_276 = vector.broadcast %mul3A_275 : f32 to vector<16xf32>
      %mul3A_277 = arith.mulf %get3A_274, %mul3A_276 : vector<16xf32>
      %swap3A_278 = arith.index_cast %scan3A_236 : i32 to index
      %swap3A_279 = arith.constant 48 : index
      %swap3A_280 = tpu.vector_load %arg7[%swap3A_278, %swap3A_279] {strides = array<i32>} : memref<200x64xf32, #tpu.memory_space<vmem>>, vector<1x16xf32>,
      %swap3A_281 = vector.shape_cast %swap3A_280 : vector<1x16xf32> to vector<16xf32>
      %swap3A_282 = vector.shape_cast %mul3A_277 : vector<16xf32> to vector<1x16xf32>
      tpu.vector_store %arg7[%swap3A_278, %swap3A_279], %swap3A_282 {strides = array<i32>} : memref<200x64xf32, #tpu.memory_space<vmem>>, vector<1x16xf32>,
      %scan3A_283 = arith.constant 1 : i32
      %scan3A_284 = arith.addi %scan3A_236, %scan3A_283 : i32
      %get3A_285 = arith.index_cast %scan3A_284 : i32 to index
      %get3A_286 = arith.constant 0 : index
      %get3A_287 = tpu.vector_load %arg7[%get3A_285, %get3A_286] {strides = array<i32>} : memref<200x64xf32, #tpu.memory_space<vmem>>, vector<1x16xf32>,
      %get3A_288 = vector.shape_cast %get3A_287 : vector<1x16xf32> to vector<16xf32>
      %mul3A_289 = arith.constant 8.000000e+00 : f32
      %mul3A_290 = vector.broadcast %mul3A_289 : f32 to vector<16xf32>
      %mul3A_291 = arith.mulf %get3A_288, %mul3A_290 : vector<16xf32>
      %swap3A_292 = arith.index_cast %scan3A_284 : i32 to index
      %swap3A_293 = arith.constant 0 : index
      %swap3A_294 = tpu.vector_load %arg7[%swap3A_292, %swap3A_293] {strides = array<i32>} : memref<200x64xf32, #tpu.memory_space<vmem>>, vector<1x16xf32>,
      %swap3A_295 = vector.shape_cast %swap3A_294 : vector<1x16xf32> to vector<16xf32>
      %swap3A_296 = vector.shape_cast %mul3A_291 : vector<16xf32> to vector<1x16xf32>
      tpu.vector_store %arg7[%swap3A_292, %swap3A_293], %swap3A_296 {strides = array<i32>} : memref<200x64xf32, #tpu.memory_space<vmem>>, vector<1x16xf32>,
      %get3A_297 = arith.index_cast %scan3A_284 : i32 to index
      %get3A_298 = arith.constant 16 : index
      %get3A_299 = tpu.vector_load %arg7[%get3A_297, %get3A_298] {strides = array<i32>} : memref<200x64xf32, #tpu.memory_space<vmem>>, vector<1x16xf32>,
      %get3A_300 = vector.shape_cast %get3A_299 : vector<1x16xf32> to vector<16xf32>
      %mul3A_301 = arith.constant 8.000000e+00 : f32
      %mul3A_302 = vector.broadcast %mul3A_301 : f32 to vector<16xf32>
      %mul3A_303 = arith.mulf %get3A_300, %mul3A_302 : vector<16xf32>
      %swap3A_304 = arith.index_cast %scan3A_284 : i32 to index
      %swap3A_305 = arith.constant 16 : index
      %swap3A_306 = tpu.vector_load %arg7[%swap3A_304, %swap3A_305] {strides = array<i32>} : memref<200x64xf32, #tpu.memory_space<vmem>>, vector<1x16xf32>,
      %swap3A_307 = vector.shape_cast %swap3A_306 : vector<1x16xf32> to vector<16xf32>
      %swap3A_308 = vector.shape_cast %mul3A_303 : vector<16xf32> to vector<1x16xf32>
      tpu.vector_store %arg7[%swap3A_304, %swap3A_305], %swap3A_308 {strides = array<i32>} : memref<200x64xf32, #tpu.memory_space<vmem>>, vector<1x16xf32>,
      %get3A_309 = arith.index_cast %scan3A_284 : i32 to index
      %get3A_310 = arith.constant 32 : index
      %get3A_311 = tpu.vector_load %arg7[%get3A_309, %get3A_310] {strides = array<i32>} : memref<200x64xf32, #tpu.memory_space<vmem>>, vector<1x16xf32>,
      %get3A_312 = vector.shape_cast %get3A_311 : vector<1x16xf32> to vector<16xf32>
      %mul3A_313 = arith.constant 8.000000e+00 : f32
      %mul3A_314 = vector.broadcast %mul3A_313 : f32 to vector<16xf32>
      %mul3A_315 = arith.mulf %get3A_312, %mul3A_314 : vector<16xf32>
      %swap3A_316 = arith.index_cast %scan3A_284 : i32 to index
      %swap3A_317 = arith.constant 32 : index
      %swap3A_318 = tpu.vector_load %arg7[%swap3A_316, %swap3A_317] {strides = array<i32>} : memref<200x64xf32, #tpu.memory_space<vmem>>, vector<1x16xf32>,
      %swap3A_319 = vector.shape_cast %swap3A_318 : vector<1x16xf32> to vector<16xf32>
      %swap3A_320 = vector.shape_cast %mul3A_315 : vector<16xf32> to vector<1x16xf32>
      tpu.vector_store %arg7[%swap3A_316, %swap3A_317], %swap3A_320 {strides = array<i32>} : memref<200x64xf32, #tpu.memory_space<vmem>>, vector<1x16xf32>,
      %get3A_321 = arith.index_cast %scan3A_284 : i32 to index
      %get3A_322 = arith.constant 48 : index
      %get3A_323 = tpu.vector_load %arg7[%get3A_321, %get3A_322] {strides = array<i32>} : memref<200x64xf32, #tpu.memory_space<vmem>>, vector<1x16xf32>,
      %get3A_324 = vector.shape_cast %get3A_323 : vector<1x16xf32> to vector<16xf32>
      %mul3A_325 = arith.constant 8.000000e+00 : f32
      %mul3A_326 = vector.broadcast %mul3A_325 : f32 to vector<16xf32>
      %mul3A_327 = arith.mulf %get3A_324, %mul3A_326 : vector<16xf32>
      %swap3A_328 = arith.index_cast %scan3A_284 : i32 to index
      %swap3A_329 = arith.constant 48 : index
      %swap3A_330 = tpu.vector_load %arg7[%swap3A_328, %swap3A_329] {strides = array<i32>} : memref<200x64xf32, #tpu.memory_space<vmem>>, vector<1x16xf32>,
      %swap3A_331 = vector.shape_cast %swap3A_330 : vector<1x16xf32> to vector<16xf32>
      %swap3A_332 = vector.shape_cast %mul3A_327 : vector<16xf32> to vector<1x16xf32>
      tpu.vector_store %arg7[%swap3A_328, %swap3A_329], %swap3A_332 {strides = array<i32>} : memref<200x64xf32, #tpu.memory_space<vmem>>, vector<1x16xf32>,
      %scan3A_333 = arith.constant 2 : i32
      %scan3A_334 = arith.addi %scan3A_236, %scan3A_333 : i32
      %get3A_335 = arith.index_cast %scan3A_334 : i32 to index
      %get3A_336 = arith.constant 0 : index
      %get3A_337 = tpu.vector_load %arg7[%get3A_335, %get3A_336] {strides = array<i32>} : memref<200x64xf32, #tpu.memory_space<vmem>>, vector<1x16xf32>,
      %get3A_338 = vector.shape_cast %get3A_337 : vector<1x16xf32> to vector<16xf32>
      %mul3A_339 = arith.constant 8.000000e+00 : f32
      %mul3A_340 = vector.broadcast %mul3A_339 : f32 to vector<16xf32>
      %mul3A_341 = arith.mulf %get3A_338, %mul3A_340 : vector<16xf32>
      %swap3A_342 = arith.index_cast %scan3A_334 : i32 to index
      %swap3A_343 = arith.constant 0 : index
      %swap3A_344 = tpu.vector_load %arg7[%swap3A_342, %swap3A_343] {strides = array<i32>} : memref<200x64xf32, #tpu.memory_space<vmem>>, vector<1x16xf32>,
      %swap3A_345 = vector.shape_cast %swap3A_344 : vector<1x16xf32> to vector<16xf32>
      %swap3A_346 = vector.shape_cast %mul3A_341 : vector<16xf32> to vector<1x16xf32>
      tpu.vector_store %arg7[%swap3A_342, %swap3A_343], %swap3A_346 {strides = array<i32>} : memref<200x64xf32, #tpu.memory_space<vmem>>, vector<1x16xf32>,
      %get3A_347 = arith.index_cast %scan3A_334 : i32 to index
      %get3A_348 = arith.constant 16 : index
      %get3A_349 = tpu.vector_load %arg7[%get3A_347, %get3A_348] {strides = array<i32>} : memref<200x64xf32, #tpu.memory_space<vmem>>, vector<1x16xf32>,
      %get3A_350 = vector.shape_cast %get3A_349 : vector<1x16xf32> to vector<16xf32>
      %mul3A_351 = arith.constant 8.000000e+00 : f32
      %mul3A_352 = vector.broadcast %mul3A_351 : f32 to vector<16xf32>
      %mul3A_353 = arith.mulf %get3A_350, %mul3A_352 : vector<16xf32>
      %swap3A_354 = arith.index_cast %scan3A_334 : i32 to index
      %swap3A_355 = arith.constant 16 : index
      %swap3A_356 = tpu.vector_load %arg7[%swap3A_354, %swap3A_355] {strides = array<i32>} : memref<200x64xf32, #tpu.memory_space<vmem>>, vector<1x16xf32>,
      %swap3A_357 = vector.shape_cast %swap3A_356 : vector<1x16xf32> to vector<16xf32>
      %swap3A_358 = vector.shape_cast %mul3A_353 : vector<16xf32> to vector<1x16xf32>
      tpu.vector_store %arg7[%swap3A_354, %swap3A_355], %swap3A_358 {strides = array<i32>} : memref<200x64xf32, #tpu.memory_space<vmem>>, vector<1x16xf32>,
      %get3A_359 = arith.index_cast %scan3A_334 : i32 to index
      %get3A_360 = arith.constant 32 : index
      %get3A_361 = tpu.vector_load %arg7[%get3A_359, %get3A_360] {strides = array<i32>} : memref<200x64xf32, #tpu.memory_space<vmem>>, vector<1x16xf32>,
      %get3A_362 = vector.shape_cast %get3A_361 : vector<1x16xf32> to vector<16xf32>
      %mul3A_363 = arith.constant 8.000000e+00 : f32
      %mul3A_364 = vector.broadcast %mul3A_363 : f32 to vector<16xf32>
      %mul3A_365 = arith.mulf %get3A_362, %mul3A_364 : vector<16xf32>
      %swap3A_366 = arith.index_cast %scan3A_334 : i32 to index
      %swap3A_367 = arith.constant 32 : index
      %swap3A_368 = tpu.vector_load %arg7[%swap3A_366, %swap3A_367] {strides = array<i32>} : memref<200x64xf32, #tpu.memory_space<vmem>>, vector<1x16xf32>,
      %swap3A_369 = vector.shape_cast %swap3A_368 : vector<1x16xf32> to vector<16xf32>
      %swap3A_370 = vector.shape_cast %mul3A_365 : vector<16xf32> to vector<1x16xf32>
      tpu.vector_store %arg7[%swap3A_366, %swap3A_367], %swap3A_370 {strides = array<i32>} : memref<200x64xf32, #tpu.memory_space<vmem>>, vector<1x16xf32>,
      %get3A_371 = arith.index_cast %scan3A_334 : i32 to index
      %get3A_372 = arith.constant 48 : index
      %get3A_373 = tpu.vector_load %arg7[%get3A_371, %get3A_372] {strides = array<i32>} : memref<200x64xf32, #tpu.memory_space<vmem>>, vector<1x16xf32>,
      %get3A_374 = vector.shape_cast %get3A_373 : vector<1x16xf32> to vector<16xf32>
      %mul3A_375 = arith.constant 8.000000e+00 : f32
      %mul3A_376 = vector.broadcast %mul3A_375 : f32 to vector<16xf32>
      %mul3A_377 = arith.mulf %get3A_374, %mul3A_376 : vector<16xf32>
      %swap3A_378 = arith.index_cast %scan3A_334 : i32 to index
      %swap3A_379 = arith.constant 48 : index
      %swap3A_380 = tpu.vector_load %arg7[%swap3A_378, %swap3A_379] {strides = array<i32>} : memref<200x64xf32, #tpu.memory_space<vmem>>, vector<1x16xf32>,
      %swap3A_381 = vector.shape_cast %swap3A_380 : vector<1x16xf32> to vector<16xf32>
      %swap3A_382 = vector.shape_cast %mul3A_377 : vector<16xf32> to vector<1x16xf32>
      tpu.vector_store %arg7[%swap3A_378, %swap3A_379], %swap3A_382 {strides = array<i32>} : memref<200x64xf32, #tpu.memory_space<vmem>>, vector<1x16xf32>,
      %scan3A_383 = arith.constant 3 : i32
      %scan3A_384 = arith.addi %scan3A_236, %scan3A_383 : i32
      %get3A_385 = arith.index_cast %scan3A_384 : i32 to index
      %get3A_386 = arith.constant 0 : index
      %get3A_387 = tpu.vector_load %arg7[%get3A_385, %get3A_386] {strides = array<i32>} : memref<200x64xf32, #tpu.memory_space<vmem>>, vector<1x16xf32>,
      %get3A_388 = vector.shape_cast %get3A_387 : vector<1x16xf32> to vector<16xf32>
      %mul3A_389 = arith.constant 8.000000e+00 : f32
      %mul3A_390 = vector.broadcast %mul3A_389 : f32 to vector<16xf32>
      %mul3A_391 = arith.mulf %get3A_388, %mul3A_390 : vector<16xf32>
      %swap3A_392 = arith.index_cast %scan3A_384 : i32 to index
      %swap3A_393 = arith.constant 0 : index
      %swap3A_394 = tpu.vector_load %arg7[%swap3A_392, %swap3A_393] {strides = array<i32>} : memref<200x64xf32, #tpu.memory_space<vmem>>, vector<1x16xf32>,
      %swap3A_395 = vector.shape_cast %swap3A_394 : vector<1x16xf32> to vector<16xf32>
      %swap3A_396 = vector.shape_cast %mul3A_391 : vector<16xf32> to vector<1x16xf32>
      tpu.vector_store %arg7[%swap3A_392, %swap3A_393], %swap3A_396 {strides = array<i32>} : memref<200x64xf32, #tpu.memory_space<vmem>>, vector<1x16xf32>,
      %get3A_397 = arith.index_cast %scan3A_384 : i32 to index
      %get3A_398 = arith.constant 16 : index
      %get3A_399 = tpu.vector_load %arg7[%get3A_397, %get3A_398] {strides = array<i32>} : memref<200x64xf32, #tpu.memory_space<vmem>>, vector<1x16xf32>,
      %get3A_400 = vector.shape_cast %get3A_399 : vector<1x16xf32> to vector<16xf32>
      %mul3A_401 = arith.constant 8.000000e+00 : f32
      %mul3A_402 = vector.broadcast %mul3A_401 : f32 to vector<16xf32>
      %mul3A_403 = arith.mulf %get3A_400, %mul3A_402 : vector<16xf32>
      %swap3A_404 = arith.index_cast %scan3A_384 : i32 to index
      %swap3A_405 = arith.constant 16 : index
      %swap3A_406 = tpu.vector_load %arg7[%swap3A_404, %swap3A_405] {strides = array<i32>} : memref<200x64xf32, #tpu.memory_space<vmem>>, vector<1x16xf32>,
      %swap3A_407 = vector.shape_cast %swap3A_406 : vector<1x16xf32> to vector<16xf32>
      %swap3A_408 = vector.shape_cast %mul3A_403 : vector<16xf32> to vector<1x16xf32>
      tpu.vector_store %arg7[%swap3A_404, %swap3A_405], %swap3A_408 {strides = array<i32>} : memref<200x64xf32, #tpu.memory_space<vmem>>, vector<1x16xf32>,
      %get3A_409 = arith.index_cast %scan3A_384 : i32 to index
      %get3A_410 = arith.constant 32 : index
      %get3A_411 = tpu.vector_load %arg7[%get3A_409, %get3A_410] {strides = array<i32>} : memref<200x64xf32, #tpu.memory_space<vmem>>, vector<1x16xf32>,
      %get3A_412 = vector.shape_cast %get3A_411 : vector<1x16xf32> to vector<16xf32>
      %mul3A_413 = arith.constant 8.000000e+00 : f32
      %mul3A_414 = vector.broadcast %mul3A_413 : f32 to vector<16xf32>
      %mul3A_415 = arith.mulf %get3A_412, %mul3A_414 : vector<16xf32>
      %swap3A_416 = arith.index_cast %scan3A_384 : i32 to index
      %swap3A_417 = arith.constant 32 : index
      %swap3A_418 = tpu.vector_load %arg7[%swap3A_416, %swap3A_417] {strides = array<i32>} : memref<200x64xf32, #tpu.memory_space<vmem>>, vector<1x16xf32>,
      %swap3A_419 = vector.shape_cast %swap3A_418 : vector<1x16xf32> to vector<16xf32>
      %swap3A_420 = vector.shape_cast %mul3A_415 : vector<16xf32> to vector<1x16xf32>
      tpu.vector_store %arg7[%swap3A_416, %swap3A_417], %swap3A_420 {strides = array<i32>} : memref<200x64xf32, #tpu.memory_space<vmem>>, vector<1x16xf32>,
      %get3A_421 = arith.index_cast %scan3A_384 : i32 to index
      %get3A_422 = arith.constant 48 : index
      %get3A_423 = tpu.vector_load %arg7[%get3A_421, %get3A_422] {strides = array<i32>} : memref<200x64xf32, #tpu.memory_space<vmem>>, vector<1x16xf32>,
      %get3A_424 = vector.shape_cast %get3A_423 : vector<1x16xf32> to vector<16xf32>
      %mul3A_425 = arith.constant 8.000000e+00 : f32
      %mul3A_426 = vector.broadcast %mul3A_425 : f32 to vector<16xf32>
      %mul3A_427 = arith.mulf %get3A_424, %mul3A_426 : vector<16xf32>
      %swap3A_428 = arith.index_cast %scan3A_384 : i32 to index
      %swap3A_429 = arith.constant 48 : index
      %swap3A_430 = tpu.vector_load %arg7[%swap3A_428, %swap3A_429] {strides = array<i32>} : memref<200x64xf32, #tpu.memory_space<vmem>>, vector<1x16xf32>,
      %swap3A_431 = vector.shape_cast %swap3A_430 : vector<1x16xf32> to vector<16xf32>
      %swap3A_432 = vector.shape_cast %mul3A_427 : vector<16xf32> to vector<1x16xf32>
      tpu.vector_store %arg7[%swap3A_428, %swap3A_429], %swap3A_432 {strides = array<i32>} : memref<200x64xf32, #tpu.memory_space<vmem>>, vector<1x16xf32>,
      %scan3A_433 = arith.constant 4 : i32
      %scan3A_434 = arith.addi %scan3A_236, %scan3A_433 : i32
      %get3A_435 = arith.index_cast %scan3A_434 : i32 to index
      %get3A_436 = arith.constant 0 : index
      %get3A_437 = tpu.vector_load %arg7[%get3A_435, %get3A_436] {strides = array<i32>} : memref<200x64xf32, #tpu.memory_space<vmem>>, vector<1x16xf32>,
      %get3A_438 = vector.shape_cast %get3A_437 : vector<1x16xf32> to vector<16xf32>
      %mul3A_439 = arith.constant 8.000000e+00 : f32
      %mul3A_440 = vector.broadcast %mul3A_439 : f32 to vector<16xf32>
      %mul3A_441 = arith.mulf %get3A_438, %mul3A_440 : vector<16xf32>
      %swap3A_442 = arith.index_cast %scan3A_434 : i32 to index
      %swap3A_443 = arith.constant 0 : index
      %swap3A_444 = tpu.vector_load %arg7[%swap3A_442, %swap3A_443] {strides = array<i32>} : memref<200x64xf32, #tpu.memory_space<vmem>>, vector<1x16xf32>,
      %swap3A_445 = vector.shape_cast %swap3A_444 : vector<1x16xf32> to vector<16xf32>
      %swap3A_446 = vector.shape_cast %mul3A_441 : vector<16xf32> to vector<1x16xf32>
      tpu.vector_store %arg7[%swap3A_442, %swap3A_443], %swap3A_446 {strides = array<i32>} : memref<200x64xf32, #tpu.memory_space<vmem>>, vector<1x16xf32>,
      %get3A_447 = arith.index_cast %scan3A_434 : i32 to index
      %get3A_448 = arith.constant 16 : index
      %get3A_449 = tpu.vector_load %arg7[%get3A_447, %get3A_448] {strides = array<i32>} : memref<200x64xf32, #tpu.memory_space<vmem>>, vector<1x16xf32>,
      %get3A_450 = vector.shape_cast %get3A_449 : vector<1x16xf32> to vector<16xf32>
      %mul3A_451 = arith.constant 8.000000e+00 : f32
      %mul3A_452 = vector.broadcast %mul3A_451 : f32 to vector<16xf32>
      %mul3A_453 = arith.mulf %get3A_450, %mul3A_452 : vector<16xf32>
      %swap3A_454 = arith.index_cast %scan3A_434 : i32 to index
      %swap3A_455 = arith.constant 16 : index
      %swap3A_456 = tpu.vector_load %arg7[%swap3A_454, %swap3A_455] {strides = array<i32>} : memref<200x64xf32, #tpu.memory_space<vmem>>, vector<1x16xf32>,
      %swap3A_457 = vector.shape_cast %swap3A_456 : vector<1x16xf32> to vector<16xf32>
      %swap3A_458 = vector.shape_cast %mul3A_453 : vector<16xf32> to vector<1x16xf32>
      tpu.vector_store %arg7[%swap3A_454, %swap3A_455], %swap3A_458 {strides = array<i32>} : memref<200x64xf32, #tpu.memory_space<vmem>>, vector<1x16xf32>,
      %get3A_459 = arith.index_cast %scan3A_434 : i32 to index
      %get3A_460 = arith.constant 32 : index
      %get3A_461 = tpu.vector_load %arg7[%get3A_459, %get3A_460] {strides = array<i32>} : memref<200x64xf32, #tpu.memory_space<vmem>>, vector<1x16xf32>,
      %get3A_462 = vector.shape_cast %get3A_461 : vector<1x16xf32> to vector<16xf32>
      %mul3A_463 = arith.constant 8.000000e+00 : f32
      %mul3A_464 = vector.broadcast %mul3A_463 : f32 to vector<16xf32>
      %mul3A_465 = arith.mulf %get3A_462, %mul3A_464 : vector<16xf32>
      %swap3A_466 = arith.index_cast %scan3A_434 : i32 to index
      %swap3A_467 = arith.constant 32 : index
      %swap3A_468 = tpu.vector_load %arg7[%swap3A_466, %swap3A_467] {strides = array<i32>} : memref<200x64xf32, #tpu.memory_space<vmem>>, vector<1x16xf32>,
      %swap3A_469 = vector.shape_cast %swap3A_468 : vector<1x16xf32> to vector<16xf32>
      %swap3A_470 = vector.shape_cast %mul3A_465 : vector<16xf32> to vector<1x16xf32>
      tpu.vector_store %arg7[%swap3A_466, %swap3A_467], %swap3A_470 {strides = array<i32>} : memref<200x64xf32, #tpu.memory_space<vmem>>, vector<1x16xf32>,
      %get3A_471 = arith.index_cast %scan3A_434 : i32 to index
      %get3A_472 = arith.constant 48 : index
      %get3A_473 = tpu.vector_load %arg7[%get3A_471, %get3A_472] {strides = array<i32>} : memref<200x64xf32, #tpu.memory_space<vmem>>, vector<1x16xf32>,
      %get3A_474 = vector.shape_cast %get3A_473 : vector<1x16xf32> to vector<16xf32>
      %mul3A_475 = arith.constant 8.000000e+00 : f32
      %mul3A_476 = vector.broadcast %mul3A_475 : f32 to vector<16xf32>
      %mul3A_477 = arith.mulf %get3A_474, %mul3A_476 : vector<16xf32>
      %swap3A_478 = arith.index_cast %scan3A_434 : i32 to index
      %swap3A_479 = arith.constant 48 : index
      %swap3A_480 = tpu.vector_load %arg7[%swap3A_478, %swap3A_479] {strides = array<i32>} : memref<200x64xf32, #tpu.memory_space<vmem>>, vector<1x16xf32>,
      %swap3A_481 = vector.shape_cast %swap3A_480 : vector<1x16xf32> to vector<16xf32>
      %swap3A_482 = vector.shape_cast %mul3A_477 : vector<16xf32> to vector<1x16xf32>
      tpu.vector_store %arg7[%swap3A_478, %swap3A_479], %swap3A_482 {strides = array<i32>} : memref<200x64xf32, #tpu.memory_space<vmem>>, vector<1x16xf32>,
      %scan3A_483 = arith.constant 5 : i32
      %scan3A_484 = arith.addi %scan3A_236, %scan3A_483 : i32
      %get3A_485 = arith.index_cast %scan3A_484 : i32 to index
      %get3A_486 = arith.constant 0 : index
      %get3A_487 = tpu.vector_load %arg7[%get3A_485, %get3A_486] {strides = array<i32>} : memref<200x64xf32, #tpu.memory_space<vmem>>, vector<1x16xf32>,
      %get3A_488 = vector.shape_cast %get3A_487 : vector<1x16xf32> to vector<16xf32>
      %mul3A_489 = arith.constant 8.000000e+00 : f32
      %mul3A_490 = vector.broadcast %mul3A_489 : f32 to vector<16xf32>
      %mul3A_491 = arith.mulf %get3A_488, %mul3A_490 : vector<16xf32>
      %swap3A_492 = arith.index_cast %scan3A_484 : i32 to index
      %swap3A_493 = arith.constant 0 : index
      %swap3A_494 = tpu.vector_load %arg7[%swap3A_492, %swap3A_493] {strides = array<i32>} : memref<200x64xf32, #tpu.memory_space<vmem>>, vector<1x16xf32>,
      %swap3A_495 = vector.shape_cast %swap3A_494 : vector<1x16xf32> to vector<16xf32>
      %swap3A_496 = vector.shape_cast %mul3A_491 : vector<16xf32> to vector<1x16xf32>
      tpu.vector_store %arg7[%swap3A_492, %swap3A_493], %swap3A_496 {strides = array<i32>} : memref<200x64xf32, #tpu.memory_space<vmem>>, vector<1x16xf32>,
      %get3A_497 = arith.index_cast %scan3A_484 : i32 to index
      %get3A_498 = arith.constant 16 : index
      %get3A_499 = tpu.vector_load %arg7[%get3A_497, %get3A_498] {strides = array<i32>} : memref<200x64xf32, #tpu.memory_space<vmem>>, vector<1x16xf32>,
      %get3A_500 = vector.shape_cast %get3A_499 : vector<1x16xf32> to vector<16xf32>
      %mul3A_501 = arith.constant 8.000000e+00 : f32
      %mul3A_502 = vector.broadcast %mul3A_501 : f32 to vector<16xf32>
      %mul3A_503 = arith.mulf %get3A_500, %mul3A_502 : vector<16xf32>
      %swap3A_504 = arith.index_cast %scan3A_484 : i32 to index
      %swap3A_505 = arith.constant 16 : index
      %swap3A_506 = tpu.vector_load %arg7[%swap3A_504, %swap3A_505] {strides = array<i32>} : memref<200x64xf32, #tpu.memory_space<vmem>>, vector<1x16xf32>,
      %swap3A_507 = vector.shape_cast %swap3A_506 : vector<1x16xf32> to vector<16xf32>
      %swap3A_508 = vector.shape_cast %mul3A_503 : vector<16xf32> to vector<1x16xf32>
      tpu.vector_store %arg7[%swap3A_504, %swap3A_505], %swap3A_508 {strides = array<i32>} : memref<200x64xf32, #tpu.memory_space<vmem>>, vector<1x16xf32>,
      %get3A_509 = arith.index_cast %scan3A_484 : i32 to index
      %get3A_510 = arith.constant 32 : index
      %get3A_511 = tpu.vector_load %arg7[%get3A_509, %get3A_510] {strides = array<i32>} : memref<200x64xf32, #tpu.memory_space<vmem>>, vector<1x16xf32>,
      %get3A_512 = vector.shape_cast %get3A_511 : vector<1x16xf32> to vector<16xf32>
      %mul3A_513 = arith.constant 8.000000e+00 : f32
      %mul3A_514 = vector.broadcast %mul3A_513 : f32 to vector<16xf32>
      %mul3A_515 = arith.mulf %get3A_512, %mul3A_514 : vector<16xf32>
      %swap3A_516 = arith.index_cast %scan3A_484 : i32 to index
      %swap3A_517 = arith.constant 32 : index
      %swap3A_518 = tpu.vector_load %arg7[%swap3A_516, %swap3A_517] {strides = array<i32>} : memref<200x64xf32, #tpu.memory_space<vmem>>, vector<1x16xf32>,
      %swap3A_519 = vector.shape_cast %swap3A_518 : vector<1x16xf32> to vector<16xf32>
      %swap3A_520 = vector.shape_cast %mul3A_515 : vector<16xf32> to vector<1x16xf32>
      tpu.vector_store %arg7[%swap3A_516, %swap3A_517], %swap3A_520 {strides = array<i32>} : memref<200x64xf32, #tpu.memory_space<vmem>>, vector<1x16xf32>,
      %get3A_521 = arith.index_cast %scan3A_484 : i32 to index
      %get3A_522 = arith.constant 48 : index
      %get3A_523 = tpu.vector_load %arg7[%get3A_521, %get3A_522] {strides = array<i32>} : memref<200x64xf32, #tpu.memory_space<vmem>>, vector<1x16xf32>,
      %get3A_524 = vector.shape_cast %get3A_523 : vector<1x16xf32> to vector<16xf32>
      %mul3A_525 = arith.constant 8.000000e+00 : f32
      %mul3A_526 = vector.broadcast %mul3A_525 : f32 to vector<16xf32>
      %mul3A_527 = arith.mulf %get3A_524, %mul3A_526 : vector<16xf32>
      %swap3A_528 = arith.index_cast %scan3A_484 : i32 to index
      %swap3A_529 = arith.constant 48 : index
      %swap3A_530 = tpu.vector_load %arg7[%swap3A_528, %swap3A_529] {strides = array<i32>} : memref<200x64xf32, #tpu.memory_space<vmem>>, vector<1x16xf32>,
      %swap3A_531 = vector.shape_cast %swap3A_530 : vector<1x16xf32> to vector<16xf32>
      %swap3A_532 = vector.shape_cast %mul3A_527 : vector<16xf32> to vector<1x16xf32>
      tpu.vector_store %arg7[%swap3A_528, %swap3A_529], %swap3A_532 {strides = array<i32>} : memref<200x64xf32, #tpu.memory_space<vmem>>, vector<1x16xf32>,
      %scan3A_533 = arith.constant 6 : i32
      %scan3A_534 = arith.addi %scan3A_236, %scan3A_533 : i32
      %get3A_535 = arith.index_cast %scan3A_534 : i32 to index
      %get3A_536 = arith.constant 0 : index
      %get3A_537 = tpu.vector_load %arg7[%get3A_535, %get3A_536] {strides = array<i32>} : memref<200x64xf32, #tpu.memory_space<vmem>>, vector<1x16xf32>,
      %get3A_538 = vector.shape_cast %get3A_537 : vector<1x16xf32> to vector<16xf32>
      %mul3A_539 = arith.constant 8.000000e+00 : f32
      %mul3A_540 = vector.broadcast %mul3A_539 : f32 to vector<16xf32>
      %mul3A_541 = arith.mulf %get3A_538, %mul3A_540 : vector<16xf32>
      %swap3A_542 = arith.index_cast %scan3A_534 : i32 to index
      %swap3A_543 = arith.constant 0 : index
      %swap3A_544 = tpu.vector_load %arg7[%swap3A_542, %swap3A_543] {strides = array<i32>} : memref<200x64xf32, #tpu.memory_space<vmem>>, vector<1x16xf32>,
      %swap3A_545 = vector.shape_cast %swap3A_544 : vector<1x16xf32> to vector<16xf32>
      %swap3A_546 = vector.shape_cast %mul3A_541 : vector<16xf32> to vector<1x16xf32>
      tpu.vector_store %arg7[%swap3A_542, %swap3A_543], %swap3A_546 {strides = array<i32>} : memref<200x64xf32, #tpu.memory_space<vmem>>, vector<1x16xf32>,
      %get3A_547 = arith.index_cast %scan3A_534 : i32 to index
      %get3A_548 = arith.constant 16 : index
      %get3A_549 = tpu.vector_load %arg7[%get3A_547, %get3A_548] {strides = array<i32>} : memref<200x64xf32, #tpu.memory_space<vmem>>, vector<1x16xf32>,
      %get3A_550 = vector.shape_cast %get3A_549 : vector<1x16xf32> to vector<16xf32>
      %mul3A_551 = arith.constant 8.000000e+00 : f32
      %mul3A_552 = vector.broadcast %mul3A_551 : f32 to vector<16xf32>
      %mul3A_553 = arith.mulf %get3A_550, %mul3A_552 : vector<16xf32>
      %swap3A_554 = arith.index_cast %scan3A_534 : i32 to index
      %swap3A_555 = arith.constant 16 : index
      %swap3A_556 = tpu.vector_load %arg7[%swap3A_554, %swap3A_555] {strides = array<i32>} : memref<200x64xf32, #tpu.memory_space<vmem>>, vector<1x16xf32>,
      %swap3A_557 = vector.shape_cast %swap3A_556 : vector<1x16xf32> to vector<16xf32>
      %swap3A_558 = vector.shape_cast %mul3A_553 : vector<16xf32> to vector<1x16xf32>
      tpu.vector_store %arg7[%swap3A_554, %swap3A_555], %swap3A_558 {strides = array<i32>} : memref<200x64xf32, #tpu.memory_space<vmem>>, vector<1x16xf32>,
      %get3A_559 = arith.index_cast %scan3A_534 : i32 to index
      %get3A_560 = arith.constant 32 : index
      %get3A_561 = tpu.vector_load %arg7[%get3A_559, %get3A_560] {strides = array<i32>} : memref<200x64xf32, #tpu.memory_space<vmem>>, vector<1x16xf32>,
      %get3A_562 = vector.shape_cast %get3A_561 : vector<1x16xf32> to vector<16xf32>
      %mul3A_563 = arith.constant 8.000000e+00 : f32
      %mul3A_564 = vector.broadcast %mul3A_563 : f32 to vector<16xf32>
      %mul3A_565 = arith.mulf %get3A_562, %mul3A_564 : vector<16xf32>
      %swap3A_566 = arith.index_cast %scan3A_534 : i32 to index
      %swap3A_567 = arith.constant 32 : index
      %swap3A_568 = tpu.vector_load %arg7[%swap3A_566, %swap3A_567] {strides = array<i32>} : memref<200x64xf32, #tpu.memory_space<vmem>>, vector<1x16xf32>,
      %swap3A_569 = vector.shape_cast %swap3A_568 : vector<1x16xf32> to vector<16xf32>
      %swap3A_570 = vector.shape_cast %mul3A_565 : vector<16xf32> to vector<1x16xf32>
      tpu.vector_store %arg7[%swap3A_566, %swap3A_567], %swap3A_570 {strides = array<i32>} : memref<200x64xf32, #tpu.memory_space<vmem>>, vector<1x16xf32>,
      %get3A_571 = arith.index_cast %scan3A_534 : i32 to index
      %get3A_572 = arith.constant 48 : index
      %get3A_573 = tpu.vector_load %arg7[%get3A_571, %get3A_572] {strides = array<i32>} : memref<200x64xf32, #tpu.memory_space<vmem>>, vector<1x16xf32>,
      %get3A_574 = vector.shape_cast %get3A_573 : vector<1x16xf32> to vector<16xf32>
      %mul3A_575 = arith.constant 8.000000e+00 : f32
      %mul3A_576 = vector.broadcast %mul3A_575 : f32 to vector<16xf32>
      %mul3A_577 = arith.mulf %get3A_574, %mul3A_576 : vector<16xf32>
      %swap3A_578 = arith.index_cast %scan3A_534 : i32 to index
      %swap3A_579 = arith.constant 48 : index
      %swap3A_580 = tpu.vector_load %arg7[%swap3A_578, %swap3A_579] {strides = array<i32>} : memref<200x64xf32, #tpu.memory_space<vmem>>, vector<1x16xf32>,
      %swap3A_581 = vector.shape_cast %swap3A_580 : vector<1x16xf32> to vector<16xf32>
      %swap3A_582 = vector.shape_cast %mul3A_577 : vector<16xf32> to vector<1x16xf32>
      tpu.vector_store %arg7[%swap3A_578, %swap3A_579], %swap3A_582 {strides = array<i32>} : memref<200x64xf32, #tpu.memory_space<vmem>>, vector<1x16xf32>,
      %scan3A_583 = arith.constant 7 : i32
      %scan3A_584 = arith.addi %scan3A_236, %scan3A_583 : i32
      %get3A_585 = arith.index_cast %scan3A_584 : i32 to index
      %get3A_586 = arith.constant 0 : index
      %get3A_587 = tpu.vector_load %arg7[%get3A_585, %get3A_586] {strides = array<i32>} : memref<200x64xf32, #tpu.memory_space<vmem>>, vector<1x16xf32>,
      %get3A_588 = vector.shape_cast %get3A_587 : vector<1x16xf32> to vector<16xf32>
      %mul3A_589 = arith.constant 8.000000e+00 : f32
      %mul3A_590 = vector.broadcast %mul3A_589 : f32 to vector<16xf32>
      %mul3A_591 = arith.mulf %get3A_588, %mul3A_590 : vector<16xf32>
      %swap3A_592 = arith.index_cast %scan3A_584 : i32 to index
      %swap3A_593 = arith.constant 0 : index
      %swap3A_594 = tpu.vector_load %arg7[%swap3A_592, %swap3A_593] {strides = array<i32>} : memref<200x64xf32, #tpu.memory_space<vmem>>, vector<1x16xf32>,
      %swap3A_595 = vector.shape_cast %swap3A_594 : vector<1x16xf32> to vector<16xf32>
      %swap3A_596 = vector.shape_cast %mul3A_591 : vector<16xf32> to vector<1x16xf32>
      tpu.vector_store %arg7[%swap3A_592, %swap3A_593], %swap3A_596 {strides = array<i32>} : memref<200x64xf32, #tpu.memory_space<vmem>>, vector<1x16xf32>,
      %get3A_597 = arith.index_cast %scan3A_584 : i32 to index
      %get3A_598 = arith.constant 16 : index
      %get3A_599 = tpu.vector_load %arg7[%get3A_597, %get3A_598] {strides = array<i32>} : memref<200x64xf32, #tpu.memory_space<vmem>>, vector<1x16xf32>,
      %get3A_600 = vector.shape_cast %get3A_599 : vector<1x16xf32> to vector<16xf32>
      %mul3A_601 = arith.constant 8.000000e+00 : f32
      %mul3A_602 = vector.broadcast %mul3A_601 : f32 to vector<16xf32>
      %mul3A_603 = arith.mulf %get3A_600, %mul3A_602 : vector<16xf32>
      %swap3A_604 = arith.index_cast %scan3A_584 : i32 to index
      %swap3A_605 = arith.constant 16 : index
      %swap3A_606 = tpu.vector_load %arg7[%swap3A_604, %swap3A_605] {strides = array<i32>} : memref<200x64xf32, #tpu.memory_space<vmem>>, vector<1x16xf32>,
      %swap3A_607 = vector.shape_cast %swap3A_606 : vector<1x16xf32> to vector<16xf32>
      %swap3A_608 = vector.shape_cast %mul3A_603 : vector<16xf32> to vector<1x16xf32>
      tpu.vector_store %arg7[%swap3A_604, %swap3A_605], %swap3A_608 {strides = array<i32>} : memref<200x64xf32, #tpu.memory_space<vmem>>, vector<1x16xf32>,
      %get3A_609 = arith.index_cast %scan3A_584 : i32 to index
      %get3A_610 = arith.constant 32 : index
      %get3A_611 = tpu.vector_load %arg7[%get3A_609, %get3A_610] {strides = array<i32>} : memref<200x64xf32, #tpu.memory_space<vmem>>, vector<1x16xf32>,
      %get3A_612 = vector.shape_cast %get3A_611 : vector<1x16xf32> to vector<16xf32>
      %mul3A_613 = arith.constant 8.000000e+00 : f32
      %mul3A_614 = vector.broadcast %mul3A_613 : f32 to vector<16xf32>
      %mul3A_615 = arith.mulf %get3A_612, %mul3A_614 : vector<16xf32>
      %swap3A_616 = arith.index_cast %scan3A_584 : i32 to index
      %swap3A_617 = arith.constant 32 : index
      %swap3A_618 = tpu.vector_load %arg7[%swap3A_616, %swap3A_617] {strides = array<i32>} : memref<200x64xf32, #tpu.memory_space<vmem>>, vector<1x16xf32>,
      %swap3A_619 = vector.shape_cast %swap3A_618 : vector<1x16xf32> to vector<16xf32>
      %swap3A_620 = vector.shape_cast %mul3A_615 : vector<16xf32> to vector<1x16xf32>
      tpu.vector_store %arg7[%swap3A_616, %swap3A_617], %swap3A_620 {strides = array<i32>} : memref<200x64xf32, #tpu.memory_space<vmem>>, vector<1x16xf32>,
      %get3A_621 = arith.index_cast %scan3A_584 : i32 to index
      %get3A_622 = arith.constant 48 : index
      %get3A_623 = tpu.vector_load %arg7[%get3A_621, %get3A_622] {strides = array<i32>} : memref<200x64xf32, #tpu.memory_space<vmem>>, vector<1x16xf32>,
      %get3A_624 = vector.shape_cast %get3A_623 : vector<1x16xf32> to vector<16xf32>
      %mul3A_625 = arith.constant 8.000000e+00 : f32
      %mul3A_626 = vector.broadcast %mul3A_625 : f32 to vector<16xf32>
      %mul3A_627 = arith.mulf %get3A_624, %mul3A_626 : vector<16xf32>
      %swap3A_628 = arith.index_cast %scan3A_584 : i32 to index
      %swap3A_629 = arith.constant 48 : index
      %swap3A_630 = tpu.vector_load %arg7[%swap3A_628, %swap3A_629] {strides = array<i32>} : memref<200x64xf32, #tpu.memory_space<vmem>>, vector<1x16xf32>,
      %swap3A_631 = vector.shape_cast %swap3A_630 : vector<1x16xf32> to vector<16xf32>
      %swap3A_632 = vector.shape_cast %mul3A_627 : vector<16xf32> to vector<1x16xf32>
      tpu.vector_store %arg7[%swap3A_628, %swap3A_629], %swap3A_632 {strides = array<i32>} : memref<200x64xf32, #tpu.memory_space<vmem>>, vector<1x16xf32>,
    }
    %scan3A_119 = arith.constant 200 : i32
    %add3A_120 = arith.constant 1 : i32
    %add3A_121 = arith.addi %mul3A_4, %add3A_120 : i32
    %dma_start3A_122 = arith.constant 0 : i32
    %dma_start3A_123 = arith.constant 0 : i32
    %dma_start3A_124 = tpu.memref_slice %arg4[%add3A_121, %dma_start3A_122, %dma_start3A_123] : memref<4096x200x64xf32, #tpu.memory_space<hbm>> -> memref<1x200x64xf32, #tpu.memory_space<hbm>>
    %dma_start3A_125 = tpu.memref_squeeze %dma_start3A_124 : memref<1x200x64xf32, #tpu.memory_space<hbm>> -> memref<200x64xf32, #tpu.memory_space<hbm>>
    %dma_start3A_126 = arith.constant 0 : i32
    %dma_start3A_127 = arith.constant 0 : i32
    %dma_start3A_128 = tpu.memref_slice %arg4[%add3A_121, %dma_start3A_126, %dma_start3A_127] : memref<4096x200x64xf32, #tpu.memory_space<hbm>> -> memref<1x200x64xf32, #tpu.memory_space<hbm>>
    %dma_start3A_129 = tpu.memref_squeeze %dma_start3A_128 : memref<1x200x64xf32, #tpu.memory_space<hbm>> -> memref<200x64xf32, #tpu.memory_space<hbm>>
    tpu.enqueue_dma source(%arg7 : memref<200x64xf32, #tpu.memory_space<vmem>>) target(%dma_start3A_129 : memref<200x64xf32, #tpu.memory_space<hbm>>) target_semaphore(%arg15 : memref<!tpu.dma_semaphore, #tpu.memory_space<semaphore_mem>>)
    %scan3A_130 = arith.constant 0 : i32
    %scan3A_131 = arith.constant 0 : i32
    %scan3A_132 = arith.constant 31 : i32
    %scan3A_133 = arith.addi %scan3A_131, %scan3A_132 : i32
    %scan3A_134 = arith.constant 1 : i32
    scf.for %scan3A_236 = %scan3A_131 to %scan3A_133 step %scan3A_134  : i32 {
      %mul3A_237 = arith.constant 4 : i32
      %mul3A_238 = arith.muli %mul3A_237, %scan3A_236 : i32
      %add3A_239 = arith.constant 2 : i32
      %add3A_240 = arith.addi %mul3A_238, %add3A_239 : i32
      %add3A_241 = arith.constant 0 : i32
      %add3A_242 = arith.addi %add3A_240, %add3A_241 : i32
      %dma_wait3A_243 = arith.constant 0 : i32
      %dma_wait3A_244 = arith.constant 0 : i32
      %dma_wait3A_245 = arith.constant 0 : i32
      %dma_wait3A_246 = tpu.memref_slice %arg4[%dma_wait3A_243, %dma_wait3A_244, %dma_wait3A_245] : memref<4096x200x64xf32, #tpu.memory_space<hbm>> -> memref<1x200x64xf32, #tpu.memory_space<hbm>>
      %dma_wait3A_247 = tpu.memref_squeeze %dma_wait3A_246 : memref<1x200x64xf32, #tpu.memory_space<hbm>> -> memref<200x64xf32, #tpu.memory_space<hbm>>
      %dma_wait3A_248 = arith.constant 0 : i32
      %dma_wait3A_249 = arith.constant 0 : i32
      %dma_wait3A_250 = tpu.memref_slice %arg4[%dma_wait3A_243, %dma_wait3A_248, %dma_wait3A_249] : memref<4096x200x64xf32, #tpu.memory_space<hbm>> -> memref<1x200x64xf32, #tpu.memory_space<hbm>>
      %dma_wait3A_251 = tpu.memref_squeeze %dma_wait3A_250 : memref<1x200x64xf32, #tpu.memory_space<hbm>> -> memref<200x64xf32, #tpu.memory_space<hbm>>
      tpu.wait_dma2 semaphore(%arg14 : memref<!tpu.dma_semaphore, #tpu.memory_space<semaphore_mem>>) src(%arg6 : memref<200x64xf32, #tpu.memory_space<vmem>>) dst(%dma_wait3A_251 : memref<200x64xf32, #tpu.memory_space<hbm>>)
      %add3A_252 = arith.constant 2 : i32
      %add3A_253 = arith.addi %add3A_242, %add3A_252 : i32
      %mul3A_254 = arith.constant 200 : i32
      %mul3A_255 = arith.muli %add3A_253, %mul3A_254 : i32
      %dma_start3A_256 = arith.constant 0 : i32
      %dma_start3A_257 = arith.constant 0 : i32
      %dma_start3A_258 = tpu.memref_slice %arg6[%dma_start3A_256, %dma_start3A_257] : memref<200x64xf32, #tpu.memory_space<vmem>> -> memref<128x64xf32, #tpu.memory_space<vmem>>
      %dma_start3A_259 = tpu.memref_slice %arg5[%mul3A_255] : memref<25600xi32, #tpu.memory_space<vmem>> -> memref<128xi32, #tpu.memory_space<vmem>>
      %dma_start3A_260 = arith.constant 0 : i32
      %dma_start3A_261 = arith.constant 0 : i32
      %dma_start3A_262 = tpu.memref_slice %arg3[%dma_start3A_260, %dma_start3A_261] : memref<1000000x64xf32, #tpu.memory_space<hbm>> -> memref<1000000x64xf32, #tpu.memory_space<hbm>>
      tpu.enqueue_indirect_dma source(%dma_start3A_262 : memref<1000000x64xf32, #tpu.memory_space<hbm>>) target(%dma_start3A_258 : memref<128x64xf32, #tpu.memory_space<vmem>>) offsets(%dma_start3A_259 : memref<128xi32, #tpu.memory_space<vmem>>) semaphore(%arg10 : memref<!tpu.dma_semaphore, #tpu.memory_space<semaphore_mem>>)
      %mul3A_263 = arith.constant 200 : i32
      %mul3A_264 = arith.muli %add3A_253, %mul3A_263 : i32
      %add3A_265 = arith.constant 128 : i32
      %add3A_266 = arith.addi %mul3A_264, %add3A_265 : i32
      %dma_start3A_267 = arith.constant 128 : i32
      %dma_start3A_268 = arith.constant 0 : i32
      %dma_start3A_269 = tpu.memref_slice %arg6[%dma_start3A_267, %dma_start3A_268] : memref<200x64xf32, #tpu.memory_space<vmem>> -> memref<72x64xf32, #tpu.memory_space<vmem>>
      %dma_start3A_270 = tpu.memref_slice %arg5[%add3A_266] : memref<25600xi32, #tpu.memory_space<vmem>> -> memref<72xi32, #tpu.memory_space<vmem>>
      %dma_start3A_271 = arith.constant 0 : i32
      %dma_start3A_272 = arith.constant 0 : i32
      %dma_start3A_273 = tpu.memref_slice %arg3[%dma_start3A_271, %dma_start3A_272] : memref<1000000x64xf32, #tpu.memory_space<hbm>> -> memref<1000000x64xf32, #tpu.memory_space<hbm>>
      tpu.enqueue_indirect_dma source(%dma_start3A_273 : memref<1000000x64xf32, #tpu.memory_space<hbm>>) target(%dma_start3A_269 : memref<72x64xf32, #tpu.memory_space<vmem>>) offsets(%dma_start3A_270 : memref<72xi32, #tpu.memory_space<vmem>>) semaphore(%arg10 : memref<!tpu.dma_semaphore, #tpu.memory_space<semaphore_mem>>)
      %dma_wait3A_274 = arith.constant 0 : i32
      %dma_wait3A_275 = arith.constant 0 : i32
      %dma_wait3A_276 = tpu.memref_slice %arg8[%dma_wait3A_274, %dma_wait3A_275] : memref<200x64xf32, #tpu.memory_space<vmem>> -> memref<128x64xf32, #tpu.memory_space<vmem>>
      %dma_wait3A_277 = arith.constant 0 : i32
      %dma_wait3A_278 = tpu.memref_slice %arg5[%dma_wait3A_277] : memref<25600xi32, #tpu.memory_space<vmem>> -> memref<128xi32, #tpu.memory_space<vmem>>
      %dma_wait3A_279 = arith.constant 0 : i32
      %dma_wait3A_280 = arith.constant 0 : i32
      %dma_wait3A_281 = tpu.memref_slice %arg3[%dma_wait3A_279, %dma_wait3A_280] : memref<1000000x64xf32, #tpu.memory_space<hbm>> -> memref<1000000x64xf32, #tpu.memory_space<hbm>>
      tpu.wait_indirect_dma semaphore(%arg12 : memref<!tpu.dma_semaphore, #tpu.memory_space<semaphore_mem>>) src(%dma_wait3A_281 : memref<1000000x64xf32, #tpu.memory_space<hbm>>) dst(%dma_wait3A_276 : memref<128x64xf32, #tpu.memory_space<vmem>>)
      %dma_wait3A_282 = arith.constant 128 : i32
      %dma_wait3A_283 = arith.constant 0 : i32
      %dma_wait3A_284 = tpu.memref_slice %arg8[%dma_wait3A_282, %dma_wait3A_283] : memref<200x64xf32, #tpu.memory_space<vmem>> -> memref<72x64xf32, #tpu.memory_space<vmem>>
      %dma_wait3A_285 = arith.constant 0 : i32
      %dma_wait3A_286 = tpu.memref_slice %arg5[%dma_wait3A_285] : memref<25600xi32, #tpu.memory_space<vmem>> -> memref<72xi32, #tpu.memory_space<vmem>>
      %dma_wait3A_287 = arith.constant 0 : i32
      %dma_wait3A_288 = arith.constant 0 : i32
      %dma_wait3A_289 = tpu.memref_slice %arg3[%dma_wait3A_287, %dma_wait3A_288] : memref<1000000x64xf32, #tpu.memory_space<hbm>> -> memref<1000000x64xf32, #tpu.memory_space<hbm>>
      tpu.wait_indirect_dma semaphore(%arg12 : memref<!tpu.dma_semaphore, #tpu.memory_space<semaphore_mem>>) src(%dma_wait3A_289 : memref<1000000x64xf32, #tpu.memory_space<hbm>>) dst(%dma_wait3A_284 : memref<72x64xf32, #tpu.memory_space<vmem>>)
      %scan3A_290 = arith.constant 0 : i32
      %scan3A_291 = arith.constant 0 : i32
      %scan3A_292 = arith.constant 200 : i32
      %scan3A_293 = arith.addi %scan3A_291, %scan3A_292 : i32
      %scan3A_294 = arith.constant 8 : i32
      scf.for %scan3A_509 = %scan3A_291 to %scan3A_293 step %scan3A_294  : i32 {
        %get3A = arith.index_cast %scan3A_509 : i32 to index
        %get3A_510 = arith.constant 0 : index
        %get3A_511 = tpu.vector_load %arg8[%get3A, %get3A_510] {strides = array<i32>} : memref<200x64xf32, #tpu.memory_space<vmem>>, vector<1x16xf32>,
        %get3A_512 = vector.shape_cast %get3A_511 : vector<1x16xf32> to vector<16xf32>
        %mul3A_513 = arith.constant 8.000000e+00 : f32
        %mul3A_514 = vector.broadcast %mul3A_513 : f32 to vector<16xf32>
        %mul3A_515 = arith.mulf %get3A_512, %mul3A_514 : vector<16xf32>
        %swap3A = arith.index_cast %scan3A_509 : i32 to index
        %swap3A_516 = arith.constant 0 : index
        %swap3A_517 = tpu.vector_load %arg8[%swap3A, %swap3A_516] {strides = array<i32>} : memref<200x64xf32, #tpu.memory_space<vmem>>, vector<1x16xf32>,
        %swap3A_518 = vector.shape_cast %swap3A_517 : vector<1x16xf32> to vector<16xf32>
        %swap3A_519 = vector.shape_cast %mul3A_515 : vector<16xf32> to vector<1x16xf32>
        tpu.vector_store %arg8[%swap3A, %swap3A_516], %swap3A_519 {strides = array<i32>} : memref<200x64xf32, #tpu.memory_space<vmem>>, vector<1x16xf32>,
        %get3A_520 = arith.index_cast %scan3A_509 : i32 to index
        %get3A_521 = arith.constant 16 : index
        %get3A_522 = tpu.vector_load %arg8[%get3A_520, %get3A_521] {strides = array<i32>} : memref<200x64xf32, #tpu.memory_space<vmem>>, vector<1x16xf32>,
        %get3A_523 = vector.shape_cast %get3A_522 : vector<1x16xf32> to vector<16xf32>
        %mul3A_524 = arith.constant 8.000000e+00 : f32
        %mul3A_525 = vector.broadcast %mul3A_524 : f32 to vector<16xf32>
        %mul3A_526 = arith.mulf %get3A_523, %mul3A_525 : vector<16xf32>
        %swap3A_527 = arith.index_cast %scan3A_509 : i32 to index
        %swap3A_528 = arith.constant 16 : index
        %swap3A_529 = tpu.vector_load %arg8[%swap3A_527, %swap3A_528] {strides = array<i32>} : memref<200x64xf32, #tpu.memory_space<vmem>>, vector<1x16xf32>,
        %swap3A_530 = vector.shape_cast %swap3A_529 : vector<1x16xf32> to vector<16xf32>
        %swap3A_531 = vector.shape_cast %mul3A_526 : vector<16xf32> to vector<1x16xf32>
        tpu.vector_store %arg8[%swap3A_527, %swap3A_528], %swap3A_531 {strides = array<i32>} : memref<200x64xf32, #tpu.memory_space<vmem>>, vector<1x16xf32>,
        %get3A_532 = arith.index_cast %scan3A_509 : i32 to index
        %get3A_533 = arith.constant 32 : index
        %get3A_534 = tpu.vector_load %arg8[%get3A_532, %get3A_533] {strides = array<i32>} : memref<200x64xf32, #tpu.memory_space<vmem>>, vector<1x16xf32>,
        %get3A_535 = vector.shape_cast %get3A_534 : vector<1x16xf32> to vector<16xf32>
        %mul3A_536 = arith.constant 8.000000e+00 : f32
        %mul3A_537 = vector.broadcast %mul3A_536 : f32 to vector<16xf32>
        %mul3A_538 = arith.mulf %get3A_535, %mul3A_537 : vector<16xf32>
        %swap3A_539 = arith.index_cast %scan3A_509 : i32 to index
        %swap3A_540 = arith.constant 32 : index
        %swap3A_541 = tpu.vector_load %arg8[%swap3A_539, %swap3A_540] {strides = array<i32>} : memref<200x64xf32, #tpu.memory_space<vmem>>, vector<1x16xf32>,
        %swap3A_542 = vector.shape_cast %swap3A_541 : vector<1x16xf32> to vector<16xf32>
        %swap3A_543 = vector.shape_cast %mul3A_538 : vector<16xf32> to vector<1x16xf32>
        tpu.vector_store %arg8[%swap3A_539, %swap3A_540], %swap3A_543 {strides = array<i32>} : memref<200x64xf32, #tpu.memory_space<vmem>>, vector<1x16xf32>,
        %get3A_544 = arith.index_cast %scan3A_509 : i32 to index
        %get3A_545 = arith.constant 48 : index
        %get3A_546 = tpu.vector_load %arg8[%get3A_544, %get3A_545] {strides = array<i32>} : memref<200x64xf32, #tpu.memory_space<vmem>>, vector<1x16xf32>,
        %get3A_547 = vector.shape_cast %get3A_546 : vector<1x16xf32> to vector<16xf32>
        %mul3A_548 = arith.constant 8.000000e+00 : f32
        %mul3A_549 = vector.broadcast %mul3A_548 : f32 to vector<16xf32>
        %mul3A_550 = arith.mulf %get3A_547, %mul3A_549 : vector<16xf32>
        %swap3A_551 = arith.index_cast %scan3A_509 : i32 to index
        %swap3A_552 = arith.constant 48 : index
        %swap3A_553 = tpu.vector_load %arg8[%swap3A_551, %swap3A_552] {strides = array<i32>} : memref<200x64xf32, #tpu.memory_space<vmem>>, vector<1x16xf32>,
        %swap3A_554 = vector.shape_cast %swap3A_553 : vector<1x16xf32> to vector<16xf32>
        %swap3A_555 = vector.shape_cast %mul3A_550 : vector<16xf32> to vector<1x16xf32>
        tpu.vector_store %arg8[%swap3A_551, %swap3A_552], %swap3A_555 {strides = array<i32>} : memref<200x64xf32, #tpu.memory_space<vmem>>, vector<1x16xf32>,
        %scan3A_556 = arith.constant 1 : i32
        %scan3A_557 = arith.addi %scan3A_509, %scan3A_556 : i32
        %get3A_558 = arith.index_cast %scan3A_557 : i32 to index
        %get3A_559 = arith.constant 0 : index
        %get3A_560 = tpu.vector_load %arg8[%get3A_558, %get3A_559] {strides = array<i32>} : memref<200x64xf32, #tpu.memory_space<vmem>>, vector<1x16xf32>,
        %get3A_561 = vector.shape_cast %get3A_560 : vector<1x16xf32> to vector<16xf32>
        %mul3A_562 = arith.constant 8.000000e+00 : f32
        %mul3A_563 = vector.broadcast %mul3A_562 : f32 to vector<16xf32>
        %mul3A_564 = arith.mulf %get3A_561, %mul3A_563 : vector<16xf32>
        %swap3A_565 = arith.index_cast %scan3A_557 : i32 to index
        %swap3A_566 = arith.constant 0 : index
        %swap3A_567 = tpu.vector_load %arg8[%swap3A_565, %swap3A_566] {strides = array<i32>} : memref<200x64xf32, #tpu.memory_space<vmem>>, vector<1x16xf32>,
        %swap3A_568 = vector.shape_cast %swap3A_567 : vector<1x16xf32> to vector<16xf32>
        %swap3A_569 = vector.shape_cast %mul3A_564 : vector<16xf32> to vector<1x16xf32>
        tpu.vector_store %arg8[%swap3A_565, %swap3A_566], %swap3A_569 {strides = array<i32>} : memref<200x64xf32, #tpu.memory_space<vmem>>, vector<1x16xf32>,
        %get3A_570 = arith.index_cast %scan3A_557 : i32 to index
        %get3A_571 = arith.constant 16 : index
        %get3A_572 = tpu.vector_load %arg8[%get3A_570, %get3A_571] {strides = array<i32>} : memref<200x64xf32, #tpu.memory_space<vmem>>, vector<1x16xf32>,
        %get3A_573 = vector.shape_cast %get3A_572 : vector<1x16xf32> to vector<16xf32>
        %mul3A_574 = arith.constant 8.000000e+00 : f32
        %mul3A_575 = vector.broadcast %mul3A_574 : f32 to vector<16xf32>
        %mul3A_576 = arith.mulf %get3A_573, %mul3A_575 : vector<16xf32>
        %swap3A_577 = arith.index_cast %scan3A_557 : i32 to index
        %swap3A_578 = arith.constant 16 : index
        %swap3A_579 = tpu.vector_load %arg8[%swap3A_577, %swap3A_578] {strides = array<i32>} : memref<200x64xf32, #tpu.memory_space<vmem>>, vector<1x16xf32>,
        %swap3A_580 = vector.shape_cast %swap3A_579 : vector<1x16xf32> to vector<16xf32>
        %swap3A_581 = vector.shape_cast %mul3A_576 : vector<16xf32> to vector<1x16xf32>
        tpu.vector_store %arg8[%swap3A_577, %swap3A_578], %swap3A_581 {strides = array<i32>} : memref<200x64xf32, #tpu.memory_space<vmem>>, vector<1x16xf32>,
        %get3A_582 = arith.index_cast %scan3A_557 : i32 to index
        %get3A_583 = arith.constant 32 : index
        %get3A_584 = tpu.vector_load %arg8[%get3A_582, %get3A_583] {strides = array<i32>} : memref<200x64xf32, #tpu.memory_space<vmem>>, vector<1x16xf32>,
        %get3A_585 = vector.shape_cast %get3A_584 : vector<1x16xf32> to vector<16xf32>
        %mul3A_586 = arith.constant 8.000000e+00 : f32
        %mul3A_587 = vector.broadcast %mul3A_586 : f32 to vector<16xf32>
        %mul3A_588 = arith.mulf %get3A_585, %mul3A_587 : vector<16xf32>
        %swap3A_589 = arith.index_cast %scan3A_557 : i32 to index
        %swap3A_590 = arith.constant 32 : index
        %swap3A_591 = tpu.vector_load %arg8[%swap3A_589, %swap3A_590] {strides = array<i32>} : memref<200x64xf32, #tpu.memory_space<vmem>>, vector<1x16xf32>,
        %swap3A_592 = vector.shape_cast %swap3A_591 : vector<1x16xf32> to vector<16xf32>
        %swap3A_593 = vector.shape_cast %mul3A_588 : vector<16xf32> to vector<1x16xf32>
        tpu.vector_store %arg8[%swap3A_589, %swap3A_590], %swap3A_593 {strides = array<i32>} : memref<200x64xf32, #tpu.memory_space<vmem>>, vector<1x16xf32>,
        %get3A_594 = arith.index_cast %scan3A_557 : i32 to index
        %get3A_595 = arith.constant 48 : index
        %get3A_596 = tpu.vector_load %arg8[%get3A_594, %get3A_595] {strides = array<i32>} : memref<200x64xf32, #tpu.memory_space<vmem>>, vector<1x16xf32>,
        %get3A_597 = vector.shape_cast %get3A_596 : vector<1x16xf32> to vector<16xf32>
        %mul3A_598 = arith.constant 8.000000e+00 : f32
        %mul3A_599 = vector.broadcast %mul3A_598 : f32 to vector<16xf32>
        %mul3A_600 = arith.mulf %get3A_597, %mul3A_599 : vector<16xf32>
        %swap3A_601 = arith.index_cast %scan3A_557 : i32 to index
        %swap3A_602 = arith.constant 48 : index
        %swap3A_603 = tpu.vector_load %arg8[%swap3A_601, %swap3A_602] {strides = array<i32>} : memref<200x64xf32, #tpu.memory_space<vmem>>, vector<1x16xf32>,
        %swap3A_604 = vector.shape_cast %swap3A_603 : vector<1x16xf32> to vector<16xf32>
        %swap3A_605 = vector.shape_cast %mul3A_600 : vector<16xf32> to vector<1x16xf32>
        tpu.vector_store %arg8[%swap3A_601, %swap3A_602], %swap3A_605 {strides = array<i32>} : memref<200x64xf32, #tpu.memory_space<vmem>>, vector<1x16xf32>,
        %scan3A_606 = arith.constant 2 : i32
        %scan3A_607 = arith.addi %scan3A_509, %scan3A_606 : i32
        %get3A_608 = arith.index_cast %scan3A_607 : i32 to index
        %get3A_609 = arith.constant 0 : index
        %get3A_610 = tpu.vector_load %arg8[%get3A_608, %get3A_609] {strides = array<i32>} : memref<200x64xf32, #tpu.memory_space<vmem>>, vector<1x16xf32>,
        %get3A_611 = vector.shape_cast %get3A_610 : vector<1x16xf32> to vector<16xf32>
        %mul3A_612 = arith.constant 8.000000e+00 : f32
        %mul3A_613 = vector.broadcast %mul3A_612 : f32 to vector<16xf32>
        %mul3A_614 = arith.mulf %get3A_611, %mul3A_613 : vector<16xf32>
        %swap3A_615 = arith.index_cast %scan3A_607 : i32 to index
        %swap3A_616 = arith.constant 0 : index
        %swap3A_617 = tpu.vector_load %arg8[%swap3A_615, %swap3A_616] {strides = array<i32>} : memref<200x64xf32, #tpu.memory_space<vmem>>, vector<1x16xf32>,
        %swap3A_618 = vector.shape_cast %swap3A_617 : vector<1x16xf32> to vector<16xf32>
        %swap3A_619 = vector.shape_cast %mul3A_614 : vector<16xf32> to vector<1x16xf32>
        tpu.vector_store %arg8[%swap3A_615, %swap3A_616], %swap3A_619 {strides = array<i32>} : memref<200x64xf32, #tpu.memory_space<vmem>>, vector<1x16xf32>,
        %get3A_620 = arith.index_cast %scan3A_607 : i32 to index
        %get3A_621 = arith.constant 16 : index
        %get3A_622 = tpu.vector_load %arg8[%get3A_620, %get3A_621] {strides = array<i32>} : memref<200x64xf32, #tpu.memory_space<vmem>>, vector<1x16xf32>,
        %get3A_623 = vector.shape_cast %get3A_622 : vector<1x16xf32> to vector<16xf32>
        %mul3A_624 = arith.constant 8.000000e+00 : f32
        %mul3A_625 = vector.broadcast %mul3A_624 : f32 to vector<16xf32>
        %mul3A_626 = arith.mulf %get3A_623, %mul3A_625 : vector<16xf32>
        %swap3A_627 = arith.index_cast %scan3A_607 : i32 to index
        %swap3A_628 = arith.constant 16 : index
        %swap3A_629 = tpu.vector_load %arg8[%swap3A_627, %swap3A_628] {strides = array<i32>} : memref<200x64xf32, #tpu.memory_space<vmem>>, vector<1x16xf32>,
        %swap3A_630 = vector.shape_cast %swap3A_629 : vector<1x16xf32> to vector<16xf32>
        %swap3A_631 = vector.shape_cast %mul3A_626 : vector<16xf32> to vector<1x16xf32>
        tpu.vector_store %arg8[%swap3A_627, %swap3A_628], %swap3A_631 {strides = array<i32>} : memref<200x64xf32, #tpu.memory_space<vmem>>, vector<1x16xf32>,
        %get3A_632 = arith.index_cast %scan3A_607 : i32 to index
        %get3A_633 = arith.constant 32 : index
        %get3A_634 = tpu.vector_load %arg8[%get3A_632, %get3A_633] {strides = array<i32>} : memref<200x64xf32, #tpu.memory_space<vmem>>, vector<1x16xf32>,
        %get3A_635 = vector.shape_cast %get3A_634 : vector<1x16xf32> to vector<16xf32>
        %mul3A_636 = arith.constant 8.000000e+00 : f32
        %mul3A_637 = vector.broadcast %mul3A_636 : f32 to vector<16xf32>
        %mul3A_638 = arith.mulf %get3A_635, %mul3A_637 : vector<16xf32>
        %swap3A_639 = arith.index_cast %scan3A_607 : i32 to index
        %swap3A_640 = arith.constant 32 : index
        %swap3A_641 = tpu.vector_load %arg8[%swap3A_639, %swap3A_640] {strides = array<i32>} : memref<200x64xf32, #tpu.memory_space<vmem>>, vector<1x16xf32>,
        %swap3A_642 = vector.shape_cast %swap3A_641 : vector<1x16xf32> to vector<16xf32>
        %swap3A_643 = vector.shape_cast %mul3A_638 : vector<16xf32> to vector<1x16xf32>
        tpu.vector_store %arg8[%swap3A_639, %swap3A_640], %swap3A_643 {strides = array<i32>} : memref<200x64xf32, #tpu.memory_space<vmem>>, vector<1x16xf32>,
        %get3A_644 = arith.index_cast %scan3A_607 : i32 to index
        %get3A_645 = arith.constant 48 : index
        %get3A_646 = tpu.vector_load %arg8[%get3A_644, %get3A_645] {strides = array<i32>} : memref<200x64xf32, #tpu.memory_space<vmem>>, vector<1x16xf32>,
        %get3A_647 = vector.shape_cast %get3A_646 : vector<1x16xf32> to vector<16xf32>
        %mul3A_648 = arith.constant 8.000000e+00 : f32
        %mul3A_649 = vector.broadcast %mul3A_648 : f32 to vector<16xf32>
        %mul3A_650 = arith.mulf %get3A_647, %mul3A_649 : vector<16xf32>
        %swap3A_651 = arith.index_cast %scan3A_607 : i32 to index
        %swap3A_652 = arith.constant 48 : index
        %swap3A_653 = tpu.vector_load %arg8[%swap3A_651, %swap3A_652] {strides = array<i32>} : memref<200x64xf32, #tpu.memory_space<vmem>>, vector<1x16xf32>,
        %swap3A_654 = vector.shape_cast %swap3A_653 : vector<1x16xf32> to vector<16xf32>
        %swap3A_655 = vector.shape_cast %mul3A_650 : vector<16xf32> to vector<1x16xf32>
        tpu.vector_store %arg8[%swap3A_651, %swap3A_652], %swap3A_655 {strides = array<i32>} : memref<200x64xf32, #tpu.memory_space<vmem>>, vector<1x16xf32>,
        %scan3A_656 = arith.constant 3 : i32
        %scan3A_657 = arith.addi %scan3A_509, %scan3A_656 : i32
        %get3A_658 = arith.index_cast %scan3A_657 : i32 to index
        %get3A_659 = arith.constant 0 : index
        %get3A_660 = tpu.vector_load %arg8[%get3A_658, %get3A_659] {strides = array<i32>} : memref<200x64xf32, #tpu.memory_space<vmem>>, vector<1x16xf32>,
        %get3A_661 = vector.shape_cast %get3A_660 : vector<1x16xf32> to vector<16xf32>
        %mul3A_662 = arith.constant 8.000000e+00 : f32
        %mul3A_663 = vector.broadcast %mul3A_662 : f32 to vector<16xf32>
        %mul3A_664 = arith.mulf %get3A_661, %mul3A_663 : vector<16xf32>
        %swap3A_665 = arith.index_cast %scan3A_657 : i32 to index
        %swap3A_666 = arith.constant 0 : index
        %swap3A_667 = tpu.vector_load %arg8[%swap3A_665, %swap3A_666] {strides = array<i32>} : memref<200x64xf32, #tpu.memory_space<vmem>>, vector<1x16xf32>,
        %swap3A_668 = vector.shape_cast %swap3A_667 : vector<1x16xf32> to vector<16xf32>
        %swap3A_669 = vector.shape_cast %mul3A_664 : vector<16xf32> to vector<1x16xf32>
        tpu.vector_store %arg8[%swap3A_665, %swap3A_666], %swap3A_669 {strides = array<i32>} : memref<200x64xf32, #tpu.memory_space<vmem>>, vector<1x16xf32>,
        %get3A_670 = arith.index_cast %scan3A_657 : i32 to index
        %get3A_671 = arith.constant 16 : index
        %get3A_672 = tpu.vector_load %arg8[%get3A_670, %get3A_671] {strides = array<i32>} : memref<200x64xf32, #tpu.memory_space<vmem>>, vector<1x16xf32>,
        %get3A_673 = vector.shape_cast %get3A_672 : vector<1x16xf32> to vector<16xf32>
        %mul3A_674 = arith.constant 8.000000e+00 : f32
        %mul3A_675 = vector.broadcast %mul3A_674 : f32 to vector<16xf32>
        %mul3A_676 = arith.mulf %get3A_673, %mul3A_675 : vector<16xf32>
        %swap3A_677 = arith.index_cast %scan3A_657 : i32 to index
        %swap3A_678 = arith.constant 16 : index
        %swap3A_679 = tpu.vector_load %arg8[%swap3A_677, %swap3A_678] {strides = array<i32>} : memref<200x64xf32, #tpu.memory_space<vmem>>, vector<1x16xf32>,
        %swap3A_680 = vector.shape_cast %swap3A_679 : vector<1x16xf32> to vector<16xf32>
        %swap3A_681 = vector.shape_cast %mul3A_676 : vector<16xf32> to vector<1x16xf32>
        tpu.vector_store %arg8[%swap3A_677, %swap3A_678], %swap3A_681 {strides = array<i32>} : memref<200x64xf32, #tpu.memory_space<vmem>>, vector<1x16xf32>,
        %get3A_682 = arith.index_cast %scan3A_657 : i32 to index
        %get3A_683 = arith.constant 32 : index
        %get3A_684 = tpu.vector_load %arg8[%get3A_682, %get3A_683] {strides = array<i32>} : memref<200x64xf32, #tpu.memory_space<vmem>>, vector<1x16xf32>,
        %get3A_685 = vector.shape_cast %get3A_684 : vector<1x16xf32> to vector<16xf32>
        %mul3A_686 = arith.constant 8.000000e+00 : f32
        %mul3A_687 = vector.broadcast %mul3A_686 : f32 to vector<16xf32>
        %mul3A_688 = arith.mulf %get3A_685, %mul3A_687 : vector<16xf32>
        %swap3A_689 = arith.index_cast %scan3A_657 : i32 to index
        %swap3A_690 = arith.constant 32 : index
        %swap3A_691 = tpu.vector_load %arg8[%swap3A_689, %swap3A_690] {strides = array<i32>} : memref<200x64xf32, #tpu.memory_space<vmem>>, vector<1x16xf32>,
        %swap3A_692 = vector.shape_cast %swap3A_691 : vector<1x16xf32> to vector<16xf32>
        %swap3A_693 = vector.shape_cast %mul3A_688 : vector<16xf32> to vector<1x16xf32>
        tpu.vector_store %arg8[%swap3A_689, %swap3A_690], %swap3A_693 {strides = array<i32>} : memref<200x64xf32, #tpu.memory_space<vmem>>, vector<1x16xf32>,
        %get3A_694 = arith.index_cast %scan3A_657 : i32 to index
        %get3A_695 = arith.constant 48 : index
        %get3A_696 = tpu.vector_load %arg8[%get3A_694, %get3A_695] {strides = array<i32>} : memref<200x64xf32, #tpu.memory_space<vmem>>, vector<1x16xf32>,
        %get3A_697 = vector.shape_cast %get3A_696 : vector<1x16xf32> to vector<16xf32>
        %mul3A_698 = arith.constant 8.000000e+00 : f32
        %mul3A_699 = vector.broadcast %mul3A_698 : f32 to vector<16xf32>
        %mul3A_700 = arith.mulf %get3A_697, %mul3A_699 : vector<16xf32>
        %swap3A_701 = arith.index_cast %scan3A_657 : i32 to index
        %swap3A_702 = arith.constant 48 : index
        %swap3A_703 = tpu.vector_load %arg8[%swap3A_701, %swap3A_702] {strides = array<i32>} : memref<200x64xf32, #tpu.memory_space<vmem>>, vector<1x16xf32>,
        %swap3A_704 = vector.shape_cast %swap3A_703 : vector<1x16xf32> to vector<16xf32>
        %swap3A_705 = vector.shape_cast %mul3A_700 : vector<16xf32> to vector<1x16xf32>
        tpu.vector_store %arg8[%swap3A_701, %swap3A_702], %swap3A_705 {strides = array<i32>} : memref<200x64xf32, #tpu.memory_space<vmem>>, vector<1x16xf32>,
        %scan3A_706 = arith.constant 4 : i32
        %scan3A_707 = arith.addi %scan3A_509, %scan3A_706 : i32
        %get3A_708 = arith.index_cast %scan3A_707 : i32 to index
        %get3A_709 = arith.constant 0 : index
        %get3A_710 = tpu.vector_load %arg8[%get3A_708, %get3A_709] {strides = array<i32>} : memref<200x64xf32, #tpu.memory_space<vmem>>, vector<1x16xf32>,
        %get3A_711 = vector.shape_cast %get3A_710 : vector<1x16xf32> to vector<16xf32>
        %mul3A_712 = arith.constant 8.000000e+00 : f32
        %mul3A_713 = vector.broadcast %mul3A_712 : f32 to vector<16xf32>
        %mul3A_714 = arith.mulf %get3A_711, %mul3A_713 : vector<16xf32>
        %swap3A_715 = arith.index_cast %scan3A_707 : i32 to index
        %swap3A_716 = arith.constant 0 : index
        %swap3A_717 = tpu.vector_load %arg8[%swap3A_715, %swap3A_716] {strides = array<i32>} : memref<200x64xf32, #tpu.memory_space<vmem>>, vector<1x16xf32>,
        %swap3A_718 = vector.shape_cast %swap3A_717 : vector<1x16xf32> to vector<16xf32>
        %swap3A_719 = vector.shape_cast %mul3A_714 : vector<16xf32> to vector<1x16xf32>
        tpu.vector_store %arg8[%swap3A_715, %swap3A_716], %swap3A_719 {strides = array<i32>} : memref<200x64xf32, #tpu.memory_space<vmem>>, vector<1x16xf32>,
        %get3A_720 = arith.index_cast %scan3A_707 : i32 to index
        %get3A_721 = arith.constant 16 : index
        %get3A_722 = tpu.vector_load %arg8[%get3A_720, %get3A_721] {strides = array<i32>} : memref<200x64xf32, #tpu.memory_space<vmem>>, vector<1x16xf32>,
        %get3A_723 = vector.shape_cast %get3A_722 : vector<1x16xf32> to vector<16xf32>
        %mul3A_724 = arith.constant 8.000000e+00 : f32
        %mul3A_725 = vector.broadcast %mul3A_724 : f32 to vector<16xf32>
        %mul3A_726 = arith.mulf %get3A_723, %mul3A_725 : vector<16xf32>
        %swap3A_727 = arith.index_cast %scan3A_707 : i32 to index
        %swap3A_728 = arith.constant 16 : index
        %swap3A_729 = tpu.vector_load %arg8[%swap3A_727, %swap3A_728] {strides = array<i32>} : memref<200x64xf32, #tpu.memory_space<vmem>>, vector<1x16xf32>,
        %swap3A_730 = vector.shape_cast %swap3A_729 : vector<1x16xf32> to vector<16xf32>
        %swap3A_731 = vector.shape_cast %mul3A_726 : vector<16xf32> to vector<1x16xf32>
        tpu.vector_store %arg8[%swap3A_727, %swap3A_728], %swap3A_731 {strides = array<i32>} : memref<200x64xf32, #tpu.memory_space<vmem>>, vector<1x16xf32>,
        %get3A_732 = arith.index_cast %scan3A_707 : i32 to index
        %get3A_733 = arith.constant 32 : index
        %get3A_734 = tpu.vector_load %arg8[%get3A_732, %get3A_733] {strides = array<i32>} : memref<200x64xf32, #tpu.memory_space<vmem>>, vector<1x16xf32>,
        %get3A_735 = vector.shape_cast %get3A_734 : vector<1x16xf32> to vector<16xf32>
        %mul3A_736 = arith.constant 8.000000e+00 : f32
        %mul3A_737 = vector.broadcast %mul3A_736 : f32 to vector<16xf32>
        %mul3A_738 = arith.mulf %get3A_735, %mul3A_737 : vector<16xf32>
        %swap3A_739 = arith.index_cast %scan3A_707 : i32 to index
        %swap3A_740 = arith.constant 32 : index
        %swap3A_741 = tpu.vector_load %arg8[%swap3A_739, %swap3A_740] {strides = array<i32>} : memref<200x64xf32, #tpu.memory_space<vmem>>, vector<1x16xf32>,
        %swap3A_742 = vector.shape_cast %swap3A_741 : vector<1x16xf32> to vector<16xf32>
        %swap3A_743 = vector.shape_cast %mul3A_738 : vector<16xf32> to vector<1x16xf32>
        tpu.vector_store %arg8[%swap3A_739, %swap3A_740], %swap3A_743 {strides = array<i32>} : memref<200x64xf32, #tpu.memory_space<vmem>>, vector<1x16xf32>,
        %get3A_744 = arith.index_cast %scan3A_707 : i32 to index
        %get3A_745 = arith.constant 48 : index
        %get3A_746 = tpu.vector_load %arg8[%get3A_744, %get3A_745] {strides = array<i32>} : memref<200x64xf32, #tpu.memory_space<vmem>>, vector<1x16xf32>,
        %get3A_747 = vector.shape_cast %get3A_746 : vector<1x16xf32> to vector<16xf32>
        %mul3A_748 = arith.constant 8.000000e+00 : f32
        %mul3A_749 = vector.broadcast %mul3A_748 : f32 to vector<16xf32>
        %mul3A_750 = arith.mulf %get3A_747, %mul3A_749 : vector<16xf32>
        %swap3A_751 = arith.index_cast %scan3A_707 : i32 to index
        %swap3A_752 = arith.constant 48 : index
        %swap3A_753 = tpu.vector_load %arg8[%swap3A_751, %swap3A_752] {strides = array<i32>} : memref<200x64xf32, #tpu.memory_space<vmem>>, vector<1x16xf32>,
        %swap3A_754 = vector.shape_cast %swap3A_753 : vector<1x16xf32> to vector<16xf32>
        %swap3A_755 = vector.shape_cast %mul3A_750 : vector<16xf32> to vector<1x16xf32>
        tpu.vector_store %arg8[%swap3A_751, %swap3A_752], %swap3A_755 {strides = array<i32>} : memref<200x64xf32, #tpu.memory_space<vmem>>, vector<1x16xf32>,
        %scan3A_756 = arith.constant 5 : i32
        %scan3A_757 = arith.addi %scan3A_509, %scan3A_756 : i32
        %get3A_758 = arith.index_cast %scan3A_757 : i32 to index
        %get3A_759 = arith.constant 0 : index
        %get3A_760 = tpu.vector_load %arg8[%get3A_758, %get3A_759] {strides = array<i32>} : memref<200x64xf32, #tpu.memory_space<vmem>>, vector<1x16xf32>,
        %get3A_761 = vector.shape_cast %get3A_760 : vector<1x16xf32> to vector<16xf32>
        %mul3A_762 = arith.constant 8.000000e+00 : f32
        %mul3A_763 = vector.broadcast %mul3A_762 : f32 to vector<16xf32>
        %mul3A_764 = arith.mulf %get3A_761, %mul3A_763 : vector<16xf32>
        %swap3A_765 = arith.index_cast %scan3A_757 : i32 to index
        %swap3A_766 = arith.constant 0 : index
        %swap3A_767 = tpu.vector_load %arg8[%swap3A_765, %swap3A_766] {strides = array<i32>} : memref<200x64xf32, #tpu.memory_space<vmem>>, vector<1x16xf32>,
        %swap3A_768 = vector.shape_cast %swap3A_767 : vector<1x16xf32> to vector<16xf32>
        %swap3A_769 = vector.shape_cast %mul3A_764 : vector<16xf32> to vector<1x16xf32>
        tpu.vector_store %arg8[%swap3A_765, %swap3A_766], %swap3A_769 {strides = array<i32>} : memref<200x64xf32, #tpu.memory_space<vmem>>, vector<1x16xf32>,
        %get3A_770 = arith.index_cast %scan3A_757 : i32 to index
        %get3A_771 = arith.constant 16 : index
        %get3A_772 = tpu.vector_load %arg8[%get3A_770, %get3A_771] {strides = array<i32>} : memref<200x64xf32, #tpu.memory_space<vmem>>, vector<1x16xf32>,
        %get3A_773 = vector.shape_cast %get3A_772 : vector<1x16xf32> to vector<16xf32>
        %mul3A_774 = arith.constant 8.000000e+00 : f32
        %mul3A_775 = vector.broadcast %mul3A_774 : f32 to vector<16xf32>
        %mul3A_776 = arith.mulf %get3A_773, %mul3A_775 : vector<16xf32>
        %swap3A_777 = arith.index_cast %scan3A_757 : i32 to index
        %swap3A_778 = arith.constant 16 : index
        %swap3A_779 = tpu.vector_load %arg8[%swap3A_777, %swap3A_778] {strides = array<i32>} : memref<200x64xf32, #tpu.memory_space<vmem>>, vector<1x16xf32>,
        %swap3A_780 = vector.shape_cast %swap3A_779 : vector<1x16xf32> to vector<16xf32>
        %swap3A_781 = vector.shape_cast %mul3A_776 : vector<16xf32> to vector<1x16xf32>
        tpu.vector_store %arg8[%swap3A_777, %swap3A_778], %swap3A_781 {strides = array<i32>} : memref<200x64xf32, #tpu.memory_space<vmem>>, vector<1x16xf32>,
        %get3A_782 = arith.index_cast %scan3A_757 : i32 to index
        %get3A_783 = arith.constant 32 : index
        %get3A_784 = tpu.vector_load %arg8[%get3A_782, %get3A_783] {strides = array<i32>} : memref<200x64xf32, #tpu.memory_space<vmem>>, vector<1x16xf32>,
        %get3A_785 = vector.shape_cast %get3A_784 : vector<1x16xf32> to vector<16xf32>
        %mul3A_786 = arith.constant 8.000000e+00 : f32
        %mul3A_787 = vector.broadcast %mul3A_786 : f32 to vector<16xf32>
        %mul3A_788 = arith.mulf %get3A_785, %mul3A_787 : vector<16xf32>
        %swap3A_789 = arith.index_cast %scan3A_757 : i32 to index
        %swap3A_790 = arith.constant 32 : index
        %swap3A_791 = tpu.vector_load %arg8[%swap3A_789, %swap3A_790] {strides = array<i32>} : memref<200x64xf32, #tpu.memory_space<vmem>>, vector<1x16xf32>,
        %swap3A_792 = vector.shape_cast %swap3A_791 : vector<1x16xf32> to vector<16xf32>
        %swap3A_793 = vector.shape_cast %mul3A_788 : vector<16xf32> to vector<1x16xf32>
        tpu.vector_store %arg8[%swap3A_789, %swap3A_790], %swap3A_793 {strides = array<i32>} : memref<200x64xf32, #tpu.memory_space<vmem>>, vector<1x16xf32>,
        %get3A_794 = arith.index_cast %scan3A_757 : i32 to index
        %get3A_795 = arith.constant 48 : index
        %get3A_796 = tpu.vector_load %arg8[%get3A_794, %get3A_795] {strides = array<i32>} : memref<200x64xf32, #tpu.memory_space<vmem>>, vector<1x16xf32>,
        %get3A_797 = vector.shape_cast %get3A_796 : vector<1x16xf32> to vector<16xf32>
        %mul3A_798 = arith.constant 8.000000e+00 : f32
        %mul3A_799 = vector.broadcast %mul3A_798 : f32 to vector<16xf32>
        %mul3A_800 = arith.mulf %get3A_797, %mul3A_799 : vector<16xf32>
        %swap3A_801 = arith.index_cast %scan3A_757 : i32 to index
        %swap3A_802 = arith.constant 48 : index
        %swap3A_803 = tpu.vector_load %arg8[%swap3A_801, %swap3A_802] {strides = array<i32>} : memref<200x64xf32, #tpu.memory_space<vmem>>, vector<1x16xf32>,
        %swap3A_804 = vector.shape_cast %swap3A_803 : vector<1x16xf32> to vector<16xf32>
        %swap3A_805 = vector.shape_cast %mul3A_800 : vector<16xf32> to vector<1x16xf32>
        tpu.vector_store %arg8[%swap3A_801, %swap3A_802], %swap3A_805 {strides = array<i32>} : memref<200x64xf32, #tpu.memory_space<vmem>>, vector<1x16xf32>,
        %scan3A_806 = arith.constant 6 : i32
        %scan3A_807 = arith.addi %scan3A_509, %scan3A_806 : i32
        %get3A_808 = arith.index_cast %scan3A_807 : i32 to index
        %get3A_809 = arith.constant 0 : index
        %get3A_810 = tpu.vector_load %arg8[%get3A_808, %get3A_809] {strides = array<i32>} : memref<200x64xf32, #tpu.memory_space<vmem>>, vector<1x16xf32>,
        %get3A_811 = vector.shape_cast %get3A_810 : vector<1x16xf32> to vector<16xf32>
        %mul3A_812 = arith.constant 8.000000e+00 : f32
        %mul3A_813 = vector.broadcast %mul3A_812 : f32 to vector<16xf32>
        %mul3A_814 = arith.mulf %get3A_811, %mul3A_813 : vector<16xf32>
        %swap3A_815 = arith.index_cast %scan3A_807 : i32 to index
        %swap3A_816 = arith.constant 0 : index
        %swap3A_817 = tpu.vector_load %arg8[%swap3A_815, %swap3A_816] {strides = array<i32>} : memref<200x64xf32, #tpu.memory_space<vmem>>, vector<1x16xf32>,
        %swap3A_818 = vector.shape_cast %swap3A_817 : vector<1x16xf32> to vector<16xf32>
        %swap3A_819 = vector.shape_cast %mul3A_814 : vector<16xf32> to vector<1x16xf32>
        tpu.vector_store %arg8[%swap3A_815, %swap3A_816], %swap3A_819 {strides = array<i32>} : memref<200x64xf32, #tpu.memory_space<vmem>>, vector<1x16xf32>,
        %get3A_820 = arith.index_cast %scan3A_807 : i32 to index
        %get3A_821 = arith.constant 16 : index
        %get3A_822 = tpu.vector_load %arg8[%get3A_820, %get3A_821] {strides = array<i32>} : memref<200x64xf32, #tpu.memory_space<vmem>>, vector<1x16xf32>,
        %get3A_823 = vector.shape_cast %get3A_822 : vector<1x16xf32> to vector<16xf32>
        %mul3A_824 = arith.constant 8.000000e+00 : f32
        %mul3A_825 = vector.broadcast %mul3A_824 : f32 to vector<16xf32>
        %mul3A_826 = arith.mulf %get3A_823, %mul3A_825 : vector<16xf32>
        %swap3A_827 = arith.index_cast %scan3A_807 : i32 to index
        %swap3A_828 = arith.constant 16 : index
        %swap3A_829 = tpu.vector_load %arg8[%swap3A_827, %swap3A_828] {strides = array<i32>} : memref<200x64xf32, #tpu.memory_space<vmem>>, vector<1x16xf32>,
        %swap3A_830 = vector.shape_cast %swap3A_829 : vector<1x16xf32> to vector<16xf32>
        %swap3A_831 = vector.shape_cast %mul3A_826 : vector<16xf32> to vector<1x16xf32>
        tpu.vector_store %arg8[%swap3A_827, %swap3A_828], %swap3A_831 {strides = array<i32>} : memref<200x64xf32, #tpu.memory_space<vmem>>, vector<1x16xf32>,
        %get3A_832 = arith.index_cast %scan3A_807 : i32 to index
        %get3A_833 = arith.constant 32 : index
        %get3A_834 = tpu.vector_load %arg8[%get3A_832, %get3A_833] {strides = array<i32>} : memref<200x64xf32, #tpu.memory_space<vmem>>, vector<1x16xf32>,
        %get3A_835 = vector.shape_cast %get3A_834 : vector<1x16xf32> to vector<16xf32>
        %mul3A_836 = arith.constant 8.000000e+00 : f32
        %mul3A_837 = vector.broadcast %mul3A_836 : f32 to vector<16xf32>
        %mul3A_838 = arith.mulf %get3A_835, %mul3A_837 : vector<16xf32>
        %swap3A_839 = arith.index_cast %scan3A_807 : i32 to index
        %swap3A_840 = arith.constant 32 : index
        %swap3A_841 = tpu.vector_load %arg8[%swap3A_839, %swap3A_840] {strides = array<i32>} : memref<200x64xf32, #tpu.memory_space<vmem>>, vector<1x16xf32>,
        %swap3A_842 = vector.shape_cast %swap3A_841 : vector<1x16xf32> to vector<16xf32>
        %swap3A_843 = vector.shape_cast %mul3A_838 : vector<16xf32> to vector<1x16xf32>
        tpu.vector_store %arg8[%swap3A_839, %swap3A_840], %swap3A_843 {strides = array<i32>} : memref<200x64xf32, #tpu.memory_space<vmem>>, vector<1x16xf32>,
        %get3A_844 = arith.index_cast %scan3A_807 : i32 to index
        %get3A_845 = arith.constant 48 : index
        %get3A_846 = tpu.vector_load %arg8[%get3A_844, %get3A_845] {strides = array<i32>} : memref<200x64xf32, #tpu.memory_space<vmem>>, vector<1x16xf32>,
        %get3A_847 = vector.shape_cast %get3A_846 : vector<1x16xf32> to vector<16xf32>
        %mul3A_848 = arith.constant 8.000000e+00 : f32
        %mul3A_849 = vector.broadcast %mul3A_848 : f32 to vector<16xf32>
        %mul3A_850 = arith.mulf %get3A_847, %mul3A_849 : vector<16xf32>
        %swap3A_851 = arith.index_cast %scan3A_807 : i32 to index
        %swap3A_852 = arith.constant 48 : index
        %swap3A_853 = tpu.vector_load %arg8[%swap3A_851, %swap3A_852] {strides = array<i32>} : memref<200x64xf32, #tpu.memory_space<vmem>>, vector<1x16xf32>,
        %swap3A_854 = vector.shape_cast %swap3A_853 : vector<1x16xf32> to vector<16xf32>
        %swap3A_855 = vector.shape_cast %mul3A_850 : vector<16xf32> to vector<1x16xf32>
        tpu.vector_store %arg8[%swap3A_851, %swap3A_852], %swap3A_855 {strides = array<i32>} : memref<200x64xf32, #tpu.memory_space<vmem>>, vector<1x16xf32>,
        %scan3A_856 = arith.constant 7 : i32
        %scan3A_857 = arith.addi %scan3A_509, %scan3A_856 : i32
        %get3A_858 = arith.index_cast %scan3A_857 : i32 to index
        %get3A_859 = arith.constant 0 : index
        %get3A_860 = tpu.vector_load %arg8[%get3A_858, %get3A_859] {strides = array<i32>} : memref<200x64xf32, #tpu.memory_space<vmem>>, vector<1x16xf32>,
        %get3A_861 = vector.shape_cast %get3A_860 : vector<1x16xf32> to vector<16xf32>
        %mul3A_862 = arith.constant 8.000000e+00 : f32
        %mul3A_863 = vector.broadcast %mul3A_862 : f32 to vector<16xf32>
        %mul3A_864 = arith.mulf %get3A_861, %mul3A_863 : vector<16xf32>
        %swap3A_865 = arith.index_cast %scan3A_857 : i32 to index
        %swap3A_866 = arith.constant 0 : index
        %swap3A_867 = tpu.vector_load %arg8[%swap3A_865, %swap3A_866] {strides = array<i32>} : memref<200x64xf32, #tpu.memory_space<vmem>>, vector<1x16xf32>,
        %swap3A_868 = vector.shape_cast %swap3A_867 : vector<1x16xf32> to vector<16xf32>
        %swap3A_869 = vector.shape_cast %mul3A_864 : vector<16xf32> to vector<1x16xf32>
        tpu.vector_store %arg8[%swap3A_865, %swap3A_866], %swap3A_869 {strides = array<i32>} : memref<200x64xf32, #tpu.memory_space<vmem>>, vector<1x16xf32>,
        %get3A_870 = arith.index_cast %scan3A_857 : i32 to index
        %get3A_871 = arith.constant 16 : index
        %get3A_872 = tpu.vector_load %arg8[%get3A_870, %get3A_871] {strides = array<i32>} : memref<200x64xf32, #tpu.memory_space<vmem>>, vector<1x16xf32>,
        %get3A_873 = vector.shape_cast %get3A_872 : vector<1x16xf32> to vector<16xf32>
        %mul3A_874 = arith.constant 8.000000e+00 : f32
        %mul3A_875 = vector.broadcast %mul3A_874 : f32 to vector<16xf32>
        %mul3A_876 = arith.mulf %get3A_873, %mul3A_875 : vector<16xf32>
        %swap3A_877 = arith.index_cast %scan3A_857 : i32 to index
        %swap3A_878 = arith.constant 16 : index
        %swap3A_879 = tpu.vector_load %arg8[%swap3A_877, %swap3A_878] {strides = array<i32>} : memref<200x64xf32, #tpu.memory_space<vmem>>, vector<1x16xf32>,
        %swap3A_880 = vector.shape_cast %swap3A_879 : vector<1x16xf32> to vector<16xf32>
        %swap3A_881 = vector.shape_cast %mul3A_876 : vector<16xf32> to vector<1x16xf32>
        tpu.vector_store %arg8[%swap3A_877, %swap3A_878], %swap3A_881 {strides = array<i32>} : memref<200x64xf32, #tpu.memory_space<vmem>>, vector<1x16xf32>,
        %get3A_882 = arith.index_cast %scan3A_857 : i32 to index
        %get3A_883 = arith.constant 32 : index
        %get3A_884 = tpu.vector_load %arg8[%get3A_882, %get3A_883] {strides = array<i32>} : memref<200x64xf32, #tpu.memory_space<vmem>>, vector<1x16xf32>,
        %get3A_885 = vector.shape_cast %get3A_884 : vector<1x16xf32> to vector<16xf32>
        %mul3A_886 = arith.constant 8.000000e+00 : f32
        %mul3A_887 = vector.broadcast %mul3A_886 : f32 to vector<16xf32>
        %mul3A_888 = arith.mulf %get3A_885, %mul3A_887 : vector<16xf32>
        %swap3A_889 = arith.index_cast %scan3A_857 : i32 to index
        %swap3A_890 = arith.constant 32 : index
        %swap3A_891 = tpu.vector_load %arg8[%swap3A_889, %swap3A_890] {strides = array<i32>} : memref<200x64xf32, #tpu.memory_space<vmem>>, vector<1x16xf32>,
        %swap3A_892 = vector.shape_cast %swap3A_891 : vector<1x16xf32> to vector<16xf32>
        %swap3A_893 = vector.shape_cast %mul3A_888 : vector<16xf32> to vector<1x16xf32>
        tpu.vector_store %arg8[%swap3A_889, %swap3A_890], %swap3A_893 {strides = array<i32>} : memref<200x64xf32, #tpu.memory_space<vmem>>, vector<1x16xf32>,
        %get3A_894 = arith.index_cast %scan3A_857 : i32 to index
        %get3A_895 = arith.constant 48 : index
        %get3A_896 = tpu.vector_load %arg8[%get3A_894, %get3A_895] {strides = array<i32>} : memref<200x64xf32, #tpu.memory_space<vmem>>, vector<1x16xf32>,
        %get3A_897 = vector.shape_cast %get3A_896 : vector<1x16xf32> to vector<16xf32>
        %mul3A_898 = arith.constant 8.000000e+00 : f32
        %mul3A_899 = vector.broadcast %mul3A_898 : f32 to vector<16xf32>
        %mul3A_900 = arith.mulf %get3A_897, %mul3A_899 : vector<16xf32>
        %swap3A_901 = arith.index_cast %scan3A_857 : i32 to index
        %swap3A_902 = arith.constant 48 : index
        %swap3A_903 = tpu.vector_load %arg8[%swap3A_901, %swap3A_902] {strides = array<i32>} : memref<200x64xf32, #tpu.memory_space<vmem>>, vector<1x16xf32>,
        %swap3A_904 = vector.shape_cast %swap3A_903 : vector<1x16xf32> to vector<16xf32>
        %swap3A_905 = vector.shape_cast %mul3A_900 : vector<16xf32> to vector<1x16xf32>
        tpu.vector_store %arg8[%swap3A_901, %swap3A_902], %swap3A_905 {strides = array<i32>} : memref<200x64xf32, #tpu.memory_space<vmem>>, vector<1x16xf32>,
      }
      %scan3A_295 = arith.constant 200 : i32
      %add3A_296 = arith.addi %mul3A_4, %add3A_242 : i32
      %dma_start3A_297 = arith.constant 0 : i32
      %dma_start3A_298 = arith.constant 0 : i32
      %dma_start3A_299 = tpu.memref_slice %arg4[%add3A_296, %dma_start3A_297, %dma_start3A_298] : memref<4096x200x64xf32, #tpu.memory_space<hbm>> -> memref<1x200x64xf32, #tpu.memory_space<hbm>>
      %dma_start3A_300 = tpu.memref_squeeze %dma_start3A_299 : memref<1x200x64xf32, #tpu.memory_space<hbm>> -> memref<200x64xf32, #tpu.memory_space<hbm>>
      %dma_start3A_301 = arith.constant 0 : i32
      %dma_start3A_302 = arith.constant 0 : i32
      %dma_start3A_303 = tpu.memref_slice %arg4[%add3A_296, %dma_start3A_301, %dma_start3A_302] : memref<4096x200x64xf32, #tpu.memory_space<hbm>> -> memref<1x200x64xf32, #tpu.memory_space<hbm>>
      %dma_start3A_304 = tpu.memref_squeeze %dma_start3A_303 : memref<1x200x64xf32, #tpu.memory_space<hbm>> -> memref<200x64xf32, #tpu.memory_space<hbm>>
      tpu.enqueue_dma source(%arg8 : memref<200x64xf32, #tpu.memory_space<vmem>>) target(%dma_start3A_304 : memref<200x64xf32, #tpu.memory_space<hbm>>) target_semaphore(%arg16 : memref<!tpu.dma_semaphore, #tpu.memory_space<semaphore_mem>>)
      %mul3A_305 = arith.constant 4 : i32
      %mul3A_306 = arith.muli %mul3A_305, %scan3A_236 : i32
      %add3A_307 = arith.constant 2 : i32
      %add3A_308 = arith.addi %mul3A_306, %add3A_307 : i32
      %add3A_309 = arith.constant 1 : i32
      %add3A_310 = arith.addi %add3A_308, %add3A_309 : i32
      %dma_wait3A_311 = arith.constant 0 : i32
      %dma_wait3A_312 = arith.constant 0 : i32
      %dma_wait3A_313 = arith.constant 0 : i32
      %dma_wait3A_314 = tpu.memref_slice %arg4[%dma_wait3A_311, %dma_wait3A_312, %dma_wait3A_313] : memref<4096x200x64xf32, #tpu.memory_space<hbm>> -> memref<1x200x64xf32, #tpu.memory_space<hbm>>
      %dma_wait3A_315 = tpu.memref_squeeze %dma_wait3A_314 : memref<1x200x64xf32, #tpu.memory_space<hbm>> -> memref<200x64xf32, #tpu.memory_space<hbm>>
      %dma_wait3A_316 = arith.constant 0 : i32
      %dma_wait3A_317 = arith.constant 0 : i32
      %dma_wait3A_318 = tpu.memref_slice %arg4[%dma_wait3A_311, %dma_wait3A_316, %dma_wait3A_317] : memref<4096x200x64xf32, #tpu.memory_space<hbm>> -> memref<1x200x64xf32, #tpu.memory_space<hbm>>
      %dma_wait3A_319 = tpu.memref_squeeze %dma_wait3A_318 : memref<1x200x64xf32, #tpu.memory_space<hbm>> -> memref<200x64xf32, #tpu.memory_space<hbm>>
      tpu.wait_dma2 semaphore(%arg15 : memref<!tpu.dma_semaphore, #tpu.memory_space<semaphore_mem>>) src(%arg7 : memref<200x64xf32, #tpu.memory_space<vmem>>) dst(%dma_wait3A_319 : memref<200x64xf32, #tpu.memory_space<hbm>>)
      %add3A_320 = arith.constant 2 : i32
      %add3A_321 = arith.addi %add3A_310, %add3A_320 : i32
      %mul3A_322 = arith.constant 200 : i32
      %mul3A_323 = arith.muli %add3A_321, %mul3A_322 : i32
      %dma_start3A_324 = arith.constant 0 : i32
      %dma_start3A_325 = arith.constant 0 : i32
      %dma_start3A_326 = tpu.memref_slice %arg7[%dma_start3A_324, %dma_start3A_325] : memref<200x64xf32, #tpu.memory_space<vmem>> -> memref<128x64xf32, #tpu.memory_space<vmem>>
      %dma_start3A_327 = tpu.memref_slice %arg5[%mul3A_323] : memref<25600xi32, #tpu.memory_space<vmem>> -> memref<128xi32, #tpu.memory_space<vmem>>
      %dma_start3A_328 = arith.constant 0 : i32
      %dma_start3A_329 = arith.constant 0 : i32
      %dma_start3A_330 = tpu.memref_slice %arg3[%dma_start3A_328, %dma_start3A_329] : memref<1000000x64xf32, #tpu.memory_space<hbm>> -> memref<1000000x64xf32, #tpu.memory_space<hbm>>
      tpu.enqueue_indirect_dma source(%dma_start3A_330 : memref<1000000x64xf32, #tpu.memory_space<hbm>>) target(%dma_start3A_326 : memref<128x64xf32, #tpu.memory_space<vmem>>) offsets(%dma_start3A_327 : memref<128xi32, #tpu.memory_space<vmem>>) semaphore(%arg11 : memref<!tpu.dma_semaphore, #tpu.memory_space<semaphore_mem>>)
      %mul3A_331 = arith.constant 200 : i32
      %mul3A_332 = arith.muli %add3A_321, %mul3A_331 : i32
      %add3A_333 = arith.constant 128 : i32
      %add3A_334 = arith.addi %mul3A_332, %add3A_333 : i32
      %dma_start3A_335 = arith.constant 128 : i32
      %dma_start3A_336 = arith.constant 0 : i32
      %dma_start3A_337 = tpu.memref_slice %arg7[%dma_start3A_335, %dma_start3A_336] : memref<200x64xf32, #tpu.memory_space<vmem>> -> memref<72x64xf32, #tpu.memory_space<vmem>>
      %dma_start3A_338 = tpu.memref_slice %arg5[%add3A_334] : memref<25600xi32, #tpu.memory_space<vmem>> -> memref<72xi32, #tpu.memory_space<vmem>>
      %dma_start3A_339 = arith.constant 0 : i32
      %dma_start3A_340 = arith.constant 0 : i32
      %dma_start3A_341 = tpu.memref_slice %arg3[%dma_start3A_339, %dma_start3A_340] : memref<1000000x64xf32, #tpu.memory_space<hbm>> -> memref<1000000x64xf32, #tpu.memory_space<hbm>>
      tpu.enqueue_indirect_dma source(%dma_start3A_341 : memref<1000000x64xf32, #tpu.memory_space<hbm>>) target(%dma_start3A_337 : memref<72x64xf32, #tpu.memory_space<vmem>>) offsets(%dma_start3A_338 : memref<72xi32, #tpu.memory_space<vmem>>) semaphore(%arg11 : memref<!tpu.dma_semaphore, #tpu.memory_space<semaphore_mem>>)
      %dma_wait3A_342 = arith.constant 0 : i32
      %dma_wait3A_343 = arith.constant 0 : i32
      %dma_wait3A_344 = tpu.memref_slice %arg9[%dma_wait3A_342, %dma_wait3A_343] : memref<200x64xf32, #tpu.memory_space<vmem>> -> memref<128x64xf32, #tpu.memory_space<vmem>>
      %dma_wait3A_345 = arith.constant 0 : i32
      %dma_wait3A_346 = tpu.memref_slice %arg5[%dma_wait3A_345] : memref<25600xi32, #tpu.memory_space<vmem>> -> memref<128xi32, #tpu.memory_space<vmem>>
      %dma_wait3A_347 = arith.constant 0 : i32
      %dma_wait3A_348 = arith.constant 0 : i32
      %dma_wait3A_349 = tpu.memref_slice %arg3[%dma_wait3A_347, %dma_wait3A_348] : memref<1000000x64xf32, #tpu.memory_space<hbm>> -> memref<1000000x64xf32, #tpu.memory_space<hbm>>
      tpu.wait_indirect_dma semaphore(%arg13 : memref<!tpu.dma_semaphore, #tpu.memory_space<semaphore_mem>>) src(%dma_wait3A_349 : memref<1000000x64xf32, #tpu.memory_space<hbm>>) dst(%dma_wait3A_344 : memref<128x64xf32, #tpu.memory_space<vmem>>)
      %dma_wait3A_350 = arith.constant 128 : i32
      %dma_wait3A_351 = arith.constant 0 : i32
      %dma_wait3A_352 = tpu.memref_slice %arg9[%dma_wait3A_350, %dma_wait3A_351] : memref<200x64xf32, #tpu.memory_space<vmem>> -> memref<72x64xf32, #tpu.memory_space<vmem>>
      %dma_wait3A_353 = arith.constant 0 : i32
      %dma_wait3A_354 = tpu.memref_slice %arg5[%dma_wait3A_353] : memref<25600xi32, #tpu.memory_space<vmem>> -> memref<72xi32, #tpu.memory_space<vmem>>
      %dma_wait3A_355 = arith.constant 0 : i32
      %dma_wait3A_356 = arith.constant 0 : i32
      %dma_wait3A_357 = tpu.memref_slice %arg3[%dma_wait3A_355, %dma_wait3A_356] : memref<1000000x64xf32, #tpu.memory_space<hbm>> -> memref<1000000x64xf32, #tpu.memory_space<hbm>>
      tpu.wait_indirect_dma semaphore(%arg13 : memref<!tpu.dma_semaphore, #tpu.memory_space<semaphore_mem>>) src(%dma_wait3A_357 : memref<1000000x64xf32, #tpu.memory_space<hbm>>) dst(%dma_wait3A_352 : memref<72x64xf32, #tpu.memory_space<vmem>>)
      %scan3A_358 = arith.constant 0 : i32
      %scan3A_359 = arith.constant 0 : i32
      %scan3A_360 = arith.constant 200 : i32
      %scan3A_361 = arith.addi %scan3A_359, %scan3A_360 : i32
      %scan3A_362 = arith.constant 8 : i32
      scf.for %scan3A_509 = %scan3A_359 to %scan3A_361 step %scan3A_362  : i32 {
        %get3A = arith.index_cast %scan3A_509 : i32 to index
        %get3A_510 = arith.constant 0 : index
        %get3A_511 = tpu.vector_load %arg9[%get3A, %get3A_510] {strides = array<i32>} : memref<200x64xf32, #tpu.memory_space<vmem>>, vector<1x16xf32>,
        %get3A_512 = vector.shape_cast %get3A_511 : vector<1x16xf32> to vector<16xf32>
        %mul3A_513 = arith.constant 8.000000e+00 : f32
        %mul3A_514 = vector.broadcast %mul3A_513 : f32 to vector<16xf32>
        %mul3A_515 = arith.mulf %get3A_512, %mul3A_514 : vector<16xf32>
        %swap3A = arith.index_cast %scan3A_509 : i32 to index
        %swap3A_516 = arith.constant 0 : index
        %swap3A_517 = tpu.vector_load %arg9[%swap3A, %swap3A_516] {strides = array<i32>} : memref<200x64xf32, #tpu.memory_space<vmem>>, vector<1x16xf32>,
        %swap3A_518 = vector.shape_cast %swap3A_517 : vector<1x16xf32> to vector<16xf32>
        %swap3A_519 = vector.shape_cast %mul3A_515 : vector<16xf32> to vector<1x16xf32>
        tpu.vector_store %arg9[%swap3A, %swap3A_516], %swap3A_519 {strides = array<i32>} : memref<200x64xf32, #tpu.memory_space<vmem>>, vector<1x16xf32>,
        %get3A_520 = arith.index_cast %scan3A_509 : i32 to index
        %get3A_521 = arith.constant 16 : index
        %get3A_522 = tpu.vector_load %arg9[%get3A_520, %get3A_521] {strides = array<i32>} : memref<200x64xf32, #tpu.memory_space<vmem>>, vector<1x16xf32>,
        %get3A_523 = vector.shape_cast %get3A_522 : vector<1x16xf32> to vector<16xf32>
        %mul3A_524 = arith.constant 8.000000e+00 : f32
        %mul3A_525 = vector.broadcast %mul3A_524 : f32 to vector<16xf32>
        %mul3A_526 = arith.mulf %get3A_523, %mul3A_525 : vector<16xf32>
        %swap3A_527 = arith.index_cast %scan3A_509 : i32 to index
        %swap3A_528 = arith.constant 16 : index
        %swap3A_529 = tpu.vector_load %arg9[%swap3A_527, %swap3A_528] {strides = array<i32>} : memref<200x64xf32, #tpu.memory_space<vmem>>, vector<1x16xf32>,
        %swap3A_530 = vector.shape_cast %swap3A_529 : vector<1x16xf32> to vector<16xf32>
        %swap3A_531 = vector.shape_cast %mul3A_526 : vector<16xf32> to vector<1x16xf32>
        tpu.vector_store %arg9[%swap3A_527, %swap3A_528], %swap3A_531 {strides = array<i32>} : memref<200x64xf32, #tpu.memory_space<vmem>>, vector<1x16xf32>,
        %get3A_532 = arith.index_cast %scan3A_509 : i32 to index
        %get3A_533 = arith.constant 32 : index
        %get3A_534 = tpu.vector_load %arg9[%get3A_532, %get3A_533] {strides = array<i32>} : memref<200x64xf32, #tpu.memory_space<vmem>>, vector<1x16xf32>,
        %get3A_535 = vector.shape_cast %get3A_534 : vector<1x16xf32> to vector<16xf32>
        %mul3A_536 = arith.constant 8.000000e+00 : f32
        %mul3A_537 = vector.broadcast %mul3A_536 : f32 to vector<16xf32>
        %mul3A_538 = arith.mulf %get3A_535, %mul3A_537 : vector<16xf32>
        %swap3A_539 = arith.index_cast %scan3A_509 : i32 to index
        %swap3A_540 = arith.constant 32 : index
        %swap3A_541 = tpu.vector_load %arg9[%swap3A_539, %swap3A_540] {strides = array<i32>} : memref<200x64xf32, #tpu.memory_space<vmem>>, vector<1x16xf32>,
        %swap3A_542 = vector.shape_cast %swap3A_541 : vector<1x16xf32> to vector<16xf32>
        %swap3A_543 = vector.shape_cast %mul3A_538 : vector<16xf32> to vector<1x16xf32>
        tpu.vector_store %arg9[%swap3A_539, %swap3A_540], %swap3A_543 {strides = array<i32>} : memref<200x64xf32, #tpu.memory_space<vmem>>, vector<1x16xf32>,
        %get3A_544 = arith.index_cast %scan3A_509 : i32 to index
        %get3A_545 = arith.constant 48 : index
        %get3A_546 = tpu.vector_load %arg9[%get3A_544, %get3A_545] {strides = array<i32>} : memref<200x64xf32, #tpu.memory_space<vmem>>, vector<1x16xf32>,
        %get3A_547 = vector.shape_cast %get3A_546 : vector<1x16xf32> to vector<16xf32>
        %mul3A_548 = arith.constant 8.000000e+00 : f32
        %mul3A_549 = vector.broadcast %mul3A_548 : f32 to vector<16xf32>
        %mul3A_550 = arith.mulf %get3A_547, %mul3A_549 : vector<16xf32>
        %swap3A_551 = arith.index_cast %scan3A_509 : i32 to index
        %swap3A_552 = arith.constant 48 : index
        %swap3A_553 = tpu.vector_load %arg9[%swap3A_551, %swap3A_552] {strides = array<i32>} : memref<200x64xf32, #tpu.memory_space<vmem>>, vector<1x16xf32>,
        %swap3A_554 = vector.shape_cast %swap3A_553 : vector<1x16xf32> to vector<16xf32>
        %swap3A_555 = vector.shape_cast %mul3A_550 : vector<16xf32> to vector<1x16xf32>
        tpu.vector_store %arg9[%swap3A_551, %swap3A_552], %swap3A_555 {strides = array<i32>} : memref<200x64xf32, #tpu.memory_space<vmem>>, vector<1x16xf32>,
        %scan3A_556 = arith.constant 1 : i32
        %scan3A_557 = arith.addi %scan3A_509, %scan3A_556 : i32
        %get3A_558 = arith.index_cast %scan3A_557 : i32 to index
        %get3A_559 = arith.constant 0 : index
        %get3A_560 = tpu.vector_load %arg9[%get3A_558, %get3A_559] {strides = array<i32>} : memref<200x64xf32, #tpu.memory_space<vmem>>, vector<1x16xf32>,
        %get3A_561 = vector.shape_cast %get3A_560 : vector<1x16xf32> to vector<16xf32>
        %mul3A_562 = arith.constant 8.000000e+00 : f32
        %mul3A_563 = vector.broadcast %mul3A_562 : f32 to vector<16xf32>
        %mul3A_564 = arith.mulf %get3A_561, %mul3A_563 : vector<16xf32>
        %swap3A_565 = arith.index_cast %scan3A_557 : i32 to index
        %swap3A_566 = arith.constant 0 : index
        %swap3A_567 = tpu.vector_load %arg9[%swap3A_565, %swap3A_566] {strides = array<i32>} : memref<200x64xf32, #tpu.memory_space<vmem>>, vector<1x16xf32>,
        %swap3A_568 = vector.shape_cast %swap3A_567 : vector<1x16xf32> to vector<16xf32>
        %swap3A_569 = vector.shape_cast %mul3A_564 : vector<16xf32> to vector<1x16xf32>
        tpu.vector_store %arg9[%swap3A_565, %swap3A_566], %swap3A_569 {strides = array<i32>} : memref<200x64xf32, #tpu.memory_space<vmem>>, vector<1x16xf32>,
        %get3A_570 = arith.index_cast %scan3A_557 : i32 to index
        %get3A_571 = arith.constant 16 : index
        %get3A_572 = tpu.vector_load %arg9[%get3A_570, %get3A_571] {strides = array<i32>} : memref<200x64xf32, #tpu.memory_space<vmem>>, vector<1x16xf32>,
        %get3A_573 = vector.shape_cast %get3A_572 : vector<1x16xf32> to vector<16xf32>
        %mul3A_574 = arith.constant 8.000000e+00 : f32
        %mul3A_575 = vector.broadcast %mul3A_574 : f32 to vector<16xf32>
        %mul3A_576 = arith.mulf %get3A_573, %mul3A_575 : vector<16xf32>
        %swap3A_577 = arith.index_cast %scan3A_557 : i32 to index
        %swap3A_578 = arith.constant 16 : index
        %swap3A_579 = tpu.vector_load %arg9[%swap3A_577, %swap3A_578] {strides = array<i32>} : memref<200x64xf32, #tpu.memory_space<vmem>>, vector<1x16xf32>,
        %swap3A_580 = vector.shape_cast %swap3A_579 : vector<1x16xf32> to vector<16xf32>
        %swap3A_581 = vector.shape_cast %mul3A_576 : vector<16xf32> to vector<1x16xf32>
        tpu.vector_store %arg9[%swap3A_577, %swap3A_578], %swap3A_581 {strides = array<i32>} : memref<200x64xf32, #tpu.memory_space<vmem>>, vector<1x16xf32>,
        %get3A_582 = arith.index_cast %scan3A_557 : i32 to index
        %get3A_583 = arith.constant 32 : index
        %get3A_584 = tpu.vector_load %arg9[%get3A_582, %get3A_583] {strides = array<i32>} : memref<200x64xf32, #tpu.memory_space<vmem>>, vector<1x16xf32>,
        %get3A_585 = vector.shape_cast %get3A_584 : vector<1x16xf32> to vector<16xf32>
        %mul3A_586 = arith.constant 8.000000e+00 : f32
        %mul3A_587 = vector.broadcast %mul3A_586 : f32 to vector<16xf32>
        %mul3A_588 = arith.mulf %get3A_585, %mul3A_587 : vector<16xf32>
        %swap3A_589 = arith.index_cast %scan3A_557 : i32 to index
        %swap3A_590 = arith.constant 32 : index
        %swap3A_591 = tpu.vector_load %arg9[%swap3A_589, %swap3A_590] {strides = array<i32>} : memref<200x64xf32, #tpu.memory_space<vmem>>, vector<1x16xf32>,
        %swap3A_592 = vector.shape_cast %swap3A_591 : vector<1x16xf32> to vector<16xf32>
        %swap3A_593 = vector.shape_cast %mul3A_588 : vector<16xf32> to vector<1x16xf32>
        tpu.vector_store %arg9[%swap3A_589, %swap3A_590], %swap3A_593 {strides = array<i32>} : memref<200x64xf32, #tpu.memory_space<vmem>>, vector<1x16xf32>,
        %get3A_594 = arith.index_cast %scan3A_557 : i32 to index
        %get3A_595 = arith.constant 48 : index
        %get3A_596 = tpu.vector_load %arg9[%get3A_594, %get3A_595] {strides = array<i32>} : memref<200x64xf32, #tpu.memory_space<vmem>>, vector<1x16xf32>,
        %get3A_597 = vector.shape_cast %get3A_596 : vector<1x16xf32> to vector<16xf32>
        %mul3A_598 = arith.constant 8.000000e+00 : f32
        %mul3A_599 = vector.broadcast %mul3A_598 : f32 to vector<16xf32>
        %mul3A_600 = arith.mulf %get3A_597, %mul3A_599 : vector<16xf32>
        %swap3A_601 = arith.index_cast %scan3A_557 : i32 to index
        %swap3A_602 = arith.constant 48 : index
        %swap3A_603 = tpu.vector_load %arg9[%swap3A_601, %swap3A_602] {strides = array<i32>} : memref<200x64xf32, #tpu.memory_space<vmem>>, vector<1x16xf32>,
        %swap3A_604 = vector.shape_cast %swap3A_603 : vector<1x16xf32> to vector<16xf32>
        %swap3A_605 = vector.shape_cast %mul3A_600 : vector<16xf32> to vector<1x16xf32>
        tpu.vector_store %arg9[%swap3A_601, %swap3A_602], %swap3A_605 {strides = array<i32>} : memref<200x64xf32, #tpu.memory_space<vmem>>, vector<1x16xf32>,
        %scan3A_606 = arith.constant 2 : i32
        %scan3A_607 = arith.addi %scan3A_509, %scan3A_606 : i32
        %get3A_608 = arith.index_cast %scan3A_607 : i32 to index
        %get3A_609 = arith.constant 0 : index
        %get3A_610 = tpu.vector_load %arg9[%get3A_608, %get3A_609] {strides = array<i32>} : memref<200x64xf32, #tpu.memory_space<vmem>>, vector<1x16xf32>,
        %get3A_611 = vector.shape_cast %get3A_610 : vector<1x16xf32> to vector<16xf32>
        %mul3A_612 = arith.constant 8.000000e+00 : f32
        %mul3A_613 = vector.broadcast %mul3A_612 : f32 to vector<16xf32>
        %mul3A_614 = arith.mulf %get3A_611, %mul3A_613 : vector<16xf32>
        %swap3A_615 = arith.index_cast %scan3A_607 : i32 to index
        %swap3A_616 = arith.constant 0 : index
        %swap3A_617 = tpu.vector_load %arg9[%swap3A_615, %swap3A_616] {strides = array<i32>} : memref<200x64xf32, #tpu.memory_space<vmem>>, vector<1x16xf32>,
        %swap3A_618 = vector.shape_cast %swap3A_617 : vector<1x16xf32> to vector<16xf32>
        %swap3A_619 = vector.shape_cast %mul3A_614 : vector<16xf32> to vector<1x16xf32>
        tpu.vector_store %arg9[%swap3A_615, %swap3A_616], %swap3A_619 {strides = array<i32>} : memref<200x64xf32, #tpu.memory_space<vmem>>, vector<1x16xf32>,
        %get3A_620 = arith.index_cast %scan3A_607 : i32 to index
        %get3A_621 = arith.constant 16 : index
        %get3A_622 = tpu.vector_load %arg9[%get3A_620, %get3A_621] {strides = array<i32>} : memref<200x64xf32, #tpu.memory_space<vmem>>, vector<1x16xf32>,
        %get3A_623 = vector.shape_cast %get3A_622 : vector<1x16xf32> to vector<16xf32>
        %mul3A_624 = arith.constant 8.000000e+00 : f32
        %mul3A_625 = vector.broadcast %mul3A_624 : f32 to vector<16xf32>
        %mul3A_626 = arith.mulf %get3A_623, %mul3A_625 : vector<16xf32>
        %swap3A_627 = arith.index_cast %scan3A_607 : i32 to index
        %swap3A_628 = arith.constant 16 : index
        %swap3A_629 = tpu.vector_load %arg9[%swap3A_627, %swap3A_628] {strides = array<i32>} : memref<200x64xf32, #tpu.memory_space<vmem>>, vector<1x16xf32>,
        %swap3A_630 = vector.shape_cast %swap3A_629 : vector<1x16xf32> to vector<16xf32>
        %swap3A_631 = vector.shape_cast %mul3A_626 : vector<16xf32> to vector<1x16xf32>
        tpu.vector_store %arg9[%swap3A_627, %swap3A_628], %swap3A_631 {strides = array<i32>} : memref<200x64xf32, #tpu.memory_space<vmem>>, vector<1x16xf32>,
        %get3A_632 = arith.index_cast %scan3A_607 : i32 to index
        %get3A_633 = arith.constant 32 : index
        %get3A_634 = tpu.vector_load %arg9[%get3A_632, %get3A_633] {strides = array<i32>} : memref<200x64xf32, #tpu.memory_space<vmem>>, vector<1x16xf32>,
        %get3A_635 = vector.shape_cast %get3A_634 : vector<1x16xf32> to vector<16xf32>
        %mul3A_636 = arith.constant 8.000000e+00 : f32
        %mul3A_637 = vector.broadcast %mul3A_636 : f32 to vector<16xf32>
        %mul3A_638 = arith.mulf %get3A_635, %mul3A_637 : vector<16xf32>
        %swap3A_639 = arith.index_cast %scan3A_607 : i32 to index
        %swap3A_640 = arith.constant 32 : index
        %swap3A_641 = tpu.vector_load %arg9[%swap3A_639, %swap3A_640] {strides = array<i32>} : memref<200x64xf32, #tpu.memory_space<vmem>>, vector<1x16xf32>,
        %swap3A_642 = vector.shape_cast %swap3A_641 : vector<1x16xf32> to vector<16xf32>
        %swap3A_643 = vector.shape_cast %mul3A_638 : vector<16xf32> to vector<1x16xf32>
        tpu.vector_store %arg9[%swap3A_639, %swap3A_640], %swap3A_643 {strides = array<i32>} : memref<200x64xf32, #tpu.memory_space<vmem>>, vector<1x16xf32>,
        %get3A_644 = arith.index_cast %scan3A_607 : i32 to index
        %get3A_645 = arith.constant 48 : index
        %get3A_646 = tpu.vector_load %arg9[%get3A_644, %get3A_645] {strides = array<i32>} : memref<200x64xf32, #tpu.memory_space<vmem>>, vector<1x16xf32>,
        %get3A_647 = vector.shape_cast %get3A_646 : vector<1x16xf32> to vector<16xf32>
        %mul3A_648 = arith.constant 8.000000e+00 : f32
        %mul3A_649 = vector.broadcast %mul3A_648 : f32 to vector<16xf32>
        %mul3A_650 = arith.mulf %get3A_647, %mul3A_649 : vector<16xf32>
        %swap3A_651 = arith.index_cast %scan3A_607 : i32 to index
        %swap3A_652 = arith.constant 48 : index
        %swap3A_653 = tpu.vector_load %arg9[%swap3A_651, %swap3A_652] {strides = array<i32>} : memref<200x64xf32, #tpu.memory_space<vmem>>, vector<1x16xf32>,
        %swap3A_654 = vector.shape_cast %swap3A_653 : vector<1x16xf32> to vector<16xf32>
        %swap3A_655 = vector.shape_cast %mul3A_650 : vector<16xf32> to vector<1x16xf32>
        tpu.vector_store %arg9[%swap3A_651, %swap3A_652], %swap3A_655 {strides = array<i32>} : memref<200x64xf32, #tpu.memory_space<vmem>>, vector<1x16xf32>,
        %scan3A_656 = arith.constant 3 : i32
        %scan3A_657 = arith.addi %scan3A_509, %scan3A_656 : i32
        %get3A_658 = arith.index_cast %scan3A_657 : i32 to index
        %get3A_659 = arith.constant 0 : index
        %get3A_660 = tpu.vector_load %arg9[%get3A_658, %get3A_659] {strides = array<i32>} : memref<200x64xf32, #tpu.memory_space<vmem>>, vector<1x16xf32>,
        %get3A_661 = vector.shape_cast %get3A_660 : vector<1x16xf32> to vector<16xf32>
        %mul3A_662 = arith.constant 8.000000e+00 : f32
        %mul3A_663 = vector.broadcast %mul3A_662 : f32 to vector<16xf32>
        %mul3A_664 = arith.mulf %get3A_661, %mul3A_663 : vector<16xf32>
        %swap3A_665 = arith.index_cast %scan3A_657 : i32 to index
        %swap3A_666 = arith.constant 0 : index
        %swap3A_667 = tpu.vector_load %arg9[%swap3A_665, %swap3A_666] {strides = array<i32>} : memref<200x64xf32, #tpu.memory_space<vmem>>, vector<1x16xf32>,
        %swap3A_668 = vector.shape_cast %swap3A_667 : vector<1x16xf32> to vector<16xf32>
        %swap3A_669 = vector.shape_cast %mul3A_664 : vector<16xf32> to vector<1x16xf32>
        tpu.vector_store %arg9[%swap3A_665, %swap3A_666], %swap3A_669 {strides = array<i32>} : memref<200x64xf32, #tpu.memory_space<vmem>>, vector<1x16xf32>,
        %get3A_670 = arith.index_cast %scan3A_657 : i32 to index
        %get3A_671 = arith.constant 16 : index
        %get3A_672 = tpu.vector_load %arg9[%get3A_670, %get3A_671] {strides = array<i32>} : memref<200x64xf32, #tpu.memory_space<vmem>>, vector<1x16xf32>,
        %get3A_673 = vector.shape_cast %get3A_672 : vector<1x16xf32> to vector<16xf32>
        %mul3A_674 = arith.constant 8.000000e+00 : f32
        %mul3A_675 = vector.broadcast %mul3A_674 : f32 to vector<16xf32>
        %mul3A_676 = arith.mulf %get3A_673, %mul3A_675 : vector<16xf32>
        %swap3A_677 = arith.index_cast %scan3A_657 : i32 to index
        %swap3A_678 = arith.constant 16 : index
        %swap3A_679 = tpu.vector_load %arg9[%swap3A_677, %swap3A_678] {strides = array<i32>} : memref<200x64xf32, #tpu.memory_space<vmem>>, vector<1x16xf32>,
        %swap3A_680 = vector.shape_cast %swap3A_679 : vector<1x16xf32> to vector<16xf32>
        %swap3A_681 = vector.shape_cast %mul3A_676 : vector<16xf32> to vector<1x16xf32>
        tpu.vector_store %arg9[%swap3A_677, %swap3A_678], %swap3A_681 {strides = array<i32>} : memref<200x64xf32, #tpu.memory_space<vmem>>, vector<1x16xf32>,
        %get3A_682 = arith.index_cast %scan3A_657 : i32 to index
        %get3A_683 = arith.constant 32 : index
        %get3A_684 = tpu.vector_load %arg9[%get3A_682, %get3A_683] {strides = array<i32>} : memref<200x64xf32, #tpu.memory_space<vmem>>, vector<1x16xf32>,
        %get3A_685 = vector.shape_cast %get3A_684 : vector<1x16xf32> to vector<16xf32>
        %mul3A_686 = arith.constant 8.000000e+00 : f32
        %mul3A_687 = vector.broadcast %mul3A_686 : f32 to vector<16xf32>
        %mul3A_688 = arith.mulf %get3A_685, %mul3A_687 : vector<16xf32>
        %swap3A_689 = arith.index_cast %scan3A_657 : i32 to index
        %swap3A_690 = arith.constant 32 : index
        %swap3A_691 = tpu.vector_load %arg9[%swap3A_689, %swap3A_690] {strides = array<i32>} : memref<200x64xf32, #tpu.memory_space<vmem>>, vector<1x16xf32>,
        %swap3A_692 = vector.shape_cast %swap3A_691 : vector<1x16xf32> to vector<16xf32>
        %swap3A_693 = vector.shape_cast %mul3A_688 : vector<16xf32> to vector<1x16xf32>
        tpu.vector_store %arg9[%swap3A_689, %swap3A_690], %swap3A_693 {strides = array<i32>} : memref<200x64xf32, #tpu.memory_space<vmem>>, vector<1x16xf32>,
        %get3A_694 = arith.index_cast %scan3A_657 : i32 to index
        %get3A_695 = arith.constant 48 : index
        %get3A_696 = tpu.vector_load %arg9[%get3A_694, %get3A_695] {strides = array<i32>} : memref<200x64xf32, #tpu.memory_space<vmem>>, vector<1x16xf32>,
        %get3A_697 = vector.shape_cast %get3A_696 : vector<1x16xf32> to vector<16xf32>
        %mul3A_698 = arith.constant 8.000000e+00 : f32
        %mul3A_699 = vector.broadcast %mul3A_698 : f32 to vector<16xf32>
        %mul3A_700 = arith.mulf %get3A_697, %mul3A_699 : vector<16xf32>
        %swap3A_701 = arith.index_cast %scan3A_657 : i32 to index
        %swap3A_702 = arith.constant 48 : index
        %swap3A_703 = tpu.vector_load %arg9[%swap3A_701, %swap3A_702] {strides = array<i32>} : memref<200x64xf32, #tpu.memory_space<vmem>>, vector<1x16xf32>,
        %swap3A_704 = vector.shape_cast %swap3A_703 : vector<1x16xf32> to vector<16xf32>
        %swap3A_705 = vector.shape_cast %mul3A_700 : vector<16xf32> to vector<1x16xf32>
        tpu.vector_store %arg9[%swap3A_701, %swap3A_702], %swap3A_705 {strides = array<i32>} : memref<200x64xf32, #tpu.memory_space<vmem>>, vector<1x16xf32>,
        %scan3A_706 = arith.constant 4 : i32
        %scan3A_707 = arith.addi %scan3A_509, %scan3A_706 : i32
        %get3A_708 = arith.index_cast %scan3A_707 : i32 to index
        %get3A_709 = arith.constant 0 : index
        %get3A_710 = tpu.vector_load %arg9[%get3A_708, %get3A_709] {strides = array<i32>} : memref<200x64xf32, #tpu.memory_space<vmem>>, vector<1x16xf32>,
        %get3A_711 = vector.shape_cast %get3A_710 : vector<1x16xf32> to vector<16xf32>
        %mul3A_712 = arith.constant 8.000000e+00 : f32
        %mul3A_713 = vector.broadcast %mul3A_712 : f32 to vector<16xf32>
        %mul3A_714 = arith.mulf %get3A_711, %mul3A_713 : vector<16xf32>
        %swap3A_715 = arith.index_cast %scan3A_707 : i32 to index
        %swap3A_716 = arith.constant 0 : index
        %swap3A_717 = tpu.vector_load %arg9[%swap3A_715, %swap3A_716] {strides = array<i32>} : memref<200x64xf32, #tpu.memory_space<vmem>>, vector<1x16xf32>,
        %swap3A_718 = vector.shape_cast %swap3A_717 : vector<1x16xf32> to vector<16xf32>
        %swap3A_719 = vector.shape_cast %mul3A_714 : vector<16xf32> to vector<1x16xf32>
        tpu.vector_store %arg9[%swap3A_715, %swap3A_716], %swap3A_719 {strides = array<i32>} : memref<200x64xf32, #tpu.memory_space<vmem>>, vector<1x16xf32>,
        %get3A_720 = arith.index_cast %scan3A_707 : i32 to index
        %get3A_721 = arith.constant 16 : index
        %get3A_722 = tpu.vector_load %arg9[%get3A_720, %get3A_721] {strides = array<i32>} : memref<200x64xf32, #tpu.memory_space<vmem>>, vector<1x16xf32>,
        %get3A_723 = vector.shape_cast %get3A_722 : vector<1x16xf32> to vector<16xf32>
        %mul3A_724 = arith.constant 8.000000e+00 : f32
        %mul3A_725 = vector.broadcast %mul3A_724 : f32 to vector<16xf32>
        %mul3A_726 = arith.mulf %get3A_723, %mul3A_725 : vector<16xf32>
        %swap3A_727 = arith.index_cast %scan3A_707 : i32 to index
        %swap3A_728 = arith.constant 16 : index
        %swap3A_729 = tpu.vector_load %arg9[%swap3A_727, %swap3A_728] {strides = array<i32>} : memref<200x64xf32, #tpu.memory_space<vmem>>, vector<1x16xf32>,
        %swap3A_730 = vector.shape_cast %swap3A_729 : vector<1x16xf32> to vector<16xf32>
        %swap3A_731 = vector.shape_cast %mul3A_726 : vector<16xf32> to vector<1x16xf32>
        tpu.vector_store %arg9[%swap3A_727, %swap3A_728], %swap3A_731 {strides = array<i32>} : memref<200x64xf32, #tpu.memory_space<vmem>>, vector<1x16xf32>,
        %get3A_732 = arith.index_cast %scan3A_707 : i32 to index
        %get3A_733 = arith.constant 32 : index
        %get3A_734 = tpu.vector_load %arg9[%get3A_732, %get3A_733] {strides = array<i32>} : memref<200x64xf32, #tpu.memory_space<vmem>>, vector<1x16xf32>,
        %get3A_735 = vector.shape_cast %get3A_734 : vector<1x16xf32> to vector<16xf32>
        %mul3A_736 = arith.constant 8.000000e+00 : f32
        %mul3A_737 = vector.broadcast %mul3A_736 : f32 to vector<16xf32>
        %mul3A_738 = arith.mulf %get3A_735, %mul3A_737 : vector<16xf32>
        %swap3A_739 = arith.index_cast %scan3A_707 : i32 to index
        %swap3A_740 = arith.constant 32 : index
        %swap3A_741 = tpu.vector_load %arg9[%swap3A_739, %swap3A_740] {strides = array<i32>} : memref<200x64xf32, #tpu.memory_space<vmem>>, vector<1x16xf32>,
        %swap3A_742 = vector.shape_cast %swap3A_741 : vector<1x16xf32> to vector<16xf32>
        %swap3A_743 = vector.shape_cast %mul3A_738 : vector<16xf32> to vector<1x16xf32>
        tpu.vector_store %arg9[%swap3A_739, %swap3A_740], %swap3A_743 {strides = array<i32>} : memref<200x64xf32, #tpu.memory_space<vmem>>, vector<1x16xf32>,
        %get3A_744 = arith.index_cast %scan3A_707 : i32 to index
        %get3A_745 = arith.constant 48 : index
        %get3A_746 = tpu.vector_load %arg9[%get3A_744, %get3A_745] {strides = array<i32>} : memref<200x64xf32, #tpu.memory_space<vmem>>, vector<1x16xf32>,
        %get3A_747 = vector.shape_cast %get3A_746 : vector<1x16xf32> to vector<16xf32>
        %mul3A_748 = arith.constant 8.000000e+00 : f32
        %mul3A_749 = vector.broadcast %mul3A_748 : f32 to vector<16xf32>
        %mul3A_750 = arith.mulf %get3A_747, %mul3A_749 : vector<16xf32>
        %swap3A_751 = arith.index_cast %scan3A_707 : i32 to index
        %swap3A_752 = arith.constant 48 : index
        %swap3A_753 = tpu.vector_load %arg9[%swap3A_751, %swap3A_752] {strides = array<i32>} : memref<200x64xf32, #tpu.memory_space<vmem>>, vector<1x16xf32>,
        %swap3A_754 = vector.shape_cast %swap3A_753 : vector<1x16xf32> to vector<16xf32>
        %swap3A_755 = vector.shape_cast %mul3A_750 : vector<16xf32> to vector<1x16xf32>
        tpu.vector_store %arg9[%swap3A_751, %swap3A_752], %swap3A_755 {strides = array<i32>} : memref<200x64xf32, #tpu.memory_space<vmem>>, vector<1x16xf32>,
        %scan3A_756 = arith.constant 5 : i32
        %scan3A_757 = arith.addi %scan3A_509, %scan3A_756 : i32
        %get3A_758 = arith.index_cast %scan3A_757 : i32 to index
        %get3A_759 = arith.constant 0 : index
        %get3A_760 = tpu.vector_load %arg9[%get3A_758, %get3A_759] {strides = array<i32>} : memref<200x64xf32, #tpu.memory_space<vmem>>, vector<1x16xf32>,
        %get3A_761 = vector.shape_cast %get3A_760 : vector<1x16xf32> to vector<16xf32>
        %mul3A_762 = arith.constant 8.000000e+00 : f32
        %mul3A_763 = vector.broadcast %mul3A_762 : f32 to vector<16xf32>
        %mul3A_764 = arith.mulf %get3A_761, %mul3A_763 : vector<16xf32>
        %swap3A_765 = arith.index_cast %scan3A_757 : i32 to index
        %swap3A_766 = arith.constant 0 : index
        %swap3A_767 = tpu.vector_load %arg9[%swap3A_765, %swap3A_766] {strides = array<i32>} : memref<200x64xf32, #tpu.memory_space<vmem>>, vector<1x16xf32>,
        %swap3A_768 = vector.shape_cast %swap3A_767 : vector<1x16xf32> to vector<16xf32>
        %swap3A_769 = vector.shape_cast %mul3A_764 : vector<16xf32> to vector<1x16xf32>
        tpu.vector_store %arg9[%swap3A_765, %swap3A_766], %swap3A_769 {strides = array<i32>} : memref<200x64xf32, #tpu.memory_space<vmem>>, vector<1x16xf32>,
        %get3A_770 = arith.index_cast %scan3A_757 : i32 to index
        %get3A_771 = arith.constant 16 : index
        %get3A_772 = tpu.vector_load %arg9[%get3A_770, %get3A_771] {strides = array<i32>} : memref<200x64xf32, #tpu.memory_space<vmem>>, vector<1x16xf32>,
        %get3A_773 = vector.shape_cast %get3A_772 : vector<1x16xf32> to vector<16xf32>
        %mul3A_774 = arith.constant 8.000000e+00 : f32
        %mul3A_775 = vector.broadcast %mul3A_774 : f32 to vector<16xf32>
        %mul3A_776 = arith.mulf %get3A_773, %mul3A_775 : vector<16xf32>
        %swap3A_777 = arith.index_cast %scan3A_757 : i32 to index
        %swap3A_778 = arith.constant 16 : index
        %swap3A_779 = tpu.vector_load %arg9[%swap3A_777, %swap3A_778] {strides = array<i32>} : memref<200x64xf32, #tpu.memory_space<vmem>>, vector<1x16xf32>,
        %swap3A_780 = vector.shape_cast %swap3A_779 : vector<1x16xf32> to vector<16xf32>
        %swap3A_781 = vector.shape_cast %mul3A_776 : vector<16xf32> to vector<1x16xf32>
        tpu.vector_store %arg9[%swap3A_777, %swap3A_778], %swap3A_781 {strides = array<i32>} : memref<200x64xf32, #tpu.memory_space<vmem>>, vector<1x16xf32>,
        %get3A_782 = arith.index_cast %scan3A_757 : i32 to index
        %get3A_783 = arith.constant 32 : index
        %get3A_784 = tpu.vector_load %arg9[%get3A_782, %get3A_783] {strides = array<i32>} : memref<200x64xf32, #tpu.memory_space<vmem>>, vector<1x16xf32>,
        %get3A_785 = vector.shape_cast %get3A_784 : vector<1x16xf32> to vector<16xf32>
        %mul3A_786 = arith.constant 8.000000e+00 : f32
        %mul3A_787 = vector.broadcast %mul3A_786 : f32 to vector<16xf32>
        %mul3A_788 = arith.mulf %get3A_785, %mul3A_787 : vector<16xf32>
        %swap3A_789 = arith.index_cast %scan3A_757 : i32 to index
        %swap3A_790 = arith.constant 32 : index
        %swap3A_791 = tpu.vector_load %arg9[%swap3A_789, %swap3A_790] {strides = array<i32>} : memref<200x64xf32, #tpu.memory_space<vmem>>, vector<1x16xf32>,
        %swap3A_792 = vector.shape_cast %swap3A_791 : vector<1x16xf32> to vector<16xf32>
        %swap3A_793 = vector.shape_cast %mul3A_788 : vector<16xf32> to vector<1x16xf32>
        tpu.vector_store %arg9[%swap3A_789, %swap3A_790], %swap3A_793 {strides = array<i32>} : memref<200x64xf32, #tpu.memory_space<vmem>>, vector<1x16xf32>,
        %get3A_794 = arith.index_cast %scan3A_757 : i32 to index
        %get3A_795 = arith.constant 48 : index
        %get3A_796 = tpu.vector_load %arg9[%get3A_794, %get3A_795] {strides = array<i32>} : memref<200x64xf32, #tpu.memory_space<vmem>>, vector<1x16xf32>,
        %get3A_797 = vector.shape_cast %get3A_796 : vector<1x16xf32> to vector<16xf32>
        %mul3A_798 = arith.constant 8.000000e+00 : f32
        %mul3A_799 = vector.broadcast %mul3A_798 : f32 to vector<16xf32>
        %mul3A_800 = arith.mulf %get3A_797, %mul3A_799 : vector<16xf32>
        %swap3A_801 = arith.index_cast %scan3A_757 : i32 to index
        %swap3A_802 = arith.constant 48 : index
        %swap3A_803 = tpu.vector_load %arg9[%swap3A_801, %swap3A_802] {strides = array<i32>} : memref<200x64xf32, #tpu.memory_space<vmem>>, vector<1x16xf32>,
        %swap3A_804 = vector.shape_cast %swap3A_803 : vector<1x16xf32> to vector<16xf32>
        %swap3A_805 = vector.shape_cast %mul3A_800 : vector<16xf32> to vector<1x16xf32>
        tpu.vector_store %arg9[%swap3A_801, %swap3A_802], %swap3A_805 {strides = array<i32>} : memref<200x64xf32, #tpu.memory_space<vmem>>, vector<1x16xf32>,
        %scan3A_806 = arith.constant 6 : i32
        %scan3A_807 = arith.addi %scan3A_509, %scan3A_806 : i32
        %get3A_808 = arith.index_cast %scan3A_807 : i32 to index
        %get3A_809 = arith.constant 0 : index
        %get3A_810 = tpu.vector_load %arg9[%get3A_808, %get3A_809] {strides = array<i32>} : memref<200x64xf32, #tpu.memory_space<vmem>>, vector<1x16xf32>,
        %get3A_811 = vector.shape_cast %get3A_810 : vector<1x16xf32> to vector<16xf32>
        %mul3A_812 = arith.constant 8.000000e+00 : f32
        %mul3A_813 = vector.broadcast %mul3A_812 : f32 to vector<16xf32>
        %mul3A_814 = arith.mulf %get3A_811, %mul3A_813 : vector<16xf32>
        %swap3A_815 = arith.index_cast %scan3A_807 : i32 to index
        %swap3A_816 = arith.constant 0 : index
        %swap3A_817 = tpu.vector_load %arg9[%swap3A_815, %swap3A_816] {strides = array<i32>} : memref<200x64xf32, #tpu.memory_space<vmem>>, vector<1x16xf32>,
        %swap3A_818 = vector.shape_cast %swap3A_817 : vector<1x16xf32> to vector<16xf32>
        %swap3A_819 = vector.shape_cast %mul3A_814 : vector<16xf32> to vector<1x16xf32>
        tpu.vector_store %arg9[%swap3A_815, %swap3A_816], %swap3A_819 {strides = array<i32>} : memref<200x64xf32, #tpu.memory_space<vmem>>, vector<1x16xf32>,
        %get3A_820 = arith.index_cast %scan3A_807 : i32 to index
        %get3A_821 = arith.constant 16 : index
        %get3A_822 = tpu.vector_load %arg9[%get3A_820, %get3A_821] {strides = array<i32>} : memref<200x64xf32, #tpu.memory_space<vmem>>, vector<1x16xf32>,
        %get3A_823 = vector.shape_cast %get3A_822 : vector<1x16xf32> to vector<16xf32>
        %mul3A_824 = arith.constant 8.000000e+00 : f32
        %mul3A_825 = vector.broadcast %mul3A_824 : f32 to vector<16xf32>
        %mul3A_826 = arith.mulf %get3A_823, %mul3A_825 : vector<16xf32>
        %swap3A_827 = arith.index_cast %scan3A_807 : i32 to index
        %swap3A_828 = arith.constant 16 : index
        %swap3A_829 = tpu.vector_load %arg9[%swap3A_827, %swap3A_828] {strides = array<i32>} : memref<200x64xf32, #tpu.memory_space<vmem>>, vector<1x16xf32>,
        %swap3A_830 = vector.shape_cast %swap3A_829 : vector<1x16xf32> to vector<16xf32>
        %swap3A_831 = vector.shape_cast %mul3A_826 : vector<16xf32> to vector<1x16xf32>
        tpu.vector_store %arg9[%swap3A_827, %swap3A_828], %swap3A_831 {strides = array<i32>} : memref<200x64xf32, #tpu.memory_space<vmem>>, vector<1x16xf32>,
        %get3A_832 = arith.index_cast %scan3A_807 : i32 to index
        %get3A_833 = arith.constant 32 : index
        %get3A_834 = tpu.vector_load %arg9[%get3A_832, %get3A_833] {strides = array<i32>} : memref<200x64xf32, #tpu.memory_space<vmem>>, vector<1x16xf32>,
        %get3A_835 = vector.shape_cast %get3A_834 : vector<1x16xf32> to vector<16xf32>
        %mul3A_836 = arith.constant 8.000000e+00 : f32
        %mul3A_837 = vector.broadcast %mul3A_836 : f32 to vector<16xf32>
        %mul3A_838 = arith.mulf %get3A_835, %mul3A_837 : vector<16xf32>
        %swap3A_839 = arith.index_cast %scan3A_807 : i32 to index
        %swap3A_840 = arith.constant 32 : index
        %swap3A_841 = tpu.vector_load %arg9[%swap3A_839, %swap3A_840] {strides = array<i32>} : memref<200x64xf32, #tpu.memory_space<vmem>>, vector<1x16xf32>,
        %swap3A_842 = vector.shape_cast %swap3A_841 : vector<1x16xf32> to vector<16xf32>
        %swap3A_843 = vector.shape_cast %mul3A_838 : vector<16xf32> to vector<1x16xf32>
        tpu.vector_store %arg9[%swap3A_839, %swap3A_840], %swap3A_843 {strides = array<i32>} : memref<200x64xf32, #tpu.memory_space<vmem>>, vector<1x16xf32>,
        %get3A_844 = arith.index_cast %scan3A_807 : i32 to index
        %get3A_845 = arith.constant 48 : index
        %get3A_846 = tpu.vector_load %arg9[%get3A_844, %get3A_845] {strides = array<i32>} : memref<200x64xf32, #tpu.memory_space<vmem>>, vector<1x16xf32>,
        %get3A_847 = vector.shape_cast %get3A_846 : vector<1x16xf32> to vector<16xf32>
        %mul3A_848 = arith.constant 8.000000e+00 : f32
        %mul3A_849 = vector.broadcast %mul3A_848 : f32 to vector<16xf32>
        %mul3A_850 = arith.mulf %get3A_847, %mul3A_849 : vector<16xf32>
        %swap3A_851 = arith.index_cast %scan3A_807 : i32 to index
        %swap3A_852 = arith.constant 48 : index
        %swap3A_853 = tpu.vector_load %arg9[%swap3A_851, %swap3A_852] {strides = array<i32>} : memref<200x64xf32, #tpu.memory_space<vmem>>, vector<1x16xf32>,
        %swap3A_854 = vector.shape_cast %swap3A_853 : vector<1x16xf32> to vector<16xf32>
        %swap3A_855 = vector.shape_cast %mul3A_850 : vector<16xf32> to vector<1x16xf32>
        tpu.vector_store %arg9[%swap3A_851, %swap3A_852], %swap3A_855 {strides = array<i32>} : memref<200x64xf32, #tpu.memory_space<vmem>>, vector<1x16xf32>,
        %scan3A_856 = arith.constant 7 : i32
        %scan3A_857 = arith.addi %scan3A_509, %scan3A_856 : i32
        %get3A_858 = arith.index_cast %scan3A_857 : i32 to index
        %get3A_859 = arith.constant 0 : index
        %get3A_860 = tpu.vector_load %arg9[%get3A_858, %get3A_859] {strides = array<i32>} : memref<200x64xf32, #tpu.memory_space<vmem>>, vector<1x16xf32>,
        %get3A_861 = vector.shape_cast %get3A_860 : vector<1x16xf32> to vector<16xf32>
        %mul3A_862 = arith.constant 8.000000e+00 : f32
        %mul3A_863 = vector.broadcast %mul3A_862 : f32 to vector<16xf32>
        %mul3A_864 = arith.mulf %get3A_861, %mul3A_863 : vector<16xf32>
        %swap3A_865 = arith.index_cast %scan3A_857 : i32 to index
        %swap3A_866 = arith.constant 0 : index
        %swap3A_867 = tpu.vector_load %arg9[%swap3A_865, %swap3A_866] {strides = array<i32>} : memref<200x64xf32, #tpu.memory_space<vmem>>, vector<1x16xf32>,
        %swap3A_868 = vector.shape_cast %swap3A_867 : vector<1x16xf32> to vector<16xf32>
        %swap3A_869 = vector.shape_cast %mul3A_864 : vector<16xf32> to vector<1x16xf32>
        tpu.vector_store %arg9[%swap3A_865, %swap3A_866], %swap3A_869 {strides = array<i32>} : memref<200x64xf32, #tpu.memory_space<vmem>>, vector<1x16xf32>,
        %get3A_870 = arith.index_cast %scan3A_857 : i32 to index
        %get3A_871 = arith.constant 16 : index
        %get3A_872 = tpu.vector_load %arg9[%get3A_870, %get3A_871] {strides = array<i32>} : memref<200x64xf32, #tpu.memory_space<vmem>>, vector<1x16xf32>,
        %get3A_873 = vector.shape_cast %get3A_872 : vector<1x16xf32> to vector<16xf32>
        %mul3A_874 = arith.constant 8.000000e+00 : f32
        %mul3A_875 = vector.broadcast %mul3A_874 : f32 to vector<16xf32>
        %mul3A_876 = arith.mulf %get3A_873, %mul3A_875 : vector<16xf32>
        %swap3A_877 = arith.index_cast %scan3A_857 : i32 to index
        %swap3A_878 = arith.constant 16 : index
        %swap3A_879 = tpu.vector_load %arg9[%swap3A_877, %swap3A_878] {strides = array<i32>} : memref<200x64xf32, #tpu.memory_space<vmem>>, vector<1x16xf32>,
        %swap3A_880 = vector.shape_cast %swap3A_879 : vector<1x16xf32> to vector<16xf32>
        %swap3A_881 = vector.shape_cast %mul3A_876 : vector<16xf32> to vector<1x16xf32>
        tpu.vector_store %arg9[%swap3A_877, %swap3A_878], %swap3A_881 {strides = array<i32>} : memref<200x64xf32, #tpu.memory_space<vmem>>, vector<1x16xf32>,
        %get3A_882 = arith.index_cast %scan3A_857 : i32 to index
        %get3A_883 = arith.constant 32 : index
        %get3A_884 = tpu.vector_load %arg9[%get3A_882, %get3A_883] {strides = array<i32>} : memref<200x64xf32, #tpu.memory_space<vmem>>, vector<1x16xf32>,
        %get3A_885 = vector.shape_cast %get3A_884 : vector<1x16xf32> to vector<16xf32>
        %mul3A_886 = arith.constant 8.000000e+00 : f32
        %mul3A_887 = vector.broadcast %mul3A_886 : f32 to vector<16xf32>
        %mul3A_888 = arith.mulf %get3A_885, %mul3A_887 : vector<16xf32>
        %swap3A_889 = arith.index_cast %scan3A_857 : i32 to index
        %swap3A_890 = arith.constant 32 : index
        %swap3A_891 = tpu.vector_load %arg9[%swap3A_889, %swap3A_890] {strides = array<i32>} : memref<200x64xf32, #tpu.memory_space<vmem>>, vector<1x16xf32>,
        %swap3A_892 = vector.shape_cast %swap3A_891 : vector<1x16xf32> to vector<16xf32>
        %swap3A_893 = vector.shape_cast %mul3A_888 : vector<16xf32> to vector<1x16xf32>
        tpu.vector_store %arg9[%swap3A_889, %swap3A_890], %swap3A_893 {strides = array<i32>} : memref<200x64xf32, #tpu.memory_space<vmem>>, vector<1x16xf32>,
        %get3A_894 = arith.index_cast %scan3A_857 : i32 to index
        %get3A_895 = arith.constant 48 : index
        %get3A_896 = tpu.vector_load %arg9[%get3A_894, %get3A_895] {strides = array<i32>} : memref<200x64xf32, #tpu.memory_space<vmem>>, vector<1x16xf32>,
        %get3A_897 = vector.shape_cast %get3A_896 : vector<1x16xf32> to vector<16xf32>
        %mul3A_898 = arith.constant 8.000000e+00 : f32
        %mul3A_899 = vector.broadcast %mul3A_898 : f32 to vector<16xf32>
        %mul3A_900 = arith.mulf %get3A_897, %mul3A_899 : vector<16xf32>
        %swap3A_901 = arith.index_cast %scan3A_857 : i32 to index
        %swap3A_902 = arith.constant 48 : index
        %swap3A_903 = tpu.vector_load %arg9[%swap3A_901, %swap3A_902] {strides = array<i32>} : memref<200x64xf32, #tpu.memory_space<vmem>>, vector<1x16xf32>,
        %swap3A_904 = vector.shape_cast %swap3A_903 : vector<1x16xf32> to vector<16xf32>
        %swap3A_905 = vector.shape_cast %mul3A_900 : vector<16xf32> to vector<1x16xf32>
        tpu.vector_store %arg9[%swap3A_901, %swap3A_902], %swap3A_905 {strides = array<i32>} : memref<200x64xf32, #tpu.memory_space<vmem>>, vector<1x16xf32>,
      }
      %scan3A_363 = arith.constant 200 : i32
      %add3A_364 = arith.addi %mul3A_4, %add3A_310 : i32
      %dma_start3A_365 = arith.constant 0 : i32
      %dma_start3A_366 = arith.constant 0 : i32
      %dma_start3A_367 = tpu.memref_slice %arg4[%add3A_364, %dma_start3A_365, %dma_start3A_366] : memref<4096x200x64xf32, #tpu.memory_space<hbm>> -> memref<1x200x64xf32, #tpu.memory_space<hbm>>
      %dma_start3A_368 = tpu.memref_squeeze %dma_start3A_367 : memref<1x200x64xf32, #tpu.memory_space<hbm>> -> memref<200x64xf32, #tpu.memory_space<hbm>>
      %dma_start3A_369 = arith.constant 0 : i32
      %dma_start3A_370 = arith.constant 0 : i32
      %dma_start3A_371 = tpu.memref_slice %arg4[%add3A_364, %dma_start3A_369, %dma_start3A_370] : memref<4096x200x64xf32, #tpu.memory_space<hbm>> -> memref<1x200x64xf32, #tpu.memory_space<hbm>>
      %dma_start3A_372 = tpu.memref_squeeze %dma_start3A_371 : memref<1x200x64xf32, #tpu.memory_space<hbm>> -> memref<200x64xf32, #tpu.memory_space<hbm>>
      tpu.enqueue_dma source(%arg9 : memref<200x64xf32, #tpu.memory_space<vmem>>) target(%dma_start3A_372 : memref<200x64xf32, #tpu.memory_space<hbm>>) target_semaphore(%arg17 : memref<!tpu.dma_semaphore, #tpu.memory_space<semaphore_mem>>)
      %mul3A_373 = arith.constant 4 : i32
      %mul3A_374 = arith.muli %mul3A_373, %scan3A_236 : i32
      %add3A_375 = arith.constant 2 : i32
      %add3A_376 = arith.addi %mul3A_374, %add3A_375 : i32
      %add3A_377 = arith.constant 2 : i32
      %add3A_378 = arith.addi %add3A_376, %add3A_377 : i32
      %dma_wait3A_379 = arith.constant 0 : i32
      %dma_wait3A_380 = arith.constant 0 : i32
      %dma_wait3A_381 = arith.constant 0 : i32
      %dma_wait3A_382 = tpu.memref_slice %arg4[%dma_wait3A_379, %dma_wait3A_380, %dma_wait3A_381] : memref<4096x200x64xf32, #tpu.memory_space<hbm>> -> memref<1x200x64xf32, #tpu.memory_space<hbm>>
      %dma_wait3A_383 = tpu.memref_squeeze %dma_wait3A_382 : memref<1x200x64xf32, #tpu.memory_space<hbm>> -> memref<200x64xf32, #tpu.memory_space<hbm>>
      %dma_wait3A_384 = arith.constant 0 : i32
      %dma_wait3A_385 = arith.constant 0 : i32
      %dma_wait3A_386 = tpu.memref_slice %arg4[%dma_wait3A_379, %dma_wait3A_384, %dma_wait3A_385] : memref<4096x200x64xf32, #tpu.memory_space<hbm>> -> memref<1x200x64xf32, #tpu.memory_space<hbm>>
      %dma_wait3A_387 = tpu.memref_squeeze %dma_wait3A_386 : memref<1x200x64xf32, #tpu.memory_space<hbm>> -> memref<200x64xf32, #tpu.memory_space<hbm>>
      tpu.wait_dma2 semaphore(%arg16 : memref<!tpu.dma_semaphore, #tpu.memory_space<semaphore_mem>>) src(%arg8 : memref<200x64xf32, #tpu.memory_space<vmem>>) dst(%dma_wait3A_387 : memref<200x64xf32, #tpu.memory_space<hbm>>)
      %add3A_388 = arith.constant 2 : i32
      %add3A_389 = arith.addi %add3A_378, %add3A_388 : i32
      %mul3A_390 = arith.constant 200 : i32
      %mul3A_391 = arith.muli %add3A_389, %mul3A_390 : i32
      %dma_start3A_392 = arith.constant 0 : i32
      %dma_start3A_393 = arith.constant 0 : i32
      %dma_start3A_394 = tpu.memref_slice %arg8[%dma_start3A_392, %dma_start3A_393] : memref<200x64xf32, #tpu.memory_space<vmem>> -> memref<128x64xf32, #tpu.memory_space<vmem>>
      %dma_start3A_395 = tpu.memref_slice %arg5[%mul3A_391] : memref<25600xi32, #tpu.memory_space<vmem>> -> memref<128xi32, #tpu.memory_space<vmem>>
      %dma_start3A_396 = arith.constant 0 : i32
      %dma_start3A_397 = arith.constant 0 : i32
      %dma_start3A_398 = tpu.memref_slice %arg3[%dma_start3A_396, %dma_start3A_397] : memref<1000000x64xf32, #tpu.memory_space<hbm>> -> memref<1000000x64xf32, #tpu.memory_space<hbm>>
      tpu.enqueue_indirect_dma source(%dma_start3A_398 : memref<1000000x64xf32, #tpu.memory_space<hbm>>) target(%dma_start3A_394 : memref<128x64xf32, #tpu.memory_space<vmem>>) offsets(%dma_start3A_395 : memref<128xi32, #tpu.memory_space<vmem>>) semaphore(%arg12 : memref<!tpu.dma_semaphore, #tpu.memory_space<semaphore_mem>>)
      %mul3A_399 = arith.constant 200 : i32
      %mul3A_400 = arith.muli %add3A_389, %mul3A_399 : i32
      %add3A_401 = arith.constant 128 : i32
      %add3A_402 = arith.addi %mul3A_400, %add3A_401 : i32
      %dma_start3A_403 = arith.constant 128 : i32
      %dma_start3A_404 = arith.constant 0 : i32
      %dma_start3A_405 = tpu.memref_slice %arg8[%dma_start3A_403, %dma_start3A_404] : memref<200x64xf32, #tpu.memory_space<vmem>> -> memref<72x64xf32, #tpu.memory_space<vmem>>
      %dma_start3A_406 = tpu.memref_slice %arg5[%add3A_402] : memref<25600xi32, #tpu.memory_space<vmem>> -> memref<72xi32, #tpu.memory_space<vmem>>
      %dma_start3A_407 = arith.constant 0 : i32
      %dma_start3A_408 = arith.constant 0 : i32
      %dma_start3A_409 = tpu.memref_slice %arg3[%dma_start3A_407, %dma_start3A_408] : memref<1000000x64xf32, #tpu.memory_space<hbm>> -> memref<1000000x64xf32, #tpu.memory_space<hbm>>
      tpu.enqueue_indirect_dma source(%dma_start3A_409 : memref<1000000x64xf32, #tpu.memory_space<hbm>>) target(%dma_start3A_405 : memref<72x64xf32, #tpu.memory_space<vmem>>) offsets(%dma_start3A_406 : memref<72xi32, #tpu.memory_space<vmem>>) semaphore(%arg12 : memref<!tpu.dma_semaphore, #tpu.memory_space<semaphore_mem>>)
      %dma_wait3A_410 = arith.constant 0 : i32
      %dma_wait3A_411 = arith.constant 0 : i32
      %dma_wait3A_412 = tpu.memref_slice %arg6[%dma_wait3A_410, %dma_wait3A_411] : memref<200x64xf32, #tpu.memory_space<vmem>> -> memref<128x64xf32, #tpu.memory_space<vmem>>
      %dma_wait3A_413 = arith.constant 0 : i32
      %dma_wait3A_414 = tpu.memref_slice %arg5[%dma_wait3A_413] : memref<25600xi32, #tpu.memory_space<vmem>> -> memref<128xi32, #tpu.memory_space<vmem>>
      %dma_wait3A_415 = arith.constant 0 : i32
      %dma_wait3A_416 = arith.constant 0 : i32
      %dma_wait3A_417 = tpu.memref_slice %arg3[%dma_wait3A_415, %dma_wait3A_416] : memref<1000000x64xf32, #tpu.memory_space<hbm>> -> memref<1000000x64xf32, #tpu.memory_space<hbm>>
      tpu.wait_indirect_dma semaphore(%arg10 : memref<!tpu.dma_semaphore, #tpu.memory_space<semaphore_mem>>) src(%dma_wait3A_417 : memref<1000000x64xf32, #tpu.memory_space<hbm>>) dst(%dma_wait3A_412 : memref<128x64xf32, #tpu.memory_space<vmem>>)
      %dma_wait3A_418 = arith.constant 128 : i32
      %dma_wait3A_419 = arith.constant 0 : i32
      %dma_wait3A_420 = tpu.memref_slice %arg6[%dma_wait3A_418, %dma_wait3A_419] : memref<200x64xf32, #tpu.memory_space<vmem>> -> memref<72x64xf32, #tpu.memory_space<vmem>>
      %dma_wait3A_421 = arith.constant 0 : i32
      %dma_wait3A_422 = tpu.memref_slice %arg5[%dma_wait3A_421] : memref<25600xi32, #tpu.memory_space<vmem>> -> memref<72xi32, #tpu.memory_space<vmem>>
      %dma_wait3A_423 = arith.constant 0 : i32
      %dma_wait3A_424 = arith.constant 0 : i32
      %dma_wait3A_425 = tpu.memref_slice %arg3[%dma_wait3A_423, %dma_wait3A_424] : memref<1000000x64xf32, #tpu.memory_space<hbm>> -> memref<1000000x64xf32, #tpu.memory_space<hbm>>
      tpu.wait_indirect_dma semaphore(%arg10 : memref<!tpu.dma_semaphore, #tpu.memory_space<semaphore_mem>>) src(%dma_wait3A_425 : memref<1000000x64xf32, #tpu.memory_space<hbm>>) dst(%dma_wait3A_420 : memref<72x64xf32, #tpu.memory_space<vmem>>)
      %scan3A_426 = arith.constant 0 : i32
      %scan3A_427 = arith.constant 0 : i32
      %scan3A_428 = arith.constant 200 : i32
      %scan3A_429 = arith.addi %scan3A_427, %scan3A_428 : i32
      %scan3A_430 = arith.constant 8 : i32
      scf.for %scan3A_509 = %scan3A_427 to %scan3A_429 step %scan3A_430  : i32 {
        %get3A = arith.index_cast %scan3A_509 : i32 to index
        %get3A_510 = arith.constant 0 : index
        %get3A_511 = tpu.vector_load %arg6[%get3A, %get3A_510] {strides = array<i32>} : memref<200x64xf32, #tpu.memory_space<vmem>>, vector<1x16xf32>,
        %get3A_512 = vector.shape_cast %get3A_511 : vector<1x16xf32> to vector<16xf32>
        %mul3A_513 = arith.constant 8.000000e+00 : f32
        %mul3A_514 = vector.broadcast %mul3A_513 : f32 to vector<16xf32>
        %mul3A_515 = arith.mulf %get3A_512, %mul3A_514 : vector<16xf32>
        %swap3A = arith.index_cast %scan3A_509 : i32 to index
        %swap3A_516 = arith.constant 0 : index
        %swap3A_517 = tpu.vector_load %arg6[%swap3A, %swap3A_516] {strides = array<i32>} : memref<200x64xf32, #tpu.memory_space<vmem>>, vector<1x16xf32>,
        %swap3A_518 = vector.shape_cast %swap3A_517 : vector<1x16xf32> to vector<16xf32>
        %swap3A_519 = vector.shape_cast %mul3A_515 : vector<16xf32> to vector<1x16xf32>
        tpu.vector_store %arg6[%swap3A, %swap3A_516], %swap3A_519 {strides = array<i32>} : memref<200x64xf32, #tpu.memory_space<vmem>>, vector<1x16xf32>,
        %get3A_520 = arith.index_cast %scan3A_509 : i32 to index
        %get3A_521 = arith.constant 16 : index
        %get3A_522 = tpu.vector_load %arg6[%get3A_520, %get3A_521] {strides = array<i32>} : memref<200x64xf32, #tpu.memory_space<vmem>>, vector<1x16xf32>,
        %get3A_523 = vector.shape_cast %get3A_522 : vector<1x16xf32> to vector<16xf32>
        %mul3A_524 = arith.constant 8.000000e+00 : f32
        %mul3A_525 = vector.broadcast %mul3A_524 : f32 to vector<16xf32>
        %mul3A_526 = arith.mulf %get3A_523, %mul3A_525 : vector<16xf32>
        %swap3A_527 = arith.index_cast %scan3A_509 : i32 to index
        %swap3A_528 = arith.constant 16 : index
        %swap3A_529 = tpu.vector_load %arg6[%swap3A_527, %swap3A_528] {strides = array<i32>} : memref<200x64xf32, #tpu.memory_space<vmem>>, vector<1x16xf32>,
        %swap3A_530 = vector.shape_cast %swap3A_529 : vector<1x16xf32> to vector<16xf32>
        %swap3A_531 = vector.shape_cast %mul3A_526 : vector<16xf32> to vector<1x16xf32>
        tpu.vector_store %arg6[%swap3A_527, %swap3A_528], %swap3A_531 {strides = array<i32>} : memref<200x64xf32, #tpu.memory_space<vmem>>, vector<1x16xf32>,
        %get3A_532 = arith.index_cast %scan3A_509 : i32 to index
        %get3A_533 = arith.constant 32 : index
        %get3A_534 = tpu.vector_load %arg6[%get3A_532, %get3A_533] {strides = array<i32>} : memref<200x64xf32, #tpu.memory_space<vmem>>, vector<1x16xf32>,
        %get3A_535 = vector.shape_cast %get3A_534 : vector<1x16xf32> to vector<16xf32>
        %mul3A_536 = arith.constant 8.000000e+00 : f32
        %mul3A_537 = vector.broadcast %mul3A_536 : f32 to vector<16xf32>
        %mul3A_538 = arith.mulf %get3A_535, %mul3A_537 : vector<16xf32>
        %swap3A_539 = arith.index_cast %scan3A_509 : i32 to index
        %swap3A_540 = arith.constant 32 : index
        %swap3A_541 = tpu.vector_load %arg6[%swap3A_539, %swap3A_540] {strides = array<i32>} : memref<200x64xf32, #tpu.memory_space<vmem>>, vector<1x16xf32>,
        %swap3A_542 = vector.shape_cast %swap3A_541 : vector<1x16xf32> to vector<16xf32>
        %swap3A_543 = vector.shape_cast %mul3A_538 : vector<16xf32> to vector<1x16xf32>
        tpu.vector_store %arg6[%swap3A_539, %swap3A_540], %swap3A_543 {strides = array<i32>} : memref<200x64xf32, #tpu.memory_space<vmem>>, vector<1x16xf32>,
        %get3A_544 = arith.index_cast %scan3A_509 : i32 to index
        %get3A_545 = arith.constant 48 : index
        %get3A_546 = tpu.vector_load %arg6[%get3A_544, %get3A_545] {strides = array<i32>} : memref<200x64xf32, #tpu.memory_space<vmem>>, vector<1x16xf32>,
        %get3A_547 = vector.shape_cast %get3A_546 : vector<1x16xf32> to vector<16xf32>
        %mul3A_548 = arith.constant 8.000000e+00 : f32
        %mul3A_549 = vector.broadcast %mul3A_548 : f32 to vector<16xf32>
        %mul3A_550 = arith.mulf %get3A_547, %mul3A_549 : vector<16xf32>
        %swap3A_551 = arith.index_cast %scan3A_509 : i32 to index
        %swap3A_552 = arith.constant 48 : index
        %swap3A_553 = tpu.vector_load %arg6[%swap3A_551, %swap3A_552] {strides = array<i32>} : memref<200x64xf32, #tpu.memory_space<vmem>>, vector<1x16xf32>,
        %swap3A_554 = vector.shape_cast %swap3A_553 : vector<1x16xf32> to vector<16xf32>
        %swap3A_555 = vector.shape_cast %mul3A_550 : vector<16xf32> to vector<1x16xf32>
        tpu.vector_store %arg6[%swap3A_551, %swap3A_552], %swap3A_555 {strides = array<i32>} : memref<200x64xf32, #tpu.memory_space<vmem>>, vector<1x16xf32>,
        %scan3A_556 = arith.constant 1 : i32
        %scan3A_557 = arith.addi %scan3A_509, %scan3A_556 : i32
        %get3A_558 = arith.index_cast %scan3A_557 : i32 to index
        %get3A_559 = arith.constant 0 : index
        %get3A_560 = tpu.vector_load %arg6[%get3A_558, %get3A_559] {strides = array<i32>} : memref<200x64xf32, #tpu.memory_space<vmem>>, vector<1x16xf32>,
        %get3A_561 = vector.shape_cast %get3A_560 : vector<1x16xf32> to vector<16xf32>
        %mul3A_562 = arith.constant 8.000000e+00 : f32
        %mul3A_563 = vector.broadcast %mul3A_562 : f32 to vector<16xf32>
        %mul3A_564 = arith.mulf %get3A_561, %mul3A_563 : vector<16xf32>
        %swap3A_565 = arith.index_cast %scan3A_557 : i32 to index
        %swap3A_566 = arith.constant 0 : index
        %swap3A_567 = tpu.vector_load %arg6[%swap3A_565, %swap3A_566] {strides = array<i32>} : memref<200x64xf32, #tpu.memory_space<vmem>>, vector<1x16xf32>,
        %swap3A_568 = vector.shape_cast %swap3A_567 : vector<1x16xf32> to vector<16xf32>
        %swap3A_569 = vector.shape_cast %mul3A_564 : vector<16xf32> to vector<1x16xf32>
        tpu.vector_store %arg6[%swap3A_565, %swap3A_566], %swap3A_569 {strides = array<i32>} : memref<200x64xf32, #tpu.memory_space<vmem>>, vector<1x16xf32>,
        %get3A_570 = arith.index_cast %scan3A_557 : i32 to index
        %get3A_571 = arith.constant 16 : index
        %get3A_572 = tpu.vector_load %arg6[%get3A_570, %get3A_571] {strides = array<i32>} : memref<200x64xf32, #tpu.memory_space<vmem>>, vector<1x16xf32>,
        %get3A_573 = vector.shape_cast %get3A_572 : vector<1x16xf32> to vector<16xf32>
        %mul3A_574 = arith.constant 8.000000e+00 : f32
        %mul3A_575 = vector.broadcast %mul3A_574 : f32 to vector<16xf32>
        %mul3A_576 = arith.mulf %get3A_573, %mul3A_575 : vector<16xf32>
        %swap3A_577 = arith.index_cast %scan3A_557 : i32 to index
        %swap3A_578 = arith.constant 16 : index
        %swap3A_579 = tpu.vector_load %arg6[%swap3A_577, %swap3A_578] {strides = array<i32>} : memref<200x64xf32, #tpu.memory_space<vmem>>, vector<1x16xf32>,
        %swap3A_580 = vector.shape_cast %swap3A_579 : vector<1x16xf32> to vector<16xf32>
        %swap3A_581 = vector.shape_cast %mul3A_576 : vector<16xf32> to vector<1x16xf32>
        tpu.vector_store %arg6[%swap3A_577, %swap3A_578], %swap3A_581 {strides = array<i32>} : memref<200x64xf32, #tpu.memory_space<vmem>>, vector<1x16xf32>,
        %get3A_582 = arith.index_cast %scan3A_557 : i32 to index
        %get3A_583 = arith.constant 32 : index
        %get3A_584 = tpu.vector_load %arg6[%get3A_582, %get3A_583] {strides = array<i32>} : memref<200x64xf32, #tpu.memory_space<vmem>>, vector<1x16xf32>,
        %get3A_585 = vector.shape_cast %get3A_584 : vector<1x16xf32> to vector<16xf32>
        %mul3A_586 = arith.constant 8.000000e+00 : f32
        %mul3A_587 = vector.broadcast %mul3A_586 : f32 to vector<16xf32>
        %mul3A_588 = arith.mulf %get3A_585, %mul3A_587 : vector<16xf32>
        %swap3A_589 = arith.index_cast %scan3A_557 : i32 to index
        %swap3A_590 = arith.constant 32 : index
        %swap3A_591 = tpu.vector_load %arg6[%swap3A_589, %swap3A_590] {strides = array<i32>} : memref<200x64xf32, #tpu.memory_space<vmem>>, vector<1x16xf32>,
        %swap3A_592 = vector.shape_cast %swap3A_591 : vector<1x16xf32> to vector<16xf32>
        %swap3A_593 = vector.shape_cast %mul3A_588 : vector<16xf32> to vector<1x16xf32>
        tpu.vector_store %arg6[%swap3A_589, %swap3A_590], %swap3A_593 {strides = array<i32>} : memref<200x64xf32, #tpu.memory_space<vmem>>, vector<1x16xf32>,
        %get3A_594 = arith.index_cast %scan3A_557 : i32 to index
        %get3A_595 = arith.constant 48 : index
        %get3A_596 = tpu.vector_load %arg6[%get3A_594, %get3A_595] {strides = array<i32>} : memref<200x64xf32, #tpu.memory_space<vmem>>, vector<1x16xf32>,
        %get3A_597 = vector.shape_cast %get3A_596 : vector<1x16xf32> to vector<16xf32>
        %mul3A_598 = arith.constant 8.000000e+00 : f32
        %mul3A_599 = vector.broadcast %mul3A_598 : f32 to vector<16xf32>
        %mul3A_600 = arith.mulf %get3A_597, %mul3A_599 : vector<16xf32>
        %swap3A_601 = arith.index_cast %scan3A_557 : i32 to index
        %swap3A_602 = arith.constant 48 : index
        %swap3A_603 = tpu.vector_load %arg6[%swap3A_601, %swap3A_602] {strides = array<i32>} : memref<200x64xf32, #tpu.memory_space<vmem>>, vector<1x16xf32>,
        %swap3A_604 = vector.shape_cast %swap3A_603 : vector<1x16xf32> to vector<16xf32>
        %swap3A_605 = vector.shape_cast %mul3A_600 : vector<16xf32> to vector<1x16xf32>
        tpu.vector_store %arg6[%swap3A_601, %swap3A_602], %swap3A_605 {strides = array<i32>} : memref<200x64xf32, #tpu.memory_space<vmem>>, vector<1x16xf32>,
        %scan3A_606 = arith.constant 2 : i32
        %scan3A_607 = arith.addi %scan3A_509, %scan3A_606 : i32
        %get3A_608 = arith.index_cast %scan3A_607 : i32 to index
        %get3A_609 = arith.constant 0 : index
        %get3A_610 = tpu.vector_load %arg6[%get3A_608, %get3A_609] {strides = array<i32>} : memref<200x64xf32, #tpu.memory_space<vmem>>, vector<1x16xf32>,
        %get3A_611 = vector.shape_cast %get3A_610 : vector<1x16xf32> to vector<16xf32>
        %mul3A_612 = arith.constant 8.000000e+00 : f32
        %mul3A_613 = vector.broadcast %mul3A_612 : f32 to vector<16xf32>
        %mul3A_614 = arith.mulf %get3A_611, %mul3A_613 : vector<16xf32>
        %swap3A_615 = arith.index_cast %scan3A_607 : i32 to index
        %swap3A_616 = arith.constant 0 : index
        %swap3A_617 = tpu.vector_load %arg6[%swap3A_615, %swap3A_616] {strides = array<i32>} : memref<200x64xf32, #tpu.memory_space<vmem>>, vector<1x16xf32>,
        %swap3A_618 = vector.shape_cast %swap3A_617 : vector<1x16xf32> to vector<16xf32>
        %swap3A_619 = vector.shape_cast %mul3A_614 : vector<16xf32> to vector<1x16xf32>
        tpu.vector_store %arg6[%swap3A_615, %swap3A_616], %swap3A_619 {strides = array<i32>} : memref<200x64xf32, #tpu.memory_space<vmem>>, vector<1x16xf32>,
        %get3A_620 = arith.index_cast %scan3A_607 : i32 to index
        %get3A_621 = arith.constant 16 : index
        %get3A_622 = tpu.vector_load %arg6[%get3A_620, %get3A_621] {strides = array<i32>} : memref<200x64xf32, #tpu.memory_space<vmem>>, vector<1x16xf32>,
        %get3A_623 = vector.shape_cast %get3A_622 : vector<1x16xf32> to vector<16xf32>
        %mul3A_624 = arith.constant 8.000000e+00 : f32
        %mul3A_625 = vector.broadcast %mul3A_624 : f32 to vector<16xf32>
        %mul3A_626 = arith.mulf %get3A_623, %mul3A_625 : vector<16xf32>
        %swap3A_627 = arith.index_cast %scan3A_607 : i32 to index
        %swap3A_628 = arith.constant 16 : index
        %swap3A_629 = tpu.vector_load %arg6[%swap3A_627, %swap3A_628] {strides = array<i32>} : memref<200x64xf32, #tpu.memory_space<vmem>>, vector<1x16xf32>,
        %swap3A_630 = vector.shape_cast %swap3A_629 : vector<1x16xf32> to vector<16xf32>
        %swap3A_631 = vector.shape_cast %mul3A_626 : vector<16xf32> to vector<1x16xf32>
        tpu.vector_store %arg6[%swap3A_627, %swap3A_628], %swap3A_631 {strides = array<i32>} : memref<200x64xf32, #tpu.memory_space<vmem>>, vector<1x16xf32>,
        %get3A_632 = arith.index_cast %scan3A_607 : i32 to index
        %get3A_633 = arith.constant 32 : index
        %get3A_634 = tpu.vector_load %arg6[%get3A_632, %get3A_633] {strides = array<i32>} : memref<200x64xf32, #tpu.memory_space<vmem>>, vector<1x16xf32>,
        %get3A_635 = vector.shape_cast %get3A_634 : vector<1x16xf32> to vector<16xf32>
        %mul3A_636 = arith.constant 8.000000e+00 : f32
        %mul3A_637 = vector.broadcast %mul3A_636 : f32 to vector<16xf32>
        %mul3A_638 = arith.mulf %get3A_635, %mul3A_637 : vector<16xf32>
        %swap3A_639 = arith.index_cast %scan3A_607 : i32 to index
        %swap3A_640 = arith.constant 32 : index
        %swap3A_641 = tpu.vector_load %arg6[%swap3A_639, %swap3A_640] {strides = array<i32>} : memref<200x64xf32, #tpu.memory_space<vmem>>, vector<1x16xf32>,
        %swap3A_642 = vector.shape_cast %swap3A_641 : vector<1x16xf32> to vector<16xf32>
        %swap3A_643 = vector.shape_cast %mul3A_638 : vector<16xf32> to vector<1x16xf32>
        tpu.vector_store %arg6[%swap3A_639, %swap3A_640], %swap3A_643 {strides = array<i32>} : memref<200x64xf32, #tpu.memory_space<vmem>>, vector<1x16xf32>,
        %get3A_644 = arith.index_cast %scan3A_607 : i32 to index
        %get3A_645 = arith.constant 48 : index
        %get3A_646 = tpu.vector_load %arg6[%get3A_644, %get3A_645] {strides = array<i32>} : memref<200x64xf32, #tpu.memory_space<vmem>>, vector<1x16xf32>,
        %get3A_647 = vector.shape_cast %get3A_646 : vector<1x16xf32> to vector<16xf32>
        %mul3A_648 = arith.constant 8.000000e+00 : f32
        %mul3A_649 = vector.broadcast %mul3A_648 : f32 to vector<16xf32>
        %mul3A_650 = arith.mulf %get3A_647, %mul3A_649 : vector<16xf32>
        %swap3A_651 = arith.index_cast %scan3A_607 : i32 to index
        %swap3A_652 = arith.constant 48 : index
        %swap3A_653 = tpu.vector_load %arg6[%swap3A_651, %swap3A_652] {strides = array<i32>} : memref<200x64xf32, #tpu.memory_space<vmem>>, vector<1x16xf32>,
        %swap3A_654 = vector.shape_cast %swap3A_653 : vector<1x16xf32> to vector<16xf32>
        %swap3A_655 = vector.shape_cast %mul3A_650 : vector<16xf32> to vector<1x16xf32>
        tpu.vector_store %arg6[%swap3A_651, %swap3A_652], %swap3A_655 {strides = array<i32>} : memref<200x64xf32, #tpu.memory_space<vmem>>, vector<1x16xf32>,
        %scan3A_656 = arith.constant 3 : i32
        %scan3A_657 = arith.addi %scan3A_509, %scan3A_656 : i32
        %get3A_658 = arith.index_cast %scan3A_657 : i32 to index
        %get3A_659 = arith.constant 0 : index
        %get3A_660 = tpu.vector_load %arg6[%get3A_658, %get3A_659] {strides = array<i32>} : memref<200x64xf32, #tpu.memory_space<vmem>>, vector<1x16xf32>,
        %get3A_661 = vector.shape_cast %get3A_660 : vector<1x16xf32> to vector<16xf32>
        %mul3A_662 = arith.constant 8.000000e+00 : f32
        %mul3A_663 = vector.broadcast %mul3A_662 : f32 to vector<16xf32>
        %mul3A_664 = arith.mulf %get3A_661, %mul3A_663 : vector<16xf32>
        %swap3A_665 = arith.index_cast %scan3A_657 : i32 to index
        %swap3A_666 = arith.constant 0 : index
        %swap3A_667 = tpu.vector_load %arg6[%swap3A_665, %swap3A_666] {strides = array<i32>} : memref<200x64xf32, #tpu.memory_space<vmem>>, vector<1x16xf32>,
        %swap3A_668 = vector.shape_cast %swap3A_667 : vector<1x16xf32> to vector<16xf32>
        %swap3A_669 = vector.shape_cast %mul3A_664 : vector<16xf32> to vector<1x16xf32>
        tpu.vector_store %arg6[%swap3A_665, %swap3A_666], %swap3A_669 {strides = array<i32>} : memref<200x64xf32, #tpu.memory_space<vmem>>, vector<1x16xf32>,
        %get3A_670 = arith.index_cast %scan3A_657 : i32 to index
        %get3A_671 = arith.constant 16 : index
        %get3A_672 = tpu.vector_load %arg6[%get3A_670, %get3A_671] {strides = array<i32>} : memref<200x64xf32, #tpu.memory_space<vmem>>, vector<1x16xf32>,
        %get3A_673 = vector.shape_cast %get3A_672 : vector<1x16xf32> to vector<16xf32>
        %mul3A_674 = arith.constant 8.000000e+00 : f32
        %mul3A_675 = vector.broadcast %mul3A_674 : f32 to vector<16xf32>
        %mul3A_676 = arith.mulf %get3A_673, %mul3A_675 : vector<16xf32>
        %swap3A_677 = arith.index_cast %scan3A_657 : i32 to index
        %swap3A_678 = arith.constant 16 : index
        %swap3A_679 = tpu.vector_load %arg6[%swap3A_677, %swap3A_678] {strides = array<i32>} : memref<200x64xf32, #tpu.memory_space<vmem>>, vector<1x16xf32>,
        %swap3A_680 = vector.shape_cast %swap3A_679 : vector<1x16xf32> to vector<16xf32>
        %swap3A_681 = vector.shape_cast %mul3A_676 : vector<16xf32> to vector<1x16xf32>
        tpu.vector_store %arg6[%swap3A_677, %swap3A_678], %swap3A_681 {strides = array<i32>} : memref<200x64xf32, #tpu.memory_space<vmem>>, vector<1x16xf32>,
        %get3A_682 = arith.index_cast %scan3A_657 : i32 to index
        %get3A_683 = arith.constant 32 : index
        %get3A_684 = tpu.vector_load %arg6[%get3A_682, %get3A_683] {strides = array<i32>} : memref<200x64xf32, #tpu.memory_space<vmem>>, vector<1x16xf32>,
        %get3A_685 = vector.shape_cast %get3A_684 : vector<1x16xf32> to vector<16xf32>
        %mul3A_686 = arith.constant 8.000000e+00 : f32
        %mul3A_687 = vector.broadcast %mul3A_686 : f32 to vector<16xf32>
        %mul3A_688 = arith.mulf %get3A_685, %mul3A_687 : vector<16xf32>
        %swap3A_689 = arith.index_cast %scan3A_657 : i32 to index
        %swap3A_690 = arith.constant 32 : index
        %swap3A_691 = tpu.vector_load %arg6[%swap3A_689, %swap3A_690] {strides = array<i32>} : memref<200x64xf32, #tpu.memory_space<vmem>>, vector<1x16xf32>,
        %swap3A_692 = vector.shape_cast %swap3A_691 : vector<1x16xf32> to vector<16xf32>
        %swap3A_693 = vector.shape_cast %mul3A_688 : vector<16xf32> to vector<1x16xf32>
        tpu.vector_store %arg6[%swap3A_689, %swap3A_690], %swap3A_693 {strides = array<i32>} : memref<200x64xf32, #tpu.memory_space<vmem>>, vector<1x16xf32>,
        %get3A_694 = arith.index_cast %scan3A_657 : i32 to index
        %get3A_695 = arith.constant 48 : index
        %get3A_696 = tpu.vector_load %arg6[%get3A_694, %get3A_695] {strides = array<i32>} : memref<200x64xf32, #tpu.memory_space<vmem>>, vector<1x16xf32>,
        %get3A_697 = vector.shape_cast %get3A_696 : vector<1x16xf32> to vector<16xf32>
        %mul3A_698 = arith.constant 8.000000e+00 : f32
        %mul3A_699 = vector.broadcast %mul3A_698 : f32 to vector<16xf32>
        %mul3A_700 = arith.mulf %get3A_697, %mul3A_699 : vector<16xf32>
        %swap3A_701 = arith.index_cast %scan3A_657 : i32 to index
        %swap3A_702 = arith.constant 48 : index
        %swap3A_703 = tpu.vector_load %arg6[%swap3A_701, %swap3A_702] {strides = array<i32>} : memref<200x64xf32, #tpu.memory_space<vmem>>, vector<1x16xf32>,
        %swap3A_704 = vector.shape_cast %swap3A_703 : vector<1x16xf32> to vector<16xf32>
        %swap3A_705 = vector.shape_cast %mul3A_700 : vector<16xf32> to vector<1x16xf32>
        tpu.vector_store %arg6[%swap3A_701, %swap3A_702], %swap3A_705 {strides = array<i32>} : memref<200x64xf32, #tpu.memory_space<vmem>>, vector<1x16xf32>,
        %scan3A_706 = arith.constant 4 : i32
        %scan3A_707 = arith.addi %scan3A_509, %scan3A_706 : i32
        %get3A_708 = arith.index_cast %scan3A_707 : i32 to index
        %get3A_709 = arith.constant 0 : index
        %get3A_710 = tpu.vector_load %arg6[%get3A_708, %get3A_709] {strides = array<i32>} : memref<200x64xf32, #tpu.memory_space<vmem>>, vector<1x16xf32>,
        %get3A_711 = vector.shape_cast %get3A_710 : vector<1x16xf32> to vector<16xf32>
        %mul3A_712 = arith.constant 8.000000e+00 : f32
        %mul3A_713 = vector.broadcast %mul3A_712 : f32 to vector<16xf32>
        %mul3A_714 = arith.mulf %get3A_711, %mul3A_713 : vector<16xf32>
        %swap3A_715 = arith.index_cast %scan3A_707 : i32 to index
        %swap3A_716 = arith.constant 0 : index
        %swap3A_717 = tpu.vector_load %arg6[%swap3A_715, %swap3A_716] {strides = array<i32>} : memref<200x64xf32, #tpu.memory_space<vmem>>, vector<1x16xf32>,
        %swap3A_718 = vector.shape_cast %swap3A_717 : vector<1x16xf32> to vector<16xf32>
        %swap3A_719 = vector.shape_cast %mul3A_714 : vector<16xf32> to vector<1x16xf32>
        tpu.vector_store %arg6[%swap3A_715, %swap3A_716], %swap3A_719 {strides = array<i32>} : memref<200x64xf32, #tpu.memory_space<vmem>>, vector<1x16xf32>,
        %get3A_720 = arith.index_cast %scan3A_707 : i32 to index
        %get3A_721 = arith.constant 16 : index
        %get3A_722 = tpu.vector_load %arg6[%get3A_720, %get3A_721] {strides = array<i32>} : memref<200x64xf32, #tpu.memory_space<vmem>>, vector<1x16xf32>,
        %get3A_723 = vector.shape_cast %get3A_722 : vector<1x16xf32> to vector<16xf32>
        %mul3A_724 = arith.constant 8.000000e+00 : f32
        %mul3A_725 = vector.broadcast %mul3A_724 : f32 to vector<16xf32>
        %mul3A_726 = arith.mulf %get3A_723, %mul3A_725 : vector<16xf32>
        %swap3A_727 = arith.index_cast %scan3A_707 : i32 to index
        %swap3A_728 = arith.constant 16 : index
        %swap3A_729 = tpu.vector_load %arg6[%swap3A_727, %swap3A_728] {strides = array<i32>} : memref<200x64xf32, #tpu.memory_space<vmem>>, vector<1x16xf32>,
        %swap3A_730 = vector.shape_cast %swap3A_729 : vector<1x16xf32> to vector<16xf32>
        %swap3A_731 = vector.shape_cast %mul3A_726 : vector<16xf32> to vector<1x16xf32>
        tpu.vector_store %arg6[%swap3A_727, %swap3A_728], %swap3A_731 {strides = array<i32>} : memref<200x64xf32, #tpu.memory_space<vmem>>, vector<1x16xf32>,
        %get3A_732 = arith.index_cast %scan3A_707 : i32 to index
        %get3A_733 = arith.constant 32 : index
        %get3A_734 = tpu.vector_load %arg6[%get3A_732, %get3A_733] {strides = array<i32>} : memref<200x64xf32, #tpu.memory_space<vmem>>, vector<1x16xf32>,
        %get3A_735 = vector.shape_cast %get3A_734 : vector<1x16xf32> to vector<16xf32>
        %mul3A_736 = arith.constant 8.000000e+00 : f32
        %mul3A_737 = vector.broadcast %mul3A_736 : f32 to vector<16xf32>
        %mul3A_738 = arith.mulf %get3A_735, %mul3A_737 : vector<16xf32>
        %swap3A_739 = arith.index_cast %scan3A_707 : i32 to index
        %swap3A_740 = arith.constant 32 : index
        %swap3A_741 = tpu.vector_load %arg6[%swap3A_739, %swap3A_740] {strides = array<i32>} : memref<200x64xf32, #tpu.memory_space<vmem>>, vector<1x16xf32>,
        %swap3A_742 = vector.shape_cast %swap3A_741 : vector<1x16xf32> to vector<16xf32>
        %swap3A_743 = vector.shape_cast %mul3A_738 : vector<16xf32> to vector<1x16xf32>
        tpu.vector_store %arg6[%swap3A_739, %swap3A_740], %swap3A_743 {strides = array<i32>} : memref<200x64xf32, #tpu.memory_space<vmem>>, vector<1x16xf32>,
        %get3A_744 = arith.index_cast %scan3A_707 : i32 to index
        %get3A_745 = arith.constant 48 : index
        %get3A_746 = tpu.vector_load %arg6[%get3A_744, %get3A_745] {strides = array<i32>} : memref<200x64xf32, #tpu.memory_space<vmem>>, vector<1x16xf32>,
        %get3A_747 = vector.shape_cast %get3A_746 : vector<1x16xf32> to vector<16xf32>
        %mul3A_748 = arith.constant 8.000000e+00 : f32
        %mul3A_749 = vector.broadcast %mul3A_748 : f32 to vector<16xf32>
        %mul3A_750 = arith.mulf %get3A_747, %mul3A_749 : vector<16xf32>
        %swap3A_751 = arith.index_cast %scan3A_707 : i32 to index
        %swap3A_752 = arith.constant 48 : index
        %swap3A_753 = tpu.vector_load %arg6[%swap3A_751, %swap3A_752] {strides = array<i32>} : memref<200x64xf32, #tpu.memory_space<vmem>>, vector<1x16xf32>,
        %swap3A_754 = vector.shape_cast %swap3A_753 : vector<1x16xf32> to vector<16xf32>
        %swap3A_755 = vector.shape_cast %mul3A_750 : vector<16xf32> to vector<1x16xf32>
        tpu.vector_store %arg6[%swap3A_751, %swap3A_752], %swap3A_755 {strides = array<i32>} : memref<200x64xf32, #tpu.memory_space<vmem>>, vector<1x16xf32>,
        %scan3A_756 = arith.constant 5 : i32
        %scan3A_757 = arith.addi %scan3A_509, %scan3A_756 : i32
        %get3A_758 = arith.index_cast %scan3A_757 : i32 to index
        %get3A_759 = arith.constant 0 : index
        %get3A_760 = tpu.vector_load %arg6[%get3A_758, %get3A_759] {strides = array<i32>} : memref<200x64xf32, #tpu.memory_space<vmem>>, vector<1x16xf32>,
        %get3A_761 = vector.shape_cast %get3A_760 : vector<1x16xf32> to vector<16xf32>
        %mul3A_762 = arith.constant 8.000000e+00 : f32
        %mul3A_763 = vector.broadcast %mul3A_762 : f32 to vector<16xf32>
        %mul3A_764 = arith.mulf %get3A_761, %mul3A_763 : vector<16xf32>
        %swap3A_765 = arith.index_cast %scan3A_757 : i32 to index
        %swap3A_766 = arith.constant 0 : index
        %swap3A_767 = tpu.vector_load %arg6[%swap3A_765, %swap3A_766] {strides = array<i32>} : memref<200x64xf32, #tpu.memory_space<vmem>>, vector<1x16xf32>,
        %swap3A_768 = vector.shape_cast %swap3A_767 : vector<1x16xf32> to vector<16xf32>
        %swap3A_769 = vector.shape_cast %mul3A_764 : vector<16xf32> to vector<1x16xf32>
        tpu.vector_store %arg6[%swap3A_765, %swap3A_766], %swap3A_769 {strides = array<i32>} : memref<200x64xf32, #tpu.memory_space<vmem>>, vector<1x16xf32>,
        %get3A_770 = arith.index_cast %scan3A_757 : i32 to index
        %get3A_771 = arith.constant 16 : index
        %get3A_772 = tpu.vector_load %arg6[%get3A_770, %get3A_771] {strides = array<i32>} : memref<200x64xf32, #tpu.memory_space<vmem>>, vector<1x16xf32>,
        %get3A_773 = vector.shape_cast %get3A_772 : vector<1x16xf32> to vector<16xf32>
        %mul3A_774 = arith.constant 8.000000e+00 : f32
        %mul3A_775 = vector.broadcast %mul3A_774 : f32 to vector<16xf32>
        %mul3A_776 = arith.mulf %get3A_773, %mul3A_775 : vector<16xf32>
        %swap3A_777 = arith.index_cast %scan3A_757 : i32 to index
        %swap3A_778 = arith.constant 16 : index
        %swap3A_779 = tpu.vector_load %arg6[%swap3A_777, %swap3A_778] {strides = array<i32>} : memref<200x64xf32, #tpu.memory_space<vmem>>, vector<1x16xf32>,
        %swap3A_780 = vector.shape_cast %swap3A_779 : vector<1x16xf32> to vector<16xf32>
        %swap3A_781 = vector.shape_cast %mul3A_776 : vector<16xf32> to vector<1x16xf32>
        tpu.vector_store %arg6[%swap3A_777, %swap3A_778], %swap3A_781 {strides = array<i32>} : memref<200x64xf32, #tpu.memory_space<vmem>>, vector<1x16xf32>,
        %get3A_782 = arith.index_cast %scan3A_757 : i32 to index
        %get3A_783 = arith.constant 32 : index
        %get3A_784 = tpu.vector_load %arg6[%get3A_782, %get3A_783] {strides = array<i32>} : memref<200x64xf32, #tpu.memory_space<vmem>>, vector<1x16xf32>,
        %get3A_785 = vector.shape_cast %get3A_784 : vector<1x16xf32> to vector<16xf32>
        %mul3A_786 = arith.constant 8.000000e+00 : f32
        %mul3A_787 = vector.broadcast %mul3A_786 : f32 to vector<16xf32>
        %mul3A_788 = arith.mulf %get3A_785, %mul3A_787 : vector<16xf32>
        %swap3A_789 = arith.index_cast %scan3A_757 : i32 to index
        %swap3A_790 = arith.constant 32 : index
        %swap3A_791 = tpu.vector_load %arg6[%swap3A_789, %swap3A_790] {strides = array<i32>} : memref<200x64xf32, #tpu.memory_space<vmem>>, vector<1x16xf32>,
        %swap3A_792 = vector.shape_cast %swap3A_791 : vector<1x16xf32> to vector<16xf32>
        %swap3A_793 = vector.shape_cast %mul3A_788 : vector<16xf32> to vector<1x16xf32>
        tpu.vector_store %arg6[%swap3A_789, %swap3A_790], %swap3A_793 {strides = array<i32>} : memref<200x64xf32, #tpu.memory_space<vmem>>, vector<1x16xf32>,
        %get3A_794 = arith.index_cast %scan3A_757 : i32 to index
        %get3A_795 = arith.constant 48 : index
        %get3A_796 = tpu.vector_load %arg6[%get3A_794, %get3A_795] {strides = array<i32>} : memref<200x64xf32, #tpu.memory_space<vmem>>, vector<1x16xf32>,
        %get3A_797 = vector.shape_cast %get3A_796 : vector<1x16xf32> to vector<16xf32>
        %mul3A_798 = arith.constant 8.000000e+00 : f32
        %mul3A_799 = vector.broadcast %mul3A_798 : f32 to vector<16xf32>
        %mul3A_800 = arith.mulf %get3A_797, %mul3A_799 : vector<16xf32>
        %swap3A_801 = arith.index_cast %scan3A_757 : i32 to index
        %swap3A_802 = arith.constant 48 : index
        %swap3A_803 = tpu.vector_load %arg6[%swap3A_801, %swap3A_802] {strides = array<i32>} : memref<200x64xf32, #tpu.memory_space<vmem>>, vector<1x16xf32>,
        %swap3A_804 = vector.shape_cast %swap3A_803 : vector<1x16xf32> to vector<16xf32>
        %swap3A_805 = vector.shape_cast %mul3A_800 : vector<16xf32> to vector<1x16xf32>
        tpu.vector_store %arg6[%swap3A_801, %swap3A_802], %swap3A_805 {strides = array<i32>} : memref<200x64xf32, #tpu.memory_space<vmem>>, vector<1x16xf32>,
        %scan3A_806 = arith.constant 6 : i32
        %scan3A_807 = arith.addi %scan3A_509, %scan3A_806 : i32
        %get3A_808 = arith.index_cast %scan3A_807 : i32 to index
        %get3A_809 = arith.constant 0 : index
        %get3A_810 = tpu.vector_load %arg6[%get3A_808, %get3A_809] {strides = array<i32>} : memref<200x64xf32, #tpu.memory_space<vmem>>, vector<1x16xf32>,
        %get3A_811 = vector.shape_cast %get3A_810 : vector<1x16xf32> to vector<16xf32>
        %mul3A_812 = arith.constant 8.000000e+00 : f32
        %mul3A_813 = vector.broadcast %mul3A_812 : f32 to vector<16xf32>
        %mul3A_814 = arith.mulf %get3A_811, %mul3A_813 : vector<16xf32>
        %swap3A_815 = arith.index_cast %scan3A_807 : i32 to index
        %swap3A_816 = arith.constant 0 : index
        %swap3A_817 = tpu.vector_load %arg6[%swap3A_815, %swap3A_816] {strides = array<i32>} : memref<200x64xf32, #tpu.memory_space<vmem>>, vector<1x16xf32>,
        %swap3A_818 = vector.shape_cast %swap3A_817 : vector<1x16xf32> to vector<16xf32>
        %swap3A_819 = vector.shape_cast %mul3A_814 : vector<16xf32> to vector<1x16xf32>
        tpu.vector_store %arg6[%swap3A_815, %swap3A_816], %swap3A_819 {strides = array<i32>} : memref<200x64xf32, #tpu.memory_space<vmem>>, vector<1x16xf32>,
        %get3A_820 = arith.index_cast %scan3A_807 : i32 to index
        %get3A_821 = arith.constant 16 : index
        %get3A_822 = tpu.vector_load %arg6[%get3A_820, %get3A_821] {strides = array<i32>} : memref<200x64xf32, #tpu.memory_space<vmem>>, vector<1x16xf32>,
        %get3A_823 = vector.shape_cast %get3A_822 : vector<1x16xf32> to vector<16xf32>
        %mul3A_824 = arith.constant 8.000000e+00 : f32
        %mul3A_825 = vector.broadcast %mul3A_824 : f32 to vector<16xf32>
        %mul3A_826 = arith.mulf %get3A_823, %mul3A_825 : vector<16xf32>
        %swap3A_827 = arith.index_cast %scan3A_807 : i32 to index
        %swap3A_828 = arith.constant 16 : index
        %swap3A_829 = tpu.vector_load %arg6[%swap3A_827, %swap3A_828] {strides = array<i32>} : memref<200x64xf32, #tpu.memory_space<vmem>>, vector<1x16xf32>,
        %swap3A_830 = vector.shape_cast %swap3A_829 : vector<1x16xf32> to vector<16xf32>
        %swap3A_831 = vector.shape_cast %mul3A_826 : vector<16xf32> to vector<1x16xf32>
        tpu.vector_store %arg6[%swap3A_827, %swap3A_828], %swap3A_831 {strides = array<i32>} : memref<200x64xf32, #tpu.memory_space<vmem>>, vector<1x16xf32>,
        %get3A_832 = arith.index_cast %scan3A_807 : i32 to index
        %get3A_833 = arith.constant 32 : index
        %get3A_834 = tpu.vector_load %arg6[%get3A_832, %get3A_833] {strides = array<i32>} : memref<200x64xf32, #tpu.memory_space<vmem>>, vector<1x16xf32>,
        %get3A_835 = vector.shape_cast %get3A_834 : vector<1x16xf32> to vector<16xf32>
        %mul3A_836 = arith.constant 8.000000e+00 : f32
        %mul3A_837 = vector.broadcast %mul3A_836 : f32 to vector<16xf32>
        %mul3A_838 = arith.mulf %get3A_835, %mul3A_837 : vector<16xf32>
        %swap3A_839 = arith.index_cast %scan3A_807 : i32 to index
        %swap3A_840 = arith.constant 32 : index
        %swap3A_841 = tpu.vector_load %arg6[%swap3A_839, %swap3A_840] {strides = array<i32>} : memref<200x64xf32, #tpu.memory_space<vmem>>, vector<1x16xf32>,
        %swap3A_842 = vector.shape_cast %swap3A_841 : vector<1x16xf32> to vector<16xf32>
        %swap3A_843 = vector.shape_cast %mul3A_838 : vector<16xf32> to vector<1x16xf32>
        tpu.vector_store %arg6[%swap3A_839, %swap3A_840], %swap3A_843 {strides = array<i32>} : memref<200x64xf32, #tpu.memory_space<vmem>>, vector<1x16xf32>,
        %get3A_844 = arith.index_cast %scan3A_807 : i32 to index
        %get3A_845 = arith.constant 48 : index
        %get3A_846 = tpu.vector_load %arg6[%get3A_844, %get3A_845] {strides = array<i32>} : memref<200x64xf32, #tpu.memory_space<vmem>>, vector<1x16xf32>,
        %get3A_847 = vector.shape_cast %get3A_846 : vector<1x16xf32> to vector<16xf32>
        %mul3A_848 = arith.constant 8.000000e+00 : f32
        %mul3A_849 = vector.broadcast %mul3A_848 : f32 to vector<16xf32>
        %mul3A_850 = arith.mulf %get3A_847, %mul3A_849 : vector<16xf32>
        %swap3A_851 = arith.index_cast %scan3A_807 : i32 to index
        %swap3A_852 = arith.constant 48 : index
        %swap3A_853 = tpu.vector_load %arg6[%swap3A_851, %swap3A_852] {strides = array<i32>} : memref<200x64xf32, #tpu.memory_space<vmem>>, vector<1x16xf32>,
        %swap3A_854 = vector.shape_cast %swap3A_853 : vector<1x16xf32> to vector<16xf32>
        %swap3A_855 = vector.shape_cast %mul3A_850 : vector<16xf32> to vector<1x16xf32>
        tpu.vector_store %arg6[%swap3A_851, %swap3A_852], %swap3A_855 {strides = array<i32>} : memref<200x64xf32, #tpu.memory_space<vmem>>, vector<1x16xf32>,
        %scan3A_856 = arith.constant 7 : i32
        %scan3A_857 = arith.addi %scan3A_509, %scan3A_856 : i32
        %get3A_858 = arith.index_cast %scan3A_857 : i32 to index
        %get3A_859 = arith.constant 0 : index
        %get3A_860 = tpu.vector_load %arg6[%get3A_858, %get3A_859] {strides = array<i32>} : memref<200x64xf32, #tpu.memory_space<vmem>>, vector<1x16xf32>,
        %get3A_861 = vector.shape_cast %get3A_860 : vector<1x16xf32> to vector<16xf32>
        %mul3A_862 = arith.constant 8.000000e+00 : f32
        %mul3A_863 = vector.broadcast %mul3A_862 : f32 to vector<16xf32>
        %mul3A_864 = arith.mulf %get3A_861, %mul3A_863 : vector<16xf32>
        %swap3A_865 = arith.index_cast %scan3A_857 : i32 to index
        %swap3A_866 = arith.constant 0 : index
        %swap3A_867 = tpu.vector_load %arg6[%swap3A_865, %swap3A_866] {strides = array<i32>} : memref<200x64xf32, #tpu.memory_space<vmem>>, vector<1x16xf32>,
        %swap3A_868 = vector.shape_cast %swap3A_867 : vector<1x16xf32> to vector<16xf32>
        %swap3A_869 = vector.shape_cast %mul3A_864 : vector<16xf32> to vector<1x16xf32>
        tpu.vector_store %arg6[%swap3A_865, %swap3A_866], %swap3A_869 {strides = array<i32>} : memref<200x64xf32, #tpu.memory_space<vmem>>, vector<1x16xf32>,
        %get3A_870 = arith.index_cast %scan3A_857 : i32 to index
        %get3A_871 = arith.constant 16 : index
        %get3A_872 = tpu.vector_load %arg6[%get3A_870, %get3A_871] {strides = array<i32>} : memref<200x64xf32, #tpu.memory_space<vmem>>, vector<1x16xf32>,
        %get3A_873 = vector.shape_cast %get3A_872 : vector<1x16xf32> to vector<16xf32>
        %mul3A_874 = arith.constant 8.000000e+00 : f32
        %mul3A_875 = vector.broadcast %mul3A_874 : f32 to vector<16xf32>
        %mul3A_876 = arith.mulf %get3A_873, %mul3A_875 : vector<16xf32>
        %swap3A_877 = arith.index_cast %scan3A_857 : i32 to index
        %swap3A_878 = arith.constant 16 : index
        %swap3A_879 = tpu.vector_load %arg6[%swap3A_877, %swap3A_878] {strides = array<i32>} : memref<200x64xf32, #tpu.memory_space<vmem>>, vector<1x16xf32>,
        %swap3A_880 = vector.shape_cast %swap3A_879 : vector<1x16xf32> to vector<16xf32>
        %swap3A_881 = vector.shape_cast %mul3A_876 : vector<16xf32> to vector<1x16xf32>
        tpu.vector_store %arg6[%swap3A_877, %swap3A_878], %swap3A_881 {strides = array<i32>} : memref<200x64xf32, #tpu.memory_space<vmem>>, vector<1x16xf32>,
        %get3A_882 = arith.index_cast %scan3A_857 : i32 to index
        %get3A_883 = arith.constant 32 : index
        %get3A_884 = tpu.vector_load %arg6[%get3A_882, %get3A_883] {strides = array<i32>} : memref<200x64xf32, #tpu.memory_space<vmem>>, vector<1x16xf32>,
        %get3A_885 = vector.shape_cast %get3A_884 : vector<1x16xf32> to vector<16xf32>
        %mul3A_886 = arith.constant 8.000000e+00 : f32
        %mul3A_887 = vector.broadcast %mul3A_886 : f32 to vector<16xf32>
        %mul3A_888 = arith.mulf %get3A_885, %mul3A_887 : vector<16xf32>
        %swap3A_889 = arith.index_cast %scan3A_857 : i32 to index
        %swap3A_890 = arith.constant 32 : index
        %swap3A_891 = tpu.vector_load %arg6[%swap3A_889, %swap3A_890] {strides = array<i32>} : memref<200x64xf32, #tpu.memory_space<vmem>>, vector<1x16xf32>,
        %swap3A_892 = vector.shape_cast %swap3A_891 : vector<1x16xf32> to vector<16xf32>
        %swap3A_893 = vector.shape_cast %mul3A_888 : vector<16xf32> to vector<1x16xf32>
        tpu.vector_store %arg6[%swap3A_889, %swap3A_890], %swap3A_893 {strides = array<i32>} : memref<200x64xf32, #tpu.memory_space<vmem>>, vector<1x16xf32>,
        %get3A_894 = arith.index_cast %scan3A_857 : i32 to index
        %get3A_895 = arith.constant 48 : index
        %get3A_896 = tpu.vector_load %arg6[%get3A_894, %get3A_895] {strides = array<i32>} : memref<200x64xf32, #tpu.memory_space<vmem>>, vector<1x16xf32>,
        %get3A_897 = vector.shape_cast %get3A_896 : vector<1x16xf32> to vector<16xf32>
        %mul3A_898 = arith.constant 8.000000e+00 : f32
        %mul3A_899 = vector.broadcast %mul3A_898 : f32 to vector<16xf32>
        %mul3A_900 = arith.mulf %get3A_897, %mul3A_899 : vector<16xf32>
        %swap3A_901 = arith.index_cast %scan3A_857 : i32 to index
        %swap3A_902 = arith.constant 48 : index
        %swap3A_903 = tpu.vector_load %arg6[%swap3A_901, %swap3A_902] {strides = array<i32>} : memref<200x64xf32, #tpu.memory_space<vmem>>, vector<1x16xf32>,
        %swap3A_904 = vector.shape_cast %swap3A_903 : vector<1x16xf32> to vector<16xf32>
        %swap3A_905 = vector.shape_cast %mul3A_900 : vector<16xf32> to vector<1x16xf32>
        tpu.vector_store %arg6[%swap3A_901, %swap3A_902], %swap3A_905 {strides = array<i32>} : memref<200x64xf32, #tpu.memory_space<vmem>>, vector<1x16xf32>,
      }
      %scan3A_431 = arith.constant 200 : i32
      %add3A_432 = arith.addi %mul3A_4, %add3A_378 : i32
      %dma_start3A_433 = arith.constant 0 : i32
      %dma_start3A_434 = arith.constant 0 : i32
      %dma_start3A_435 = tpu.memref_slice %arg4[%add3A_432, %dma_start3A_433, %dma_start3A_434] : memref<4096x200x64xf32, #tpu.memory_space<hbm>> -> memref<1x200x64xf32, #tpu.memory_space<hbm>>
      %dma_start3A_436 = tpu.memref_squeeze %dma_start3A_435 : memref<1x200x64xf32, #tpu.memory_space<hbm>> -> memref<200x64xf32, #tpu.memory_space<hbm>>
      %dma_start3A_437 = arith.constant 0 : i32
      %dma_start3A_438 = arith.constant 0 : i32
      %dma_start3A_439 = tpu.memref_slice %arg4[%add3A_432, %dma_start3A_437, %dma_start3A_438] : memref<4096x200x64xf32, #tpu.memory_space<hbm>> -> memref<1x200x64xf32, #tpu.memory_space<hbm>>
      %dma_start3A_440 = tpu.memref_squeeze %dma_start3A_439 : memref<1x200x64xf32, #tpu.memory_space<hbm>> -> memref<200x64xf32, #tpu.memory_space<hbm>>
      tpu.enqueue_dma source(%arg6 : memref<200x64xf32, #tpu.memory_space<vmem>>) target(%dma_start3A_440 : memref<200x64xf32, #tpu.memory_space<hbm>>) target_semaphore(%arg14 : memref<!tpu.dma_semaphore, #tpu.memory_space<semaphore_mem>>)
      %mul3A_441 = arith.constant 4 : i32
      %mul3A_442 = arith.muli %mul3A_441, %scan3A_236 : i32
      %add3A_443 = arith.constant 2 : i32
      %add3A_444 = arith.addi %mul3A_442, %add3A_443 : i32
      %add3A_445 = arith.constant 3 : i32
      %add3A_446 = arith.addi %add3A_444, %add3A_445 : i32
      %dma_wait3A_447 = arith.constant 0 : i32
      %dma_wait3A_448 = arith.constant 0 : i32
      %dma_wait3A_449 = arith.constant 0 : i32
      %dma_wait3A_450 = tpu.memref_slice %arg4[%dma_wait3A_447, %dma_wait3A_448, %dma_wait3A_449] : memref<4096x200x64xf32, #tpu.memory_space<hbm>> -> memref<1x200x64xf32, #tpu.memory_space<hbm>>
      %dma_wait3A_451 = tpu.memref_squeeze %dma_wait3A_450 : memref<1x200x64xf32, #tpu.memory_space<hbm>> -> memref<200x64xf32, #tpu.memory_space<hbm>>
      %dma_wait3A_452 = arith.constant 0 : i32
      %dma_wait3A_453 = arith.constant 0 : i32
      %dma_wait3A_454 = tpu.memref_slice %arg4[%dma_wait3A_447, %dma_wait3A_452, %dma_wait3A_453] : memref<4096x200x64xf32, #tpu.memory_space<hbm>> -> memref<1x200x64xf32, #tpu.memory_space<hbm>>
      %dma_wait3A_455 = tpu.memref_squeeze %dma_wait3A_454 : memref<1x200x64xf32, #tpu.memory_space<hbm>> -> memref<200x64xf32, #tpu.memory_space<hbm>>
      tpu.wait_dma2 semaphore(%arg17 : memref<!tpu.dma_semaphore, #tpu.memory_space<semaphore_mem>>) src(%arg9 : memref<200x64xf32, #tpu.memory_space<vmem>>) dst(%dma_wait3A_455 : memref<200x64xf32, #tpu.memory_space<hbm>>)
      %add3A_456 = arith.constant 2 : i32
      %add3A_457 = arith.addi %add3A_446, %add3A_456 : i32
      %mul3A_458 = arith.constant 200 : i32
      %mul3A_459 = arith.muli %add3A_457, %mul3A_458 : i32
      %dma_start3A_460 = arith.constant 0 : i32
      %dma_start3A_461 = arith.constant 0 : i32
      %dma_start3A_462 = tpu.memref_slice %arg9[%dma_start3A_460, %dma_start3A_461] : memref<200x64xf32, #tpu.memory_space<vmem>> -> memref<128x64xf32, #tpu.memory_space<vmem>>
      %dma_start3A_463 = tpu.memref_slice %arg5[%mul3A_459] : memref<25600xi32, #tpu.memory_space<vmem>> -> memref<128xi32, #tpu.memory_space<vmem>>
      %dma_start3A_464 = arith.constant 0 : i32
      %dma_start3A_465 = arith.constant 0 : i32
      %dma_start3A_466 = tpu.memref_slice %arg3[%dma_start3A_464, %dma_start3A_465] : memref<1000000x64xf32, #tpu.memory_space<hbm>> -> memref<1000000x64xf32, #tpu.memory_space<hbm>>
      tpu.enqueue_indirect_dma source(%dma_start3A_466 : memref<1000000x64xf32, #tpu.memory_space<hbm>>) target(%dma_start3A_462 : memref<128x64xf32, #tpu.memory_space<vmem>>) offsets(%dma_start3A_463 : memref<128xi32, #tpu.memory_space<vmem>>) semaphore(%arg13 : memref<!tpu.dma_semaphore, #tpu.memory_space<semaphore_mem>>)
      %mul3A_467 = arith.constant 200 : i32
      %mul3A_468 = arith.muli %add3A_457, %mul3A_467 : i32
      %add3A_469 = arith.constant 128 : i32
      %add3A_470 = arith.addi %mul3A_468, %add3A_469 : i32
      %dma_start3A_471 = arith.constant 128 : i32
      %dma_start3A_472 = arith.constant 0 : i32
      %dma_start3A_473 = tpu.memref_slice %arg9[%dma_start3A_471, %dma_start3A_472] : memref<200x64xf32, #tpu.memory_space<vmem>> -> memref<72x64xf32, #tpu.memory_space<vmem>>
      %dma_start3A_474 = tpu.memref_slice %arg5[%add3A_470] : memref<25600xi32, #tpu.memory_space<vmem>> -> memref<72xi32, #tpu.memory_space<vmem>>
      %dma_start3A_475 = arith.constant 0 : i32
      %dma_start3A_476 = arith.constant 0 : i32
      %dma_start3A_477 = tpu.memref_slice %arg3[%dma_start3A_475, %dma_start3A_476] : memref<1000000x64xf32, #tpu.memory_space<hbm>> -> memref<1000000x64xf32, #tpu.memory_space<hbm>>
      tpu.enqueue_indirect_dma source(%dma_start3A_477 : memref<1000000x64xf32, #tpu.memory_space<hbm>>) target(%dma_start3A_473 : memref<72x64xf32, #tpu.memory_space<vmem>>) offsets(%dma_start3A_474 : memref<72xi32, #tpu.memory_space<vmem>>) semaphore(%arg13 : memref<!tpu.dma_semaphore, #tpu.memory_space<semaphore_mem>>)
      %dma_wait3A_478 = arith.constant 0 : i32
      %dma_wait3A_479 = arith.constant 0 : i32
      %dma_wait3A_480 = tpu.memref_slice %arg7[%dma_wait3A_478, %dma_wait3A_479] : memref<200x64xf32, #tpu.memory_space<vmem>> -> memref<128x64xf32, #tpu.memory_space<vmem>>
      %dma_wait3A_481 = arith.constant 0 : i32
      %dma_wait3A_482 = tpu.memref_slice %arg5[%dma_wait3A_481] : memref<25600xi32, #tpu.memory_space<vmem>> -> memref<128xi32, #tpu.memory_space<vmem>>
      %dma_wait3A_483 = arith.constant 0 : i32
      %dma_wait3A_484 = arith.constant 0 : i32
      %dma_wait3A_485 = tpu.memref_slice %arg3[%dma_wait3A_483, %dma_wait3A_484] : memref<1000000x64xf32, #tpu.memory_space<hbm>> -> memref<1000000x64xf32, #tpu.memory_space<hbm>>
      tpu.wait_indirect_dma semaphore(%arg11 : memref<!tpu.dma_semaphore, #tpu.memory_space<semaphore_mem>>) src(%dma_wait3A_485 : memref<1000000x64xf32, #tpu.memory_space<hbm>>) dst(%dma_wait3A_480 : memref<128x64xf32, #tpu.memory_space<vmem>>)
      %dma_wait3A_486 = arith.constant 128 : i32
      %dma_wait3A_487 = arith.constant 0 : i32
      %dma_wait3A_488 = tpu.memref_slice %arg7[%dma_wait3A_486, %dma_wait3A_487] : memref<200x64xf32, #tpu.memory_space<vmem>> -> memref<72x64xf32, #tpu.memory_space<vmem>>
      %dma_wait3A_489 = arith.constant 0 : i32
      %dma_wait3A_490 = tpu.memref_slice %arg5[%dma_wait3A_489] : memref<25600xi32, #tpu.memory_space<vmem>> -> memref<72xi32, #tpu.memory_space<vmem>>
      %dma_wait3A_491 = arith.constant 0 : i32
      %dma_wait3A_492 = arith.constant 0 : i32
      %dma_wait3A_493 = tpu.memref_slice %arg3[%dma_wait3A_491, %dma_wait3A_492] : memref<1000000x64xf32, #tpu.memory_space<hbm>> -> memref<1000000x64xf32, #tpu.memory_space<hbm>>
      tpu.wait_indirect_dma semaphore(%arg11 : memref<!tpu.dma_semaphore, #tpu.memory_space<semaphore_mem>>) src(%dma_wait3A_493 : memref<1000000x64xf32, #tpu.memory_space<hbm>>) dst(%dma_wait3A_488 : memref<72x64xf32, #tpu.memory_space<vmem>>)
      %scan3A_494 = arith.constant 0 : i32
      %scan3A_495 = arith.constant 0 : i32
      %scan3A_496 = arith.constant 200 : i32
      %scan3A_497 = arith.addi %scan3A_495, %scan3A_496 : i32
      %scan3A_498 = arith.constant 8 : i32
      scf.for %scan3A_509 = %scan3A_495 to %scan3A_497 step %scan3A_498  : i32 {
        %get3A = arith.index_cast %scan3A_509 : i32 to index
        %get3A_510 = arith.constant 0 : index
        %get3A_511 = tpu.vector_load %arg7[%get3A, %get3A_510] {strides = array<i32>} : memref<200x64xf32, #tpu.memory_space<vmem>>, vector<1x16xf32>,
        %get3A_512 = vector.shape_cast %get3A_511 : vector<1x16xf32> to vector<16xf32>
        %mul3A_513 = arith.constant 8.000000e+00 : f32
        %mul3A_514 = vector.broadcast %mul3A_513 : f32 to vector<16xf32>
        %mul3A_515 = arith.mulf %get3A_512, %mul3A_514 : vector<16xf32>
        %swap3A = arith.index_cast %scan3A_509 : i32 to index
        %swap3A_516 = arith.constant 0 : index
        %swap3A_517 = tpu.vector_load %arg7[%swap3A, %swap3A_516] {strides = array<i32>} : memref<200x64xf32, #tpu.memory_space<vmem>>, vector<1x16xf32>,
        %swap3A_518 = vector.shape_cast %swap3A_517 : vector<1x16xf32> to vector<16xf32>
        %swap3A_519 = vector.shape_cast %mul3A_515 : vector<16xf32> to vector<1x16xf32>
        tpu.vector_store %arg7[%swap3A, %swap3A_516], %swap3A_519 {strides = array<i32>} : memref<200x64xf32, #tpu.memory_space<vmem>>, vector<1x16xf32>,
        %get3A_520 = arith.index_cast %scan3A_509 : i32 to index
        %get3A_521 = arith.constant 16 : index
        %get3A_522 = tpu.vector_load %arg7[%get3A_520, %get3A_521] {strides = array<i32>} : memref<200x64xf32, #tpu.memory_space<vmem>>, vector<1x16xf32>,
        %get3A_523 = vector.shape_cast %get3A_522 : vector<1x16xf32> to vector<16xf32>
        %mul3A_524 = arith.constant 8.000000e+00 : f32
        %mul3A_525 = vector.broadcast %mul3A_524 : f32 to vector<16xf32>
        %mul3A_526 = arith.mulf %get3A_523, %mul3A_525 : vector<16xf32>
        %swap3A_527 = arith.index_cast %scan3A_509 : i32 to index
        %swap3A_528 = arith.constant 16 : index
        %swap3A_529 = tpu.vector_load %arg7[%swap3A_527, %swap3A_528] {strides = array<i32>} : memref<200x64xf32, #tpu.memory_space<vmem>>, vector<1x16xf32>,
        %swap3A_530 = vector.shape_cast %swap3A_529 : vector<1x16xf32> to vector<16xf32>
        %swap3A_531 = vector.shape_cast %mul3A_526 : vector<16xf32> to vector<1x16xf32>
        tpu.vector_store %arg7[%swap3A_527, %swap3A_528], %swap3A_531 {strides = array<i32>} : memref<200x64xf32, #tpu.memory_space<vmem>>, vector<1x16xf32>,
        %get3A_532 = arith.index_cast %scan3A_509 : i32 to index
        %get3A_533 = arith.constant 32 : index
        %get3A_534 = tpu.vector_load %arg7[%get3A_532, %get3A_533] {strides = array<i32>} : memref<200x64xf32, #tpu.memory_space<vmem>>, vector<1x16xf32>,
        %get3A_535 = vector.shape_cast %get3A_534 : vector<1x16xf32> to vector<16xf32>
        %mul3A_536 = arith.constant 8.000000e+00 : f32
        %mul3A_537 = vector.broadcast %mul3A_536 : f32 to vector<16xf32>
        %mul3A_538 = arith.mulf %get3A_535, %mul3A_537 : vector<16xf32>
        %swap3A_539 = arith.index_cast %scan3A_509 : i32 to index
        %swap3A_540 = arith.constant 32 : index
        %swap3A_541 = tpu.vector_load %arg7[%swap3A_539, %swap3A_540] {strides = array<i32>} : memref<200x64xf32, #tpu.memory_space<vmem>>, vector<1x16xf32>,
        %swap3A_542 = vector.shape_cast %swap3A_541 : vector<1x16xf32> to vector<16xf32>
        %swap3A_543 = vector.shape_cast %mul3A_538 : vector<16xf32> to vector<1x16xf32>
        tpu.vector_store %arg7[%swap3A_539, %swap3A_540], %swap3A_543 {strides = array<i32>} : memref<200x64xf32, #tpu.memory_space<vmem>>, vector<1x16xf32>,
        %get3A_544 = arith.index_cast %scan3A_509 : i32 to index
        %get3A_545 = arith.constant 48 : index
        %get3A_546 = tpu.vector_load %arg7[%get3A_544, %get3A_545] {strides = array<i32>} : memref<200x64xf32, #tpu.memory_space<vmem>>, vector<1x16xf32>,
        %get3A_547 = vector.shape_cast %get3A_546 : vector<1x16xf32> to vector<16xf32>
        %mul3A_548 = arith.constant 8.000000e+00 : f32
        %mul3A_549 = vector.broadcast %mul3A_548 : f32 to vector<16xf32>
        %mul3A_550 = arith.mulf %get3A_547, %mul3A_549 : vector<16xf32>
        %swap3A_551 = arith.index_cast %scan3A_509 : i32 to index
        %swap3A_552 = arith.constant 48 : index
        %swap3A_553 = tpu.vector_load %arg7[%swap3A_551, %swap3A_552] {strides = array<i32>} : memref<200x64xf32, #tpu.memory_space<vmem>>, vector<1x16xf32>,
        %swap3A_554 = vector.shape_cast %swap3A_553 : vector<1x16xf32> to vector<16xf32>
        %swap3A_555 = vector.shape_cast %mul3A_550 : vector<16xf32> to vector<1x16xf32>
        tpu.vector_store %arg7[%swap3A_551, %swap3A_552], %swap3A_555 {strides = array<i32>} : memref<200x64xf32, #tpu.memory_space<vmem>>, vector<1x16xf32>,
        %scan3A_556 = arith.constant 1 : i32
        %scan3A_557 = arith.addi %scan3A_509, %scan3A_556 : i32
        %get3A_558 = arith.index_cast %scan3A_557 : i32 to index
        %get3A_559 = arith.constant 0 : index
        %get3A_560 = tpu.vector_load %arg7[%get3A_558, %get3A_559] {strides = array<i32>} : memref<200x64xf32, #tpu.memory_space<vmem>>, vector<1x16xf32>,
        %get3A_561 = vector.shape_cast %get3A_560 : vector<1x16xf32> to vector<16xf32>
        %mul3A_562 = arith.constant 8.000000e+00 : f32
        %mul3A_563 = vector.broadcast %mul3A_562 : f32 to vector<16xf32>
        %mul3A_564 = arith.mulf %get3A_561, %mul3A_563 : vector<16xf32>
        %swap3A_565 = arith.index_cast %scan3A_557 : i32 to index
        %swap3A_566 = arith.constant 0 : index
        %swap3A_567 = tpu.vector_load %arg7[%swap3A_565, %swap3A_566] {strides = array<i32>} : memref<200x64xf32, #tpu.memory_space<vmem>>, vector<1x16xf32>,
        %swap3A_568 = vector.shape_cast %swap3A_567 : vector<1x16xf32> to vector<16xf32>
        %swap3A_569 = vector.shape_cast %mul3A_564 : vector<16xf32> to vector<1x16xf32>
        tpu.vector_store %arg7[%swap3A_565, %swap3A_566], %swap3A_569 {strides = array<i32>} : memref<200x64xf32, #tpu.memory_space<vmem>>, vector<1x16xf32>,
        %get3A_570 = arith.index_cast %scan3A_557 : i32 to index
        %get3A_571 = arith.constant 16 : index
        %get3A_572 = tpu.vector_load %arg7[%get3A_570, %get3A_571] {strides = array<i32>} : memref<200x64xf32, #tpu.memory_space<vmem>>, vector<1x16xf32>,
        %get3A_573 = vector.shape_cast %get3A_572 : vector<1x16xf32> to vector<16xf32>
        %mul3A_574 = arith.constant 8.000000e+00 : f32
        %mul3A_575 = vector.broadcast %mul3A_574 : f32 to vector<16xf32>
        %mul3A_576 = arith.mulf %get3A_573, %mul3A_575 : vector<16xf32>
        %swap3A_577 = arith.index_cast %scan3A_557 : i32 to index
        %swap3A_578 = arith.constant 16 : index
        %swap3A_579 = tpu.vector_load %arg7[%swap3A_577, %swap3A_578] {strides = array<i32>} : memref<200x64xf32, #tpu.memory_space<vmem>>, vector<1x16xf32>,
        %swap3A_580 = vector.shape_cast %swap3A_579 : vector<1x16xf32> to vector<16xf32>
        %swap3A_581 = vector.shape_cast %mul3A_576 : vector<16xf32> to vector<1x16xf32>
        tpu.vector_store %arg7[%swap3A_577, %swap3A_578], %swap3A_581 {strides = array<i32>} : memref<200x64xf32, #tpu.memory_space<vmem>>, vector<1x16xf32>,
        %get3A_582 = arith.index_cast %scan3A_557 : i32 to index
        %get3A_583 = arith.constant 32 : index
        %get3A_584 = tpu.vector_load %arg7[%get3A_582, %get3A_583] {strides = array<i32>} : memref<200x64xf32, #tpu.memory_space<vmem>>, vector<1x16xf32>,
        %get3A_585 = vector.shape_cast %get3A_584 : vector<1x16xf32> to vector<16xf32>
        %mul3A_586 = arith.constant 8.000000e+00 : f32
        %mul3A_587 = vector.broadcast %mul3A_586 : f32 to vector<16xf32>
        %mul3A_588 = arith.mulf %get3A_585, %mul3A_587 : vector<16xf32>
        %swap3A_589 = arith.index_cast %scan3A_557 : i32 to index
        %swap3A_590 = arith.constant 32 : index
        %swap3A_591 = tpu.vector_load %arg7[%swap3A_589, %swap3A_590] {strides = array<i32>} : memref<200x64xf32, #tpu.memory_space<vmem>>, vector<1x16xf32>,
        %swap3A_592 = vector.shape_cast %swap3A_591 : vector<1x16xf32> to vector<16xf32>
        %swap3A_593 = vector.shape_cast %mul3A_588 : vector<16xf32> to vector<1x16xf32>
        tpu.vector_store %arg7[%swap3A_589, %swap3A_590], %swap3A_593 {strides = array<i32>} : memref<200x64xf32, #tpu.memory_space<vmem>>, vector<1x16xf32>,
        %get3A_594 = arith.index_cast %scan3A_557 : i32 to index
        %get3A_595 = arith.constant 48 : index
        %get3A_596 = tpu.vector_load %arg7[%get3A_594, %get3A_595] {strides = array<i32>} : memref<200x64xf32, #tpu.memory_space<vmem>>, vector<1x16xf32>,
        %get3A_597 = vector.shape_cast %get3A_596 : vector<1x16xf32> to vector<16xf32>
        %mul3A_598 = arith.constant 8.000000e+00 : f32
        %mul3A_599 = vector.broadcast %mul3A_598 : f32 to vector<16xf32>
        %mul3A_600 = arith.mulf %get3A_597, %mul3A_599 : vector<16xf32>
        %swap3A_601 = arith.index_cast %scan3A_557 : i32 to index
        %swap3A_602 = arith.constant 48 : index
        %swap3A_603 = tpu.vector_load %arg7[%swap3A_601, %swap3A_602] {strides = array<i32>} : memref<200x64xf32, #tpu.memory_space<vmem>>, vector<1x16xf32>,
        %swap3A_604 = vector.shape_cast %swap3A_603 : vector<1x16xf32> to vector<16xf32>
        %swap3A_605 = vector.shape_cast %mul3A_600 : vector<16xf32> to vector<1x16xf32>
        tpu.vector_store %arg7[%swap3A_601, %swap3A_602], %swap3A_605 {strides = array<i32>} : memref<200x64xf32, #tpu.memory_space<vmem>>, vector<1x16xf32>,
        %scan3A_606 = arith.constant 2 : i32
        %scan3A_607 = arith.addi %scan3A_509, %scan3A_606 : i32
        %get3A_608 = arith.index_cast %scan3A_607 : i32 to index
        %get3A_609 = arith.constant 0 : index
        %get3A_610 = tpu.vector_load %arg7[%get3A_608, %get3A_609] {strides = array<i32>} : memref<200x64xf32, #tpu.memory_space<vmem>>, vector<1x16xf32>,
        %get3A_611 = vector.shape_cast %get3A_610 : vector<1x16xf32> to vector<16xf32>
        %mul3A_612 = arith.constant 8.000000e+00 : f32
        %mul3A_613 = vector.broadcast %mul3A_612 : f32 to vector<16xf32>
        %mul3A_614 = arith.mulf %get3A_611, %mul3A_613 : vector<16xf32>
        %swap3A_615 = arith.index_cast %scan3A_607 : i32 to index
        %swap3A_616 = arith.constant 0 : index
        %swap3A_617 = tpu.vector_load %arg7[%swap3A_615, %swap3A_616] {strides = array<i32>} : memref<200x64xf32, #tpu.memory_space<vmem>>, vector<1x16xf32>,
        %swap3A_618 = vector.shape_cast %swap3A_617 : vector<1x16xf32> to vector<16xf32>
        %swap3A_619 = vector.shape_cast %mul3A_614 : vector<16xf32> to vector<1x16xf32>
        tpu.vector_store %arg7[%swap3A_615, %swap3A_616], %swap3A_619 {strides = array<i32>} : memref<200x64xf32, #tpu.memory_space<vmem>>, vector<1x16xf32>,
        %get3A_620 = arith.index_cast %scan3A_607 : i32 to index
        %get3A_621 = arith.constant 16 : index
        %get3A_622 = tpu.vector_load %arg7[%get3A_620, %get3A_621] {strides = array<i32>} : memref<200x64xf32, #tpu.memory_space<vmem>>, vector<1x16xf32>,
        %get3A_623 = vector.shape_cast %get3A_622 : vector<1x16xf32> to vector<16xf32>
        %mul3A_624 = arith.constant 8.000000e+00 : f32
        %mul3A_625 = vector.broadcast %mul3A_624 : f32 to vector<16xf32>
        %mul3A_626 = arith.mulf %get3A_623, %mul3A_625 : vector<16xf32>
        %swap3A_627 = arith.index_cast %scan3A_607 : i32 to index
        %swap3A_628 = arith.constant 16 : index
        %swap3A_629 = tpu.vector_load %arg7[%swap3A_627, %swap3A_628] {strides = array<i32>} : memref<200x64xf32, #tpu.memory_space<vmem>>, vector<1x16xf32>,
        %swap3A_630 = vector.shape_cast %swap3A_629 : vector<1x16xf32> to vector<16xf32>
        %swap3A_631 = vector.shape_cast %mul3A_626 : vector<16xf32> to vector<1x16xf32>
        tpu.vector_store %arg7[%swap3A_627, %swap3A_628], %swap3A_631 {strides = array<i32>} : memref<200x64xf32, #tpu.memory_space<vmem>>, vector<1x16xf32>,
        %get3A_632 = arith.index_cast %scan3A_607 : i32 to index
        %get3A_633 = arith.constant 32 : index
        %get3A_634 = tpu.vector_load %arg7[%get3A_632, %get3A_633] {strides = array<i32>} : memref<200x64xf32, #tpu.memory_space<vmem>>, vector<1x16xf32>,
        %get3A_635 = vector.shape_cast %get3A_634 : vector<1x16xf32> to vector<16xf32>
        %mul3A_636 = arith.constant 8.000000e+00 : f32
        %mul3A_637 = vector.broadcast %mul3A_636 : f32 to vector<16xf32>
        %mul3A_638 = arith.mulf %get3A_635, %mul3A_637 : vector<16xf32>
        %swap3A_639 = arith.index_cast %scan3A_607 : i32 to index
        %swap3A_640 = arith.constant 32 : index
        %swap3A_641 = tpu.vector_load %arg7[%swap3A_639, %swap3A_640] {strides = array<i32>} : memref<200x64xf32, #tpu.memory_space<vmem>>, vector<1x16xf32>,
        %swap3A_642 = vector.shape_cast %swap3A_641 : vector<1x16xf32> to vector<16xf32>
        %swap3A_643 = vector.shape_cast %mul3A_638 : vector<16xf32> to vector<1x16xf32>
        tpu.vector_store %arg7[%swap3A_639, %swap3A_640], %swap3A_643 {strides = array<i32>} : memref<200x64xf32, #tpu.memory_space<vmem>>, vector<1x16xf32>,
        %get3A_644 = arith.index_cast %scan3A_607 : i32 to index
        %get3A_645 = arith.constant 48 : index
        %get3A_646 = tpu.vector_load %arg7[%get3A_644, %get3A_645] {strides = array<i32>} : memref<200x64xf32, #tpu.memory_space<vmem>>, vector<1x16xf32>,
        %get3A_647 = vector.shape_cast %get3A_646 : vector<1x16xf32> to vector<16xf32>
        %mul3A_648 = arith.constant 8.000000e+00 : f32
        %mul3A_649 = vector.broadcast %mul3A_648 : f32 to vector<16xf32>
        %mul3A_650 = arith.mulf %get3A_647, %mul3A_649 : vector<16xf32>
        %swap3A_651 = arith.index_cast %scan3A_607 : i32 to index
        %swap3A_652 = arith.constant 48 : index
        %swap3A_653 = tpu.vector_load %arg7[%swap3A_651, %swap3A_652] {strides = array<i32>} : memref<200x64xf32, #tpu.memory_space<vmem>>, vector<1x16xf32>,
        %swap3A_654 = vector.shape_cast %swap3A_653 : vector<1x16xf32> to vector<16xf32>
        %swap3A_655 = vector.shape_cast %mul3A_650 : vector<16xf32> to vector<1x16xf32>
        tpu.vector_store %arg7[%swap3A_651, %swap3A_652], %swap3A_655 {strides = array<i32>} : memref<200x64xf32, #tpu.memory_space<vmem>>, vector<1x16xf32>,
        %scan3A_656 = arith.constant 3 : i32
        %scan3A_657 = arith.addi %scan3A_509, %scan3A_656 : i32
        %get3A_658 = arith.index_cast %scan3A_657 : i32 to index
        %get3A_659 = arith.constant 0 : index
        %get3A_660 = tpu.vector_load %arg7[%get3A_658, %get3A_659] {strides = array<i32>} : memref<200x64xf32, #tpu.memory_space<vmem>>, vector<1x16xf32>,
        %get3A_661 = vector.shape_cast %get3A_660 : vector<1x16xf32> to vector<16xf32>
        %mul3A_662 = arith.constant 8.000000e+00 : f32
        %mul3A_663 = vector.broadcast %mul3A_662 : f32 to vector<16xf32>
        %mul3A_664 = arith.mulf %get3A_661, %mul3A_663 : vector<16xf32>
        %swap3A_665 = arith.index_cast %scan3A_657 : i32 to index
        %swap3A_666 = arith.constant 0 : index
        %swap3A_667 = tpu.vector_load %arg7[%swap3A_665, %swap3A_666] {strides = array<i32>} : memref<200x64xf32, #tpu.memory_space<vmem>>, vector<1x16xf32>,
        %swap3A_668 = vector.shape_cast %swap3A_667 : vector<1x16xf32> to vector<16xf32>
        %swap3A_669 = vector.shape_cast %mul3A_664 : vector<16xf32> to vector<1x16xf32>
        tpu.vector_store %arg7[%swap3A_665, %swap3A_666], %swap3A_669 {strides = array<i32>} : memref<200x64xf32, #tpu.memory_space<vmem>>, vector<1x16xf32>,
        %get3A_670 = arith.index_cast %scan3A_657 : i32 to index
        %get3A_671 = arith.constant 16 : index
        %get3A_672 = tpu.vector_load %arg7[%get3A_670, %get3A_671] {strides = array<i32>} : memref<200x64xf32, #tpu.memory_space<vmem>>, vector<1x16xf32>,
        %get3A_673 = vector.shape_cast %get3A_672 : vector<1x16xf32> to vector<16xf32>
        %mul3A_674 = arith.constant 8.000000e+00 : f32
        %mul3A_675 = vector.broadcast %mul3A_674 : f32 to vector<16xf32>
        %mul3A_676 = arith.mulf %get3A_673, %mul3A_675 : vector<16xf32>
        %swap3A_677 = arith.index_cast %scan3A_657 : i32 to index
        %swap3A_678 = arith.constant 16 : index
        %swap3A_679 = tpu.vector_load %arg7[%swap3A_677, %swap3A_678] {strides = array<i32>} : memref<200x64xf32, #tpu.memory_space<vmem>>, vector<1x16xf32>,
        %swap3A_680 = vector.shape_cast %swap3A_679 : vector<1x16xf32> to vector<16xf32>
        %swap3A_681 = vector.shape_cast %mul3A_676 : vector<16xf32> to vector<1x16xf32>
        tpu.vector_store %arg7[%swap3A_677, %swap3A_678], %swap3A_681 {strides = array<i32>} : memref<200x64xf32, #tpu.memory_space<vmem>>, vector<1x16xf32>,
        %get3A_682 = arith.index_cast %scan3A_657 : i32 to index
        %get3A_683 = arith.constant 32 : index
        %get3A_684 = tpu.vector_load %arg7[%get3A_682, %get3A_683] {strides = array<i32>} : memref<200x64xf32, #tpu.memory_space<vmem>>, vector<1x16xf32>,
        %get3A_685 = vector.shape_cast %get3A_684 : vector<1x16xf32> to vector<16xf32>
        %mul3A_686 = arith.constant 8.000000e+00 : f32
        %mul3A_687 = vector.broadcast %mul3A_686 : f32 to vector<16xf32>
        %mul3A_688 = arith.mulf %get3A_685, %mul3A_687 : vector<16xf32>
        %swap3A_689 = arith.index_cast %scan3A_657 : i32 to index
        %swap3A_690 = arith.constant 32 : index
        %swap3A_691 = tpu.vector_load %arg7[%swap3A_689, %swap3A_690] {strides = array<i32>} : memref<200x64xf32, #tpu.memory_space<vmem>>, vector<1x16xf32>,
        %swap3A_692 = vector.shape_cast %swap3A_691 : vector<1x16xf32> to vector<16xf32>
        %swap3A_693 = vector.shape_cast %mul3A_688 : vector<16xf32> to vector<1x16xf32>
        tpu.vector_store %arg7[%swap3A_689, %swap3A_690], %swap3A_693 {strides = array<i32>} : memref<200x64xf32, #tpu.memory_space<vmem>>, vector<1x16xf32>,
        %get3A_694 = arith.index_cast %scan3A_657 : i32 to index
        %get3A_695 = arith.constant 48 : index
        %get3A_696 = tpu.vector_load %arg7[%get3A_694, %get3A_695] {strides = array<i32>} : memref<200x64xf32, #tpu.memory_space<vmem>>, vector<1x16xf32>,
        %get3A_697 = vector.shape_cast %get3A_696 : vector<1x16xf32> to vector<16xf32>
        %mul3A_698 = arith.constant 8.000000e+00 : f32
        %mul3A_699 = vector.broadcast %mul3A_698 : f32 to vector<16xf32>
        %mul3A_700 = arith.mulf %get3A_697, %mul3A_699 : vector<16xf32>
        %swap3A_701 = arith.index_cast %scan3A_657 : i32 to index
        %swap3A_702 = arith.constant 48 : index
        %swap3A_703 = tpu.vector_load %arg7[%swap3A_701, %swap3A_702] {strides = array<i32>} : memref<200x64xf32, #tpu.memory_space<vmem>>, vector<1x16xf32>,
        %swap3A_704 = vector.shape_cast %swap3A_703 : vector<1x16xf32> to vector<16xf32>
        %swap3A_705 = vector.shape_cast %mul3A_700 : vector<16xf32> to vector<1x16xf32>
        tpu.vector_store %arg7[%swap3A_701, %swap3A_702], %swap3A_705 {strides = array<i32>} : memref<200x64xf32, #tpu.memory_space<vmem>>, vector<1x16xf32>,
        %scan3A_706 = arith.constant 4 : i32
        %scan3A_707 = arith.addi %scan3A_509, %scan3A_706 : i32
        %get3A_708 = arith.index_cast %scan3A_707 : i32 to index
        %get3A_709 = arith.constant 0 : index
        %get3A_710 = tpu.vector_load %arg7[%get3A_708, %get3A_709] {strides = array<i32>} : memref<200x64xf32, #tpu.memory_space<vmem>>, vector<1x16xf32>,
        %get3A_711 = vector.shape_cast %get3A_710 : vector<1x16xf32> to vector<16xf32>
        %mul3A_712 = arith.constant 8.000000e+00 : f32
        %mul3A_713 = vector.broadcast %mul3A_712 : f32 to vector<16xf32>
        %mul3A_714 = arith.mulf %get3A_711, %mul3A_713 : vector<16xf32>
        %swap3A_715 = arith.index_cast %scan3A_707 : i32 to index
        %swap3A_716 = arith.constant 0 : index
        %swap3A_717 = tpu.vector_load %arg7[%swap3A_715, %swap3A_716] {strides = array<i32>} : memref<200x64xf32, #tpu.memory_space<vmem>>, vector<1x16xf32>,
        %swap3A_718 = vector.shape_cast %swap3A_717 : vector<1x16xf32> to vector<16xf32>
        %swap3A_719 = vector.shape_cast %mul3A_714 : vector<16xf32> to vector<1x16xf32>
        tpu.vector_store %arg7[%swap3A_715, %swap3A_716], %swap3A_719 {strides = array<i32>} : memref<200x64xf32, #tpu.memory_space<vmem>>, vector<1x16xf32>,
        %get3A_720 = arith.index_cast %scan3A_707 : i32 to index
        %get3A_721 = arith.constant 16 : index
        %get3A_722 = tpu.vector_load %arg7[%get3A_720, %get3A_721] {strides = array<i32>} : memref<200x64xf32, #tpu.memory_space<vmem>>, vector<1x16xf32>,
        %get3A_723 = vector.shape_cast %get3A_722 : vector<1x16xf32> to vector<16xf32>
        %mul3A_724 = arith.constant 8.000000e+00 : f32
        %mul3A_725 = vector.broadcast %mul3A_724 : f32 to vector<16xf32>
        %mul3A_726 = arith.mulf %get3A_723, %mul3A_725 : vector<16xf32>
        %swap3A_727 = arith.index_cast %scan3A_707 : i32 to index
        %swap3A_728 = arith.constant 16 : index
        %swap3A_729 = tpu.vector_load %arg7[%swap3A_727, %swap3A_728] {strides = array<i32>} : memref<200x64xf32, #tpu.memory_space<vmem>>, vector<1x16xf32>,
        %swap3A_730 = vector.shape_cast %swap3A_729 : vector<1x16xf32> to vector<16xf32>
        %swap3A_731 = vector.shape_cast %mul3A_726 : vector<16xf32> to vector<1x16xf32>
        tpu.vector_store %arg7[%swap3A_727, %swap3A_728], %swap3A_731 {strides = array<i32>} : memref<200x64xf32, #tpu.memory_space<vmem>>, vector<1x16xf32>,
        %get3A_732 = arith.index_cast %scan3A_707 : i32 to index
        %get3A_733 = arith.constant 32 : index
        %get3A_734 = tpu.vector_load %arg7[%get3A_732, %get3A_733] {strides = array<i32>} : memref<200x64xf32, #tpu.memory_space<vmem>>, vector<1x16xf32>,
        %get3A_735 = vector.shape_cast %get3A_734 : vector<1x16xf32> to vector<16xf32>
        %mul3A_736 = arith.constant 8.000000e+00 : f32
        %mul3A_737 = vector.broadcast %mul3A_736 : f32 to vector<16xf32>
        %mul3A_738 = arith.mulf %get3A_735, %mul3A_737 : vector<16xf32>
        %swap3A_739 = arith.index_cast %scan3A_707 : i32 to index
        %swap3A_740 = arith.constant 32 : index
        %swap3A_741 = tpu.vector_load %arg7[%swap3A_739, %swap3A_740] {strides = array<i32>} : memref<200x64xf32, #tpu.memory_space<vmem>>, vector<1x16xf32>,
        %swap3A_742 = vector.shape_cast %swap3A_741 : vector<1x16xf32> to vector<16xf32>
        %swap3A_743 = vector.shape_cast %mul3A_738 : vector<16xf32> to vector<1x16xf32>
        tpu.vector_store %arg7[%swap3A_739, %swap3A_740], %swap3A_743 {strides = array<i32>} : memref<200x64xf32, #tpu.memory_space<vmem>>, vector<1x16xf32>,
        %get3A_744 = arith.index_cast %scan3A_707 : i32 to index
        %get3A_745 = arith.constant 48 : index
        %get3A_746 = tpu.vector_load %arg7[%get3A_744, %get3A_745] {strides = array<i32>} : memref<200x64xf32, #tpu.memory_space<vmem>>, vector<1x16xf32>,
        %get3A_747 = vector.shape_cast %get3A_746 : vector<1x16xf32> to vector<16xf32>
        %mul3A_748 = arith.constant 8.000000e+00 : f32
        %mul3A_749 = vector.broadcast %mul3A_748 : f32 to vector<16xf32>
        %mul3A_750 = arith.mulf %get3A_747, %mul3A_749 : vector<16xf32>
        %swap3A_751 = arith.index_cast %scan3A_707 : i32 to index
        %swap3A_752 = arith.constant 48 : index
        %swap3A_753 = tpu.vector_load %arg7[%swap3A_751, %swap3A_752] {strides = array<i32>} : memref<200x64xf32, #tpu.memory_space<vmem>>, vector<1x16xf32>,
        %swap3A_754 = vector.shape_cast %swap3A_753 : vector<1x16xf32> to vector<16xf32>
        %swap3A_755 = vector.shape_cast %mul3A_750 : vector<16xf32> to vector<1x16xf32>
        tpu.vector_store %arg7[%swap3A_751, %swap3A_752], %swap3A_755 {strides = array<i32>} : memref<200x64xf32, #tpu.memory_space<vmem>>, vector<1x16xf32>,
        %scan3A_756 = arith.constant 5 : i32
        %scan3A_757 = arith.addi %scan3A_509, %scan3A_756 : i32
        %get3A_758 = arith.index_cast %scan3A_757 : i32 to index
        %get3A_759 = arith.constant 0 : index
        %get3A_760 = tpu.vector_load %arg7[%get3A_758, %get3A_759] {strides = array<i32>} : memref<200x64xf32, #tpu.memory_space<vmem>>, vector<1x16xf32>,
        %get3A_761 = vector.shape_cast %get3A_760 : vector<1x16xf32> to vector<16xf32>
        %mul3A_762 = arith.constant 8.000000e+00 : f32
        %mul3A_763 = vector.broadcast %mul3A_762 : f32 to vector<16xf32>
        %mul3A_764 = arith.mulf %get3A_761, %mul3A_763 : vector<16xf32>
        %swap3A_765 = arith.index_cast %scan3A_757 : i32 to index
        %swap3A_766 = arith.constant 0 : index
        %swap3A_767 = tpu.vector_load %arg7[%swap3A_765, %swap3A_766] {strides = array<i32>} : memref<200x64xf32, #tpu.memory_space<vmem>>, vector<1x16xf32>,
        %swap3A_768 = vector.shape_cast %swap3A_767 : vector<1x16xf32> to vector<16xf32>
        %swap3A_769 = vector.shape_cast %mul3A_764 : vector<16xf32> to vector<1x16xf32>
        tpu.vector_store %arg7[%swap3A_765, %swap3A_766], %swap3A_769 {strides = array<i32>} : memref<200x64xf32, #tpu.memory_space<vmem>>, vector<1x16xf32>,
        %get3A_770 = arith.index_cast %scan3A_757 : i32 to index
        %get3A_771 = arith.constant 16 : index
        %get3A_772 = tpu.vector_load %arg7[%get3A_770, %get3A_771] {strides = array<i32>} : memref<200x64xf32, #tpu.memory_space<vmem>>, vector<1x16xf32>,
        %get3A_773 = vector.shape_cast %get3A_772 : vector<1x16xf32> to vector<16xf32>
        %mul3A_774 = arith.constant 8.000000e+00 : f32
        %mul3A_775 = vector.broadcast %mul3A_774 : f32 to vector<16xf32>
        %mul3A_776 = arith.mulf %get3A_773, %mul3A_775 : vector<16xf32>
        %swap3A_777 = arith.index_cast %scan3A_757 : i32 to index
        %swap3A_778 = arith.constant 16 : index
        %swap3A_779 = tpu.vector_load %arg7[%swap3A_777, %swap3A_778] {strides = array<i32>} : memref<200x64xf32, #tpu.memory_space<vmem>>, vector<1x16xf32>,
        %swap3A_780 = vector.shape_cast %swap3A_779 : vector<1x16xf32> to vector<16xf32>
        %swap3A_781 = vector.shape_cast %mul3A_776 : vector<16xf32> to vector<1x16xf32>
        tpu.vector_store %arg7[%swap3A_777, %swap3A_778], %swap3A_781 {strides = array<i32>} : memref<200x64xf32, #tpu.memory_space<vmem>>, vector<1x16xf32>,
        %get3A_782 = arith.index_cast %scan3A_757 : i32 to index
        %get3A_783 = arith.constant 32 : index
        %get3A_784 = tpu.vector_load %arg7[%get3A_782, %get3A_783] {strides = array<i32>} : memref<200x64xf32, #tpu.memory_space<vmem>>, vector<1x16xf32>,
        %get3A_785 = vector.shape_cast %get3A_784 : vector<1x16xf32> to vector<16xf32>
        %mul3A_786 = arith.constant 8.000000e+00 : f32
        %mul3A_787 = vector.broadcast %mul3A_786 : f32 to vector<16xf32>
        %mul3A_788 = arith.mulf %get3A_785, %mul3A_787 : vector<16xf32>
        %swap3A_789 = arith.index_cast %scan3A_757 : i32 to index
        %swap3A_790 = arith.constant 32 : index
        %swap3A_791 = tpu.vector_load %arg7[%swap3A_789, %swap3A_790] {strides = array<i32>} : memref<200x64xf32, #tpu.memory_space<vmem>>, vector<1x16xf32>,
        %swap3A_792 = vector.shape_cast %swap3A_791 : vector<1x16xf32> to vector<16xf32>
        %swap3A_793 = vector.shape_cast %mul3A_788 : vector<16xf32> to vector<1x16xf32>
        tpu.vector_store %arg7[%swap3A_789, %swap3A_790], %swap3A_793 {strides = array<i32>} : memref<200x64xf32, #tpu.memory_space<vmem>>, vector<1x16xf32>,
        %get3A_794 = arith.index_cast %scan3A_757 : i32 to index
        %get3A_795 = arith.constant 48 : index
        %get3A_796 = tpu.vector_load %arg7[%get3A_794, %get3A_795] {strides = array<i32>} : memref<200x64xf32, #tpu.memory_space<vmem>>, vector<1x16xf32>,
        %get3A_797 = vector.shape_cast %get3A_796 : vector<1x16xf32> to vector<16xf32>
        %mul3A_798 = arith.constant 8.000000e+00 : f32
        %mul3A_799 = vector.broadcast %mul3A_798 : f32 to vector<16xf32>
        %mul3A_800 = arith.mulf %get3A_797, %mul3A_799 : vector<16xf32>
        %swap3A_801 = arith.index_cast %scan3A_757 : i32 to index
        %swap3A_802 = arith.constant 48 : index
        %swap3A_803 = tpu.vector_load %arg7[%swap3A_801, %swap3A_802] {strides = array<i32>} : memref<200x64xf32, #tpu.memory_space<vmem>>, vector<1x16xf32>,
        %swap3A_804 = vector.shape_cast %swap3A_803 : vector<1x16xf32> to vector<16xf32>
        %swap3A_805 = vector.shape_cast %mul3A_800 : vector<16xf32> to vector<1x16xf32>
        tpu.vector_store %arg7[%swap3A_801, %swap3A_802], %swap3A_805 {strides = array<i32>} : memref<200x64xf32, #tpu.memory_space<vmem>>, vector<1x16xf32>,
        %scan3A_806 = arith.constant 6 : i32
        %scan3A_807 = arith.addi %scan3A_509, %scan3A_806 : i32
        %get3A_808 = arith.index_cast %scan3A_807 : i32 to index
        %get3A_809 = arith.constant 0 : index
        %get3A_810 = tpu.vector_load %arg7[%get3A_808, %get3A_809] {strides = array<i32>} : memref<200x64xf32, #tpu.memory_space<vmem>>, vector<1x16xf32>,
        %get3A_811 = vector.shape_cast %get3A_810 : vector<1x16xf32> to vector<16xf32>
        %mul3A_812 = arith.constant 8.000000e+00 : f32
        %mul3A_813 = vector.broadcast %mul3A_812 : f32 to vector<16xf32>
        %mul3A_814 = arith.mulf %get3A_811, %mul3A_813 : vector<16xf32>
        %swap3A_815 = arith.index_cast %scan3A_807 : i32 to index
        %swap3A_816 = arith.constant 0 : index
        %swap3A_817 = tpu.vector_load %arg7[%swap3A_815, %swap3A_816] {strides = array<i32>} : memref<200x64xf32, #tpu.memory_space<vmem>>, vector<1x16xf32>,
        %swap3A_818 = vector.shape_cast %swap3A_817 : vector<1x16xf32> to vector<16xf32>
        %swap3A_819 = vector.shape_cast %mul3A_814 : vector<16xf32> to vector<1x16xf32>
        tpu.vector_store %arg7[%swap3A_815, %swap3A_816], %swap3A_819 {strides = array<i32>} : memref<200x64xf32, #tpu.memory_space<vmem>>, vector<1x16xf32>,
        %get3A_820 = arith.index_cast %scan3A_807 : i32 to index
        %get3A_821 = arith.constant 16 : index
        %get3A_822 = tpu.vector_load %arg7[%get3A_820, %get3A_821] {strides = array<i32>} : memref<200x64xf32, #tpu.memory_space<vmem>>, vector<1x16xf32>,
        %get3A_823 = vector.shape_cast %get3A_822 : vector<1x16xf32> to vector<16xf32>
        %mul3A_824 = arith.constant 8.000000e+00 : f32
        %mul3A_825 = vector.broadcast %mul3A_824 : f32 to vector<16xf32>
        %mul3A_826 = arith.mulf %get3A_823, %mul3A_825 : vector<16xf32>
        %swap3A_827 = arith.index_cast %scan3A_807 : i32 to index
        %swap3A_828 = arith.constant 16 : index
        %swap3A_829 = tpu.vector_load %arg7[%swap3A_827, %swap3A_828] {strides = array<i32>} : memref<200x64xf32, #tpu.memory_space<vmem>>, vector<1x16xf32>,
        %swap3A_830 = vector.shape_cast %swap3A_829 : vector<1x16xf32> to vector<16xf32>
        %swap3A_831 = vector.shape_cast %mul3A_826 : vector<16xf32> to vector<1x16xf32>
        tpu.vector_store %arg7[%swap3A_827, %swap3A_828], %swap3A_831 {strides = array<i32>} : memref<200x64xf32, #tpu.memory_space<vmem>>, vector<1x16xf32>,
        %get3A_832 = arith.index_cast %scan3A_807 : i32 to index
        %get3A_833 = arith.constant 32 : index
        %get3A_834 = tpu.vector_load %arg7[%get3A_832, %get3A_833] {strides = array<i32>} : memref<200x64xf32, #tpu.memory_space<vmem>>, vector<1x16xf32>,
        %get3A_835 = vector.shape_cast %get3A_834 : vector<1x16xf32> to vector<16xf32>
        %mul3A_836 = arith.constant 8.000000e+00 : f32
        %mul3A_837 = vector.broadcast %mul3A_836 : f32 to vector<16xf32>
        %mul3A_838 = arith.mulf %get3A_835, %mul3A_837 : vector<16xf32>
        %swap3A_839 = arith.index_cast %scan3A_807 : i32 to index
        %swap3A_840 = arith.constant 32 : index
        %swap3A_841 = tpu.vector_load %arg7[%swap3A_839, %swap3A_840] {strides = array<i32>} : memref<200x64xf32, #tpu.memory_space<vmem>>, vector<1x16xf32>,
        %swap3A_842 = vector.shape_cast %swap3A_841 : vector<1x16xf32> to vector<16xf32>
        %swap3A_843 = vector.shape_cast %mul3A_838 : vector<16xf32> to vector<1x16xf32>
        tpu.vector_store %arg7[%swap3A_839, %swap3A_840], %swap3A_843 {strides = array<i32>} : memref<200x64xf32, #tpu.memory_space<vmem>>, vector<1x16xf32>,
        %get3A_844 = arith.index_cast %scan3A_807 : i32 to index
        %get3A_845 = arith.constant 48 : index
        %get3A_846 = tpu.vector_load %arg7[%get3A_844, %get3A_845] {strides = array<i32>} : memref<200x64xf32, #tpu.memory_space<vmem>>, vector<1x16xf32>,
        %get3A_847 = vector.shape_cast %get3A_846 : vector<1x16xf32> to vector<16xf32>
        %mul3A_848 = arith.constant 8.000000e+00 : f32
        %mul3A_849 = vector.broadcast %mul3A_848 : f32 to vector<16xf32>
        %mul3A_850 = arith.mulf %get3A_847, %mul3A_849 : vector<16xf32>
        %swap3A_851 = arith.index_cast %scan3A_807 : i32 to index
        %swap3A_852 = arith.constant 48 : index
        %swap3A_853 = tpu.vector_load %arg7[%swap3A_851, %swap3A_852] {strides = array<i32>} : memref<200x64xf32, #tpu.memory_space<vmem>>, vector<1x16xf32>,
        %swap3A_854 = vector.shape_cast %swap3A_853 : vector<1x16xf32> to vector<16xf32>
        %swap3A_855 = vector.shape_cast %mul3A_850 : vector<16xf32> to vector<1x16xf32>
        tpu.vector_store %arg7[%swap3A_851, %swap3A_852], %swap3A_855 {strides = array<i32>} : memref<200x64xf32, #tpu.memory_space<vmem>>, vector<1x16xf32>,
        %scan3A_856 = arith.constant 7 : i32
        %scan3A_857 = arith.addi %scan3A_509, %scan3A_856 : i32
        %get3A_858 = arith.index_cast %scan3A_857 : i32 to index
        %get3A_859 = arith.constant 0 : index
        %get3A_860 = tpu.vector_load %arg7[%get3A_858, %get3A_859] {strides = array<i32>} : memref<200x64xf32, #tpu.memory_space<vmem>>, vector<1x16xf32>,
        %get3A_861 = vector.shape_cast %get3A_860 : vector<1x16xf32> to vector<16xf32>
        %mul3A_862 = arith.constant 8.000000e+00 : f32
        %mul3A_863 = vector.broadcast %mul3A_862 : f32 to vector<16xf32>
        %mul3A_864 = arith.mulf %get3A_861, %mul3A_863 : vector<16xf32>
        %swap3A_865 = arith.index_cast %scan3A_857 : i32 to index
        %swap3A_866 = arith.constant 0 : index
        %swap3A_867 = tpu.vector_load %arg7[%swap3A_865, %swap3A_866] {strides = array<i32>} : memref<200x64xf32, #tpu.memory_space<vmem>>, vector<1x16xf32>,
        %swap3A_868 = vector.shape_cast %swap3A_867 : vector<1x16xf32> to vector<16xf32>
        %swap3A_869 = vector.shape_cast %mul3A_864 : vector<16xf32> to vector<1x16xf32>
        tpu.vector_store %arg7[%swap3A_865, %swap3A_866], %swap3A_869 {strides = array<i32>} : memref<200x64xf32, #tpu.memory_space<vmem>>, vector<1x16xf32>,
        %get3A_870 = arith.index_cast %scan3A_857 : i32 to index
        %get3A_871 = arith.constant 16 : index
        %get3A_872 = tpu.vector_load %arg7[%get3A_870, %get3A_871] {strides = array<i32>} : memref<200x64xf32, #tpu.memory_space<vmem>>, vector<1x16xf32>,
        %get3A_873 = vector.shape_cast %get3A_872 : vector<1x16xf32> to vector<16xf32>
        %mul3A_874 = arith.constant 8.000000e+00 : f32
        %mul3A_875 = vector.broadcast %mul3A_874 : f32 to vector<16xf32>
        %mul3A_876 = arith.mulf %get3A_873, %mul3A_875 : vector<16xf32>
        %swap3A_877 = arith.index_cast %scan3A_857 : i32 to index
        %swap3A_878 = arith.constant 16 : index
        %swap3A_879 = tpu.vector_load %arg7[%swap3A_877, %swap3A_878] {strides = array<i32>} : memref<200x64xf32, #tpu.memory_space<vmem>>, vector<1x16xf32>,
        %swap3A_880 = vector.shape_cast %swap3A_879 : vector<1x16xf32> to vector<16xf32>
        %swap3A_881 = vector.shape_cast %mul3A_876 : vector<16xf32> to vector<1x16xf32>
        tpu.vector_store %arg7[%swap3A_877, %swap3A_878], %swap3A_881 {strides = array<i32>} : memref<200x64xf32, #tpu.memory_space<vmem>>, vector<1x16xf32>,
        %get3A_882 = arith.index_cast %scan3A_857 : i32 to index
        %get3A_883 = arith.constant 32 : index
        %get3A_884 = tpu.vector_load %arg7[%get3A_882, %get3A_883] {strides = array<i32>} : memref<200x64xf32, #tpu.memory_space<vmem>>, vector<1x16xf32>,
        %get3A_885 = vector.shape_cast %get3A_884 : vector<1x16xf32> to vector<16xf32>
        %mul3A_886 = arith.constant 8.000000e+00 : f32
        %mul3A_887 = vector.broadcast %mul3A_886 : f32 to vector<16xf32>
        %mul3A_888 = arith.mulf %get3A_885, %mul3A_887 : vector<16xf32>
        %swap3A_889 = arith.index_cast %scan3A_857 : i32 to index
        %swap3A_890 = arith.constant 32 : index
        %swap3A_891 = tpu.vector_load %arg7[%swap3A_889, %swap3A_890] {strides = array<i32>} : memref<200x64xf32, #tpu.memory_space<vmem>>, vector<1x16xf32>,
        %swap3A_892 = vector.shape_cast %swap3A_891 : vector<1x16xf32> to vector<16xf32>
        %swap3A_893 = vector.shape_cast %mul3A_888 : vector<16xf32> to vector<1x16xf32>
        tpu.vector_store %arg7[%swap3A_889, %swap3A_890], %swap3A_893 {strides = array<i32>} : memref<200x64xf32, #tpu.memory_space<vmem>>, vector<1x16xf32>,
        %get3A_894 = arith.index_cast %scan3A_857 : i32 to index
        %get3A_895 = arith.constant 48 : index
        %get3A_896 = tpu.vector_load %arg7[%get3A_894, %get3A_895] {strides = array<i32>} : memref<200x64xf32, #tpu.memory_space<vmem>>, vector<1x16xf32>,
        %get3A_897 = vector.shape_cast %get3A_896 : vector<1x16xf32> to vector<16xf32>
        %mul3A_898 = arith.constant 8.000000e+00 : f32
        %mul3A_899 = vector.broadcast %mul3A_898 : f32 to vector<16xf32>
        %mul3A_900 = arith.mulf %get3A_897, %mul3A_899 : vector<16xf32>
        %swap3A_901 = arith.index_cast %scan3A_857 : i32 to index
        %swap3A_902 = arith.constant 48 : index
        %swap3A_903 = tpu.vector_load %arg7[%swap3A_901, %swap3A_902] {strides = array<i32>} : memref<200x64xf32, #tpu.memory_space<vmem>>, vector<1x16xf32>,
        %swap3A_904 = vector.shape_cast %swap3A_903 : vector<1x16xf32> to vector<16xf32>
        %swap3A_905 = vector.shape_cast %mul3A_900 : vector<16xf32> to vector<1x16xf32>
        tpu.vector_store %arg7[%swap3A_901, %swap3A_902], %swap3A_905 {strides = array<i32>} : memref<200x64xf32, #tpu.memory_space<vmem>>, vector<1x16xf32>,
      }
      %scan3A_499 = arith.constant 200 : i32
      %add3A_500 = arith.addi %mul3A_4, %add3A_446 : i32
      %dma_start3A_501 = arith.constant 0 : i32
      %dma_start3A_502 = arith.constant 0 : i32
      %dma_start3A_503 = tpu.memref_slice %arg4[%add3A_500, %dma_start3A_501, %dma_start3A_502] : memref<4096x200x64xf32, #tpu.memory_space<hbm>> -> memref<1x200x64xf32, #tpu.memory_space<hbm>>
      %dma_start3A_504 = tpu.memref_squeeze %dma_start3A_503 : memref<1x200x64xf32, #tpu.memory_space<hbm>> -> memref<200x64xf32, #tpu.memory_space<hbm>>
      %dma_start3A_505 = arith.constant 0 : i32
      %dma_start3A_506 = arith.constant 0 : i32
      %dma_start3A_507 = tpu.memref_slice %arg4[%add3A_500, %dma_start3A_505, %dma_start3A_506] : memref<4096x200x64xf32, #tpu.memory_space<hbm>> -> memref<1x200x64xf32, #tpu.memory_space<hbm>>
      %dma_start3A_508 = tpu.memref_squeeze %dma_start3A_507 : memref<1x200x64xf32, #tpu.memory_space<hbm>> -> memref<200x64xf32, #tpu.memory_space<hbm>>
      tpu.enqueue_dma source(%arg7 : memref<200x64xf32, #tpu.memory_space<vmem>>) target(%dma_start3A_508 : memref<200x64xf32, #tpu.memory_space<hbm>>) target_semaphore(%arg15 : memref<!tpu.dma_semaphore, #tpu.memory_space<semaphore_mem>>)
    }
    %scan3A_135 = arith.constant 31 : i32
    %dma_wait3A_136 = arith.constant 0 : i32
    %dma_wait3A_137 = arith.constant 0 : i32
    %dma_wait3A_138 = arith.constant 0 : i32
    %dma_wait3A_139 = tpu.memref_slice %arg4[%dma_wait3A_136, %dma_wait3A_137, %dma_wait3A_138] : memref<4096x200x64xf32, #tpu.memory_space<hbm>> -> memref<1x200x64xf32, #tpu.memory_space<hbm>>
    %dma_wait3A_140 = tpu.memref_squeeze %dma_wait3A_139 : memref<1x200x64xf32, #tpu.memory_space<hbm>> -> memref<200x64xf32, #tpu.memory_space<hbm>>
    %dma_wait3A_141 = arith.constant 0 : i32
    %dma_wait3A_142 = arith.constant 0 : i32
    %dma_wait3A_143 = tpu.memref_slice %arg4[%dma_wait3A_136, %dma_wait3A_141, %dma_wait3A_142] : memref<4096x200x64xf32, #tpu.memory_space<hbm>> -> memref<1x200x64xf32, #tpu.memory_space<hbm>>
    %dma_wait3A_144 = tpu.memref_squeeze %dma_wait3A_143 : memref<1x200x64xf32, #tpu.memory_space<hbm>> -> memref<200x64xf32, #tpu.memory_space<hbm>>
    tpu.wait_dma2 semaphore(%arg14 : memref<!tpu.dma_semaphore, #tpu.memory_space<semaphore_mem>>) src(%arg6 : memref<200x64xf32, #tpu.memory_space<vmem>>) dst(%dma_wait3A_144 : memref<200x64xf32, #tpu.memory_space<hbm>>)
    %dma_wait3A_145 = arith.constant 0 : i32
    %dma_wait3A_146 = arith.constant 0 : i32
    %dma_wait3A_147 = tpu.memref_slice %arg8[%dma_wait3A_145, %dma_wait3A_146] : memref<200x64xf32, #tpu.memory_space<vmem>> -> memref<128x64xf32, #tpu.memory_space<vmem>>
    %dma_wait3A_148 = arith.constant 0 : i32
    %dma_wait3A_149 = tpu.memref_slice %arg5[%dma_wait3A_148] : memref<25600xi32, #tpu.memory_space<vmem>> -> memref<128xi32, #tpu.memory_space<vmem>>
    %dma_wait3A_150 = arith.constant 0 : i32
    %dma_wait3A_151 = arith.constant 0 : i32
    %dma_wait3A_152 = tpu.memref_slice %arg3[%dma_wait3A_150, %dma_wait3A_151] : memref<1000000x64xf32, #tpu.memory_space<hbm>> -> memref<1000000x64xf32, #tpu.memory_space<hbm>>
    tpu.wait_indirect_dma semaphore(%arg12 : memref<!tpu.dma_semaphore, #tpu.memory_space<semaphore_mem>>) src(%dma_wait3A_152 : memref<1000000x64xf32, #tpu.memory_space<hbm>>) dst(%dma_wait3A_147 : memref<128x64xf32, #tpu.memory_space<vmem>>)
    %dma_wait3A_153 = arith.constant 128 : i32
    %dma_wait3A_154 = arith.constant 0 : i32
    %dma_wait3A_155 = tpu.memref_slice %arg8[%dma_wait3A_153, %dma_wait3A_154] : memref<200x64xf32, #tpu.memory_space<vmem>> -> memref<72x64xf32, #tpu.memory_space<vmem>>
    %dma_wait3A_156 = arith.constant 0 : i32
    %dma_wait3A_157 = tpu.memref_slice %arg5[%dma_wait3A_156] : memref<25600xi32, #tpu.memory_space<vmem>> -> memref<72xi32, #tpu.memory_space<vmem>>
    %dma_wait3A_158 = arith.constant 0 : i32
    %dma_wait3A_159 = arith.constant 0 : i32
    %dma_wait3A_160 = tpu.memref_slice %arg3[%dma_wait3A_158, %dma_wait3A_159] : memref<1000000x64xf32, #tpu.memory_space<hbm>> -> memref<1000000x64xf32, #tpu.memory_space<hbm>>
    tpu.wait_indirect_dma semaphore(%arg12 : memref<!tpu.dma_semaphore, #tpu.memory_space<semaphore_mem>>) src(%dma_wait3A_160 : memref<1000000x64xf32, #tpu.memory_space<hbm>>) dst(%dma_wait3A_155 : memref<72x64xf32, #tpu.memory_space<vmem>>)
    %scan3A_161 = arith.constant 0 : i32
    %scan3A_162 = arith.constant 0 : i32
    %scan3A_163 = arith.constant 200 : i32
    %scan3A_164 = arith.addi %scan3A_162, %scan3A_163 : i32
    %scan3A_165 = arith.constant 8 : i32
    scf.for %scan3A_236 = %scan3A_162 to %scan3A_164 step %scan3A_165  : i32 {
      %get3A = arith.index_cast %scan3A_236 : i32 to index
      %get3A_237 = arith.constant 0 : index
      %get3A_238 = tpu.vector_load %arg8[%get3A, %get3A_237] {strides = array<i32>} : memref<200x64xf32, #tpu.memory_space<vmem>>, vector<1x16xf32>,
      %get3A_239 = vector.shape_cast %get3A_238 : vector<1x16xf32> to vector<16xf32>
      %mul3A_240 = arith.constant 8.000000e+00 : f32
      %mul3A_241 = vector.broadcast %mul3A_240 : f32 to vector<16xf32>
      %mul3A_242 = arith.mulf %get3A_239, %mul3A_241 : vector<16xf32>
      %swap3A = arith.index_cast %scan3A_236 : i32 to index
      %swap3A_243 = arith.constant 0 : index
      %swap3A_244 = tpu.vector_load %arg8[%swap3A, %swap3A_243] {strides = array<i32>} : memref<200x64xf32, #tpu.memory_space<vmem>>, vector<1x16xf32>,
      %swap3A_245 = vector.shape_cast %swap3A_244 : vector<1x16xf32> to vector<16xf32>
      %swap3A_246 = vector.shape_cast %mul3A_242 : vector<16xf32> to vector<1x16xf32>
      tpu.vector_store %arg8[%swap3A, %swap3A_243], %swap3A_246 {strides = array<i32>} : memref<200x64xf32, #tpu.memory_space<vmem>>, vector<1x16xf32>,
      %get3A_247 = arith.index_cast %scan3A_236 : i32 to index
      %get3A_248 = arith.constant 16 : index
      %get3A_249 = tpu.vector_load %arg8[%get3A_247, %get3A_248] {strides = array<i32>} : memref<200x64xf32, #tpu.memory_space<vmem>>, vector<1x16xf32>,
      %get3A_250 = vector.shape_cast %get3A_249 : vector<1x16xf32> to vector<16xf32>
      %mul3A_251 = arith.constant 8.000000e+00 : f32
      %mul3A_252 = vector.broadcast %mul3A_251 : f32 to vector<16xf32>
      %mul3A_253 = arith.mulf %get3A_250, %mul3A_252 : vector<16xf32>
      %swap3A_254 = arith.index_cast %scan3A_236 : i32 to index
      %swap3A_255 = arith.constant 16 : index
      %swap3A_256 = tpu.vector_load %arg8[%swap3A_254, %swap3A_255] {strides = array<i32>} : memref<200x64xf32, #tpu.memory_space<vmem>>, vector<1x16xf32>,
      %swap3A_257 = vector.shape_cast %swap3A_256 : vector<1x16xf32> to vector<16xf32>
      %swap3A_258 = vector.shape_cast %mul3A_253 : vector<16xf32> to vector<1x16xf32>
      tpu.vector_store %arg8[%swap3A_254, %swap3A_255], %swap3A_258 {strides = array<i32>} : memref<200x64xf32, #tpu.memory_space<vmem>>, vector<1x16xf32>,
      %get3A_259 = arith.index_cast %scan3A_236 : i32 to index
      %get3A_260 = arith.constant 32 : index
      %get3A_261 = tpu.vector_load %arg8[%get3A_259, %get3A_260] {strides = array<i32>} : memref<200x64xf32, #tpu.memory_space<vmem>>, vector<1x16xf32>,
      %get3A_262 = vector.shape_cast %get3A_261 : vector<1x16xf32> to vector<16xf32>
      %mul3A_263 = arith.constant 8.000000e+00 : f32
      %mul3A_264 = vector.broadcast %mul3A_263 : f32 to vector<16xf32>
      %mul3A_265 = arith.mulf %get3A_262, %mul3A_264 : vector<16xf32>
      %swap3A_266 = arith.index_cast %scan3A_236 : i32 to index
      %swap3A_267 = arith.constant 32 : index
      %swap3A_268 = tpu.vector_load %arg8[%swap3A_266, %swap3A_267] {strides = array<i32>} : memref<200x64xf32, #tpu.memory_space<vmem>>, vector<1x16xf32>,
      %swap3A_269 = vector.shape_cast %swap3A_268 : vector<1x16xf32> to vector<16xf32>
      %swap3A_270 = vector.shape_cast %mul3A_265 : vector<16xf32> to vector<1x16xf32>
      tpu.vector_store %arg8[%swap3A_266, %swap3A_267], %swap3A_270 {strides = array<i32>} : memref<200x64xf32, #tpu.memory_space<vmem>>, vector<1x16xf32>,
      %get3A_271 = arith.index_cast %scan3A_236 : i32 to index
      %get3A_272 = arith.constant 48 : index
      %get3A_273 = tpu.vector_load %arg8[%get3A_271, %get3A_272] {strides = array<i32>} : memref<200x64xf32, #tpu.memory_space<vmem>>, vector<1x16xf32>,
      %get3A_274 = vector.shape_cast %get3A_273 : vector<1x16xf32> to vector<16xf32>
      %mul3A_275 = arith.constant 8.000000e+00 : f32
      %mul3A_276 = vector.broadcast %mul3A_275 : f32 to vector<16xf32>
      %mul3A_277 = arith.mulf %get3A_274, %mul3A_276 : vector<16xf32>
      %swap3A_278 = arith.index_cast %scan3A_236 : i32 to index
      %swap3A_279 = arith.constant 48 : index
      %swap3A_280 = tpu.vector_load %arg8[%swap3A_278, %swap3A_279] {strides = array<i32>} : memref<200x64xf32, #tpu.memory_space<vmem>>, vector<1x16xf32>,
      %swap3A_281 = vector.shape_cast %swap3A_280 : vector<1x16xf32> to vector<16xf32>
      %swap3A_282 = vector.shape_cast %mul3A_277 : vector<16xf32> to vector<1x16xf32>
      tpu.vector_store %arg8[%swap3A_278, %swap3A_279], %swap3A_282 {strides = array<i32>} : memref<200x64xf32, #tpu.memory_space<vmem>>, vector<1x16xf32>,
      %scan3A_283 = arith.constant 1 : i32
      %scan3A_284 = arith.addi %scan3A_236, %scan3A_283 : i32
      %get3A_285 = arith.index_cast %scan3A_284 : i32 to index
      %get3A_286 = arith.constant 0 : index
      %get3A_287 = tpu.vector_load %arg8[%get3A_285, %get3A_286] {strides = array<i32>} : memref<200x64xf32, #tpu.memory_space<vmem>>, vector<1x16xf32>,
      %get3A_288 = vector.shape_cast %get3A_287 : vector<1x16xf32> to vector<16xf32>
      %mul3A_289 = arith.constant 8.000000e+00 : f32
      %mul3A_290 = vector.broadcast %mul3A_289 : f32 to vector<16xf32>
      %mul3A_291 = arith.mulf %get3A_288, %mul3A_290 : vector<16xf32>
      %swap3A_292 = arith.index_cast %scan3A_284 : i32 to index
      %swap3A_293 = arith.constant 0 : index
      %swap3A_294 = tpu.vector_load %arg8[%swap3A_292, %swap3A_293] {strides = array<i32>} : memref<200x64xf32, #tpu.memory_space<vmem>>, vector<1x16xf32>,
      %swap3A_295 = vector.shape_cast %swap3A_294 : vector<1x16xf32> to vector<16xf32>
      %swap3A_296 = vector.shape_cast %mul3A_291 : vector<16xf32> to vector<1x16xf32>
      tpu.vector_store %arg8[%swap3A_292, %swap3A_293], %swap3A_296 {strides = array<i32>} : memref<200x64xf32, #tpu.memory_space<vmem>>, vector<1x16xf32>,
      %get3A_297 = arith.index_cast %scan3A_284 : i32 to index
      %get3A_298 = arith.constant 16 : index
      %get3A_299 = tpu.vector_load %arg8[%get3A_297, %get3A_298] {strides = array<i32>} : memref<200x64xf32, #tpu.memory_space<vmem>>, vector<1x16xf32>,
      %get3A_300 = vector.shape_cast %get3A_299 : vector<1x16xf32> to vector<16xf32>
      %mul3A_301 = arith.constant 8.000000e+00 : f32
      %mul3A_302 = vector.broadcast %mul3A_301 : f32 to vector<16xf32>
      %mul3A_303 = arith.mulf %get3A_300, %mul3A_302 : vector<16xf32>
      %swap3A_304 = arith.index_cast %scan3A_284 : i32 to index
      %swap3A_305 = arith.constant 16 : index
      %swap3A_306 = tpu.vector_load %arg8[%swap3A_304, %swap3A_305] {strides = array<i32>} : memref<200x64xf32, #tpu.memory_space<vmem>>, vector<1x16xf32>,
      %swap3A_307 = vector.shape_cast %swap3A_306 : vector<1x16xf32> to vector<16xf32>
      %swap3A_308 = vector.shape_cast %mul3A_303 : vector<16xf32> to vector<1x16xf32>
      tpu.vector_store %arg8[%swap3A_304, %swap3A_305], %swap3A_308 {strides = array<i32>} : memref<200x64xf32, #tpu.memory_space<vmem>>, vector<1x16xf32>,
      %get3A_309 = arith.index_cast %scan3A_284 : i32 to index
      %get3A_310 = arith.constant 32 : index
      %get3A_311 = tpu.vector_load %arg8[%get3A_309, %get3A_310] {strides = array<i32>} : memref<200x64xf32, #tpu.memory_space<vmem>>, vector<1x16xf32>,
      %get3A_312 = vector.shape_cast %get3A_311 : vector<1x16xf32> to vector<16xf32>
      %mul3A_313 = arith.constant 8.000000e+00 : f32
      %mul3A_314 = vector.broadcast %mul3A_313 : f32 to vector<16xf32>
      %mul3A_315 = arith.mulf %get3A_312, %mul3A_314 : vector<16xf32>
      %swap3A_316 = arith.index_cast %scan3A_284 : i32 to index
      %swap3A_317 = arith.constant 32 : index
      %swap3A_318 = tpu.vector_load %arg8[%swap3A_316, %swap3A_317] {strides = array<i32>} : memref<200x64xf32, #tpu.memory_space<vmem>>, vector<1x16xf32>,
      %swap3A_319 = vector.shape_cast %swap3A_318 : vector<1x16xf32> to vector<16xf32>
      %swap3A_320 = vector.shape_cast %mul3A_315 : vector<16xf32> to vector<1x16xf32>
      tpu.vector_store %arg8[%swap3A_316, %swap3A_317], %swap3A_320 {strides = array<i32>} : memref<200x64xf32, #tpu.memory_space<vmem>>, vector<1x16xf32>,
      %get3A_321 = arith.index_cast %scan3A_284 : i32 to index
      %get3A_322 = arith.constant 48 : index
      %get3A_323 = tpu.vector_load %arg8[%get3A_321, %get3A_322] {strides = array<i32>} : memref<200x64xf32, #tpu.memory_space<vmem>>, vector<1x16xf32>,
      %get3A_324 = vector.shape_cast %get3A_323 : vector<1x16xf32> to vector<16xf32>
      %mul3A_325 = arith.constant 8.000000e+00 : f32
      %mul3A_326 = vector.broadcast %mul3A_325 : f32 to vector<16xf32>
      %mul3A_327 = arith.mulf %get3A_324, %mul3A_326 : vector<16xf32>
      %swap3A_328 = arith.index_cast %scan3A_284 : i32 to index
      %swap3A_329 = arith.constant 48 : index
      %swap3A_330 = tpu.vector_load %arg8[%swap3A_328, %swap3A_329] {strides = array<i32>} : memref<200x64xf32, #tpu.memory_space<vmem>>, vector<1x16xf32>,
      %swap3A_331 = vector.shape_cast %swap3A_330 : vector<1x16xf32> to vector<16xf32>
      %swap3A_332 = vector.shape_cast %mul3A_327 : vector<16xf32> to vector<1x16xf32>
      tpu.vector_store %arg8[%swap3A_328, %swap3A_329], %swap3A_332 {strides = array<i32>} : memref<200x64xf32, #tpu.memory_space<vmem>>, vector<1x16xf32>,
      %scan3A_333 = arith.constant 2 : i32
      %scan3A_334 = arith.addi %scan3A_236, %scan3A_333 : i32
      %get3A_335 = arith.index_cast %scan3A_334 : i32 to index
      %get3A_336 = arith.constant 0 : index
      %get3A_337 = tpu.vector_load %arg8[%get3A_335, %get3A_336] {strides = array<i32>} : memref<200x64xf32, #tpu.memory_space<vmem>>, vector<1x16xf32>,
      %get3A_338 = vector.shape_cast %get3A_337 : vector<1x16xf32> to vector<16xf32>
      %mul3A_339 = arith.constant 8.000000e+00 : f32
      %mul3A_340 = vector.broadcast %mul3A_339 : f32 to vector<16xf32>
      %mul3A_341 = arith.mulf %get3A_338, %mul3A_340 : vector<16xf32>
      %swap3A_342 = arith.index_cast %scan3A_334 : i32 to index
      %swap3A_343 = arith.constant 0 : index
      %swap3A_344 = tpu.vector_load %arg8[%swap3A_342, %swap3A_343] {strides = array<i32>} : memref<200x64xf32, #tpu.memory_space<vmem>>, vector<1x16xf32>,
      %swap3A_345 = vector.shape_cast %swap3A_344 : vector<1x16xf32> to vector<16xf32>
      %swap3A_346 = vector.shape_cast %mul3A_341 : vector<16xf32> to vector<1x16xf32>
      tpu.vector_store %arg8[%swap3A_342, %swap3A_343], %swap3A_346 {strides = array<i32>} : memref<200x64xf32, #tpu.memory_space<vmem>>, vector<1x16xf32>,
      %get3A_347 = arith.index_cast %scan3A_334 : i32 to index
      %get3A_348 = arith.constant 16 : index
      %get3A_349 = tpu.vector_load %arg8[%get3A_347, %get3A_348] {strides = array<i32>} : memref<200x64xf32, #tpu.memory_space<vmem>>, vector<1x16xf32>,
      %get3A_350 = vector.shape_cast %get3A_349 : vector<1x16xf32> to vector<16xf32>
      %mul3A_351 = arith.constant 8.000000e+00 : f32
      %mul3A_352 = vector.broadcast %mul3A_351 : f32 to vector<16xf32>
      %mul3A_353 = arith.mulf %get3A_350, %mul3A_352 : vector<16xf32>
      %swap3A_354 = arith.index_cast %scan3A_334 : i32 to index
      %swap3A_355 = arith.constant 16 : index
      %swap3A_356 = tpu.vector_load %arg8[%swap3A_354, %swap3A_355] {strides = array<i32>} : memref<200x64xf32, #tpu.memory_space<vmem>>, vector<1x16xf32>,
      %swap3A_357 = vector.shape_cast %swap3A_356 : vector<1x16xf32> to vector<16xf32>
      %swap3A_358 = vector.shape_cast %mul3A_353 : vector<16xf32> to vector<1x16xf32>
      tpu.vector_store %arg8[%swap3A_354, %swap3A_355], %swap3A_358 {strides = array<i32>} : memref<200x64xf32, #tpu.memory_space<vmem>>, vector<1x16xf32>,
      %get3A_359 = arith.index_cast %scan3A_334 : i32 to index
      %get3A_360 = arith.constant 32 : index
      %get3A_361 = tpu.vector_load %arg8[%get3A_359, %get3A_360] {strides = array<i32>} : memref<200x64xf32, #tpu.memory_space<vmem>>, vector<1x16xf32>,
      %get3A_362 = vector.shape_cast %get3A_361 : vector<1x16xf32> to vector<16xf32>
      %mul3A_363 = arith.constant 8.000000e+00 : f32
      %mul3A_364 = vector.broadcast %mul3A_363 : f32 to vector<16xf32>
      %mul3A_365 = arith.mulf %get3A_362, %mul3A_364 : vector<16xf32>
      %swap3A_366 = arith.index_cast %scan3A_334 : i32 to index
      %swap3A_367 = arith.constant 32 : index
      %swap3A_368 = tpu.vector_load %arg8[%swap3A_366, %swap3A_367] {strides = array<i32>} : memref<200x64xf32, #tpu.memory_space<vmem>>, vector<1x16xf32>,
      %swap3A_369 = vector.shape_cast %swap3A_368 : vector<1x16xf32> to vector<16xf32>
      %swap3A_370 = vector.shape_cast %mul3A_365 : vector<16xf32> to vector<1x16xf32>
      tpu.vector_store %arg8[%swap3A_366, %swap3A_367], %swap3A_370 {strides = array<i32>} : memref<200x64xf32, #tpu.memory_space<vmem>>, vector<1x16xf32>,
      %get3A_371 = arith.index_cast %scan3A_334 : i32 to index
      %get3A_372 = arith.constant 48 : index
      %get3A_373 = tpu.vector_load %arg8[%get3A_371, %get3A_372] {strides = array<i32>} : memref<200x64xf32, #tpu.memory_space<vmem>>, vector<1x16xf32>,
      %get3A_374 = vector.shape_cast %get3A_373 : vector<1x16xf32> to vector<16xf32>
      %mul3A_375 = arith.constant 8.000000e+00 : f32
      %mul3A_376 = vector.broadcast %mul3A_375 : f32 to vector<16xf32>
      %mul3A_377 = arith.mulf %get3A_374, %mul3A_376 : vector<16xf32>
      %swap3A_378 = arith.index_cast %scan3A_334 : i32 to index
      %swap3A_379 = arith.constant 48 : index
      %swap3A_380 = tpu.vector_load %arg8[%swap3A_378, %swap3A_379] {strides = array<i32>} : memref<200x64xf32, #tpu.memory_space<vmem>>, vector<1x16xf32>,
      %swap3A_381 = vector.shape_cast %swap3A_380 : vector<1x16xf32> to vector<16xf32>
      %swap3A_382 = vector.shape_cast %mul3A_377 : vector<16xf32> to vector<1x16xf32>
      tpu.vector_store %arg8[%swap3A_378, %swap3A_379], %swap3A_382 {strides = array<i32>} : memref<200x64xf32, #tpu.memory_space<vmem>>, vector<1x16xf32>,
      %scan3A_383 = arith.constant 3 : i32
      %scan3A_384 = arith.addi %scan3A_236, %scan3A_383 : i32
      %get3A_385 = arith.index_cast %scan3A_384 : i32 to index
      %get3A_386 = arith.constant 0 : index
      %get3A_387 = tpu.vector_load %arg8[%get3A_385, %get3A_386] {strides = array<i32>} : memref<200x64xf32, #tpu.memory_space<vmem>>, vector<1x16xf32>,
      %get3A_388 = vector.shape_cast %get3A_387 : vector<1x16xf32> to vector<16xf32>
      %mul3A_389 = arith.constant 8.000000e+00 : f32
      %mul3A_390 = vector.broadcast %mul3A_389 : f32 to vector<16xf32>
      %mul3A_391 = arith.mulf %get3A_388, %mul3A_390 : vector<16xf32>
      %swap3A_392 = arith.index_cast %scan3A_384 : i32 to index
      %swap3A_393 = arith.constant 0 : index
      %swap3A_394 = tpu.vector_load %arg8[%swap3A_392, %swap3A_393] {strides = array<i32>} : memref<200x64xf32, #tpu.memory_space<vmem>>, vector<1x16xf32>,
      %swap3A_395 = vector.shape_cast %swap3A_394 : vector<1x16xf32> to vector<16xf32>
      %swap3A_396 = vector.shape_cast %mul3A_391 : vector<16xf32> to vector<1x16xf32>
      tpu.vector_store %arg8[%swap3A_392, %swap3A_393], %swap3A_396 {strides = array<i32>} : memref<200x64xf32, #tpu.memory_space<vmem>>, vector<1x16xf32>,
      %get3A_397 = arith.index_cast %scan3A_384 : i32 to index
      %get3A_398 = arith.constant 16 : index
      %get3A_399 = tpu.vector_load %arg8[%get3A_397, %get3A_398] {strides = array<i32>} : memref<200x64xf32, #tpu.memory_space<vmem>>, vector<1x16xf32>,
      %get3A_400 = vector.shape_cast %get3A_399 : vector<1x16xf32> to vector<16xf32>
      %mul3A_401 = arith.constant 8.000000e+00 : f32
      %mul3A_402 = vector.broadcast %mul3A_401 : f32 to vector<16xf32>
      %mul3A_403 = arith.mulf %get3A_400, %mul3A_402 : vector<16xf32>
      %swap3A_404 = arith.index_cast %scan3A_384 : i32 to index
      %swap3A_405 = arith.constant 16 : index
      %swap3A_406 = tpu.vector_load %arg8[%swap3A_404, %swap3A_405] {strides = array<i32>} : memref<200x64xf32, #tpu.memory_space<vmem>>, vector<1x16xf32>,
      %swap3A_407 = vector.shape_cast %swap3A_406 : vector<1x16xf32> to vector<16xf32>
      %swap3A_408 = vector.shape_cast %mul3A_403 : vector<16xf32> to vector<1x16xf32>
      tpu.vector_store %arg8[%swap3A_404, %swap3A_405], %swap3A_408 {strides = array<i32>} : memref<200x64xf32, #tpu.memory_space<vmem>>, vector<1x16xf32>,
      %get3A_409 = arith.index_cast %scan3A_384 : i32 to index
      %get3A_410 = arith.constant 32 : index
      %get3A_411 = tpu.vector_load %arg8[%get3A_409, %get3A_410] {strides = array<i32>} : memref<200x64xf32, #tpu.memory_space<vmem>>, vector<1x16xf32>,
      %get3A_412 = vector.shape_cast %get3A_411 : vector<1x16xf32> to vector<16xf32>
      %mul3A_413 = arith.constant 8.000000e+00 : f32
      %mul3A_414 = vector.broadcast %mul3A_413 : f32 to vector<16xf32>
      %mul3A_415 = arith.mulf %get3A_412, %mul3A_414 : vector<16xf32>
      %swap3A_416 = arith.index_cast %scan3A_384 : i32 to index
      %swap3A_417 = arith.constant 32 : index
      %swap3A_418 = tpu.vector_load %arg8[%swap3A_416, %swap3A_417] {strides = array<i32>} : memref<200x64xf32, #tpu.memory_space<vmem>>, vector<1x16xf32>,
      %swap3A_419 = vector.shape_cast %swap3A_418 : vector<1x16xf32> to vector<16xf32>
      %swap3A_420 = vector.shape_cast %mul3A_415 : vector<16xf32> to vector<1x16xf32>
      tpu.vector_store %arg8[%swap3A_416, %swap3A_417], %swap3A_420 {strides = array<i32>} : memref<200x64xf32, #tpu.memory_space<vmem>>, vector<1x16xf32>,
      %get3A_421 = arith.index_cast %scan3A_384 : i32 to index
      %get3A_422 = arith.constant 48 : index
      %get3A_423 = tpu.vector_load %arg8[%get3A_421, %get3A_422] {strides = array<i32>} : memref<200x64xf32, #tpu.memory_space<vmem>>, vector<1x16xf32>,
      %get3A_424 = vector.shape_cast %get3A_423 : vector<1x16xf32> to vector<16xf32>
      %mul3A_425 = arith.constant 8.000000e+00 : f32
      %mul3A_426 = vector.broadcast %mul3A_425 : f32 to vector<16xf32>
      %mul3A_427 = arith.mulf %get3A_424, %mul3A_426 : vector<16xf32>
      %swap3A_428 = arith.index_cast %scan3A_384 : i32 to index
      %swap3A_429 = arith.constant 48 : index
      %swap3A_430 = tpu.vector_load %arg8[%swap3A_428, %swap3A_429] {strides = array<i32>} : memref<200x64xf32, #tpu.memory_space<vmem>>, vector<1x16xf32>,
      %swap3A_431 = vector.shape_cast %swap3A_430 : vector<1x16xf32> to vector<16xf32>
      %swap3A_432 = vector.shape_cast %mul3A_427 : vector<16xf32> to vector<1x16xf32>
      tpu.vector_store %arg8[%swap3A_428, %swap3A_429], %swap3A_432 {strides = array<i32>} : memref<200x64xf32, #tpu.memory_space<vmem>>, vector<1x16xf32>,
      %scan3A_433 = arith.constant 4 : i32
      %scan3A_434 = arith.addi %scan3A_236, %scan3A_433 : i32
      %get3A_435 = arith.index_cast %scan3A_434 : i32 to index
      %get3A_436 = arith.constant 0 : index
      %get3A_437 = tpu.vector_load %arg8[%get3A_435, %get3A_436] {strides = array<i32>} : memref<200x64xf32, #tpu.memory_space<vmem>>, vector<1x16xf32>,
      %get3A_438 = vector.shape_cast %get3A_437 : vector<1x16xf32> to vector<16xf32>
      %mul3A_439 = arith.constant 8.000000e+00 : f32
      %mul3A_440 = vector.broadcast %mul3A_439 : f32 to vector<16xf32>
      %mul3A_441 = arith.mulf %get3A_438, %mul3A_440 : vector<16xf32>
      %swap3A_442 = arith.index_cast %scan3A_434 : i32 to index
      %swap3A_443 = arith.constant 0 : index
      %swap3A_444 = tpu.vector_load %arg8[%swap3A_442, %swap3A_443] {strides = array<i32>} : memref<200x64xf32, #tpu.memory_space<vmem>>, vector<1x16xf32>,
      %swap3A_445 = vector.shape_cast %swap3A_444 : vector<1x16xf32> to vector<16xf32>
      %swap3A_446 = vector.shape_cast %mul3A_441 : vector<16xf32> to vector<1x16xf32>
      tpu.vector_store %arg8[%swap3A_442, %swap3A_443], %swap3A_446 {strides = array<i32>} : memref<200x64xf32, #tpu.memory_space<vmem>>, vector<1x16xf32>,
      %get3A_447 = arith.index_cast %scan3A_434 : i32 to index
      %get3A_448 = arith.constant 16 : index
      %get3A_449 = tpu.vector_load %arg8[%get3A_447, %get3A_448] {strides = array<i32>} : memref<200x64xf32, #tpu.memory_space<vmem>>, vector<1x16xf32>,
      %get3A_450 = vector.shape_cast %get3A_449 : vector<1x16xf32> to vector<16xf32>
      %mul3A_451 = arith.constant 8.000000e+00 : f32
      %mul3A_452 = vector.broadcast %mul3A_451 : f32 to vector<16xf32>
      %mul3A_453 = arith.mulf %get3A_450, %mul3A_452 : vector<16xf32>
      %swap3A_454 = arith.index_cast %scan3A_434 : i32 to index
      %swap3A_455 = arith.constant 16 : index
      %swap3A_456 = tpu.vector_load %arg8[%swap3A_454, %swap3A_455] {strides = array<i32>} : memref<200x64xf32, #tpu.memory_space<vmem>>, vector<1x16xf32>,
      %swap3A_457 = vector.shape_cast %swap3A_456 : vector<1x16xf32> to vector<16xf32>
      %swap3A_458 = vector.shape_cast %mul3A_453 : vector<16xf32> to vector<1x16xf32>
      tpu.vector_store %arg8[%swap3A_454, %swap3A_455], %swap3A_458 {strides = array<i32>} : memref<200x64xf32, #tpu.memory_space<vmem>>, vector<1x16xf32>,
      %get3A_459 = arith.index_cast %scan3A_434 : i32 to index
      %get3A_460 = arith.constant 32 : index
      %get3A_461 = tpu.vector_load %arg8[%get3A_459, %get3A_460] {strides = array<i32>} : memref<200x64xf32, #tpu.memory_space<vmem>>, vector<1x16xf32>,
      %get3A_462 = vector.shape_cast %get3A_461 : vector<1x16xf32> to vector<16xf32>
      %mul3A_463 = arith.constant 8.000000e+00 : f32
      %mul3A_464 = vector.broadcast %mul3A_463 : f32 to vector<16xf32>
      %mul3A_465 = arith.mulf %get3A_462, %mul3A_464 : vector<16xf32>
      %swap3A_466 = arith.index_cast %scan3A_434 : i32 to index
      %swap3A_467 = arith.constant 32 : index
      %swap3A_468 = tpu.vector_load %arg8[%swap3A_466, %swap3A_467] {strides = array<i32>} : memref<200x64xf32, #tpu.memory_space<vmem>>, vector<1x16xf32>,
      %swap3A_469 = vector.shape_cast %swap3A_468 : vector<1x16xf32> to vector<16xf32>
      %swap3A_470 = vector.shape_cast %mul3A_465 : vector<16xf32> to vector<1x16xf32>
      tpu.vector_store %arg8[%swap3A_466, %swap3A_467], %swap3A_470 {strides = array<i32>} : memref<200x64xf32, #tpu.memory_space<vmem>>, vector<1x16xf32>,
      %get3A_471 = arith.index_cast %scan3A_434 : i32 to index
      %get3A_472 = arith.constant 48 : index
      %get3A_473 = tpu.vector_load %arg8[%get3A_471, %get3A_472] {strides = array<i32>} : memref<200x64xf32, #tpu.memory_space<vmem>>, vector<1x16xf32>,
      %get3A_474 = vector.shape_cast %get3A_473 : vector<1x16xf32> to vector<16xf32>
      %mul3A_475 = arith.constant 8.000000e+00 : f32
      %mul3A_476 = vector.broadcast %mul3A_475 : f32 to vector<16xf32>
      %mul3A_477 = arith.mulf %get3A_474, %mul3A_476 : vector<16xf32>
      %swap3A_478 = arith.index_cast %scan3A_434 : i32 to index
      %swap3A_479 = arith.constant 48 : index
      %swap3A_480 = tpu.vector_load %arg8[%swap3A_478, %swap3A_479] {strides = array<i32>} : memref<200x64xf32, #tpu.memory_space<vmem>>, vector<1x16xf32>,
      %swap3A_481 = vector.shape_cast %swap3A_480 : vector<1x16xf32> to vector<16xf32>
      %swap3A_482 = vector.shape_cast %mul3A_477 : vector<16xf32> to vector<1x16xf32>
      tpu.vector_store %arg8[%swap3A_478, %swap3A_479], %swap3A_482 {strides = array<i32>} : memref<200x64xf32, #tpu.memory_space<vmem>>, vector<1x16xf32>,
      %scan3A_483 = arith.constant 5 : i32
      %scan3A_484 = arith.addi %scan3A_236, %scan3A_483 : i32
      %get3A_485 = arith.index_cast %scan3A_484 : i32 to index
      %get3A_486 = arith.constant 0 : index
      %get3A_487 = tpu.vector_load %arg8[%get3A_485, %get3A_486] {strides = array<i32>} : memref<200x64xf32, #tpu.memory_space<vmem>>, vector<1x16xf32>,
      %get3A_488 = vector.shape_cast %get3A_487 : vector<1x16xf32> to vector<16xf32>
      %mul3A_489 = arith.constant 8.000000e+00 : f32
      %mul3A_490 = vector.broadcast %mul3A_489 : f32 to vector<16xf32>
      %mul3A_491 = arith.mulf %get3A_488, %mul3A_490 : vector<16xf32>
      %swap3A_492 = arith.index_cast %scan3A_484 : i32 to index
      %swap3A_493 = arith.constant 0 : index
      %swap3A_494 = tpu.vector_load %arg8[%swap3A_492, %swap3A_493] {strides = array<i32>} : memref<200x64xf32, #tpu.memory_space<vmem>>, vector<1x16xf32>,
      %swap3A_495 = vector.shape_cast %swap3A_494 : vector<1x16xf32> to vector<16xf32>
      %swap3A_496 = vector.shape_cast %mul3A_491 : vector<16xf32> to vector<1x16xf32>
      tpu.vector_store %arg8[%swap3A_492, %swap3A_493], %swap3A_496 {strides = array<i32>} : memref<200x64xf32, #tpu.memory_space<vmem>>, vector<1x16xf32>,
      %get3A_497 = arith.index_cast %scan3A_484 : i32 to index
      %get3A_498 = arith.constant 16 : index
      %get3A_499 = tpu.vector_load %arg8[%get3A_497, %get3A_498] {strides = array<i32>} : memref<200x64xf32, #tpu.memory_space<vmem>>, vector<1x16xf32>,
      %get3A_500 = vector.shape_cast %get3A_499 : vector<1x16xf32> to vector<16xf32>
      %mul3A_501 = arith.constant 8.000000e+00 : f32
      %mul3A_502 = vector.broadcast %mul3A_501 : f32 to vector<16xf32>
      %mul3A_503 = arith.mulf %get3A_500, %mul3A_502 : vector<16xf32>
      %swap3A_504 = arith.index_cast %scan3A_484 : i32 to index
      %swap3A_505 = arith.constant 16 : index
      %swap3A_506 = tpu.vector_load %arg8[%swap3A_504, %swap3A_505] {strides = array<i32>} : memref<200x64xf32, #tpu.memory_space<vmem>>, vector<1x16xf32>,
      %swap3A_507 = vector.shape_cast %swap3A_506 : vector<1x16xf32> to vector<16xf32>
      %swap3A_508 = vector.shape_cast %mul3A_503 : vector<16xf32> to vector<1x16xf32>
      tpu.vector_store %arg8[%swap3A_504, %swap3A_505], %swap3A_508 {strides = array<i32>} : memref<200x64xf32, #tpu.memory_space<vmem>>, vector<1x16xf32>,
      %get3A_509 = arith.index_cast %scan3A_484 : i32 to index
      %get3A_510 = arith.constant 32 : index
      %get3A_511 = tpu.vector_load %arg8[%get3A_509, %get3A_510] {strides = array<i32>} : memref<200x64xf32, #tpu.memory_space<vmem>>, vector<1x16xf32>,
      %get3A_512 = vector.shape_cast %get3A_511 : vector<1x16xf32> to vector<16xf32>
      %mul3A_513 = arith.constant 8.000000e+00 : f32
      %mul3A_514 = vector.broadcast %mul3A_513 : f32 to vector<16xf32>
      %mul3A_515 = arith.mulf %get3A_512, %mul3A_514 : vector<16xf32>
      %swap3A_516 = arith.index_cast %scan3A_484 : i32 to index
      %swap3A_517 = arith.constant 32 : index
      %swap3A_518 = tpu.vector_load %arg8[%swap3A_516, %swap3A_517] {strides = array<i32>} : memref<200x64xf32, #tpu.memory_space<vmem>>, vector<1x16xf32>,
      %swap3A_519 = vector.shape_cast %swap3A_518 : vector<1x16xf32> to vector<16xf32>
      %swap3A_520 = vector.shape_cast %mul3A_515 : vector<16xf32> to vector<1x16xf32>
      tpu.vector_store %arg8[%swap3A_516, %swap3A_517], %swap3A_520 {strides = array<i32>} : memref<200x64xf32, #tpu.memory_space<vmem>>, vector<1x16xf32>,
      %get3A_521 = arith.index_cast %scan3A_484 : i32 to index
      %get3A_522 = arith.constant 48 : index
      %get3A_523 = tpu.vector_load %arg8[%get3A_521, %get3A_522] {strides = array<i32>} : memref<200x64xf32, #tpu.memory_space<vmem>>, vector<1x16xf32>,
      %get3A_524 = vector.shape_cast %get3A_523 : vector<1x16xf32> to vector<16xf32>
      %mul3A_525 = arith.constant 8.000000e+00 : f32
      %mul3A_526 = vector.broadcast %mul3A_525 : f32 to vector<16xf32>
      %mul3A_527 = arith.mulf %get3A_524, %mul3A_526 : vector<16xf32>
      %swap3A_528 = arith.index_cast %scan3A_484 : i32 to index
      %swap3A_529 = arith.constant 48 : index
      %swap3A_530 = tpu.vector_load %arg8[%swap3A_528, %swap3A_529] {strides = array<i32>} : memref<200x64xf32, #tpu.memory_space<vmem>>, vector<1x16xf32>,
      %swap3A_531 = vector.shape_cast %swap3A_530 : vector<1x16xf32> to vector<16xf32>
      %swap3A_532 = vector.shape_cast %mul3A_527 : vector<16xf32> to vector<1x16xf32>
      tpu.vector_store %arg8[%swap3A_528, %swap3A_529], %swap3A_532 {strides = array<i32>} : memref<200x64xf32, #tpu.memory_space<vmem>>, vector<1x16xf32>,
      %scan3A_533 = arith.constant 6 : i32
      %scan3A_534 = arith.addi %scan3A_236, %scan3A_533 : i32
      %get3A_535 = arith.index_cast %scan3A_534 : i32 to index
      %get3A_536 = arith.constant 0 : index
      %get3A_537 = tpu.vector_load %arg8[%get3A_535, %get3A_536] {strides = array<i32>} : memref<200x64xf32, #tpu.memory_space<vmem>>, vector<1x16xf32>,
      %get3A_538 = vector.shape_cast %get3A_537 : vector<1x16xf32> to vector<16xf32>
      %mul3A_539 = arith.constant 8.000000e+00 : f32
      %mul3A_540 = vector.broadcast %mul3A_539 : f32 to vector<16xf32>
      %mul3A_541 = arith.mulf %get3A_538, %mul3A_540 : vector<16xf32>
      %swap3A_542 = arith.index_cast %scan3A_534 : i32 to index
      %swap3A_543 = arith.constant 0 : index
      %swap3A_544 = tpu.vector_load %arg8[%swap3A_542, %swap3A_543] {strides = array<i32>} : memref<200x64xf32, #tpu.memory_space<vmem>>, vector<1x16xf32>,
      %swap3A_545 = vector.shape_cast %swap3A_544 : vector<1x16xf32> to vector<16xf32>
      %swap3A_546 = vector.shape_cast %mul3A_541 : vector<16xf32> to vector<1x16xf32>
      tpu.vector_store %arg8[%swap3A_542, %swap3A_543], %swap3A_546 {strides = array<i32>} : memref<200x64xf32, #tpu.memory_space<vmem>>, vector<1x16xf32>,
      %get3A_547 = arith.index_cast %scan3A_534 : i32 to index
      %get3A_548 = arith.constant 16 : index
      %get3A_549 = tpu.vector_load %arg8[%get3A_547, %get3A_548] {strides = array<i32>} : memref<200x64xf32, #tpu.memory_space<vmem>>, vector<1x16xf32>,
      %get3A_550 = vector.shape_cast %get3A_549 : vector<1x16xf32> to vector<16xf32>
      %mul3A_551 = arith.constant 8.000000e+00 : f32
      %mul3A_552 = vector.broadcast %mul3A_551 : f32 to vector<16xf32>
      %mul3A_553 = arith.mulf %get3A_550, %mul3A_552 : vector<16xf32>
      %swap3A_554 = arith.index_cast %scan3A_534 : i32 to index
      %swap3A_555 = arith.constant 16 : index
      %swap3A_556 = tpu.vector_load %arg8[%swap3A_554, %swap3A_555] {strides = array<i32>} : memref<200x64xf32, #tpu.memory_space<vmem>>, vector<1x16xf32>,
      %swap3A_557 = vector.shape_cast %swap3A_556 : vector<1x16xf32> to vector<16xf32>
      %swap3A_558 = vector.shape_cast %mul3A_553 : vector<16xf32> to vector<1x16xf32>
      tpu.vector_store %arg8[%swap3A_554, %swap3A_555], %swap3A_558 {strides = array<i32>} : memref<200x64xf32, #tpu.memory_space<vmem>>, vector<1x16xf32>,
      %get3A_559 = arith.index_cast %scan3A_534 : i32 to index
      %get3A_560 = arith.constant 32 : index
      %get3A_561 = tpu.vector_load %arg8[%get3A_559, %get3A_560] {strides = array<i32>} : memref<200x64xf32, #tpu.memory_space<vmem>>, vector<1x16xf32>,
      %get3A_562 = vector.shape_cast %get3A_561 : vector<1x16xf32> to vector<16xf32>
      %mul3A_563 = arith.constant 8.000000e+00 : f32
      %mul3A_564 = vector.broadcast %mul3A_563 : f32 to vector<16xf32>
      %mul3A_565 = arith.mulf %get3A_562, %mul3A_564 : vector<16xf32>
      %swap3A_566 = arith.index_cast %scan3A_534 : i32 to index
      %swap3A_567 = arith.constant 32 : index
      %swap3A_568 = tpu.vector_load %arg8[%swap3A_566, %swap3A_567] {strides = array<i32>} : memref<200x64xf32, #tpu.memory_space<vmem>>, vector<1x16xf32>,
      %swap3A_569 = vector.shape_cast %swap3A_568 : vector<1x16xf32> to vector<16xf32>
      %swap3A_570 = vector.shape_cast %mul3A_565 : vector<16xf32> to vector<1x16xf32>
      tpu.vector_store %arg8[%swap3A_566, %swap3A_567], %swap3A_570 {strides = array<i32>} : memref<200x64xf32, #tpu.memory_space<vmem>>, vector<1x16xf32>,
      %get3A_571 = arith.index_cast %scan3A_534 : i32 to index
      %get3A_572 = arith.constant 48 : index
      %get3A_573 = tpu.vector_load %arg8[%get3A_571, %get3A_572] {strides = array<i32>} : memref<200x64xf32, #tpu.memory_space<vmem>>, vector<1x16xf32>,
      %get3A_574 = vector.shape_cast %get3A_573 : vector<1x16xf32> to vector<16xf32>
      %mul3A_575 = arith.constant 8.000000e+00 : f32
      %mul3A_576 = vector.broadcast %mul3A_575 : f32 to vector<16xf32>
      %mul3A_577 = arith.mulf %get3A_574, %mul3A_576 : vector<16xf32>
      %swap3A_578 = arith.index_cast %scan3A_534 : i32 to index
      %swap3A_579 = arith.constant 48 : index
      %swap3A_580 = tpu.vector_load %arg8[%swap3A_578, %swap3A_579] {strides = array<i32>} : memref<200x64xf32, #tpu.memory_space<vmem>>, vector<1x16xf32>,
      %swap3A_581 = vector.shape_cast %swap3A_580 : vector<1x16xf32> to vector<16xf32>
      %swap3A_582 = vector.shape_cast %mul3A_577 : vector<16xf32> to vector<1x16xf32>
      tpu.vector_store %arg8[%swap3A_578, %swap3A_579], %swap3A_582 {strides = array<i32>} : memref<200x64xf32, #tpu.memory_space<vmem>>, vector<1x16xf32>,
      %scan3A_583 = arith.constant 7 : i32
      %scan3A_584 = arith.addi %scan3A_236, %scan3A_583 : i32
      %get3A_585 = arith.index_cast %scan3A_584 : i32 to index
      %get3A_586 = arith.constant 0 : index
      %get3A_587 = tpu.vector_load %arg8[%get3A_585, %get3A_586] {strides = array<i32>} : memref<200x64xf32, #tpu.memory_space<vmem>>, vector<1x16xf32>,
      %get3A_588 = vector.shape_cast %get3A_587 : vector<1x16xf32> to vector<16xf32>
      %mul3A_589 = arith.constant 8.000000e+00 : f32
      %mul3A_590 = vector.broadcast %mul3A_589 : f32 to vector<16xf32>
      %mul3A_591 = arith.mulf %get3A_588, %mul3A_590 : vector<16xf32>
      %swap3A_592 = arith.index_cast %scan3A_584 : i32 to index
      %swap3A_593 = arith.constant 0 : index
      %swap3A_594 = tpu.vector_load %arg8[%swap3A_592, %swap3A_593] {strides = array<i32>} : memref<200x64xf32, #tpu.memory_space<vmem>>, vector<1x16xf32>,
      %swap3A_595 = vector.shape_cast %swap3A_594 : vector<1x16xf32> to vector<16xf32>
      %swap3A_596 = vector.shape_cast %mul3A_591 : vector<16xf32> to vector<1x16xf32>
      tpu.vector_store %arg8[%swap3A_592, %swap3A_593], %swap3A_596 {strides = array<i32>} : memref<200x64xf32, #tpu.memory_space<vmem>>, vector<1x16xf32>,
      %get3A_597 = arith.index_cast %scan3A_584 : i32 to index
      %get3A_598 = arith.constant 16 : index
      %get3A_599 = tpu.vector_load %arg8[%get3A_597, %get3A_598] {strides = array<i32>} : memref<200x64xf32, #tpu.memory_space<vmem>>, vector<1x16xf32>,
      %get3A_600 = vector.shape_cast %get3A_599 : vector<1x16xf32> to vector<16xf32>
      %mul3A_601 = arith.constant 8.000000e+00 : f32
      %mul3A_602 = vector.broadcast %mul3A_601 : f32 to vector<16xf32>
      %mul3A_603 = arith.mulf %get3A_600, %mul3A_602 : vector<16xf32>
      %swap3A_604 = arith.index_cast %scan3A_584 : i32 to index
      %swap3A_605 = arith.constant 16 : index
      %swap3A_606 = tpu.vector_load %arg8[%swap3A_604, %swap3A_605] {strides = array<i32>} : memref<200x64xf32, #tpu.memory_space<vmem>>, vector<1x16xf32>,
      %swap3A_607 = vector.shape_cast %swap3A_606 : vector<1x16xf32> to vector<16xf32>
      %swap3A_608 = vector.shape_cast %mul3A_603 : vector<16xf32> to vector<1x16xf32>
      tpu.vector_store %arg8[%swap3A_604, %swap3A_605], %swap3A_608 {strides = array<i32>} : memref<200x64xf32, #tpu.memory_space<vmem>>, vector<1x16xf32>,
      %get3A_609 = arith.index_cast %scan3A_584 : i32 to index
      %get3A_610 = arith.constant 32 : index
      %get3A_611 = tpu.vector_load %arg8[%get3A_609, %get3A_610] {strides = array<i32>} : memref<200x64xf32, #tpu.memory_space<vmem>>, vector<1x16xf32>,
      %get3A_612 = vector.shape_cast %get3A_611 : vector<1x16xf32> to vector<16xf32>
      %mul3A_613 = arith.constant 8.000000e+00 : f32
      %mul3A_614 = vector.broadcast %mul3A_613 : f32 to vector<16xf32>
      %mul3A_615 = arith.mulf %get3A_612, %mul3A_614 : vector<16xf32>
      %swap3A_616 = arith.index_cast %scan3A_584 : i32 to index
      %swap3A_617 = arith.constant 32 : index
      %swap3A_618 = tpu.vector_load %arg8[%swap3A_616, %swap3A_617] {strides = array<i32>} : memref<200x64xf32, #tpu.memory_space<vmem>>, vector<1x16xf32>,
      %swap3A_619 = vector.shape_cast %swap3A_618 : vector<1x16xf32> to vector<16xf32>
      %swap3A_620 = vector.shape_cast %mul3A_615 : vector<16xf32> to vector<1x16xf32>
      tpu.vector_store %arg8[%swap3A_616, %swap3A_617], %swap3A_620 {strides = array<i32>} : memref<200x64xf32, #tpu.memory_space<vmem>>, vector<1x16xf32>,
      %get3A_621 = arith.index_cast %scan3A_584 : i32 to index
      %get3A_622 = arith.constant 48 : index
      %get3A_623 = tpu.vector_load %arg8[%get3A_621, %get3A_622] {strides = array<i32>} : memref<200x64xf32, #tpu.memory_space<vmem>>, vector<1x16xf32>,
      %get3A_624 = vector.shape_cast %get3A_623 : vector<1x16xf32> to vector<16xf32>
      %mul3A_625 = arith.constant 8.000000e+00 : f32
      %mul3A_626 = vector.broadcast %mul3A_625 : f32 to vector<16xf32>
      %mul3A_627 = arith.mulf %get3A_624, %mul3A_626 : vector<16xf32>
      %swap3A_628 = arith.index_cast %scan3A_584 : i32 to index
      %swap3A_629 = arith.constant 48 : index
      %swap3A_630 = tpu.vector_load %arg8[%swap3A_628, %swap3A_629] {strides = array<i32>} : memref<200x64xf32, #tpu.memory_space<vmem>>, vector<1x16xf32>,
      %swap3A_631 = vector.shape_cast %swap3A_630 : vector<1x16xf32> to vector<16xf32>
      %swap3A_632 = vector.shape_cast %mul3A_627 : vector<16xf32> to vector<1x16xf32>
      tpu.vector_store %arg8[%swap3A_628, %swap3A_629], %swap3A_632 {strides = array<i32>} : memref<200x64xf32, #tpu.memory_space<vmem>>, vector<1x16xf32>,
    }
    %scan3A_166 = arith.constant 200 : i32
    %add3A_167 = arith.constant 126 : i32
    %add3A_168 = arith.addi %mul3A_4, %add3A_167 : i32
    %dma_start3A_169 = arith.constant 0 : i32
    %dma_start3A_170 = arith.constant 0 : i32
    %dma_start3A_171 = tpu.memref_slice %arg4[%add3A_168, %dma_start3A_169, %dma_start3A_170] : memref<4096x200x64xf32, #tpu.memory_space<hbm>> -> memref<1x200x64xf32, #tpu.memory_space<hbm>>
    %dma_start3A_172 = tpu.memref_squeeze %dma_start3A_171 : memref<1x200x64xf32, #tpu.memory_space<hbm>> -> memref<200x64xf32, #tpu.memory_space<hbm>>
    %dma_start3A_173 = arith.constant 0 : i32
    %dma_start3A_174 = arith.constant 0 : i32
    %dma_start3A_175 = tpu.memref_slice %arg4[%add3A_168, %dma_start3A_173, %dma_start3A_174] : memref<4096x200x64xf32, #tpu.memory_space<hbm>> -> memref<1x200x64xf32, #tpu.memory_space<hbm>>
    %dma_start3A_176 = tpu.memref_squeeze %dma_start3A_175 : memref<1x200x64xf32, #tpu.memory_space<hbm>> -> memref<200x64xf32, #tpu.memory_space<hbm>>
    tpu.enqueue_dma source(%arg8 : memref<200x64xf32, #tpu.memory_space<vmem>>) target(%dma_start3A_176 : memref<200x64xf32, #tpu.memory_space<hbm>>) target_semaphore(%arg16 : memref<!tpu.dma_semaphore, #tpu.memory_space<semaphore_mem>>)
    %dma_wait3A_177 = arith.constant 0 : i32
    %dma_wait3A_178 = arith.constant 0 : i32
    %dma_wait3A_179 = arith.constant 0 : i32
    %dma_wait3A_180 = tpu.memref_slice %arg4[%dma_wait3A_177, %dma_wait3A_178, %dma_wait3A_179] : memref<4096x200x64xf32, #tpu.memory_space<hbm>> -> memref<1x200x64xf32, #tpu.memory_space<hbm>>
    %dma_wait3A_181 = tpu.memref_squeeze %dma_wait3A_180 : memref<1x200x64xf32, #tpu.memory_space<hbm>> -> memref<200x64xf32, #tpu.memory_space<hbm>>
    %dma_wait3A_182 = arith.constant 0 : i32
    %dma_wait3A_183 = arith.constant 0 : i32
    %dma_wait3A_184 = tpu.memref_slice %arg4[%dma_wait3A_177, %dma_wait3A_182, %dma_wait3A_183] : memref<4096x200x64xf32, #tpu.memory_space<hbm>> -> memref<1x200x64xf32, #tpu.memory_space<hbm>>
    %dma_wait3A_185 = tpu.memref_squeeze %dma_wait3A_184 : memref<1x200x64xf32, #tpu.memory_space<hbm>> -> memref<200x64xf32, #tpu.memory_space<hbm>>
    tpu.wait_dma2 semaphore(%arg15 : memref<!tpu.dma_semaphore, #tpu.memory_space<semaphore_mem>>) src(%arg7 : memref<200x64xf32, #tpu.memory_space<vmem>>) dst(%dma_wait3A_185 : memref<200x64xf32, #tpu.memory_space<hbm>>)
    %dma_wait3A_186 = arith.constant 0 : i32
    %dma_wait3A_187 = arith.constant 0 : i32
    %dma_wait3A_188 = tpu.memref_slice %arg9[%dma_wait3A_186, %dma_wait3A_187] : memref<200x64xf32, #tpu.memory_space<vmem>> -> memref<128x64xf32, #tpu.memory_space<vmem>>
    %dma_wait3A_189 = arith.constant 0 : i32
    %dma_wait3A_190 = tpu.memref_slice %arg5[%dma_wait3A_189] : memref<25600xi32, #tpu.memory_space<vmem>> -> memref<128xi32, #tpu.memory_space<vmem>>
    %dma_wait3A_191 = arith.constant 0 : i32
    %dma_wait3A_192 = arith.constant 0 : i32
    %dma_wait3A_193 = tpu.memref_slice %arg3[%dma_wait3A_191, %dma_wait3A_192] : memref<1000000x64xf32, #tpu.memory_space<hbm>> -> memref<1000000x64xf32, #tpu.memory_space<hbm>>
    tpu.wait_indirect_dma semaphore(%arg13 : memref<!tpu.dma_semaphore, #tpu.memory_space<semaphore_mem>>) src(%dma_wait3A_193 : memref<1000000x64xf32, #tpu.memory_space<hbm>>) dst(%dma_wait3A_188 : memref<128x64xf32, #tpu.memory_space<vmem>>)
    %dma_wait3A_194 = arith.constant 128 : i32
    %dma_wait3A_195 = arith.constant 0 : i32
    %dma_wait3A_196 = tpu.memref_slice %arg9[%dma_wait3A_194, %dma_wait3A_195] : memref<200x64xf32, #tpu.memory_space<vmem>> -> memref<72x64xf32, #tpu.memory_space<vmem>>
    %dma_wait3A_197 = arith.constant 0 : i32
    %dma_wait3A_198 = tpu.memref_slice %arg5[%dma_wait3A_197] : memref<25600xi32, #tpu.memory_space<vmem>> -> memref<72xi32, #tpu.memory_space<vmem>>
    %dma_wait3A_199 = arith.constant 0 : i32
    %dma_wait3A_200 = arith.constant 0 : i32
    %dma_wait3A_201 = tpu.memref_slice %arg3[%dma_wait3A_199, %dma_wait3A_200] : memref<1000000x64xf32, #tpu.memory_space<hbm>> -> memref<1000000x64xf32, #tpu.memory_space<hbm>>
    tpu.wait_indirect_dma semaphore(%arg13 : memref<!tpu.dma_semaphore, #tpu.memory_space<semaphore_mem>>) src(%dma_wait3A_201 : memref<1000000x64xf32, #tpu.memory_space<hbm>>) dst(%dma_wait3A_196 : memref<72x64xf32, #tpu.memory_space<vmem>>)
    %scan3A_202 = arith.constant 0 : i32
    %scan3A_203 = arith.constant 0 : i32
    %scan3A_204 = arith.constant 200 : i32
    %scan3A_205 = arith.addi %scan3A_203, %scan3A_204 : i32
    %scan3A_206 = arith.constant 8 : i32
    scf.for %scan3A_236 = %scan3A_203 to %scan3A_205 step %scan3A_206  : i32 {
      %get3A = arith.index_cast %scan3A_236 : i32 to index
      %get3A_237 = arith.constant 0 : index
      %get3A_238 = tpu.vector_load %arg9[%get3A, %get3A_237] {strides = array<i32>} : memref<200x64xf32, #tpu.memory_space<vmem>>, vector<1x16xf32>,
      %get3A_239 = vector.shape_cast %get3A_238 : vector<1x16xf32> to vector<16xf32>
      %mul3A_240 = arith.constant 8.000000e+00 : f32
      %mul3A_241 = vector.broadcast %mul3A_240 : f32 to vector<16xf32>
      %mul3A_242 = arith.mulf %get3A_239, %mul3A_241 : vector<16xf32>
      %swap3A = arith.index_cast %scan3A_236 : i32 to index
      %swap3A_243 = arith.constant 0 : index
      %swap3A_244 = tpu.vector_load %arg9[%swap3A, %swap3A_243] {strides = array<i32>} : memref<200x64xf32, #tpu.memory_space<vmem>>, vector<1x16xf32>,
      %swap3A_245 = vector.shape_cast %swap3A_244 : vector<1x16xf32> to vector<16xf32>
      %swap3A_246 = vector.shape_cast %mul3A_242 : vector<16xf32> to vector<1x16xf32>
      tpu.vector_store %arg9[%swap3A, %swap3A_243], %swap3A_246 {strides = array<i32>} : memref<200x64xf32, #tpu.memory_space<vmem>>, vector<1x16xf32>,
      %get3A_247 = arith.index_cast %scan3A_236 : i32 to index
      %get3A_248 = arith.constant 16 : index
      %get3A_249 = tpu.vector_load %arg9[%get3A_247, %get3A_248] {strides = array<i32>} : memref<200x64xf32, #tpu.memory_space<vmem>>, vector<1x16xf32>,
      %get3A_250 = vector.shape_cast %get3A_249 : vector<1x16xf32> to vector<16xf32>
      %mul3A_251 = arith.constant 8.000000e+00 : f32
      %mul3A_252 = vector.broadcast %mul3A_251 : f32 to vector<16xf32>
      %mul3A_253 = arith.mulf %get3A_250, %mul3A_252 : vector<16xf32>
      %swap3A_254 = arith.index_cast %scan3A_236 : i32 to index
      %swap3A_255 = arith.constant 16 : index
      %swap3A_256 = tpu.vector_load %arg9[%swap3A_254, %swap3A_255] {strides = array<i32>} : memref<200x64xf32, #tpu.memory_space<vmem>>, vector<1x16xf32>,
      %swap3A_257 = vector.shape_cast %swap3A_256 : vector<1x16xf32> to vector<16xf32>
      %swap3A_258 = vector.shape_cast %mul3A_253 : vector<16xf32> to vector<1x16xf32>
      tpu.vector_store %arg9[%swap3A_254, %swap3A_255], %swap3A_258 {strides = array<i32>} : memref<200x64xf32, #tpu.memory_space<vmem>>, vector<1x16xf32>,
      %get3A_259 = arith.index_cast %scan3A_236 : i32 to index
      %get3A_260 = arith.constant 32 : index
      %get3A_261 = tpu.vector_load %arg9[%get3A_259, %get3A_260] {strides = array<i32>} : memref<200x64xf32, #tpu.memory_space<vmem>>, vector<1x16xf32>,
      %get3A_262 = vector.shape_cast %get3A_261 : vector<1x16xf32> to vector<16xf32>
      %mul3A_263 = arith.constant 8.000000e+00 : f32
      %mul3A_264 = vector.broadcast %mul3A_263 : f32 to vector<16xf32>
      %mul3A_265 = arith.mulf %get3A_262, %mul3A_264 : vector<16xf32>
      %swap3A_266 = arith.index_cast %scan3A_236 : i32 to index
      %swap3A_267 = arith.constant 32 : index
      %swap3A_268 = tpu.vector_load %arg9[%swap3A_266, %swap3A_267] {strides = array<i32>} : memref<200x64xf32, #tpu.memory_space<vmem>>, vector<1x16xf32>,
      %swap3A_269 = vector.shape_cast %swap3A_268 : vector<1x16xf32> to vector<16xf32>
      %swap3A_270 = vector.shape_cast %mul3A_265 : vector<16xf32> to vector<1x16xf32>
      tpu.vector_store %arg9[%swap3A_266, %swap3A_267], %swap3A_270 {strides = array<i32>} : memref<200x64xf32, #tpu.memory_space<vmem>>, vector<1x16xf32>,
      %get3A_271 = arith.index_cast %scan3A_236 : i32 to index
      %get3A_272 = arith.constant 48 : index
      %get3A_273 = tpu.vector_load %arg9[%get3A_271, %get3A_272] {strides = array<i32>} : memref<200x64xf32, #tpu.memory_space<vmem>>, vector<1x16xf32>,
      %get3A_274 = vector.shape_cast %get3A_273 : vector<1x16xf32> to vector<16xf32>
      %mul3A_275 = arith.constant 8.000000e+00 : f32
      %mul3A_276 = vector.broadcast %mul3A_275 : f32 to vector<16xf32>
      %mul3A_277 = arith.mulf %get3A_274, %mul3A_276 : vector<16xf32>
      %swap3A_278 = arith.index_cast %scan3A_236 : i32 to index
      %swap3A_279 = arith.constant 48 : index
      %swap3A_280 = tpu.vector_load %arg9[%swap3A_278, %swap3A_279] {strides = array<i32>} : memref<200x64xf32, #tpu.memory_space<vmem>>, vector<1x16xf32>,
      %swap3A_281 = vector.shape_cast %swap3A_280 : vector<1x16xf32> to vector<16xf32>
      %swap3A_282 = vector.shape_cast %mul3A_277 : vector<16xf32> to vector<1x16xf32>
      tpu.vector_store %arg9[%swap3A_278, %swap3A_279], %swap3A_282 {strides = array<i32>} : memref<200x64xf32, #tpu.memory_space<vmem>>, vector<1x16xf32>,
      %scan3A_283 = arith.constant 1 : i32
      %scan3A_284 = arith.addi %scan3A_236, %scan3A_283 : i32
      %get3A_285 = arith.index_cast %scan3A_284 : i32 to index
      %get3A_286 = arith.constant 0 : index
      %get3A_287 = tpu.vector_load %arg9[%get3A_285, %get3A_286] {strides = array<i32>} : memref<200x64xf32, #tpu.memory_space<vmem>>, vector<1x16xf32>,
      %get3A_288 = vector.shape_cast %get3A_287 : vector<1x16xf32> to vector<16xf32>
      %mul3A_289 = arith.constant 8.000000e+00 : f32
      %mul3A_290 = vector.broadcast %mul3A_289 : f32 to vector<16xf32>
      %mul3A_291 = arith.mulf %get3A_288, %mul3A_290 : vector<16xf32>
      %swap3A_292 = arith.index_cast %scan3A_284 : i32 to index
      %swap3A_293 = arith.constant 0 : index
      %swap3A_294 = tpu.vector_load %arg9[%swap3A_292, %swap3A_293] {strides = array<i32>} : memref<200x64xf32, #tpu.memory_space<vmem>>, vector<1x16xf32>,
      %swap3A_295 = vector.shape_cast %swap3A_294 : vector<1x16xf32> to vector<16xf32>
      %swap3A_296 = vector.shape_cast %mul3A_291 : vector<16xf32> to vector<1x16xf32>
      tpu.vector_store %arg9[%swap3A_292, %swap3A_293], %swap3A_296 {strides = array<i32>} : memref<200x64xf32, #tpu.memory_space<vmem>>, vector<1x16xf32>,
      %get3A_297 = arith.index_cast %scan3A_284 : i32 to index
      %get3A_298 = arith.constant 16 : index
      %get3A_299 = tpu.vector_load %arg9[%get3A_297, %get3A_298] {strides = array<i32>} : memref<200x64xf32, #tpu.memory_space<vmem>>, vector<1x16xf32>,
      %get3A_300 = vector.shape_cast %get3A_299 : vector<1x16xf32> to vector<16xf32>
      %mul3A_301 = arith.constant 8.000000e+00 : f32
      %mul3A_302 = vector.broadcast %mul3A_301 : f32 to vector<16xf32>
      %mul3A_303 = arith.mulf %get3A_300, %mul3A_302 : vector<16xf32>
      %swap3A_304 = arith.index_cast %scan3A_284 : i32 to index
      %swap3A_305 = arith.constant 16 : index
      %swap3A_306 = tpu.vector_load %arg9[%swap3A_304, %swap3A_305] {strides = array<i32>} : memref<200x64xf32, #tpu.memory_space<vmem>>, vector<1x16xf32>,
      %swap3A_307 = vector.shape_cast %swap3A_306 : vector<1x16xf32> to vector<16xf32>
      %swap3A_308 = vector.shape_cast %mul3A_303 : vector<16xf32> to vector<1x16xf32>
      tpu.vector_store %arg9[%swap3A_304, %swap3A_305], %swap3A_308 {strides = array<i32>} : memref<200x64xf32, #tpu.memory_space<vmem>>, vector<1x16xf32>,
      %get3A_309 = arith.index_cast %scan3A_284 : i32 to index
      %get3A_310 = arith.constant 32 : index
      %get3A_311 = tpu.vector_load %arg9[%get3A_309, %get3A_310] {strides = array<i32>} : memref<200x64xf32, #tpu.memory_space<vmem>>, vector<1x16xf32>,
      %get3A_312 = vector.shape_cast %get3A_311 : vector<1x16xf32> to vector<16xf32>
      %mul3A_313 = arith.constant 8.000000e+00 : f32
      %mul3A_314 = vector.broadcast %mul3A_313 : f32 to vector<16xf32>
      %mul3A_315 = arith.mulf %get3A_312, %mul3A_314 : vector<16xf32>
      %swap3A_316 = arith.index_cast %scan3A_284 : i32 to index
      %swap3A_317 = arith.constant 32 : index
      %swap3A_318 = tpu.vector_load %arg9[%swap3A_316, %swap3A_317] {strides = array<i32>} : memref<200x64xf32, #tpu.memory_space<vmem>>, vector<1x16xf32>,
      %swap3A_319 = vector.shape_cast %swap3A_318 : vector<1x16xf32> to vector<16xf32>
      %swap3A_320 = vector.shape_cast %mul3A_315 : vector<16xf32> to vector<1x16xf32>
      tpu.vector_store %arg9[%swap3A_316, %swap3A_317], %swap3A_320 {strides = array<i32>} : memref<200x64xf32, #tpu.memory_space<vmem>>, vector<1x16xf32>,
      %get3A_321 = arith.index_cast %scan3A_284 : i32 to index
      %get3A_322 = arith.constant 48 : index
      %get3A_323 = tpu.vector_load %arg9[%get3A_321, %get3A_322] {strides = array<i32>} : memref<200x64xf32, #tpu.memory_space<vmem>>, vector<1x16xf32>,
      %get3A_324 = vector.shape_cast %get3A_323 : vector<1x16xf32> to vector<16xf32>
      %mul3A_325 = arith.constant 8.000000e+00 : f32
      %mul3A_326 = vector.broadcast %mul3A_325 : f32 to vector<16xf32>
      %mul3A_327 = arith.mulf %get3A_324, %mul3A_326 : vector<16xf32>
      %swap3A_328 = arith.index_cast %scan3A_284 : i32 to index
      %swap3A_329 = arith.constant 48 : index
      %swap3A_330 = tpu.vector_load %arg9[%swap3A_328, %swap3A_329] {strides = array<i32>} : memref<200x64xf32, #tpu.memory_space<vmem>>, vector<1x16xf32>,
      %swap3A_331 = vector.shape_cast %swap3A_330 : vector<1x16xf32> to vector<16xf32>
      %swap3A_332 = vector.shape_cast %mul3A_327 : vector<16xf32> to vector<1x16xf32>
      tpu.vector_store %arg9[%swap3A_328, %swap3A_329], %swap3A_332 {strides = array<i32>} : memref<200x64xf32, #tpu.memory_space<vmem>>, vector<1x16xf32>,
      %scan3A_333 = arith.constant 2 : i32
      %scan3A_334 = arith.addi %scan3A_236, %scan3A_333 : i32
      %get3A_335 = arith.index_cast %scan3A_334 : i32 to index
      %get3A_336 = arith.constant 0 : index
      %get3A_337 = tpu.vector_load %arg9[%get3A_335, %get3A_336] {strides = array<i32>} : memref<200x64xf32, #tpu.memory_space<vmem>>, vector<1x16xf32>,
      %get3A_338 = vector.shape_cast %get3A_337 : vector<1x16xf32> to vector<16xf32>
      %mul3A_339 = arith.constant 8.000000e+00 : f32
      %mul3A_340 = vector.broadcast %mul3A_339 : f32 to vector<16xf32>
      %mul3A_341 = arith.mulf %get3A_338, %mul3A_340 : vector<16xf32>
      %swap3A_342 = arith.index_cast %scan3A_334 : i32 to index
      %swap3A_343 = arith.constant 0 : index
      %swap3A_344 = tpu.vector_load %arg9[%swap3A_342, %swap3A_343] {strides = array<i32>} : memref<200x64xf32, #tpu.memory_space<vmem>>, vector<1x16xf32>,
      %swap3A_345 = vector.shape_cast %swap3A_344 : vector<1x16xf32> to vector<16xf32>
      %swap3A_346 = vector.shape_cast %mul3A_341 : vector<16xf32> to vector<1x16xf32>
      tpu.vector_store %arg9[%swap3A_342, %swap3A_343], %swap3A_346 {strides = array<i32>} : memref<200x64xf32, #tpu.memory_space<vmem>>, vector<1x16xf32>,
      %get3A_347 = arith.index_cast %scan3A_334 : i32 to index
      %get3A_348 = arith.constant 16 : index
      %get3A_349 = tpu.vector_load %arg9[%get3A_347, %get3A_348] {strides = array<i32>} : memref<200x64xf32, #tpu.memory_space<vmem>>, vector<1x16xf32>,
      %get3A_350 = vector.shape_cast %get3A_349 : vector<1x16xf32> to vector<16xf32>
      %mul3A_351 = arith.constant 8.000000e+00 : f32
      %mul3A_352 = vector.broadcast %mul3A_351 : f32 to vector<16xf32>
      %mul3A_353 = arith.mulf %get3A_350, %mul3A_352 : vector<16xf32>
      %swap3A_354 = arith.index_cast %scan3A_334 : i32 to index
      %swap3A_355 = arith.constant 16 : index
      %swap3A_356 = tpu.vector_load %arg9[%swap3A_354, %swap3A_355] {strides = array<i32>} : memref<200x64xf32, #tpu.memory_space<vmem>>, vector<1x16xf32>,
      %swap3A_357 = vector.shape_cast %swap3A_356 : vector<1x16xf32> to vector<16xf32>
      %swap3A_358 = vector.shape_cast %mul3A_353 : vector<16xf32> to vector<1x16xf32>
      tpu.vector_store %arg9[%swap3A_354, %swap3A_355], %swap3A_358 {strides = array<i32>} : memref<200x64xf32, #tpu.memory_space<vmem>>, vector<1x16xf32>,
      %get3A_359 = arith.index_cast %scan3A_334 : i32 to index
      %get3A_360 = arith.constant 32 : index
      %get3A_361 = tpu.vector_load %arg9[%get3A_359, %get3A_360] {strides = array<i32>} : memref<200x64xf32, #tpu.memory_space<vmem>>, vector<1x16xf32>,
      %get3A_362 = vector.shape_cast %get3A_361 : vector<1x16xf32> to vector<16xf32>
      %mul3A_363 = arith.constant 8.000000e+00 : f32
      %mul3A_364 = vector.broadcast %mul3A_363 : f32 to vector<16xf32>
      %mul3A_365 = arith.mulf %get3A_362, %mul3A_364 : vector<16xf32>
      %swap3A_366 = arith.index_cast %scan3A_334 : i32 to index
      %swap3A_367 = arith.constant 32 : index
      %swap3A_368 = tpu.vector_load %arg9[%swap3A_366, %swap3A_367] {strides = array<i32>} : memref<200x64xf32, #tpu.memory_space<vmem>>, vector<1x16xf32>,
      %swap3A_369 = vector.shape_cast %swap3A_368 : vector<1x16xf32> to vector<16xf32>
      %swap3A_370 = vector.shape_cast %mul3A_365 : vector<16xf32> to vector<1x16xf32>
      tpu.vector_store %arg9[%swap3A_366, %swap3A_367], %swap3A_370 {strides = array<i32>} : memref<200x64xf32, #tpu.memory_space<vmem>>, vector<1x16xf32>,
      %get3A_371 = arith.index_cast %scan3A_334 : i32 to index
      %get3A_372 = arith.constant 48 : index
      %get3A_373 = tpu.vector_load %arg9[%get3A_371, %get3A_372] {strides = array<i32>} : memref<200x64xf32, #tpu.memory_space<vmem>>, vector<1x16xf32>,
      %get3A_374 = vector.shape_cast %get3A_373 : vector<1x16xf32> to vector<16xf32>
      %mul3A_375 = arith.constant 8.000000e+00 : f32
      %mul3A_376 = vector.broadcast %mul3A_375 : f32 to vector<16xf32>
      %mul3A_377 = arith.mulf %get3A_374, %mul3A_376 : vector<16xf32>
      %swap3A_378 = arith.index_cast %scan3A_334 : i32 to index
      %swap3A_379 = arith.constant 48 : index
      %swap3A_380 = tpu.vector_load %arg9[%swap3A_378, %swap3A_379] {strides = array<i32>} : memref<200x64xf32, #tpu.memory_space<vmem>>, vector<1x16xf32>,
      %swap3A_381 = vector.shape_cast %swap3A_380 : vector<1x16xf32> to vector<16xf32>
      %swap3A_382 = vector.shape_cast %mul3A_377 : vector<16xf32> to vector<1x16xf32>
      tpu.vector_store %arg9[%swap3A_378, %swap3A_379], %swap3A_382 {strides = array<i32>} : memref<200x64xf32, #tpu.memory_space<vmem>>, vector<1x16xf32>,
      %scan3A_383 = arith.constant 3 : i32
      %scan3A_384 = arith.addi %scan3A_236, %scan3A_383 : i32
      %get3A_385 = arith.index_cast %scan3A_384 : i32 to index
      %get3A_386 = arith.constant 0 : index
      %get3A_387 = tpu.vector_load %arg9[%get3A_385, %get3A_386] {strides = array<i32>} : memref<200x64xf32, #tpu.memory_space<vmem>>, vector<1x16xf32>,
      %get3A_388 = vector.shape_cast %get3A_387 : vector<1x16xf32> to vector<16xf32>
      %mul3A_389 = arith.constant 8.000000e+00 : f32
      %mul3A_390 = vector.broadcast %mul3A_389 : f32 to vector<16xf32>
      %mul3A_391 = arith.mulf %get3A_388, %mul3A_390 : vector<16xf32>
      %swap3A_392 = arith.index_cast %scan3A_384 : i32 to index
      %swap3A_393 = arith.constant 0 : index
      %swap3A_394 = tpu.vector_load %arg9[%swap3A_392, %swap3A_393] {strides = array<i32>} : memref<200x64xf32, #tpu.memory_space<vmem>>, vector<1x16xf32>,
      %swap3A_395 = vector.shape_cast %swap3A_394 : vector<1x16xf32> to vector<16xf32>
      %swap3A_396 = vector.shape_cast %mul3A_391 : vector<16xf32> to vector<1x16xf32>
      tpu.vector_store %arg9[%swap3A_392, %swap3A_393], %swap3A_396 {strides = array<i32>} : memref<200x64xf32, #tpu.memory_space<vmem>>, vector<1x16xf32>,
      %get3A_397 = arith.index_cast %scan3A_384 : i32 to index
      %get3A_398 = arith.constant 16 : index
      %get3A_399 = tpu.vector_load %arg9[%get3A_397, %get3A_398] {strides = array<i32>} : memref<200x64xf32, #tpu.memory_space<vmem>>, vector<1x16xf32>,
      %get3A_400 = vector.shape_cast %get3A_399 : vector<1x16xf32> to vector<16xf32>
      %mul3A_401 = arith.constant 8.000000e+00 : f32
      %mul3A_402 = vector.broadcast %mul3A_401 : f32 to vector<16xf32>
      %mul3A_403 = arith.mulf %get3A_400, %mul3A_402 : vector<16xf32>
      %swap3A_404 = arith.index_cast %scan3A_384 : i32 to index
      %swap3A_405 = arith.constant 16 : index
      %swap3A_406 = tpu.vector_load %arg9[%swap3A_404, %swap3A_405] {strides = array<i32>} : memref<200x64xf32, #tpu.memory_space<vmem>>, vector<1x16xf32>,
      %swap3A_407 = vector.shape_cast %swap3A_406 : vector<1x16xf32> to vector<16xf32>
      %swap3A_408 = vector.shape_cast %mul3A_403 : vector<16xf32> to vector<1x16xf32>
      tpu.vector_store %arg9[%swap3A_404, %swap3A_405], %swap3A_408 {strides = array<i32>} : memref<200x64xf32, #tpu.memory_space<vmem>>, vector<1x16xf32>,
      %get3A_409 = arith.index_cast %scan3A_384 : i32 to index
      %get3A_410 = arith.constant 32 : index
      %get3A_411 = tpu.vector_load %arg9[%get3A_409, %get3A_410] {strides = array<i32>} : memref<200x64xf32, #tpu.memory_space<vmem>>, vector<1x16xf32>,
      %get3A_412 = vector.shape_cast %get3A_411 : vector<1x16xf32> to vector<16xf32>
      %mul3A_413 = arith.constant 8.000000e+00 : f32
      %mul3A_414 = vector.broadcast %mul3A_413 : f32 to vector<16xf32>
      %mul3A_415 = arith.mulf %get3A_412, %mul3A_414 : vector<16xf32>
      %swap3A_416 = arith.index_cast %scan3A_384 : i32 to index
      %swap3A_417 = arith.constant 32 : index
      %swap3A_418 = tpu.vector_load %arg9[%swap3A_416, %swap3A_417] {strides = array<i32>} : memref<200x64xf32, #tpu.memory_space<vmem>>, vector<1x16xf32>,
      %swap3A_419 = vector.shape_cast %swap3A_418 : vector<1x16xf32> to vector<16xf32>
      %swap3A_420 = vector.shape_cast %mul3A_415 : vector<16xf32> to vector<1x16xf32>
      tpu.vector_store %arg9[%swap3A_416, %swap3A_417], %swap3A_420 {strides = array<i32>} : memref<200x64xf32, #tpu.memory_space<vmem>>, vector<1x16xf32>,
      %get3A_421 = arith.index_cast %scan3A_384 : i32 to index
      %get3A_422 = arith.constant 48 : index
      %get3A_423 = tpu.vector_load %arg9[%get3A_421, %get3A_422] {strides = array<i32>} : memref<200x64xf32, #tpu.memory_space<vmem>>, vector<1x16xf32>,
      %get3A_424 = vector.shape_cast %get3A_423 : vector<1x16xf32> to vector<16xf32>
      %mul3A_425 = arith.constant 8.000000e+00 : f32
      %mul3A_426 = vector.broadcast %mul3A_425 : f32 to vector<16xf32>
      %mul3A_427 = arith.mulf %get3A_424, %mul3A_426 : vector<16xf32>
      %swap3A_428 = arith.index_cast %scan3A_384 : i32 to index
      %swap3A_429 = arith.constant 48 : index
      %swap3A_430 = tpu.vector_load %arg9[%swap3A_428, %swap3A_429] {strides = array<i32>} : memref<200x64xf32, #tpu.memory_space<vmem>>, vector<1x16xf32>,
      %swap3A_431 = vector.shape_cast %swap3A_430 : vector<1x16xf32> to vector<16xf32>
      %swap3A_432 = vector.shape_cast %mul3A_427 : vector<16xf32> to vector<1x16xf32>
      tpu.vector_store %arg9[%swap3A_428, %swap3A_429], %swap3A_432 {strides = array<i32>} : memref<200x64xf32, #tpu.memory_space<vmem>>, vector<1x16xf32>,
      %scan3A_433 = arith.constant 4 : i32
      %scan3A_434 = arith.addi %scan3A_236, %scan3A_433 : i32
      %get3A_435 = arith.index_cast %scan3A_434 : i32 to index
      %get3A_436 = arith.constant 0 : index
      %get3A_437 = tpu.vector_load %arg9[%get3A_435, %get3A_436] {strides = array<i32>} : memref<200x64xf32, #tpu.memory_space<vmem>>, vector<1x16xf32>,
      %get3A_438 = vector.shape_cast %get3A_437 : vector<1x16xf32> to vector<16xf32>
      %mul3A_439 = arith.constant 8.000000e+00 : f32
      %mul3A_440 = vector.broadcast %mul3A_439 : f32 to vector<16xf32>
      %mul3A_441 = arith.mulf %get3A_438, %mul3A_440 : vector<16xf32>
      %swap3A_442 = arith.index_cast %scan3A_434 : i32 to index
      %swap3A_443 = arith.constant 0 : index
      %swap3A_444 = tpu.vector_load %arg9[%swap3A_442, %swap3A_443] {strides = array<i32>} : memref<200x64xf32, #tpu.memory_space<vmem>>, vector<1x16xf32>,
      %swap3A_445 = vector.shape_cast %swap3A_444 : vector<1x16xf32> to vector<16xf32>
      %swap3A_446 = vector.shape_cast %mul3A_441 : vector<16xf32> to vector<1x16xf32>
      tpu.vector_store %arg9[%swap3A_442, %swap3A_443], %swap3A_446 {strides = array<i32>} : memref<200x64xf32, #tpu.memory_space<vmem>>, vector<1x16xf32>,
      %get3A_447 = arith.index_cast %scan3A_434 : i32 to index
      %get3A_448 = arith.constant 16 : index
      %get3A_449 = tpu.vector_load %arg9[%get3A_447, %get3A_448] {strides = array<i32>} : memref<200x64xf32, #tpu.memory_space<vmem>>, vector<1x16xf32>,
      %get3A_450 = vector.shape_cast %get3A_449 : vector<1x16xf32> to vector<16xf32>
      %mul3A_451 = arith.constant 8.000000e+00 : f32
      %mul3A_452 = vector.broadcast %mul3A_451 : f32 to vector<16xf32>
      %mul3A_453 = arith.mulf %get3A_450, %mul3A_452 : vector<16xf32>
      %swap3A_454 = arith.index_cast %scan3A_434 : i32 to index
      %swap3A_455 = arith.constant 16 : index
      %swap3A_456 = tpu.vector_load %arg9[%swap3A_454, %swap3A_455] {strides = array<i32>} : memref<200x64xf32, #tpu.memory_space<vmem>>, vector<1x16xf32>,
      %swap3A_457 = vector.shape_cast %swap3A_456 : vector<1x16xf32> to vector<16xf32>
      %swap3A_458 = vector.shape_cast %mul3A_453 : vector<16xf32> to vector<1x16xf32>
      tpu.vector_store %arg9[%swap3A_454, %swap3A_455], %swap3A_458 {strides = array<i32>} : memref<200x64xf32, #tpu.memory_space<vmem>>, vector<1x16xf32>,
      %get3A_459 = arith.index_cast %scan3A_434 : i32 to index
      %get3A_460 = arith.constant 32 : index
      %get3A_461 = tpu.vector_load %arg9[%get3A_459, %get3A_460] {strides = array<i32>} : memref<200x64xf32, #tpu.memory_space<vmem>>, vector<1x16xf32>,
      %get3A_462 = vector.shape_cast %get3A_461 : vector<1x16xf32> to vector<16xf32>
      %mul3A_463 = arith.constant 8.000000e+00 : f32
      %mul3A_464 = vector.broadcast %mul3A_463 : f32 to vector<16xf32>
      %mul3A_465 = arith.mulf %get3A_462, %mul3A_464 : vector<16xf32>
      %swap3A_466 = arith.index_cast %scan3A_434 : i32 to index
      %swap3A_467 = arith.constant 32 : index
      %swap3A_468 = tpu.vector_load %arg9[%swap3A_466, %swap3A_467] {strides = array<i32>} : memref<200x64xf32, #tpu.memory_space<vmem>>, vector<1x16xf32>,
      %swap3A_469 = vector.shape_cast %swap3A_468 : vector<1x16xf32> to vector<16xf32>
      %swap3A_470 = vector.shape_cast %mul3A_465 : vector<16xf32> to vector<1x16xf32>
      tpu.vector_store %arg9[%swap3A_466, %swap3A_467], %swap3A_470 {strides = array<i32>} : memref<200x64xf32, #tpu.memory_space<vmem>>, vector<1x16xf32>,
      %get3A_471 = arith.index_cast %scan3A_434 : i32 to index
      %get3A_472 = arith.constant 48 : index
      %get3A_473 = tpu.vector_load %arg9[%get3A_471, %get3A_472] {strides = array<i32>} : memref<200x64xf32, #tpu.memory_space<vmem>>, vector<1x16xf32>,
      %get3A_474 = vector.shape_cast %get3A_473 : vector<1x16xf32> to vector<16xf32>
      %mul3A_475 = arith.constant 8.000000e+00 : f32
      %mul3A_476 = vector.broadcast %mul3A_475 : f32 to vector<16xf32>
      %mul3A_477 = arith.mulf %get3A_474, %mul3A_476 : vector<16xf32>
      %swap3A_478 = arith.index_cast %scan3A_434 : i32 to index
      %swap3A_479 = arith.constant 48 : index
      %swap3A_480 = tpu.vector_load %arg9[%swap3A_478, %swap3A_479] {strides = array<i32>} : memref<200x64xf32, #tpu.memory_space<vmem>>, vector<1x16xf32>,
      %swap3A_481 = vector.shape_cast %swap3A_480 : vector<1x16xf32> to vector<16xf32>
      %swap3A_482 = vector.shape_cast %mul3A_477 : vector<16xf32> to vector<1x16xf32>
      tpu.vector_store %arg9[%swap3A_478, %swap3A_479], %swap3A_482 {strides = array<i32>} : memref<200x64xf32, #tpu.memory_space<vmem>>, vector<1x16xf32>,
      %scan3A_483 = arith.constant 5 : i32
      %scan3A_484 = arith.addi %scan3A_236, %scan3A_483 : i32
      %get3A_485 = arith.index_cast %scan3A_484 : i32 to index
      %get3A_486 = arith.constant 0 : index
      %get3A_487 = tpu.vector_load %arg9[%get3A_485, %get3A_486] {strides = array<i32>} : memref<200x64xf32, #tpu.memory_space<vmem>>, vector<1x16xf32>,
      %get3A_488 = vector.shape_cast %get3A_487 : vector<1x16xf32> to vector<16xf32>
      %mul3A_489 = arith.constant 8.000000e+00 : f32
      %mul3A_490 = vector.broadcast %mul3A_489 : f32 to vector<16xf32>
      %mul3A_491 = arith.mulf %get3A_488, %mul3A_490 : vector<16xf32>
      %swap3A_492 = arith.index_cast %scan3A_484 : i32 to index
      %swap3A_493 = arith.constant 0 : index
      %swap3A_494 = tpu.vector_load %arg9[%swap3A_492, %swap3A_493] {strides = array<i32>} : memref<200x64xf32, #tpu.memory_space<vmem>>, vector<1x16xf32>,
      %swap3A_495 = vector.shape_cast %swap3A_494 : vector<1x16xf32> to vector<16xf32>
      %swap3A_496 = vector.shape_cast %mul3A_491 : vector<16xf32> to vector<1x16xf32>
      tpu.vector_store %arg9[%swap3A_492, %swap3A_493], %swap3A_496 {strides = array<i32>} : memref<200x64xf32, #tpu.memory_space<vmem>>, vector<1x16xf32>,
      %get3A_497 = arith.index_cast %scan3A_484 : i32 to index
      %get3A_498 = arith.constant 16 : index
      %get3A_499 = tpu.vector_load %arg9[%get3A_497, %get3A_498] {strides = array<i32>} : memref<200x64xf32, #tpu.memory_space<vmem>>, vector<1x16xf32>,
      %get3A_500 = vector.shape_cast %get3A_499 : vector<1x16xf32> to vector<16xf32>
      %mul3A_501 = arith.constant 8.000000e+00 : f32
      %mul3A_502 = vector.broadcast %mul3A_501 : f32 to vector<16xf32>
      %mul3A_503 = arith.mulf %get3A_500, %mul3A_502 : vector<16xf32>
      %swap3A_504 = arith.index_cast %scan3A_484 : i32 to index
      %swap3A_505 = arith.constant 16 : index
      %swap3A_506 = tpu.vector_load %arg9[%swap3A_504, %swap3A_505] {strides = array<i32>} : memref<200x64xf32, #tpu.memory_space<vmem>>, vector<1x16xf32>,
      %swap3A_507 = vector.shape_cast %swap3A_506 : vector<1x16xf32> to vector<16xf32>
      %swap3A_508 = vector.shape_cast %mul3A_503 : vector<16xf32> to vector<1x16xf32>
      tpu.vector_store %arg9[%swap3A_504, %swap3A_505], %swap3A_508 {strides = array<i32>} : memref<200x64xf32, #tpu.memory_space<vmem>>, vector<1x16xf32>,
      %get3A_509 = arith.index_cast %scan3A_484 : i32 to index
      %get3A_510 = arith.constant 32 : index
      %get3A_511 = tpu.vector_load %arg9[%get3A_509, %get3A_510] {strides = array<i32>} : memref<200x64xf32, #tpu.memory_space<vmem>>, vector<1x16xf32>,
      %get3A_512 = vector.shape_cast %get3A_511 : vector<1x16xf32> to vector<16xf32>
      %mul3A_513 = arith.constant 8.000000e+00 : f32
      %mul3A_514 = vector.broadcast %mul3A_513 : f32 to vector<16xf32>
      %mul3A_515 = arith.mulf %get3A_512, %mul3A_514 : vector<16xf32>
      %swap3A_516 = arith.index_cast %scan3A_484 : i32 to index
      %swap3A_517 = arith.constant 32 : index
      %swap3A_518 = tpu.vector_load %arg9[%swap3A_516, %swap3A_517] {strides = array<i32>} : memref<200x64xf32, #tpu.memory_space<vmem>>, vector<1x16xf32>,
      %swap3A_519 = vector.shape_cast %swap3A_518 : vector<1x16xf32> to vector<16xf32>
      %swap3A_520 = vector.shape_cast %mul3A_515 : vector<16xf32> to vector<1x16xf32>
      tpu.vector_store %arg9[%swap3A_516, %swap3A_517], %swap3A_520 {strides = array<i32>} : memref<200x64xf32, #tpu.memory_space<vmem>>, vector<1x16xf32>,
      %get3A_521 = arith.index_cast %scan3A_484 : i32 to index
      %get3A_522 = arith.constant 48 : index
      %get3A_523 = tpu.vector_load %arg9[%get3A_521, %get3A_522] {strides = array<i32>} : memref<200x64xf32, #tpu.memory_space<vmem>>, vector<1x16xf32>,
      %get3A_524 = vector.shape_cast %get3A_523 : vector<1x16xf32> to vector<16xf32>
      %mul3A_525 = arith.constant 8.000000e+00 : f32
      %mul3A_526 = vector.broadcast %mul3A_525 : f32 to vector<16xf32>
      %mul3A_527 = arith.mulf %get3A_524, %mul3A_526 : vector<16xf32>
      %swap3A_528 = arith.index_cast %scan3A_484 : i32 to index
      %swap3A_529 = arith.constant 48 : index
      %swap3A_530 = tpu.vector_load %arg9[%swap3A_528, %swap3A_529] {strides = array<i32>} : memref<200x64xf32, #tpu.memory_space<vmem>>, vector<1x16xf32>,
      %swap3A_531 = vector.shape_cast %swap3A_530 : vector<1x16xf32> to vector<16xf32>
      %swap3A_532 = vector.shape_cast %mul3A_527 : vector<16xf32> to vector<1x16xf32>
      tpu.vector_store %arg9[%swap3A_528, %swap3A_529], %swap3A_532 {strides = array<i32>} : memref<200x64xf32, #tpu.memory_space<vmem>>, vector<1x16xf32>,
      %scan3A_533 = arith.constant 6 : i32
      %scan3A_534 = arith.addi %scan3A_236, %scan3A_533 : i32
      %get3A_535 = arith.index_cast %scan3A_534 : i32 to index
      %get3A_536 = arith.constant 0 : index
      %get3A_537 = tpu.vector_load %arg9[%get3A_535, %get3A_536] {strides = array<i32>} : memref<200x64xf32, #tpu.memory_space<vmem>>, vector<1x16xf32>,
      %get3A_538 = vector.shape_cast %get3A_537 : vector<1x16xf32> to vector<16xf32>
      %mul3A_539 = arith.constant 8.000000e+00 : f32
      %mul3A_540 = vector.broadcast %mul3A_539 : f32 to vector<16xf32>
      %mul3A_541 = arith.mulf %get3A_538, %mul3A_540 : vector<16xf32>
      %swap3A_542 = arith.index_cast %scan3A_534 : i32 to index
      %swap3A_543 = arith.constant 0 : index
      %swap3A_544 = tpu.vector_load %arg9[%swap3A_542, %swap3A_543] {strides = array<i32>} : memref<200x64xf32, #tpu.memory_space<vmem>>, vector<1x16xf32>,
      %swap3A_545 = vector.shape_cast %swap3A_544 : vector<1x16xf32> to vector<16xf32>
      %swap3A_546 = vector.shape_cast %mul3A_541 : vector<16xf32> to vector<1x16xf32>
      tpu.vector_store %arg9[%swap3A_542, %swap3A_543], %swap3A_546 {strides = array<i32>} : memref<200x64xf32, #tpu.memory_space<vmem>>, vector<1x16xf32>,
      %get3A_547 = arith.index_cast %scan3A_534 : i32 to index
      %get3A_548 = arith.constant 16 : index
      %get3A_549 = tpu.vector_load %arg9[%get3A_547, %get3A_548] {strides = array<i32>} : memref<200x64xf32, #tpu.memory_space<vmem>>, vector<1x16xf32>,
      %get3A_550 = vector.shape_cast %get3A_549 : vector<1x16xf32> to vector<16xf32>
      %mul3A_551 = arith.constant 8.000000e+00 : f32
      %mul3A_552 = vector.broadcast %mul3A_551 : f32 to vector<16xf32>
      %mul3A_553 = arith.mulf %get3A_550, %mul3A_552 : vector<16xf32>
      %swap3A_554 = arith.index_cast %scan3A_534 : i32 to index
      %swap3A_555 = arith.constant 16 : index
      %swap3A_556 = tpu.vector_load %arg9[%swap3A_554, %swap3A_555] {strides = array<i32>} : memref<200x64xf32, #tpu.memory_space<vmem>>, vector<1x16xf32>,
      %swap3A_557 = vector.shape_cast %swap3A_556 : vector<1x16xf32> to vector<16xf32>
      %swap3A_558 = vector.shape_cast %mul3A_553 : vector<16xf32> to vector<1x16xf32>
      tpu.vector_store %arg9[%swap3A_554, %swap3A_555], %swap3A_558 {strides = array<i32>} : memref<200x64xf32, #tpu.memory_space<vmem>>, vector<1x16xf32>,
      %get3A_559 = arith.index_cast %scan3A_534 : i32 to index
      %get3A_560 = arith.constant 32 : index
      %get3A_561 = tpu.vector_load %arg9[%get3A_559, %get3A_560] {strides = array<i32>} : memref<200x64xf32, #tpu.memory_space<vmem>>, vector<1x16xf32>,
      %get3A_562 = vector.shape_cast %get3A_561 : vector<1x16xf32> to vector<16xf32>
      %mul3A_563 = arith.constant 8.000000e+00 : f32
      %mul3A_564 = vector.broadcast %mul3A_563 : f32 to vector<16xf32>
      %mul3A_565 = arith.mulf %get3A_562, %mul3A_564 : vector<16xf32>
      %swap3A_566 = arith.index_cast %scan3A_534 : i32 to index
      %swap3A_567 = arith.constant 32 : index
      %swap3A_568 = tpu.vector_load %arg9[%swap3A_566, %swap3A_567] {strides = array<i32>} : memref<200x64xf32, #tpu.memory_space<vmem>>, vector<1x16xf32>,
      %swap3A_569 = vector.shape_cast %swap3A_568 : vector<1x16xf32> to vector<16xf32>
      %swap3A_570 = vector.shape_cast %mul3A_565 : vector<16xf32> to vector<1x16xf32>
      tpu.vector_store %arg9[%swap3A_566, %swap3A_567], %swap3A_570 {strides = array<i32>} : memref<200x64xf32, #tpu.memory_space<vmem>>, vector<1x16xf32>,
      %get3A_571 = arith.index_cast %scan3A_534 : i32 to index
      %get3A_572 = arith.constant 48 : index
      %get3A_573 = tpu.vector_load %arg9[%get3A_571, %get3A_572] {strides = array<i32>} : memref<200x64xf32, #tpu.memory_space<vmem>>, vector<1x16xf32>,
      %get3A_574 = vector.shape_cast %get3A_573 : vector<1x16xf32> to vector<16xf32>
      %mul3A_575 = arith.constant 8.000000e+00 : f32
      %mul3A_576 = vector.broadcast %mul3A_575 : f32 to vector<16xf32>
      %mul3A_577 = arith.mulf %get3A_574, %mul3A_576 : vector<16xf32>
      %swap3A_578 = arith.index_cast %scan3A_534 : i32 to index
      %swap3A_579 = arith.constant 48 : index
      %swap3A_580 = tpu.vector_load %arg9[%swap3A_578, %swap3A_579] {strides = array<i32>} : memref<200x64xf32, #tpu.memory_space<vmem>>, vector<1x16xf32>,
      %swap3A_581 = vector.shape_cast %swap3A_580 : vector<1x16xf32> to vector<16xf32>
      %swap3A_582 = vector.shape_cast %mul3A_577 : vector<16xf32> to vector<1x16xf32>
      tpu.vector_store %arg9[%swap3A_578, %swap3A_579], %swap3A_582 {strides = array<i32>} : memref<200x64xf32, #tpu.memory_space<vmem>>, vector<1x16xf32>,
      %scan3A_583 = arith.constant 7 : i32
      %scan3A_584 = arith.addi %scan3A_236, %scan3A_583 : i32
      %get3A_585 = arith.index_cast %scan3A_584 : i32 to index
      %get3A_586 = arith.constant 0 : index
      %get3A_587 = tpu.vector_load %arg9[%get3A_585, %get3A_586] {strides = array<i32>} : memref<200x64xf32, #tpu.memory_space<vmem>>, vector<1x16xf32>,
      %get3A_588 = vector.shape_cast %get3A_587 : vector<1x16xf32> to vector<16xf32>
      %mul3A_589 = arith.constant 8.000000e+00 : f32
      %mul3A_590 = vector.broadcast %mul3A_589 : f32 to vector<16xf32>
      %mul3A_591 = arith.mulf %get3A_588, %mul3A_590 : vector<16xf32>
      %swap3A_592 = arith.index_cast %scan3A_584 : i32 to index
      %swap3A_593 = arith.constant 0 : index
      %swap3A_594 = tpu.vector_load %arg9[%swap3A_592, %swap3A_593] {strides = array<i32>} : memref<200x64xf32, #tpu.memory_space<vmem>>, vector<1x16xf32>,
      %swap3A_595 = vector.shape_cast %swap3A_594 : vector<1x16xf32> to vector<16xf32>
      %swap3A_596 = vector.shape_cast %mul3A_591 : vector<16xf32> to vector<1x16xf32>
      tpu.vector_store %arg9[%swap3A_592, %swap3A_593], %swap3A_596 {strides = array<i32>} : memref<200x64xf32, #tpu.memory_space<vmem>>, vector<1x16xf32>,
      %get3A_597 = arith.index_cast %scan3A_584 : i32 to index
      %get3A_598 = arith.constant 16 : index
      %get3A_599 = tpu.vector_load %arg9[%get3A_597, %get3A_598] {strides = array<i32>} : memref<200x64xf32, #tpu.memory_space<vmem>>, vector<1x16xf32>,
      %get3A_600 = vector.shape_cast %get3A_599 : vector<1x16xf32> to vector<16xf32>
      %mul3A_601 = arith.constant 8.000000e+00 : f32
      %mul3A_602 = vector.broadcast %mul3A_601 : f32 to vector<16xf32>
      %mul3A_603 = arith.mulf %get3A_600, %mul3A_602 : vector<16xf32>
      %swap3A_604 = arith.index_cast %scan3A_584 : i32 to index
      %swap3A_605 = arith.constant 16 : index
      %swap3A_606 = tpu.vector_load %arg9[%swap3A_604, %swap3A_605] {strides = array<i32>} : memref<200x64xf32, #tpu.memory_space<vmem>>, vector<1x16xf32>,
      %swap3A_607 = vector.shape_cast %swap3A_606 : vector<1x16xf32> to vector<16xf32>
      %swap3A_608 = vector.shape_cast %mul3A_603 : vector<16xf32> to vector<1x16xf32>
      tpu.vector_store %arg9[%swap3A_604, %swap3A_605], %swap3A_608 {strides = array<i32>} : memref<200x64xf32, #tpu.memory_space<vmem>>, vector<1x16xf32>,
      %get3A_609 = arith.index_cast %scan3A_584 : i32 to index
      %get3A_610 = arith.constant 32 : index
      %get3A_611 = tpu.vector_load %arg9[%get3A_609, %get3A_610] {strides = array<i32>} : memref<200x64xf32, #tpu.memory_space<vmem>>, vector<1x16xf32>,
      %get3A_612 = vector.shape_cast %get3A_611 : vector<1x16xf32> to vector<16xf32>
      %mul3A_613 = arith.constant 8.000000e+00 : f32
      %mul3A_614 = vector.broadcast %mul3A_613 : f32 to vector<16xf32>
      %mul3A_615 = arith.mulf %get3A_612, %mul3A_614 : vector<16xf32>
      %swap3A_616 = arith.index_cast %scan3A_584 : i32 to index
      %swap3A_617 = arith.constant 32 : index
      %swap3A_618 = tpu.vector_load %arg9[%swap3A_616, %swap3A_617] {strides = array<i32>} : memref<200x64xf32, #tpu.memory_space<vmem>>, vector<1x16xf32>,
      %swap3A_619 = vector.shape_cast %swap3A_618 : vector<1x16xf32> to vector<16xf32>
      %swap3A_620 = vector.shape_cast %mul3A_615 : vector<16xf32> to vector<1x16xf32>
      tpu.vector_store %arg9[%swap3A_616, %swap3A_617], %swap3A_620 {strides = array<i32>} : memref<200x64xf32, #tpu.memory_space<vmem>>, vector<1x16xf32>,
      %get3A_621 = arith.index_cast %scan3A_584 : i32 to index
      %get3A_622 = arith.constant 48 : index
      %get3A_623 = tpu.vector_load %arg9[%get3A_621, %get3A_622] {strides = array<i32>} : memref<200x64xf32, #tpu.memory_space<vmem>>, vector<1x16xf32>,
      %get3A_624 = vector.shape_cast %get3A_623 : vector<1x16xf32> to vector<16xf32>
      %mul3A_625 = arith.constant 8.000000e+00 : f32
      %mul3A_626 = vector.broadcast %mul3A_625 : f32 to vector<16xf32>
      %mul3A_627 = arith.mulf %get3A_624, %mul3A_626 : vector<16xf32>
      %swap3A_628 = arith.index_cast %scan3A_584 : i32 to index
      %swap3A_629 = arith.constant 48 : index
      %swap3A_630 = tpu.vector_load %arg9[%swap3A_628, %swap3A_629] {strides = array<i32>} : memref<200x64xf32, #tpu.memory_space<vmem>>, vector<1x16xf32>,
      %swap3A_631 = vector.shape_cast %swap3A_630 : vector<1x16xf32> to vector<16xf32>
      %swap3A_632 = vector.shape_cast %mul3A_627 : vector<16xf32> to vector<1x16xf32>
      tpu.vector_store %arg9[%swap3A_628, %swap3A_629], %swap3A_632 {strides = array<i32>} : memref<200x64xf32, #tpu.memory_space<vmem>>, vector<1x16xf32>,
    }
    %scan3A_207 = arith.constant 200 : i32
    %add3A_208 = arith.constant 127 : i32
    %add3A_209 = arith.addi %mul3A_4, %add3A_208 : i32
    %dma_start3A_210 = arith.constant 0 : i32
    %dma_start3A_211 = arith.constant 0 : i32
    %dma_start3A_212 = tpu.memref_slice %arg4[%add3A_209, %dma_start3A_210, %dma_start3A_211] : memref<4096x200x64xf32, #tpu.memory_space<hbm>> -> memref<1x200x64xf32, #tpu.memory_space<hbm>>
    %dma_start3A_213 = tpu.memref_squeeze %dma_start3A_212 : memref<1x200x64xf32, #tpu.memory_space<hbm>> -> memref<200x64xf32, #tpu.memory_space<hbm>>
    %dma_start3A_214 = arith.constant 0 : i32
    %dma_start3A_215 = arith.constant 0 : i32
    %dma_start3A_216 = tpu.memref_slice %arg4[%add3A_209, %dma_start3A_214, %dma_start3A_215] : memref<4096x200x64xf32, #tpu.memory_space<hbm>> -> memref<1x200x64xf32, #tpu.memory_space<hbm>>
    %dma_start3A_217 = tpu.memref_squeeze %dma_start3A_216 : memref<1x200x64xf32, #tpu.memory_space<hbm>> -> memref<200x64xf32, #tpu.memory_space<hbm>>
    tpu.enqueue_dma source(%arg9 : memref<200x64xf32, #tpu.memory_space<vmem>>) target(%dma_start3A_217 : memref<200x64xf32, #tpu.memory_space<hbm>>) target_semaphore(%arg17 : memref<!tpu.dma_semaphore, #tpu.memory_space<semaphore_mem>>)
    %dma_wait3A_218 = arith.constant 0 : i32
    %dma_wait3A_219 = arith.constant 0 : i32
    %dma_wait3A_220 = arith.constant 0 : i32
    %dma_wait3A_221 = tpu.memref_slice %arg4[%dma_wait3A_218, %dma_wait3A_219, %dma_wait3A_220] : memref<4096x200x64xf32, #tpu.memory_space<hbm>> -> memref<1x200x64xf32, #tpu.memory_space<hbm>>
    %dma_wait3A_222 = tpu.memref_squeeze %dma_wait3A_221 : memref<1x200x64xf32, #tpu.memory_space<hbm>> -> memref<200x64xf32, #tpu.memory_space<hbm>>
    %dma_wait3A_223 = arith.constant 0 : i32
    %dma_wait3A_224 = arith.constant 0 : i32
    %dma_wait3A_225 = tpu.memref_slice %arg4[%dma_wait3A_218, %dma_wait3A_223, %dma_wait3A_224] : memref<4096x200x64xf32, #tpu.memory_space<hbm>> -> memref<1x200x64xf32, #tpu.memory_space<hbm>>
    %dma_wait3A_226 = tpu.memref_squeeze %dma_wait3A_225 : memref<1x200x64xf32, #tpu.memory_space<hbm>> -> memref<200x64xf32, #tpu.memory_space<hbm>>
    tpu.wait_dma2 semaphore(%arg16 : memref<!tpu.dma_semaphore, #tpu.memory_space<semaphore_mem>>) src(%arg8 : memref<200x64xf32, #tpu.memory_space<vmem>>) dst(%dma_wait3A_226 : memref<200x64xf32, #tpu.memory_space<hbm>>)
    %dma_wait3A_227 = arith.constant 0 : i32
    %dma_wait3A_228 = arith.constant 0 : i32
    %dma_wait3A_229 = arith.constant 0 : i32
    %dma_wait3A_230 = tpu.memref_slice %arg4[%dma_wait3A_227, %dma_wait3A_228, %dma_wait3A_229] : memref<4096x200x64xf32, #tpu.memory_space<hbm>> -> memref<1x200x64xf32, #tpu.memory_space<hbm>>
    %dma_wait3A_231 = tpu.memref_squeeze %dma_wait3A_230 : memref<1x200x64xf32, #tpu.memory_space<hbm>> -> memref<200x64xf32, #tpu.memory_space<hbm>>
    %dma_wait3A_232 = arith.constant 0 : i32
    %dma_wait3A_233 = arith.constant 0 : i32
    %dma_wait3A_234 = tpu.memref_slice %arg4[%dma_wait3A_227, %dma_wait3A_232, %dma_wait3A_233] : memref<4096x200x64xf32, #tpu.memory_space<hbm>> -> memref<1x200x64xf32, #tpu.memory_space<hbm>>
    %dma_wait3A_235 = tpu.memref_squeeze %dma_wait3A_234 : memref<1x200x64xf32, #tpu.memory_space<hbm>> -> memref<200x64xf32, #tpu.memory_space<hbm>>
    tpu.wait_dma2 semaphore(%arg17 : memref<!tpu.dma_semaphore, #tpu.memory_space<semaphore_mem>>) src(%arg9 : memref<200x64xf32, #tpu.memory_space<vmem>>) dst(%dma_wait3A_235 : memref<200x64xf32, #tpu.memory_space<hbm>>)
    return
  }
}

</mosaic_0001>

<sc_bundles>
// kernel: kernel.3.cloned.1.call-start
scs
__scs_entry_jumppad:
0x0: {  	(pc) =	sbr.rel $0x88, $3  }
0x1: {  	(tag) =	ssettag $0x0;
	lr =	simm.s32 $0x1  }
0x2: {  	[smem:$0x3F9F] =	sst lr;
	_ =	strace $0xD0000000  }
0x3: {  	_ = 	snop  }
0x4: {  	_ = 	snop  }
0x5: {  	_ = 	snop  }
0x6: {  	_ = 	snop  }
0x7: {  	_ = 	snop  }
__scs_overlays_trampoline_lowered:
0x8: {  	[smem:$0x3FAE] =	sst s0  }
0x9: {  	[smem:$0x3FAF] =	sst s1  }
0xa: {  	[smem:$0x3FB0] =	sst s2  }
0xb: {  	[smem:$0x3FB1] =	sst s3  }
0xc: {  	[smem:$0x3FB2] =	sst s4  }
0xd: {  	[smem:$0x3FB3] =	sst s5  }
0xe: {  	[smem:$0x3FB4] =	sst s6  }
0xf: {  	[smem:$0x3FB5] =	sst s7  }
0x10: {  	[smem:$0x3FB6] =	sst s8  }
0x11: {  	[smem:$0x3FB7] =	sst s9;
	s0 =	simm.s32 @!p0 $0x0  }
0x12: {  	s1 =	sld [smem:$0x3F9D];
	s0 =	simm.s32 @p0 $0x1  }
0x13: {  	[smem:$0x3FB8] =	sst s0;
	s0 =	simm.s32 @!p1 $0x0  }
0x14: {  	s2 =	sld [smem:$0x3F9C];
	s0 =	simm.s32 @p1 $0x1  }
0x15: {  	[smem:$0x3FB9] =	sst s0;
	s0 =	simm.s32 @!p2 $0x0  }
0x16: {  	s3 =	sld [smem:$0x3FDB];
	s0 =	simm.s32 @p2 $0x1  }
0x17: {  	s4 =	simm.s32 $0x1BF5;
	[smem:$0x3FBB] =	sst s0  }
0x18: {  	s0 =	sld [smem:$0x3F9E];
	_ =	swait.ge [sflag:s4], $0x0  }
0x19: {  	s7 =	sld [smem:$0x3F9F]  }
0x1a: {  	s8 =	sadd.s32 $0xFFFFE003, lr  }
0x1b: {  	s9 =	sadd.s32 $0xFFFFFEF7, lr;
	s5 =	simm.s32 $0xFFFFFFFF;
	p2 =	slt.u32 s8, $0xFFFFF086  }
0x1c: {  	p1 =	slt.u32 s9, $0xF7A;
	s5 =	simm.s32 @!p2 $0x0  }
0x1d: {  	s5 =	simm.s32 @p1 $0x1;
	p0 =	seq.s32 s7, s2  }
0x1e: {  	s7 =	smul.u32 @!p0 $0xF7A, s2;
	p2 =	seq.s32 @!p0 s5, $0x0  }
0x1f: {  	s9 =	smul.u32 $0xF7A, s1;
	s8 =	simm.s32 @!p0 $0x1BF5;
	p2 =	por !p2, p0  }
0x20: {  	[sflag:s8] =	ssyncset.s32 @!p0 $0xFFFFF086;
	s6 =	sadd.s32 @!p0 s3, s7;
	s7 =	simm.s32 @!p0 $0x108  }
0x21: {  	s3 =	sadd.s32 s3, s9;
	s6 =	sadd.s32 @!p0 $0x88, s6;
	s7 =	simm.s32 @p2 $0x1082  }
0x22: {  	[simem:s7], [sflag:s8] =	dma.local @!p0 [hbm:s6], $0xF7A  }
0x23: {  	s9 =	sor.u32 $0xD0000000, s2;
	s6 =	simm.s32 $0x108;
	_ =	swait.ge @!p0 [sflag:s8], $0x0  }
0x24: {  	s3 =	sadd.s32 $0x88, s3;
	s6 =	simm.s32 @!p1 $0x1082;
	[sflag:s4] =	ssyncset.s32 $0xFFFFF086  }
0x25: {  	[simem:s6], [sflag:s4] =	dma.local [hbm:s3], $0xF7A  }
0x26: {  	[smem:$0x3F9F] =	sst s1;
	(tag) =	ssettag s2;
	_ =	strace s9  }
0x27: {  	s1 =	sld [smem:$0x3FAF]  }
0x28: {  	s2 =	sld [smem:$0x3FB0]  }
0x29: {  	s4 =	sld [smem:$0x3FB2]  }
0x2a: {  	p0 =	seq.s32 s5, $0x0;
	s5 =	sld [smem:$0x3FB3]  }
0x2b: {  	s6 =	sld [smem:$0x3FB4]  }
0x2c: {  	s7 =	sld [smem:$0x3FB5]  }
0x2d: {  	s3 =	simm.s32 $0x108;
	s8 =	sld [smem:$0x3FB6]  }
0x2e: {  	s3 =	simm.s32 @!p0 $0x1082;
	s9 =	sld [smem:$0x3FB7]  }
0x2f: {  	lr =	sadd.s32 s0, s3;
	s0 =	sld [smem:$0x3FAE]  }
0x30: {  	s3 =	sld [smem:$0x3FB1]  }
0x31: {  	[smem:$0x3FBA] =	sst s10  }
0x32: {  	s10 =	sld [smem:$0x3FB8];
	_ =	sdelay $0x3  }
0x33: {  	p0 =	seq.s32 s10, $0x1;
	s10 =	sld [smem:$0x3FBA];
	_ =	sdelay $0x3  }
0x34: {  	[smem:$0x3FBA] =	sst s10  }
0x35: {  	s10 =	sld [smem:$0x3FB9];
	_ =	sdelay $0x3  }
0x36: {  	p1 =	seq.s32 s10, $0x1;
	s10 =	sld [smem:$0x3FBA];
	_ =	sdelay $0x3  }
0x37: {  	[smem:$0x3FBA] =	sst s10  }
0x38: {  	s10 =	sld [smem:$0x3FBB]  }
0x39: {  	_ = 	snop;
	(pc) =	sbr.ind lr, $3  }
0x3a: {  	_ = 	snop  }
0x3b: {  	_ = 	snop  }
0x3c: {  	p2 =	seq.s32 s10, $0x1;
	s10 =	sld [smem:$0x3FBA]  }
0x3d: {  	_ =	shalt  }
0x3e: {  	_ =	shalt  }
0x3f: {  	_ =	shalt  }
0x40: {  	_ =	shalt  }
0x41: {  	_ =	shalt  }
0x42: {  	_ =	shalt  }
0x43: {  	_ =	shalt  }
0x44: {  	_ =	shalt  }
0x45: {  	_ =	shalt  }
0x46: {  	_ =	shalt  }
0x47: {  	_ =	shalt  }
0x48: {  	_ =	shalt  }
0x49: {  	_ =	shalt  }
0x4a: {  	_ =	shalt  }
0x4b: {  	_ =	shalt  }
0x4c: {  	_ =	shalt  }
0x4d: {  	_ =	shalt  }
0x4e: {  	_ =	shalt  }
0x4f: {  	_ =	shalt  }
0x50: {  	_ =	shalt  }
0x51: {  	_ =	shalt  }
0x52: {  	_ =	shalt  }
0x53: {  	_ =	shalt  }
0x54: {  	_ =	shalt  }
0x55: {  	_ =	shalt  }
0x56: {  	_ =	shalt  }
0x57: {  	_ =	shalt  }
0x58: {  	_ =	shalt  }
0x59: {  	_ =	shalt  }
0x5a: {  	_ =	shalt  }
0x5b: {  	_ =	shalt  }
0x5c: {  	_ =	shalt  }
0x5d: {  	_ =	shalt  }
0x5e: {  	_ =	shalt  }
0x5f: {  	_ =	shalt  }
0x60: {  	_ =	shalt  }
0x61: {  	_ =	shalt  }
0x62: {  	_ =	shalt  }
0x63: {  	_ =	shalt  }
0x64: {  	_ =	shalt  }
0x65: {  	_ =	shalt  }
0x66: {  	_ =	shalt  }
0x67: {  	_ =	shalt  }
0x68: {  	_ =	shalt  }
0x69: {  	_ =	shalt  }
0x6a: {  	_ =	shalt  }
0x6b: {  	_ =	shalt  }
0x6c: {  	_ =	shalt  }
0x6d: {  	_ =	shalt  }
0x6e: {  	_ =	shalt  }
0x6f: {  	_ =	shalt  }
0x70: {  	_ =	shalt  }
0x71: {  	_ =	shalt  }
0x72: {  	_ =	shalt  }
0x73: {  	_ =	shalt  }
0x74: {  	_ =	shalt  }
0x75: {  	_ =	shalt  }
0x76: {  	_ =	shalt  }
0x77: {  	_ =	shalt  }
0x78: {  	_ =	shalt  }
0x79: {  	_ =	shalt  }
0x7a: {  	_ =	shalt  }
0x7b: {  	_ =	shalt  }
0x7c: {  	_ =	shalt  }
0x7d: {  	_ =	shalt  }
0x7e: {  	_ =	shalt  }
0x7f: {  	_ =	shalt  }
0x80: {  	_ =	shalt  }
0x81: {  	_ =	shalt  }
0x82: {  	_ =	shalt  }
0x83: {  	_ =	shalt  }
0x84: {  	_ =	shalt  }
0x85: {  	_ =	shalt  }
0x86: {  	_ =	shalt  }
0x87: {  	_ =	shalt  }
.Lfunc_end0:
.L_simem_size_0:
called_computation.1_lowered:
.L_overlay_start_0:
0x88: {  	s2 =	sld [smem:$0x3FD9]  }
0x89: {  	s3 =	sld [smem:$0x3FFE];
	_ =	sdelay $0x1  }
0x8a: {  	s1 =	srdreg.scid  }
0x8b: {  	s0 =	sand.u32 $0x1, s1  }
0x8c: {  	s17 =	sshll.u32 s0, $0xA;
	s2 =	sadd.s32 s3, s2  }
0x8d: {  	s2 =	sadd.s32 s2, s17  }
0x8e: {  	[smem:$0x3FC6] =	sst s2  }
0x8f: {  	_ = 	snop  }
0x90: {  	s2 =	sld [smem:$0x3FD0];
	(tm) =	ssettm $0x1  }
0x91: {  	s18 =	sld [smem:$0x3FFB];
	_ =	sdelay $0x3  }
0x92: {  	_ =	strace s18  }
0x93: {  	s3 =	sld [smem:$0x3FFC];
	_ =	sdelay $0x3  }
0x94: {  	_ =	strace s3  }
0x95: {  	s3 =	sld [smem:$0x3FFD];
	_ =	sdelay $0x3  }
0x96: {  	_ =	strace s3  }
0x97: {  	_ =	strace $0x8FFFFFFF  }
0x98: {  	s19 =	sld [smem:$0x3FDB];
	_ =	sdelay $0x1  }
0x99: {  	s4 =	simm.s32 $_scs_section_size  }
0x9a: {  	s5 =	simm.s32 $_size__tile_overlayer_lowered;
	s6 =	simm.s32 $_tile_overlayer_lowered  }
0x9b: {  	s22 =	simm.s32 $0x1BFF;
	s21 =	sshll.u32 s6, $0x1;
	s3 =	sadd.s32 s4, s19  }
0x9c: {  	s7 =	simm.s32 $0x0;
	s20 =	sshll.u32 s5, $0x1;
	s5 =	sadd.s32 s21, s3  }
0x9d: {  	[timem:s7], [sflag:s22] =	dma.local [hbm:s5], s20  }
0x9e: {  	_ =	swait.ge [sflag:s22], s20  }
0x9f: {  	s4 =	ssub.s32 $0x0, s20;
	[sflag:s22] =	ssyncset.done $0x0  }
0xa0: {  	[sflag:s22] =	ssyncadd.s32 s4;
	_ =	sdelay $0x1  }
0xa1: {  	s23 =	simm.s32 $0x1B8B  }
0xa2: {  	_ =	swait.ge [sflag:s23], $0x1  }
0xa3: {  	[sflag:s23] =	ssyncset.done $0x0  }
0xa4: {  	s25 =	simm.s32 $0x1B8E;
	s24 =	sld [smem:$0x3FFE];
	[sflag:s23] =	ssyncadd.s32 $0xFFFFFFFF  }
0xa5: {  	s26 =	simm.s32 $execute0_lowered;
	[smem:$0x3FD2] =	sst s25  }
0xa6: {  	s5 =	sshll.u32 s26, $0x1;
	_ =	strace $0x80000046;
	[dreg:$0x1] =	wrdreg $0xFFFFFFFF  }
0xa7: {  	s28 =	simm.s32 $_size_execute0_lowered;
	s3 =	sadd.s32 s3, s5;
	[dreg:$0x0] =	wrdreg $0x0  }
0xa8: {  	s5 =	sshll.u32 s28, $0x1;
	[dreg:$0x2] =	wrdreg s3  }
0xa9: {  	[dreg:$0x3] =	wrdreg s5  }
0xaa: {  	[dreg:$0x4] =	wrdreg $0xC0  }
0xab: {  	_ =	task [dreg:s7], $0x5FFFF  }
0xac: {  	[dreg:$0x1] =	wrdreg $0xFFFFFFFF  }
0xad: {  	[dreg:$0x0] =	wrdreg $0x60  }
0xae: {  	[dreg:$0x2] =	wrdreg s24  }
0xaf: {  	[dreg:$0x3] =	wrdreg s2  }
0xb0: {  	[dreg:$0x4] =	wrdreg $0x9  }
0xb1: {  	_ =	task.clear_ibuf [dreg:s7], $0x5FFFF;
	_ =	strace $0x90000046  }
0xb2: {  	s29 =	simm.s32 $0x9;
	_ =	strace $0x80000048  }
0xb3: {  	_ =	swait.ge [sflag:s29], $0x1  }
0xb4: {  	[sflag:s29] =	ssyncadd.s32 $0xFFFFFFFF  }
0xb5: {  	_ =	strace $0x90000048  }
0xb6: {  	_ =	sfence  }
0xb7: {  	s30 =	sld [smem:$0x0];
	_ =	sdelay $0x2  }
0xb8: {  	s31 =	sshll.u32 s1, $0xD;
	s1 =	sshrl.u32 s1, $0x2  }
0xb9: {  	s3 =	sand.u32 $0x4000, s31;
	s1 =	sadd.s32 s1, s30  }
0xba: {  	s0 =	sor.u32 s3, s0;
	s1 =	sshll.u32 s1, $0x11  }
0xbb: {  	s0 =	sor.u32 s1, s0  }
0xbc: {  	s0 =	sadd.s32 $0x8F2B, s0  }
0xbd: {  	[sflag:s0] =	ssyncadd.remote.s32 $0x1  }
0xbe: {  	_ =	sfence.sel $0xFFFF  }
0xbf: {  	[dreg:$0x0] =	wrdreg $0xFFFFFFFF;
	(pc) =	sbr.abs _section_cstart, $3  }
0xc0: {  	[dreg:$0x1] =	wrdreg $0xFFFFFFFF  }
0xc1: {  	_ =	task.clear_ibuf [dreg:s7], $0x2FFFF;
	_ =	strace $0x9FFFFFFF  }
0xc2: {  	(tm) =	ssettm $0x7FFFFFFF  }
0xc3: {  	_ =	shalt  }
tec
execute0_lowered:
.L_overlay_start_1:
0x0: {  	(tag) =	ssettag $0x1  }
0x1: {  	s0 =	rddreg [dreg:$0x0];
	s1 =	srdreg.scid  }
0x2: {  	s3 =	stileid.u32;
	s2 =	rddreg [dreg:$0x1];
	s12 =	simm.s32 $0x9  }
0x3: {  	s13 =	simm.s32 $0x80;
	s14 =	simm.s32 $0x6400;
	s15 =	simm.s32 $0x48  }
0x4: {  	s16 =	simm.s32 $0x8400;
	s18 =	simm.s32 $0x9600;
	s20 =	simm.s32 $0xB600  }
0x5: {  	s22 =	simm.s32 $0xC800;
	s28 =	simm.s32 $0xFA00;
	s30 =	simm.s32 $0x11A00  }
0x6: {  	s31 =	simm.s32 $0x2;
	s1 =	sand.u32 $0x1, s1;
	s4 =	sshll.u32 s3, $0x1  }
0x7: {  	s17 =	simm.s32 $0x6;
	s19 =	simm.s32 $0x4;
	s5 =	sor.u32 s1, s4  }
0x8: {  	s21 =	simm.s32 $0x7;
	s3 =	simm.s32 $0x0;
	s4 =	smul.u32 $0xC80, s5  }
0x9: {  	[smem:$0x7FF] =	sst s3;
	s1 =	ssub.s32 $0x2, s1;
	s7 =	smul.u32 $0x190000, s5  }
0xa: {  	_ =	strace $0x80000047;
	s23 =	sshrl.u32 s1, $0x1;
	s8 =	smul.u32 $0x32000, s5  }
0xb: {  	s6 =	sadd.s32 s4, s0;
	s4 =	sadd.s32 $0xF42E00, s0;
	s0 =	ssub.s32 s1, s23  }
0xc: {  	s25 =	sshrl.u32 s7, $0x3;
	s26 =	sadd.s32 s2, s8;
	s23 =	simm.s32 $0x8  }
0xd: {  	s24 =	sadd.s32 $0xA00, s6;
	s6 =	sshll.u32 s5, $0x7;
	[dreg:$0x4] =	wrdreg s26  }
0xe: {  	s1 =	sadd.s32 s2, s25;
	s5 =	sadd.s32 $0x640, s26;
	[dreg:$0x3] =	wrdreg s24  }
0xf: {  	s0 =	smax.u32 s0, $0x1;
	s25 =	simm.s32 $0x1;
	[dreg:$0x5] =	wrdreg s5  }
0x10: {  	s26 =	simm.s32 $0x0;
	s29 =	sadd.s32 $0x31380, s1;
	[dreg:$0x8] =	wrdreg s0  }
0x11: {  	s1 =	sadd.s32 $0x319C0, s1;
	s24 =	simm.s32 $0xE800;
	[dreg:$0x6] =	wrdreg s29  }
0x12: {  	s0 =	simm.s32 $0x3;
	[dreg:$0x7] =	wrdreg s1;
	s1 =	simm.s32 $0x5  }
.LBB2_1:
0x13: {  	s5 =	rddreg [dreg:$0x3]  }
0x14: {  	[tilespmem:s3], [sflag:$0x9] =	stream.linear.gather [hbm4b:s5+s3], $0x6400, $0x38;
	[tilespmem:$0x12C00] =	vst v63  }
0x15: {  	_ =	swait.ge [sflag:s12], $0x6400  }
0x16: {  	[sflag:s12] =	ssyncset.done $0x0  }
0x17: {  	[sflag:s12] =	ssyncadd.s32 $0xFFFF9C00  }
0x18: {  	[tilespmem:s14], [sflag:$0x1] =	stream.indirect.gather [hbm4b:s4+s13], $0x40, s3, s13, $0xb8;
	[tilespmem:$0x12C00] =	vst v63  }
0x19: {  	_ = 	snop  }
0x1a: {  	[tilespmem:s16], [sflag:$0x1] =	stream.indirect.gather [hbm4b:s4+s15], $0x40, s13, s15, $0xb8;
	[tilespmem:$0x12C00] =	vst v63  }
0x1b: {  	s9 =	simm.s32 $0xC8  }
0x1c: {  	[tilespmem:s18], [sflag:$0x2] =	stream.indirect.gather [hbm4b:s4+s13], $0x40, s9, s13, $0xb8;
	[tilespmem:$0x12C00] =	vst v63  }
0x1d: {  	s10 =	simm.s32 $0x148  }
0x1e: {  	[tilespmem:s20], [sflag:$0x2] =	stream.indirect.gather [hbm4b:s4+s15], $0x40, s10, s15, $0xb8;
	[tilespmem:$0x12C00] =	vst v63  }
0x1f: {  	s11 =	simm.s32 $0x190  }
0x20: {  	[tilespmem:s22], [sflag:$0x3] =	stream.indirect.gather [hbm4b:s4+s13], $0x40, s11, s13, $0xb8;
	[tilespmem:$0x12C00] =	vst v63  }
0x21: {  	s29 =	simm.s32 $0x210  }
0x22: {  	[tilespmem:s24], [sflag:$0x3] =	stream.indirect.gather [hbm4b:s4+s15], $0x40, s29, s15, $0xb8;
	[tilespmem:$0x12C00] =	vst v63  }
0x23: {  	_ =	swait.ge [sflag:s25], $0x2000  }
0x24: {  	[sflag:s25] =	ssyncset.done $0x0  }
0x25: {  	[sflag:s25] =	ssyncadd.s32 $0xFFFFE000  }
0x26: {  	_ =	swait.ge [sflag:s25], $0x1200  }
0x27: {  	[sflag:s25] =	ssyncset.done $0x0  }
0x28: {  	s5 =	simm.s32 $0x6500;
	[sflag:s25] =	ssyncadd.s32 $0xFFFFEE00  }
0x29: {  	v0 =	vld [tilespmem:s5+$0xFFFFFF00]  }
0x2a: {  	v1 =	vld [tilespmem:s5+$0xFFFFFF10]  }
0x2b: {  	v2 =	vld [tilespmem:s5+$0xFFFFFF20]  }
0x2c: {  	v3 =	vld [tilespmem:s5+$0xFFFFFF30]  }
0x2d: {  	v4 =	vld [tilespmem:s5+$0xFFFFFF40]  }
0x2e: {  	v5 =	vld [tilespmem:s5+$0xFFFFFF50];
	v0 =	vmul.f32 $8.000000000e+00, v0  }
0x2f: {  	v6 =	vld [tilespmem:s5+$0xFFFFFF60];
	v1 =	vmul.f32 $8.000000000e+00, v1  }
0x30: {  	[tilespmem:s5+$0xFFFFFF00] =	vst v0;
	v0 =	vmul.f32 $8.000000000e+00, v2;
	v2 =	vld [tilespmem:s5+$0xFFFFFF70]  }
0x31: {  	[tilespmem:s5+$0xFFFFFF10] =	vst v1;
	v1 =	vmul.f32 $8.000000000e+00, v3;
	v3 =	vld [tilespmem:s5+$0xFFFFFF80]  }
0x32: {  	[tilespmem:s5+$0xFFFFFF20] =	vst v0;
	v0 =	vmul.f32 $8.000000000e+00, v4;
	v4 =	vld [tilespmem:s5+$0xFFFFFF90]  }
0x33: {  	[tilespmem:s5+$0xFFFFFF30] =	vst v1;
	v1 =	vmul.f32 $8.000000000e+00, v5;
	v5 =	vld [tilespmem:s5+$0xFFFFFFA0]  }
0x34: {  	[tilespmem:s5+$0xFFFFFF40] =	vst v0;
	v0 =	vmul.f32 $8.000000000e+00, v6;
	v6 =	vld [tilespmem:s5+$0xFFFFFFB0]  }
0x35: {  	[tilespmem:s5+$0xFFFFFF50] =	vst v1;
	v1 =	vmul.f32 $8.000000000e+00, v2;
	v2 =	vld [tilespmem:s5+$0xFFFFFFC0]  }
0x36: {  	[tilespmem:s5+$0xFFFFFF60] =	vst v0;
	v0 =	vmul.f32 $8.000000000e+00, v3;
	v3 =	vld [tilespmem:s5+$0xFFFFFFD0]  }
0x37: {  	[tilespmem:s5+$0xFFFFFF70] =	vst v1;
	v1 =	vmul.f32 $8.000000000e+00, v4;
	v4 =	vld [tilespmem:s5+$0xFFFFFFE0]  }
0x38: {  	[tilespmem:s5+$0xFFFFFF80] =	vst v0;
	v0 =	vmul.f32 $8.000000000e+00, v5;
	v5 =	vld [tilespmem:s5+$0x0]  }
0x39: {  	[tilespmem:s5+$0xFFFFFF90] =	vst v1;
	v1 =	vmul.f32 $8.000000000e+00, v6;
	v6 =	vld [tilespmem:s5+$0x10]  }
0x3a: {  	[tilespmem:s5+$0xFFFFFFA0] =	vst v0;
	v0 =	vmul.f32 $8.000000000e+00, v2;
	v2 =	vld [tilespmem:s5+$0x20]  }
0x3b: {  	[tilespmem:s5+$0xFFFFFFB0] =	vst v1;
	v1 =	vmul.f32 $8.000000000e+00, v3;
	v3 =	vld [tilespmem:s5+$0x30]  }
0x3c: {  	[tilespmem:s5+$0xFFFFFFC0] =	vst v0;
	v0 =	vmul.f32 $8.000000000e+00, v4;
	v4 =	vld [tilespmem:s5+$0x40]  }
0x3d: {  	[tilespmem:s5+$0xFFFFFFD0] =	vst v1;
	v1 =	vmul.f32 $8.000000000e+00, v5;
	v5 =	vld [tilespmem:s5+$0x50]  }
0x3e: {  	[tilespmem:s5+$0xFFFFFFE0] =	vst v0;
	v0 =	vmul.f32 $8.000000000e+00, v6;
	v6 =	vld [tilespmem:s5+$0x60]  }
0x3f: {  	[tilespmem:s5+$0x0] =	vst v1;
	v1 =	vmul.f32 $8.000000000e+00, v2;
	v2 =	vld [tilespmem:s5+$0x70]  }
0x40: {  	[tilespmem:s5+$0x10] =	vst v0;
	v0 =	vmul.f32 $8.000000000e+00, v3;
	v3 =	vld [tilespmem:s5+$0x80]  }
0x41: {  	[tilespmem:s5+$0x20] =	vst v1;
	v1 =	vmul.f32 $8.000000000e+00, v4;
	v4 =	vld [tilespmem:s5+$0x90]  }
0x42: {  	[tilespmem:s5+$0x30] =	vst v0;
	v0 =	vmul.f32 $8.000000000e+00, v5;
	v5 =	vld [tilespmem:s5+$0xA0]  }
0x43: {  	[tilespmem:s5+$0x40] =	vst v1;
	v1 =	vmul.f32 $8.000000000e+00, v6;
	v6 =	vld [tilespmem:s5+$0xB0]  }
0x44: {  	[tilespmem:s5+$0x50] =	vst v0;
	v2 =	vmul.f32 $8.000000000e+00, v2;
	v0 =	vld [tilespmem:s5+$0xC0]  }
0x45: {  	[tilespmem:s5+$0x60] =	vst v1;
	v3 =	vmul.f32 $8.000000000e+00, v3;
	v1 =	vld [tilespmem:s5+$0xD0]  }
0x46: {  	[tilespmem:s5+$0x70] =	vst v2;
	v7 =	vmul.f32 $8.000000000e+00, v4;
	v2 =	vld [tilespmem:s5+$0xE0]  }
0x47: {  	[tilespmem:s5+$0x80] =	vst v3;
	v3 =	vld [tilespmem:s5+$0xF0];
	v5 =	vmul.f32 $8.000000000e+00, v5  }
0x48: {  	s8 =	simm.s32 $0x0;
	s9 =	simm.s32 $0x6700;
	v4 =	vld [tilespmem:s5+$0xFFFFFFF0];
	[tilespmem:s5+$0x90] =	vst v7;
	v6 =	vmul.f32 $8.000000000e+00, v6  }
.LBB2_2:
0x49: {  	v7 =	vld [tilespmem:s9+$0xFFFFFF00];
	[tilespmem:s5+$0xA0] =	vst v5;
	v0 =	vmul.f32 $8.000000000e+00, v0  }
0x4a: {  	v5 =	vld [tilespmem:s9+$0xFFFFFF10];
	[tilespmem:s5+$0xB0] =	vst v6;
	v1 =	vmul.f32 $8.000000000e+00, v1  }
0x4b: {  	v6 =	vld [tilespmem:s9+$0xFFFFFF20];
	[tilespmem:s5+$0xC0] =	vst v0;
	v0 =	vmul.f32 $8.000000000e+00, v2  }
0x4c: {  	v2 =	vld [tilespmem:s9+$0xFFFFFF30];
	[tilespmem:s5+$0xD0] =	vst v1;
	v1 =	vmul.f32 $8.000000000e+00, v3  }
0x4d: {  	v3 =	vld [tilespmem:s9+$0xFFFFFF40];
	v4 =	vmul.f32 $8.000000000e+00, v4;
	[tilespmem:s5+$0xE0] =	vst v0  }
0x4e: {  	v0 =	vmul.f32 $8.000000000e+00, v7;
	v7 =	vld [tilespmem:s9+$0xFFFFFF50];
	[tilespmem:s5+$0xF0] =	vst v1  }
0x4f: {  	v1 =	vmul.f32 $8.000000000e+00, v5;
	v5 =	vld [tilespmem:s9+$0xFFFFFF60];
	[tilespmem:s5+$0xFFFFFFF0] =	vst v4;
	s5 =	smov.u32 s9  }
0x50: {  	[tilespmem:s9+$0xFFFFFF00] =	vst v0;
	v0 =	vmul.f32 $8.000000000e+00, v6;
	v4 =	vld [tilespmem:s9+$0xFFFFFF70]  }
0x51: {  	[tilespmem:s9+$0xFFFFFF10] =	vst v1;
	v1 =	vmul.f32 $8.000000000e+00, v2;
	v2 =	vld [tilespmem:s9+$0xFFFFFF80]  }
0x52: {  	[tilespmem:s9+$0xFFFFFF20] =	vst v0;
	v0 =	vmul.f32 $8.000000000e+00, v3;
	v3 =	vld [tilespmem:s9+$0xFFFFFF90]  }
0x53: {  	[tilespmem:s9+$0xFFFFFF30] =	vst v1;
	v1 =	vmul.f32 $8.000000000e+00, v7;
	v6 =	vld [tilespmem:s9+$0xFFFFFFA0]  }
0x54: {  	[tilespmem:s9+$0xFFFFFF40] =	vst v0;
	v0 =	vmul.f32 $8.000000000e+00, v5;
	v5 =	vld [tilespmem:s9+$0xFFFFFFB0]  }
0x55: {  	[tilespmem:s9+$0xFFFFFF50] =	vst v1;
	v1 =	vmul.f32 $8.000000000e+00, v4;
	v4 =	vld [tilespmem:s9+$0xFFFFFFC0]  }
0x56: {  	[tilespmem:s9+$0xFFFFFF60] =	vst v0;
	v0 =	vmul.f32 $8.000000000e+00, v2;
	v2 =	vld [tilespmem:s9+$0xFFFFFFD0]  }
0x57: {  	[tilespmem:s9+$0xFFFFFF70] =	vst v1;
	v1 =	vmul.f32 $8.000000000e+00, v3;
	v3 =	vld [tilespmem:s9+$0xFFFFFFE0]  }
0x58: {  	[tilespmem:s9+$0xFFFFFF80] =	vst v0;
	v0 =	vmul.f32 $8.000000000e+00, v6;
	v6 =	vld [tilespmem:s9+$0x0]  }
0x59: {  	[tilespmem:s9+$0xFFFFFF90] =	vst v1;
	v1 =	vmul.f32 $8.000000000e+00, v5;
	v5 =	vld [tilespmem:s9+$0x10]  }
0x5a: {  	[tilespmem:s9+$0xFFFFFFA0] =	vst v0;
	v0 =	vmul.f32 $8.000000000e+00, v4;
	v4 =	vld [tilespmem:s9+$0x20]  }
0x5b: {  	[tilespmem:s9+$0xFFFFFFB0] =	vst v1;
	v1 =	vmul.f32 $8.000000000e+00, v2;
	v2 =	vld [tilespmem:s9+$0x30]  }
0x5c: {  	[tilespmem:s9+$0xFFFFFFC0] =	vst v0;
	v0 =	vmul.f32 $8.000000000e+00, v3;
	v3 =	vld [tilespmem:s9+$0x40]  }
0x5d: {  	[tilespmem:s9+$0xFFFFFFD0] =	vst v1;
	v1 =	vmul.f32 $8.000000000e+00, v6;
	v6 =	vld [tilespmem:s9+$0x50]  }
0x5e: {  	[tilespmem:s9+$0xFFFFFFE0] =	vst v0;
	v0 =	vmul.f32 $8.000000000e+00, v5;
	v5 =	vld [tilespmem:s9+$0x60]  }
0x5f: {  	[tilespmem:s9+$0x0] =	vst v1;
	v1 =	vmul.f32 $8.000000000e+00, v4;
	v4 =	vld [tilespmem:s9+$0x70]  }
0x60: {  	[tilespmem:s9+$0x10] =	vst v0;
	v0 =	vmul.f32 $8.000000000e+00, v2;
	v2 =	vld [tilespmem:s9+$0x80]  }
0x61: {  	[tilespmem:s9+$0x20] =	vst v1;
	v1 =	vmul.f32 $8.000000000e+00, v3;
	v3 =	vld [tilespmem:s9+$0x90]  }
0x62: {  	s8 =	sadd.s32 $0x8, s8;
	[tilespmem:s9+$0x30] =	vst v0;
	v0 =	vmul.f32 $8.000000000e+00, v6;
	v6 =	vld [tilespmem:s9+$0xA0]  }
0x63: {  	p0 =	slt.u32 s8, $0xC0;
	[tilespmem:s9+$0x40] =	vst v1;
	v1 =	vmul.f32 $8.000000000e+00, v5;
	v7 =	vld [tilespmem:s9+$0xB0]  }
.Ltmp0:
0x64: {  	[tilespmem:s9+$0x50] =	vst v0;
	v4 =	vmul.f32 $8.000000000e+00, v4;
	v0 =	vld [tilespmem:s9+$0xC0];
	(pc) =	sbr.rel @p0 .LBB2_2-.Ltmp0, $4  }
0x65: {  	[tilespmem:s9+$0x60] =	vst v1;
	v5 =	vmul.f32 $8.000000000e+00, v2;
	v1 =	vld [tilespmem:s9+$0xD0]  }
0x66: {  	[tilespmem:s9+$0x70] =	vst v4;
	v8 =	vmul.f32 $8.000000000e+00, v3;
	v2 =	vld [tilespmem:s9+$0xE0]  }
0x67: {  	[tilespmem:s9+$0x80] =	vst v5;
	v5 =	vmul.f32 $8.000000000e+00, v6;
	v3 =	vld [tilespmem:s9+$0xF0]  }
0x68: {  	s9 =	sadd.s32 $0x200, s9;
	v4 =	vld [tilespmem:s5+$0xFFFFFFF0];
	[tilespmem:s5+$0x90] =	vst v8;
	v6 =	vmul.f32 $8.000000000e+00, v7  }
0x69: {  	[tilespmem:s5+$0xA0] =	vst v5;
	v0 =	vmul.f32 $8.000000000e+00, v0  }
0x6a: {  	[tilespmem:s5+$0xB0] =	vst v6;
	v1 =	vmul.f32 $8.000000000e+00, v1  }
0x6b: {  	[tilespmem:s5+$0xC0] =	vst v0;
	v0 =	vmul.f32 $8.000000000e+00, v2  }
0x6c: {  	[tilespmem:s5+$0xD0] =	vst v1;
	v1 =	vmul.f32 $8.000000000e+00, v3  }
0x6d: {  	v2 =	vmul.f32 $8.000000000e+00, v4;
	[tilespmem:s5+$0xE0] =	vst v0  }
0x6e: {  	[tilespmem:s5+$0xF0] =	vst v1  }
0x6f: {  	s10 =	rddreg [dreg:$0x4];
	[tilespmem:s5+$0xFFFFFFF0] =	vst v2  }
0x70: {  	[hbm4b:s10+s3] =	stream.linear.scatter [tilespmem:s14], [sflag:$0x5], $0x3200, $0x38;
	[tilespmem:$0x12C00] =	vst v63  }
0x71: {  	s11 =	simm.s32 $0x258  }
0x72: {  	[tilespmem:s28], [sflag:$0x4] =	stream.indirect.gather [hbm4b:s4+s13], $0x40, s11, s13, $0xb8;
	[tilespmem:$0x12C00] =	vst v63  }
0x73: {  	s29 =	simm.s32 $0x2D8  }
0x74: {  	[tilespmem:s30], [sflag:$0x4] =	stream.indirect.gather [hbm4b:s4+s15], $0x40, s29, s15, $0xb8;
	[tilespmem:$0x12C00] =	vst v63  }
0x75: {  	_ =	swait.ge [sflag:s31], $0x2000  }
0x76: {  	[sflag:s31] =	ssyncset.done $0x0  }
0x77: {  	[sflag:s31] =	ssyncadd.s32 $0xFFFFE000  }
0x78: {  	_ =	swait.ge [sflag:s31], $0x1200  }
0x79: {  	[sflag:s31] =	ssyncset.done $0x0  }
0x7a: {  	s5 =	simm.s32 $0x9700;
	[sflag:s31] =	ssyncadd.s32 $0xFFFFEE00  }
0x7b: {  	v0 =	vld [tilespmem:s5+$0xFFFFFF00]  }
0x7c: {  	v1 =	vld [tilespmem:s5+$0xFFFFFF10]  }
0x7d: {  	v2 =	vld [tilespmem:s5+$0xFFFFFF20]  }
0x7e: {  	v3 =	vld [tilespmem:s5+$0xFFFFFF30]  }
0x7f: {  	v4 =	vld [tilespmem:s5+$0xFFFFFF40]  }
0x80: {  	v5 =	vld [tilespmem:s5+$0xFFFFFF50];
	v0 =	vmul.f32 $8.000000000e+00, v0  }
0x81: {  	v6 =	vld [tilespmem:s5+$0xFFFFFF60];
	v1 =	vmul.f32 $8.000000000e+00, v1  }
0x82: {  	[tilespmem:s5+$0xFFFFFF00] =	vst v0;
	v0 =	vmul.f32 $8.000000000e+00, v2;
	v2 =	vld [tilespmem:s5+$0xFFFFFF70]  }
0x83: {  	[tilespmem:s5+$0xFFFFFF10] =	vst v1;
	v1 =	vmul.f32 $8.000000000e+00, v3;
	v3 =	vld [tilespmem:s5+$0xFFFFFF80]  }
0x84: {  	[tilespmem:s5+$0xFFFFFF20] =	vst v0;
	v0 =	vmul.f32 $8.000000000e+00, v4;
	v4 =	vld [tilespmem:s5+$0xFFFFFF90]  }
0x85: {  	[tilespmem:s5+$0xFFFFFF30] =	vst v1;
	v1 =	vmul.f32 $8.000000000e+00, v5;
	v5 =	vld [tilespmem:s5+$0xFFFFFFA0]  }
0x86: {  	[tilespmem:s5+$0xFFFFFF40] =	vst v0;
	v0 =	vmul.f32 $8.000000000e+00, v6;
	v6 =	vld [tilespmem:s5+$0xFFFFFFB0]  }
0x87: {  	[tilespmem:s5+$0xFFFFFF50] =	vst v1;
	v1 =	vmul.f32 $8.000000000e+00, v2;
	v2 =	vld [tilespmem:s5+$0xFFFFFFC0]  }
0x88: {  	[tilespmem:s5+$0xFFFFFF60] =	vst v0;
	v0 =	vmul.f32 $8.000000000e+00, v3;
	v3 =	vld [tilespmem:s5+$0xFFFFFFD0]  }
0x89: {  	[tilespmem:s5+$0xFFFFFF70] =	vst v1;
	v1 =	vmul.f32 $8.000000000e+00, v4;
	v4 =	vld [tilespmem:s5+$0xFFFFFFE0]  }
0x8a: {  	[tilespmem:s5+$0xFFFFFF80] =	vst v0;
	v0 =	vmul.f32 $8.000000000e+00, v5;
	v5 =	vld [tilespmem:s5+$0x0]  }
0x8b: {  	[tilespmem:s5+$0xFFFFFF90] =	vst v1;
	v1 =	vmul.f32 $8.000000000e+00, v6;
	v6 =	vld [tilespmem:s5+$0x10]  }
0x8c: {  	[tilespmem:s5+$0xFFFFFFA0] =	vst v0;
	v0 =	vmul.f32 $8.000000000e+00, v2;
	v2 =	vld [tilespmem:s5+$0x20]  }
0x8d: {  	[tilespmem:s5+$0xFFFFFFB0] =	vst v1;
	v1 =	vmul.f32 $8.000000000e+00, v3;
	v3 =	vld [tilespmem:s5+$0x30]  }
0x8e: {  	[tilespmem:s5+$0xFFFFFFC0] =	vst v0;
	v0 =	vmul.f32 $8.000000000e+00, v4;
	v4 =	vld [tilespmem:s5+$0x40]  }
0x8f: {  	[tilespmem:s5+$0xFFFFFFD0] =	vst v1;
	v1 =	vmul.f32 $8.000000000e+00, v5;
	v5 =	vld [tilespmem:s5+$0x50]  }
0x90: {  	[tilespmem:s5+$0xFFFFFFE0] =	vst v0;
	v0 =	vmul.f32 $8.000000000e+00, v6;
	v6 =	vld [tilespmem:s5+$0x60]  }
0x91: {  	[tilespmem:s5+$0x0] =	vst v1;
	v1 =	vmul.f32 $8.000000000e+00, v2;
	v2 =	vld [tilespmem:s5+$0x70]  }
0x92: {  	[tilespmem:s5+$0x10] =	vst v0;
	v0 =	vmul.f32 $8.000000000e+00, v3;
	v3 =	vld [tilespmem:s5+$0x80]  }
0x93: {  	[tilespmem:s5+$0x20] =	vst v1;
	v1 =	vmul.f32 $8.000000000e+00, v4;
	v4 =	vld [tilespmem:s5+$0x90]  }
0x94: {  	[tilespmem:s5+$0x30] =	vst v0;
	v0 =	vmul.f32 $8.000000000e+00, v5;
	v5 =	vld [tilespmem:s5+$0xA0]  }
0x95: {  	[tilespmem:s5+$0x40] =	vst v1;
	v1 =	vmul.f32 $8.000000000e+00, v6;
	v6 =	vld [tilespmem:s5+$0xB0]  }
0x96: {  	[tilespmem:s5+$0x50] =	vst v0;
	v2 =	vmul.f32 $8.000000000e+00, v2;
	v0 =	vld [tilespmem:s5+$0xC0]  }
0x97: {  	[tilespmem:s5+$0x60] =	vst v1;
	v3 =	vmul.f32 $8.000000000e+00, v3;
	v1 =	vld [tilespmem:s5+$0xD0]  }
0x98: {  	[tilespmem:s5+$0x70] =	vst v2;
	v7 =	vmul.f32 $8.000000000e+00, v4;
	v2 =	vld [tilespmem:s5+$0xE0]  }
0x99: {  	[tilespmem:s5+$0x80] =	vst v3;
	v3 =	vld [tilespmem:s5+$0xF0];
	v5 =	vmul.f32 $8.000000000e+00, v5  }
0x9a: {  	s8 =	simm.s32 $0x0;
	s9 =	simm.s32 $0x9900;
	v4 =	vld [tilespmem:s5+$0xFFFFFFF0];
	[tilespmem:s5+$0x90] =	vst v7;
	v6 =	vmul.f32 $8.000000000e+00, v6  }
.LBB2_4:
0x9b: {  	v7 =	vld [tilespmem:s9+$0xFFFFFF00];
	[tilespmem:s5+$0xA0] =	vst v5;
	v0 =	vmul.f32 $8.000000000e+00, v0  }
0x9c: {  	v5 =	vld [tilespmem:s9+$0xFFFFFF10];
	[tilespmem:s5+$0xB0] =	vst v6;
	v1 =	vmul.f32 $8.000000000e+00, v1  }
0x9d: {  	v6 =	vld [tilespmem:s9+$0xFFFFFF20];
	[tilespmem:s5+$0xC0] =	vst v0;
	v0 =	vmul.f32 $8.000000000e+00, v2  }
0x9e: {  	v2 =	vld [tilespmem:s9+$0xFFFFFF30];
	[tilespmem:s5+$0xD0] =	vst v1;
	v1 =	vmul.f32 $8.000000000e+00, v3  }
0x9f: {  	v3 =	vld [tilespmem:s9+$0xFFFFFF40];
	v4 =	vmul.f32 $8.000000000e+00, v4;
	[tilespmem:s5+$0xE0] =	vst v0  }
0xa0: {  	v0 =	vmul.f32 $8.000000000e+00, v7;
	v7 =	vld [tilespmem:s9+$0xFFFFFF50];
	[tilespmem:s5+$0xF0] =	vst v1  }
0xa1: {  	v1 =	vmul.f32 $8.000000000e+00, v5;
	v5 =	vld [tilespmem:s9+$0xFFFFFF60];
	[tilespmem:s5+$0xFFFFFFF0] =	vst v4;
	s5 =	smov.u32 s9  }
0xa2: {  	[tilespmem:s9+$0xFFFFFF00] =	vst v0;
	v0 =	vmul.f32 $8.000000000e+00, v6;
	v4 =	vld [tilespmem:s9+$0xFFFFFF70]  }
0xa3: {  	[tilespmem:s9+$0xFFFFFF10] =	vst v1;
	v1 =	vmul.f32 $8.000000000e+00, v2;
	v2 =	vld [tilespmem:s9+$0xFFFFFF80]  }
0xa4: {  	[tilespmem:s9+$0xFFFFFF20] =	vst v0;
	v0 =	vmul.f32 $8.000000000e+00, v3;
	v3 =	vld [tilespmem:s9+$0xFFFFFF90]  }
0xa5: {  	[tilespmem:s9+$0xFFFFFF30] =	vst v1;
	v1 =	vmul.f32 $8.000000000e+00, v7;
	v6 =	vld [tilespmem:s9+$0xFFFFFFA0]  }
0xa6: {  	[tilespmem:s9+$0xFFFFFF40] =	vst v0;
	v0 =	vmul.f32 $8.000000000e+00, v5;
	v5 =	vld [tilespmem:s9+$0xFFFFFFB0]  }
0xa7: {  	[tilespmem:s9+$0xFFFFFF50] =	vst v1;
	v1 =	vmul.f32 $8.000000000e+00, v4;
	v4 =	vld [tilespmem:s9+$0xFFFFFFC0]  }
0xa8: {  	[tilespmem:s9+$0xFFFFFF60] =	vst v0;
	v0 =	vmul.f32 $8.000000000e+00, v2;
	v2 =	vld [tilespmem:s9+$0xFFFFFFD0]  }
0xa9: {  	[tilespmem:s9+$0xFFFFFF70] =	vst v1;
	v1 =	vmul.f32 $8.000000000e+00, v3;
	v3 =	vld [tilespmem:s9+$0xFFFFFFE0]  }
0xaa: {  	[tilespmem:s9+$0xFFFFFF80] =	vst v0;
	v0 =	vmul.f32 $8.000000000e+00, v6;
	v6 =	vld [tilespmem:s9+$0x0]  }
0xab: {  	[tilespmem:s9+$0xFFFFFF90] =	vst v1;
	v1 =	vmul.f32 $8.000000000e+00, v5;
	v5 =	vld [tilespmem:s9+$0x10]  }
0xac: {  	[tilespmem:s9+$0xFFFFFFA0] =	vst v0;
	v0 =	vmul.f32 $8.000000000e+00, v4;
	v4 =	vld [tilespmem:s9+$0x20]  }
0xad: {  	[tilespmem:s9+$0xFFFFFFB0] =	vst v1;
	v1 =	vmul.f32 $8.000000000e+00, v2;
	v2 =	vld [tilespmem:s9+$0x30]  }
0xae: {  	[tilespmem:s9+$0xFFFFFFC0] =	vst v0;
	v0 =	vmul.f32 $8.000000000e+00, v3;
	v3 =	vld [tilespmem:s9+$0x40]  }
0xaf: {  	[tilespmem:s9+$0xFFFFFFD0] =	vst v1;
	v1 =	vmul.f32 $8.000000000e+00, v6;
	v6 =	vld [tilespmem:s9+$0x50]  }
0xb0: {  	[tilespmem:s9+$0xFFFFFFE0] =	vst v0;
	v0 =	vmul.f32 $8.000000000e+00, v5;
	v5 =	vld [tilespmem:s9+$0x60]  }
0xb1: {  	[tilespmem:s9+$0x0] =	vst v1;
	v1 =	vmul.f32 $8.000000000e+00, v4;
	v4 =	vld [tilespmem:s9+$0x70]  }
0xb2: {  	[tilespmem:s9+$0x10] =	vst v0;
	v0 =	vmul.f32 $8.000000000e+00, v2;
	v2 =	vld [tilespmem:s9+$0x80]  }
0xb3: {  	[tilespmem:s9+$0x20] =	vst v1;
	v1 =	vmul.f32 $8.000000000e+00, v3;
	v3 =	vld [tilespmem:s9+$0x90]  }
0xb4: {  	s8 =	sadd.s32 $0x8, s8;
	[tilespmem:s9+$0x30] =	vst v0;
	v0 =	vmul.f32 $8.000000000e+00, v6;
	v6 =	vld [tilespmem:s9+$0xA0]  }
0xb5: {  	p0 =	slt.u32 s8, $0xC0;
	[tilespmem:s9+$0x40] =	vst v1;
	v1 =	vmul.f32 $8.000000000e+00, v5;
	v7 =	vld [tilespmem:s9+$0xB0]  }
.Ltmp1:
0xb6: {  	[tilespmem:s9+$0x50] =	vst v0;
	v4 =	vmul.f32 $8.000000000e+00, v4;
	v0 =	vld [tilespmem:s9+$0xC0];
	(pc) =	sbr.rel @p0 .LBB2_4-.Ltmp1, $4  }
0xb7: {  	[tilespmem:s9+$0x60] =	vst v1;
	v5 =	vmul.f32 $8.000000000e+00, v2;
	v1 =	vld [tilespmem:s9+$0xD0]  }
0xb8: {  	[tilespmem:s9+$0x70] =	vst v4;
	v8 =	vmul.f32 $8.000000000e+00, v3;
	v2 =	vld [tilespmem:s9+$0xE0]  }
0xb9: {  	[tilespmem:s9+$0x80] =	vst v5;
	v5 =	vmul.f32 $8.000000000e+00, v6;
	v3 =	vld [tilespmem:s9+$0xF0]  }
0xba: {  	s9 =	sadd.s32 $0x200, s9;
	v4 =	vld [tilespmem:s5+$0xFFFFFFF0];
	[tilespmem:s5+$0x90] =	vst v8;
	v6 =	vmul.f32 $8.000000000e+00, v7  }
0xbb: {  	[tilespmem:s5+$0xA0] =	vst v5;
	v0 =	vmul.f32 $8.000000000e+00, v0  }
0xbc: {  	[tilespmem:s5+$0xB0] =	vst v6;
	v1 =	vmul.f32 $8.000000000e+00, v1  }
0xbd: {  	[tilespmem:s5+$0xC0] =	vst v0;
	v61 =	vmul.f32 $8.000000000e+00, v2  }
0xbe: {  	[tilespmem:s5+$0xD0] =	vst v1;
	v62 =	vmul.f32 $8.000000000e+00, v3  }
0xbf: {  	v63 =	vmul.f32 $8.000000000e+00, v4;
	[tilespmem:s5+$0xE0] =	vst v61  }
0xc0: {  	[tilespmem:s5+$0xF0] =	vst v62  }
0xc1: {  	s29 =	simm.s32 $0x0;
	s11 =	rddreg [dreg:$0x5];
	[tilespmem:s5+$0xFFFFFFF0] =	vst v63  }
0xc2: {  	[hbm4b:s11+s29] =	stream.linear.scatter [tilespmem:s18], [sflag:$0x6], $0x3200, $0x38;
	[tilespmem:$0x12C00] =	vst v63  }
.LBB2_6:
0xc3: {  	s8 =	sshll.u32 s29, $0x2  }
0xc4: {  	s5 =	sadd.s32 $0x4, s8  }
0xc5: {  	_ =	swait.ge [sflag:s1], $0x3200;
	s7 =	smul.u32 $0x320, s5  }
0xc6: {  	[sflag:s1] =	ssyncset.done $0x0  }
0xc7: {  	[sflag:s1] =	ssyncadd.s32 $0xFFFFCE00;
	s7 =	sshra.s32 s7, $0x2  }
0xc8: {  	[tilespmem:s14], [sflag:$0x1] =	stream.indirect.gather [hbm4b:s4+s13], $0x40, s7, s13, $0xb8;
	[tilespmem:$0x12C00] =	vst v63  }
0xc9: {  	s7 =	sadd.s32 $0x80, s7  }
0xca: {  	[tilespmem:s16], [sflag:$0x1] =	stream.indirect.gather [hbm4b:s4+s15], $0x40, s7, s15, $0xb8;
	[tilespmem:$0x12C00] =	vst v63  }
0xcb: {  	_ =	swait.ge [sflag:s0], $0x2000  }
0xcc: {  	[sflag:s0] =	ssyncset.done $0x0  }
0xcd: {  	[sflag:s0] =	ssyncadd.s32 $0xFFFFE000  }
0xce: {  	_ =	swait.ge [sflag:s0], $0x1200  }
0xcf: {  	[sflag:s0] =	ssyncset.done $0x0  }
0xd0: {  	s10 =	simm.s32 $0xC900;
	[sflag:s0] =	ssyncadd.s32 $0xFFFFEE00  }
0xd1: {  	v0 =	vld [tilespmem:s10+$0xFFFFFF00]  }
0xd2: {  	v1 =	vld [tilespmem:s10+$0xFFFFFF10]  }
0xd3: {  	v2 =	vld [tilespmem:s10+$0xFFFFFF20]  }
0xd4: {  	v3 =	vld [tilespmem:s10+$0xFFFFFF30]  }
0xd5: {  	v4 =	vld [tilespmem:s10+$0xFFFFFF40]  }
0xd6: {  	v5 =	vld [tilespmem:s10+$0xFFFFFF50];
	v0 =	vmul.f32 $8.000000000e+00, v0  }
0xd7: {  	v6 =	vld [tilespmem:s10+$0xFFFFFF60];
	v1 =	vmul.f32 $8.000000000e+00, v1  }
0xd8: {  	[tilespmem:s10+$0xFFFFFF00] =	vst v0;
	v0 =	vmul.f32 $8.000000000e+00, v2;
	v2 =	vld [tilespmem:s10+$0xFFFFFF70]  }
0xd9: {  	[tilespmem:s10+$0xFFFFFF10] =	vst v1;
	v1 =	vmul.f32 $8.000000000e+00, v3;
	v3 =	vld [tilespmem:s10+$0xFFFFFF80]  }
0xda: {  	[tilespmem:s10+$0xFFFFFF20] =	vst v0;
	v0 =	vmul.f32 $8.000000000e+00, v4;
	v4 =	vld [tilespmem:s10+$0xFFFFFF90]  }
0xdb: {  	[tilespmem:s10+$0xFFFFFF30] =	vst v1;
	v1 =	vmul.f32 $8.000000000e+00, v5;
	v5 =	vld [tilespmem:s10+$0xFFFFFFA0]  }
0xdc: {  	[tilespmem:s10+$0xFFFFFF40] =	vst v0;
	v0 =	vmul.f32 $8.000000000e+00, v6;
	v6 =	vld [tilespmem:s10+$0xFFFFFFB0]  }
0xdd: {  	[tilespmem:s10+$0xFFFFFF50] =	vst v1;
	v1 =	vmul.f32 $8.000000000e+00, v2;
	v2 =	vld [tilespmem:s10+$0xFFFFFFC0]  }
0xde: {  	[tilespmem:s10+$0xFFFFFF60] =	vst v0;
	v0 =	vmul.f32 $8.000000000e+00, v3;
	v3 =	vld [tilespmem:s10+$0xFFFFFFD0]  }
0xdf: {  	[tilespmem:s10+$0xFFFFFF70] =	vst v1;
	v1 =	vmul.f32 $8.000000000e+00, v4;
	v4 =	vld [tilespmem:s10+$0xFFFFFFE0]  }
0xe0: {  	[tilespmem:s10+$0xFFFFFF80] =	vst v0;
	v0 =	vmul.f32 $8.000000000e+00, v5;
	v5 =	vld [tilespmem:s10+$0x0]  }
0xe1: {  	[tilespmem:s10+$0xFFFFFF90] =	vst v1;
	v1 =	vmul.f32 $8.000000000e+00, v6;
	v6 =	vld [tilespmem:s10+$0x10]  }
0xe2: {  	[tilespmem:s10+$0xFFFFFFA0] =	vst v0;
	v0 =	vmul.f32 $8.000000000e+00, v2;
	v2 =	vld [tilespmem:s10+$0x20]  }
0xe3: {  	[tilespmem:s10+$0xFFFFFFB0] =	vst v1;
	v1 =	vmul.f32 $8.000000000e+00, v3;
	v3 =	vld [tilespmem:s10+$0x30]  }
0xe4: {  	[tilespmem:s10+$0xFFFFFFC0] =	vst v0;
	v0 =	vmul.f32 $8.000000000e+00, v4;
	v4 =	vld [tilespmem:s10+$0x40]  }
0xe5: {  	[tilespmem:s10+$0xFFFFFFD0] =	vst v1;
	v1 =	vmul.f32 $8.000000000e+00, v5;
	v5 =	vld [tilespmem:s10+$0x50]  }
0xe6: {  	[tilespmem:s10+$0xFFFFFFE0] =	vst v0;
	v0 =	vmul.f32 $8.000000000e+00, v6;
	v6 =	vld [tilespmem:s10+$0x60]  }
0xe7: {  	[tilespmem:s10+$0x0] =	vst v1;
	v1 =	vmul.f32 $8.000000000e+00, v2;
	v2 =	vld [tilespmem:s10+$0x70]  }
0xe8: {  	[tilespmem:s10+$0x10] =	vst v0;
	v0 =	vmul.f32 $8.000000000e+00, v3;
	v3 =	vld [tilespmem:s10+$0x80]  }
0xe9: {  	[tilespmem:s10+$0x20] =	vst v1;
	v1 =	vmul.f32 $8.000000000e+00, v4;
	v4 =	vld [tilespmem:s10+$0x90]  }
0xea: {  	[tilespmem:s10+$0x30] =	vst v0;
	v0 =	vmul.f32 $8.000000000e+00, v5;
	v5 =	vld [tilespmem:s10+$0xA0]  }
0xeb: {  	[tilespmem:s10+$0x40] =	vst v1;
	v1 =	vmul.f32 $8.000000000e+00, v6;
	v6 =	vld [tilespmem:s10+$0xB0]  }
0xec: {  	[tilespmem:s10+$0x50] =	vst v0;
	v2 =	vmul.f32 $8.000000000e+00, v2;
	v0 =	vld [tilespmem:s10+$0xC0]  }
0xed: {  	[tilespmem:s10+$0x60] =	vst v1;
	v7 =	vmul.f32 $8.000000000e+00, v3;
	v1 =	vld [tilespmem:s10+$0xD0]  }
0xee: {  	v3 =	vld [tilespmem:s10+$0xE0];
	[tilespmem:s10+$0x70] =	vst v2;
	v8 =	vmul.f32 $8.000000000e+00, v4  }
0xef: {  	v2 =	vld [tilespmem:s10+$0xF0];
	[tilespmem:s10+$0x80] =	vst v7;
	v5 =	vmul.f32 $8.000000000e+00, v5  }
0xf0: {  	s9 =	simm.s32 $0x0;
	s11 =	simm.s32 $0xCB00;
	v4 =	vld [tilespmem:s10+$0xFFFFFFF0];
	[tilespmem:s10+$0x90] =	vst v8;
	v6 =	vmul.f32 $8.000000000e+00, v6  }
.LBB2_7:
0xf1: {  	v7 =	vld [tilespmem:s11+$0xFFFFFF00];
	[tilespmem:s10+$0xA0] =	vst v5;
	v0 =	vmul.f32 $8.000000000e+00, v0  }
0xf2: {  	v5 =	vld [tilespmem:s11+$0xFFFFFF10];
	[tilespmem:s10+$0xB0] =	vst v6;
	v1 =	vmul.f32 $8.000000000e+00, v1  }
0xf3: {  	v6 =	vld [tilespmem:s11+$0xFFFFFF20];
	[tilespmem:s10+$0xC0] =	vst v0;
	v0 =	vmul.f32 $8.000000000e+00, v3  }
0xf4: {  	v3 =	vld [tilespmem:s11+$0xFFFFFF30];
	[tilespmem:s10+$0xD0] =	vst v1;
	v1 =	vmul.f32 $8.000000000e+00, v2  }
0xf5: {  	v2 =	vld [tilespmem:s11+$0xFFFFFF40];
	v4 =	vmul.f32 $8.000000000e+00, v4;
	[tilespmem:s10+$0xE0] =	vst v0  }
0xf6: {  	v0 =	vmul.f32 $8.000000000e+00, v7;
	v7 =	vld [tilespmem:s11+$0xFFFFFF50];
	[tilespmem:s10+$0xF0] =	vst v1  }
0xf7: {  	v1 =	vmul.f32 $8.000000000e+00, v5;
	v5 =	vld [tilespmem:s11+$0xFFFFFF60];
	[tilespmem:s10+$0xFFFFFFF0] =	vst v4;
	s10 =	smov.u32 s11  }
0xf8: {  	[tilespmem:s11+$0xFFFFFF00] =	vst v0;
	v0 =	vmul.f32 $8.000000000e+00, v6;
	v4 =	vld [tilespmem:s11+$0xFFFFFF70]  }
0xf9: {  	[tilespmem:s11+$0xFFFFFF10] =	vst v1;
	v1 =	vmul.f32 $8.000000000e+00, v3;
	v3 =	vld [tilespmem:s11+$0xFFFFFF80]  }
0xfa: {  	[tilespmem:s11+$0xFFFFFF20] =	vst v0;
	v0 =	vmul.f32 $8.000000000e+00, v2;
	v2 =	vld [tilespmem:s11+$0xFFFFFF90]  }
0xfb: {  	[tilespmem:s11+$0xFFFFFF30] =	vst v1;
	v1 =	vmul.f32 $8.000000000e+00, v7;
	v6 =	vld [tilespmem:s11+$0xFFFFFFA0]  }
0xfc: {  	[tilespmem:s11+$0xFFFFFF40] =	vst v0;
	v0 =	vmul.f32 $8.000000000e+00, v5;
	v5 =	vld [tilespmem:s11+$0xFFFFFFB0]  }
0xfd: {  	[tilespmem:s11+$0xFFFFFF50] =	vst v1;
	v1 =	vmul.f32 $8.000000000e+00, v4;
	v4 =	vld [tilespmem:s11+$0xFFFFFFC0]  }
0xfe: {  	[tilespmem:s11+$0xFFFFFF60] =	vst v0;
	v0 =	vmul.f32 $8.000000000e+00, v3;
	v3 =	vld [tilespmem:s11+$0xFFFFFFD0]  }
0xff: {  	[tilespmem:s11+$0xFFFFFF70] =	vst v1;
	v1 =	vmul.f32 $8.000000000e+00, v2;
	v2 =	vld [tilespmem:s11+$0xFFFFFFE0]  }
0x100: {  	[tilespmem:s11+$0xFFFFFF80] =	vst v0;
	v0 =	vmul.f32 $8.000000000e+00, v6;
	v6 =	vld [tilespmem:s11+$0x0]  }
0x101: {  	[tilespmem:s11+$0xFFFFFF90] =	vst v1;
	v1 =	vmul.f32 $8.000000000e+00, v5;
	v5 =	vld [tilespmem:s11+$0x10]  }
0x102: {  	[tilespmem:s11+$0xFFFFFFA0] =	vst v0;
	v0 =	vmul.f32 $8.000000000e+00, v4;
	v4 =	vld [tilespmem:s11+$0x20]  }
0x103: {  	[tilespmem:s11+$0xFFFFFFB0] =	vst v1;
	v1 =	vmul.f32 $8.000000000e+00, v3;
	v3 =	vld [tilespmem:s11+$0x30]  }
0x104: {  	[tilespmem:s11+$0xFFFFFFC0] =	vst v0;
	v0 =	vmul.f32 $8.000000000e+00, v2;
	v2 =	vld [tilespmem:s11+$0x40]  }
0x105: {  	[tilespmem:s11+$0xFFFFFFD0] =	vst v1;
	v1 =	vmul.f32 $8.000000000e+00, v6;
	v6 =	vld [tilespmem:s11+$0x50]  }
0x106: {  	[tilespmem:s11+$0xFFFFFFE0] =	vst v0;
	v0 =	vmul.f32 $8.000000000e+00, v5;
	v5 =	vld [tilespmem:s11+$0x60]  }
0x107: {  	[tilespmem:s11+$0x0] =	vst v1;
	v1 =	vmul.f32 $8.000000000e+00, v4;
	v4 =	vld [tilespmem:s11+$0x70]  }
0x108: {  	[tilespmem:s11+$0x10] =	vst v0;
	v0 =	vmul.f32 $8.000000000e+00, v3;
	v3 =	vld [tilespmem:s11+$0x80]  }
0x109: {  	[tilespmem:s11+$0x20] =	vst v1;
	v1 =	vmul.f32 $8.000000000e+00, v2;
	v2 =	vld [tilespmem:s11+$0x90]  }
0x10a: {  	s9 =	sadd.s32 $0x8, s9;
	[tilespmem:s11+$0x30] =	vst v0;
	v0 =	vmul.f32 $8.000000000e+00, v6;
	v6 =	vld [tilespmem:s11+$0xA0]  }
0x10b: {  	p0 =	slt.u32 s9, $0xC0;
	[tilespmem:s11+$0x40] =	vst v1;
	v1 =	vmul.f32 $8.000000000e+00, v5;
	v7 =	vld [tilespmem:s11+$0xB0]  }
.Ltmp2:
0x10c: {  	[tilespmem:s11+$0x50] =	vst v0;
	v4 =	vmul.f32 $8.000000000e+00, v4;
	v0 =	vld [tilespmem:s11+$0xC0];
	(pc) =	sbr.rel @p0 .LBB2_7-.Ltmp2, $4  }
0x10d: {  	[tilespmem:s11+$0x60] =	vst v1;
	v5 =	vmul.f32 $8.000000000e+00, v3;
	v1 =	vld [tilespmem:s11+$0xD0]  }
0x10e: {  	[tilespmem:s11+$0x70] =	vst v4;
	v8 =	vmul.f32 $8.000000000e+00, v2;
	v3 =	vld [tilespmem:s11+$0xE0]  }
0x10f: {  	[tilespmem:s11+$0x80] =	vst v5;
	v5 =	vmul.f32 $8.000000000e+00, v6;
	v2 =	vld [tilespmem:s11+$0xF0]  }
0x110: {  	s11 =	sadd.s32 $0x200, s11;
	v4 =	vld [tilespmem:s10+$0xFFFFFFF0];
	[tilespmem:s10+$0x90] =	vst v8;
	v6 =	vmul.f32 $8.000000000e+00, v7  }
0x111: {  	[tilespmem:s10+$0xA0] =	vst v5;
	v0 =	vmul.f32 $8.000000000e+00, v0  }
0x112: {  	[tilespmem:s10+$0xB0] =	vst v6;
	v1 =	vmul.f32 $8.000000000e+00, v1  }
0x113: {  	s7 =	sadd.s32 s8, s6;
	[tilespmem:s10+$0xC0] =	vst v0;
	v0 =	vmul.f32 $8.000000000e+00, v3  }
0x114: {  	s7 =	smul.u32 $0x640, s7;
	[tilespmem:s10+$0xD0] =	vst v1;
	v1 =	vmul.f32 $8.000000000e+00, v2  }
0x115: {  	v2 =	vmul.f32 $8.000000000e+00, v4;
	[tilespmem:s10+$0xE0] =	vst v0  }
0x116: {  	s9 =	sadd.s32 s2, s7;
	[tilespmem:s10+$0xF0] =	vst v1  }
0x117: {  	s8 =	sadd.s32 $0x5, s8;
	s7 =	sadd.s32 $0xC80, s9;
	[tilespmem:s10+$0xFFFFFFF0] =	vst v2  }
0x118: {  	[hbm4b:s7+s3] =	stream.linear.scatter [tilespmem:s22], [sflag:$0x7], $0x3200, $0x38;
	[tilespmem:$0x12C00] =	vst v63  }
0x119: {  	s11 =	smul.u32 $0x320, s8;
	_ =	swait.ge [sflag:s17], $0x3200  }
0x11a: {  	[sflag:s17] =	ssyncset.done $0x0  }
0x11b: {  	s7 =	sshra.s32 s11, $0x2;
	[sflag:s17] =	ssyncadd.s32 $0xFFFFCE00  }
0x11c: {  	[tilespmem:s18], [sflag:$0x2] =	stream.indirect.gather [hbm4b:s4+s13], $0x40, s7, s13, $0xb8;
	[tilespmem:$0x12C00] =	vst v63  }
0x11d: {  	s7 =	sadd.s32 $0x80, s7  }
0x11e: {  	[tilespmem:s20], [sflag:$0x2] =	stream.indirect.gather [hbm4b:s4+s15], $0x40, s7, s15, $0xb8;
	[tilespmem:$0x12C00] =	vst v63  }
0x11f: {  	_ =	swait.ge [sflag:s19], $0x2000  }
0x120: {  	[sflag:s19] =	ssyncset.done $0x0  }
0x121: {  	[sflag:s19] =	ssyncadd.s32 $0xFFFFE000  }
0x122: {  	_ =	swait.ge [sflag:s19], $0x1200  }
0x123: {  	[sflag:s19] =	ssyncset.done $0x0  }
0x124: {  	s10 =	simm.s32 $0xFB00;
	[sflag:s19] =	ssyncadd.s32 $0xFFFFEE00  }
0x125: {  	v0 =	vld [tilespmem:s10+$0xFFFFFF00]  }
0x126: {  	v1 =	vld [tilespmem:s10+$0xFFFFFF10]  }
0x127: {  	v2 =	vld [tilespmem:s10+$0xFFFFFF20]  }
0x128: {  	v3 =	vld [tilespmem:s10+$0xFFFFFF30]  }
0x129: {  	v4 =	vld [tilespmem:s10+$0xFFFFFF40]  }
0x12a: {  	v5 =	vld [tilespmem:s10+$0xFFFFFF50];
	v0 =	vmul.f32 $8.000000000e+00, v0  }
0x12b: {  	v6 =	vld [tilespmem:s10+$0xFFFFFF60];
	v1 =	vmul.f32 $8.000000000e+00, v1  }
0x12c: {  	[tilespmem:s10+$0xFFFFFF00] =	vst v0;
	v0 =	vmul.f32 $8.000000000e+00, v2;
	v2 =	vld [tilespmem:s10+$0xFFFFFF70]  }
0x12d: {  	[tilespmem:s10+$0xFFFFFF10] =	vst v1;
	v1 =	vmul.f32 $8.000000000e+00, v3;
	v3 =	vld [tilespmem:s10+$0xFFFFFF80]  }
0x12e: {  	[tilespmem:s10+$0xFFFFFF20] =	vst v0;
	v0 =	vmul.f32 $8.000000000e+00, v4;
	v4 =	vld [tilespmem:s10+$0xFFFFFF90]  }
0x12f: {  	[tilespmem:s10+$0xFFFFFF30] =	vst v1;
	v1 =	vmul.f32 $8.000000000e+00, v5;
	v5 =	vld [tilespmem:s10+$0xFFFFFFA0]  }
0x130: {  	[tilespmem:s10+$0xFFFFFF40] =	vst v0;
	v0 =	vmul.f32 $8.000000000e+00, v6;
	v6 =	vld [tilespmem:s10+$0xFFFFFFB0]  }
0x131: {  	[tilespmem:s10+$0xFFFFFF50] =	vst v1;
	v1 =	vmul.f32 $8.000000000e+00, v2;
	v2 =	vld [tilespmem:s10+$0xFFFFFFC0]  }
0x132: {  	[tilespmem:s10+$0xFFFFFF60] =	vst v0;
	v0 =	vmul.f32 $8.000000000e+00, v3;
	v3 =	vld [tilespmem:s10+$0xFFFFFFD0]  }
0x133: {  	[tilespmem:s10+$0xFFFFFF70] =	vst v1;
	v1 =	vmul.f32 $8.000000000e+00, v4;
	v4 =	vld [tilespmem:s10+$0xFFFFFFE0]  }
0x134: {  	[tilespmem:s10+$0xFFFFFF80] =	vst v0;
	v0 =	vmul.f32 $8.000000000e+00, v5;
	v5 =	vld [tilespmem:s10+$0x0]  }
0x135: {  	[tilespmem:s10+$0xFFFFFF90] =	vst v1;
	v1 =	vmul.f32 $8.000000000e+00, v6;
	v6 =	vld [tilespmem:s10+$0x10]  }
0x136: {  	[tilespmem:s10+$0xFFFFFFA0] =	vst v0;
	v0 =	vmul.f32 $8.000000000e+00, v2;
	v2 =	vld [tilespmem:s10+$0x20]  }
0x137: {  	[tilespmem:s10+$0xFFFFFFB0] =	vst v1;
	v1 =	vmul.f32 $8.000000000e+00, v3;
	v3 =	vld [tilespmem:s10+$0x30]  }
0x138: {  	[tilespmem:s10+$0xFFFFFFC0] =	vst v0;
	v0 =	vmul.f32 $8.000000000e+00, v4;
	v4 =	vld [tilespmem:s10+$0x40]  }
0x139: {  	[tilespmem:s10+$0xFFFFFFD0] =	vst v1;
	v1 =	vmul.f32 $8.000000000e+00, v5;
	v5 =	vld [tilespmem:s10+$0x50]  }
0x13a: {  	[tilespmem:s10+$0xFFFFFFE0] =	vst v0;
	v0 =	vmul.f32 $8.000000000e+00, v6;
	v6 =	vld [tilespmem:s10+$0x60]  }
0x13b: {  	[tilespmem:s10+$0x0] =	vst v1;
	v1 =	vmul.f32 $8.000000000e+00, v2;
	v2 =	vld [tilespmem:s10+$0x70]  }
0x13c: {  	[tilespmem:s10+$0x10] =	vst v0;
	v0 =	vmul.f32 $8.000000000e+00, v3;
	v3 =	vld [tilespmem:s10+$0x80]  }
0x13d: {  	[tilespmem:s10+$0x20] =	vst v1;
	v1 =	vmul.f32 $8.000000000e+00, v4;
	v4 =	vld [tilespmem:s10+$0x90]  }
0x13e: {  	[tilespmem:s10+$0x30] =	vst v0;
	v0 =	vmul.f32 $8.000000000e+00, v5;
	v5 =	vld [tilespmem:s10+$0xA0]  }
0x13f: {  	[tilespmem:s10+$0x40] =	vst v1;
	v1 =	vmul.f32 $8.000000000e+00, v6;
	v6 =	vld [tilespmem:s10+$0xB0]  }
0x140: {  	[tilespmem:s10+$0x50] =	vst v0;
	v2 =	vmul.f32 $8.000000000e+00, v2;
	v0 =	vld [tilespmem:s10+$0xC0]  }
0x141: {  	[tilespmem:s10+$0x60] =	vst v1;
	v3 =	vmul.f32 $8.000000000e+00, v3;
	v1 =	vld [tilespmem:s10+$0xD0]  }
0x142: {  	[tilespmem:s10+$0x70] =	vst v2;
	v7 =	vmul.f32 $8.000000000e+00, v4;
	v2 =	vld [tilespmem:s10+$0xE0]  }
0x143: {  	[tilespmem:s10+$0x80] =	vst v3;
	v3 =	vld [tilespmem:s10+$0xF0];
	v5 =	vmul.f32 $8.000000000e+00, v5  }
0x144: {  	s11 =	simm.s32 $0x0;
	s7 =	simm.s32 $0xFD00;
	v4 =	vld [tilespmem:s10+$0xFFFFFFF0];
	[tilespmem:s10+$0x90] =	vst v7;
	v6 =	vmul.f32 $8.000000000e+00, v6  }
.LBB2_9:
0x145: {  	v7 =	vld [tilespmem:s7+$0xFFFFFF00];
	[tilespmem:s10+$0xA0] =	vst v5;
	v0 =	vmul.f32 $8.000000000e+00, v0  }
0x146: {  	v5 =	vld [tilespmem:s7+$0xFFFFFF10];
	[tilespmem:s10+$0xB0] =	vst v6;
	v1 =	vmul.f32 $8.000000000e+00, v1  }
0x147: {  	v6 =	vld [tilespmem:s7+$0xFFFFFF20];
	[tilespmem:s10+$0xC0] =	vst v0;
	v0 =	vmul.f32 $8.000000000e+00, v2  }
0x148: {  	v2 =	vld [tilespmem:s7+$0xFFFFFF30];
	[tilespmem:s10+$0xD0] =	vst v1;
	v1 =	vmul.f32 $8.000000000e+00, v3  }
0x149: {  	v3 =	vld [tilespmem:s7+$0xFFFFFF40];
	v4 =	vmul.f32 $8.000000000e+00, v4;
	[tilespmem:s10+$0xE0] =	vst v0  }
0x14a: {  	v0 =	vmul.f32 $8.000000000e+00, v7;
	v7 =	vld [tilespmem:s7+$0xFFFFFF50];
	[tilespmem:s10+$0xF0] =	vst v1  }
0x14b: {  	v1 =	vmul.f32 $8.000000000e+00, v5;
	v5 =	vld [tilespmem:s7+$0xFFFFFF60];
	[tilespmem:s10+$0xFFFFFFF0] =	vst v4;
	s10 =	smov.u32 s7  }
0x14c: {  	[tilespmem:s7+$0xFFFFFF00] =	vst v0;
	v0 =	vmul.f32 $8.000000000e+00, v6;
	v4 =	vld [tilespmem:s7+$0xFFFFFF70]  }
0x14d: {  	[tilespmem:s7+$0xFFFFFF10] =	vst v1;
	v1 =	vmul.f32 $8.000000000e+00, v2;
	v2 =	vld [tilespmem:s7+$0xFFFFFF80]  }
0x14e: {  	[tilespmem:s7+$0xFFFFFF20] =	vst v0;
	v0 =	vmul.f32 $8.000000000e+00, v3;
	v3 =	vld [tilespmem:s7+$0xFFFFFF90]  }
0x14f: {  	[tilespmem:s7+$0xFFFFFF30] =	vst v1;
	v1 =	vmul.f32 $8.000000000e+00, v7;
	v6 =	vld [tilespmem:s7+$0xFFFFFFA0]  }
0x150: {  	[tilespmem:s7+$0xFFFFFF40] =	vst v0;
	v0 =	vmul.f32 $8.000000000e+00, v5;
	v5 =	vld [tilespmem:s7+$0xFFFFFFB0]  }
0x151: {  	[tilespmem:s7+$0xFFFFFF50] =	vst v1;
	v1 =	vmul.f32 $8.000000000e+00, v4;
	v4 =	vld [tilespmem:s7+$0xFFFFFFC0]  }
0x152: {  	[tilespmem:s7+$0xFFFFFF60] =	vst v0;
	v0 =	vmul.f32 $8.000000000e+00, v2;
	v2 =	vld [tilespmem:s7+$0xFFFFFFD0]  }
0x153: {  	[tilespmem:s7+$0xFFFFFF70] =	vst v1;
	v1 =	vmul.f32 $8.000000000e+00, v3;
	v3 =	vld [tilespmem:s7+$0xFFFFFFE0]  }
0x154: {  	[tilespmem:s7+$0xFFFFFF80] =	vst v0;
	v0 =	vmul.f32 $8.000000000e+00, v6;
	v6 =	vld [tilespmem:s7+$0x0]  }
0x155: {  	[tilespmem:s7+$0xFFFFFF90] =	vst v1;
	v1 =	vmul.f32 $8.000000000e+00, v5;
	v5 =	vld [tilespmem:s7+$0x10]  }
0x156: {  	[tilespmem:s7+$0xFFFFFFA0] =	vst v0;
	v0 =	vmul.f32 $8.000000000e+00, v4;
	v4 =	vld [tilespmem:s7+$0x20]  }
0x157: {  	[tilespmem:s7+$0xFFFFFFB0] =	vst v1;
	v1 =	vmul.f32 $8.000000000e+00, v2;
	v2 =	vld [tilespmem:s7+$0x30]  }
0x158: {  	[tilespmem:s7+$0xFFFFFFC0] =	vst v0;
	v0 =	vmul.f32 $8.000000000e+00, v3;
	v3 =	vld [tilespmem:s7+$0x40]  }
0x159: {  	[tilespmem:s7+$0xFFFFFFD0] =	vst v1;
	v1 =	vmul.f32 $8.000000000e+00, v6;
	v6 =	vld [tilespmem:s7+$0x50]  }
0x15a: {  	[tilespmem:s7+$0xFFFFFFE0] =	vst v0;
	v0 =	vmul.f32 $8.000000000e+00, v5;
	v5 =	vld [tilespmem:s7+$0x60]  }
0x15b: {  	[tilespmem:s7+$0x0] =	vst v1;
	v1 =	vmul.f32 $8.000000000e+00, v4;
	v4 =	vld [tilespmem:s7+$0x70]  }
0x15c: {  	[tilespmem:s7+$0x10] =	vst v0;
	v0 =	vmul.f32 $8.000000000e+00, v2;
	v2 =	vld [tilespmem:s7+$0x80]  }
0x15d: {  	[tilespmem:s7+$0x20] =	vst v1;
	v1 =	vmul.f32 $8.000000000e+00, v3;
	v3 =	vld [tilespmem:s7+$0x90]  }
0x15e: {  	s11 =	sadd.s32 $0x8, s11;
	[tilespmem:s7+$0x30] =	vst v0;
	v0 =	vmul.f32 $8.000000000e+00, v6;
	v6 =	vld [tilespmem:s7+$0xA0]  }
0x15f: {  	p0 =	slt.u32 s11, $0xC0;
	[tilespmem:s7+$0x40] =	vst v1;
	v1 =	vmul.f32 $8.000000000e+00, v5;
	v7 =	vld [tilespmem:s7+$0xB0]  }
.Ltmp3:
0x160: {  	[tilespmem:s7+$0x50] =	vst v0;
	v4 =	vmul.f32 $8.000000000e+00, v4;
	v0 =	vld [tilespmem:s7+$0xC0];
	(pc) =	sbr.rel @p0 .LBB2_9-.Ltmp3, $4  }
0x161: {  	[tilespmem:s7+$0x60] =	vst v1;
	v5 =	vmul.f32 $8.000000000e+00, v2;
	v1 =	vld [tilespmem:s7+$0xD0]  }
0x162: {  	[tilespmem:s7+$0x70] =	vst v4;
	v8 =	vmul.f32 $8.000000000e+00, v3;
	v2 =	vld [tilespmem:s7+$0xE0]  }
0x163: {  	[tilespmem:s7+$0x80] =	vst v5;
	v5 =	vmul.f32 $8.000000000e+00, v6;
	v3 =	vld [tilespmem:s7+$0xF0]  }
0x164: {  	s7 =	sadd.s32 $0x200, s7;
	v4 =	vld [tilespmem:s10+$0xFFFFFFF0];
	[tilespmem:s10+$0x90] =	vst v8;
	v6 =	vmul.f32 $8.000000000e+00, v7  }
0x165: {  	[tilespmem:s10+$0xA0] =	vst v5;
	v0 =	vmul.f32 $8.000000000e+00, v0  }
0x166: {  	[tilespmem:s10+$0xB0] =	vst v6;
	v1 =	vmul.f32 $8.000000000e+00, v1  }
0x167: {  	[tilespmem:s10+$0xC0] =	vst v0;
	v0 =	vmul.f32 $8.000000000e+00, v2  }
0x168: {  	[tilespmem:s10+$0xD0] =	vst v1;
	v1 =	vmul.f32 $8.000000000e+00, v3  }
0x169: {  	v2 =	vmul.f32 $8.000000000e+00, v4;
	[tilespmem:s10+$0xE0] =	vst v0  }
0x16a: {  	[tilespmem:s10+$0xF0] =	vst v1  }
0x16b: {  	s7 =	sadd.s32 $0x12C0, s9;
	[tilespmem:s10+$0xFFFFFFF0] =	vst v2;
	s10 =	smul.u32 $0xC80, s29  }
0x16c: {  	[hbm4b:s7+s3] =	stream.linear.scatter [tilespmem:s28], [sflag:$0x8], $0x3200, $0x38;
	[tilespmem:$0x12C00] =	vst v63  }
0x16d: {  	_ =	swait.ge [sflag:s21], $0x3200  }
0x16e: {  	s9 =	sshra.s32 s10, $0x2;
	[sflag:s21] =	ssyncset.done $0x0  }
0x16f: {  	s7 =	sadd.s32 $0x4B0, s9;
	[sflag:s21] =	ssyncadd.s32 $0xFFFFCE00  }
0x170: {  	[tilespmem:s22], [sflag:$0x3] =	stream.indirect.gather [hbm4b:s4+s13], $0x40, s7, s13, $0xb8;
	[tilespmem:$0x12C00] =	vst v63  }
0x171: {  	s11 =	sadd.s32 $0x530, s9  }
0x172: {  	[tilespmem:s24], [sflag:$0x3] =	stream.indirect.gather [hbm4b:s4+s15], $0x40, s11, s15, $0xb8;
	[tilespmem:$0x12C00] =	vst v63  }
0x173: {  	_ =	swait.ge [sflag:s25], $0x2000  }
0x174: {  	[sflag:s25] =	ssyncset.done $0x0  }
0x175: {  	[sflag:s25] =	ssyncadd.s32 $0xFFFFE000  }
0x176: {  	_ =	swait.ge [sflag:s25], $0x1200  }
0x177: {  	[sflag:s25] =	ssyncset.done $0x0  }
0x178: {  	s10 =	simm.s32 $0x6500;
	[sflag:s25] =	ssyncadd.s32 $0xFFFFEE00  }
0x179: {  	v0 =	vld [tilespmem:s10+$0xFFFFFF00]  }
0x17a: {  	v1 =	vld [tilespmem:s10+$0xFFFFFF10]  }
0x17b: {  	v2 =	vld [tilespmem:s10+$0xFFFFFF20]  }
0x17c: {  	v3 =	vld [tilespmem:s10+$0xFFFFFF30]  }
0x17d: {  	v4 =	vld [tilespmem:s10+$0xFFFFFF40]  }
0x17e: {  	v5 =	vld [tilespmem:s10+$0xFFFFFF50];
	v0 =	vmul.f32 $8.000000000e+00, v0  }
0x17f: {  	v6 =	vld [tilespmem:s10+$0xFFFFFF60];
	v1 =	vmul.f32 $8.000000000e+00, v1  }
0x180: {  	[tilespmem:s10+$0xFFFFFF00] =	vst v0;
	v0 =	vmul.f32 $8.000000000e+00, v2;
	v2 =	vld [tilespmem:s10+$0xFFFFFF70]  }
0x181: {  	[tilespmem:s10+$0xFFFFFF10] =	vst v1;
	v1 =	vmul.f32 $8.000000000e+00, v3;
	v3 =	vld [tilespmem:s10+$0xFFFFFF80]  }
0x182: {  	[tilespmem:s10+$0xFFFFFF20] =	vst v0;
	v0 =	vmul.f32 $8.000000000e+00, v4;
	v4 =	vld [tilespmem:s10+$0xFFFFFF90]  }
0x183: {  	[tilespmem:s10+$0xFFFFFF30] =	vst v1;
	v1 =	vmul.f32 $8.000000000e+00, v5;
	v5 =	vld [tilespmem:s10+$0xFFFFFFA0]  }
0x184: {  	[tilespmem:s10+$0xFFFFFF40] =	vst v0;
	v0 =	vmul.f32 $8.000000000e+00, v6;
	v6 =	vld [tilespmem:s10+$0xFFFFFFB0]  }
0x185: {  	[tilespmem:s10+$0xFFFFFF50] =	vst v1;
	v1 =	vmul.f32 $8.000000000e+00, v2;
	v2 =	vld [tilespmem:s10+$0xFFFFFFC0]  }
0x186: {  	[tilespmem:s10+$0xFFFFFF60] =	vst v0;
	v0 =	vmul.f32 $8.000000000e+00, v3;
	v3 =	vld [tilespmem:s10+$0xFFFFFFD0]  }
0x187: {  	[tilespmem:s10+$0xFFFFFF70] =	vst v1;
	v1 =	vmul.f32 $8.000000000e+00, v4;
	v4 =	vld [tilespmem:s10+$0xFFFFFFE0]  }
0x188: {  	[tilespmem:s10+$0xFFFFFF80] =	vst v0;
	v0 =	vmul.f32 $8.000000000e+00, v5;
	v5 =	vld [tilespmem:s10+$0x0]  }
0x189: {  	[tilespmem:s10+$0xFFFFFF90] =	vst v1;
	v1 =	vmul.f32 $8.000000000e+00, v6;
	v6 =	vld [tilespmem:s10+$0x10]  }
0x18a: {  	[tilespmem:s10+$0xFFFFFFA0] =	vst v0;
	v0 =	vmul.f32 $8.000000000e+00, v2;
	v2 =	vld [tilespmem:s10+$0x20]  }
0x18b: {  	[tilespmem:s10+$0xFFFFFFB0] =	vst v1;
	v1 =	vmul.f32 $8.000000000e+00, v3;
	v3 =	vld [tilespmem:s10+$0x30]  }
0x18c: {  	[tilespmem:s10+$0xFFFFFFC0] =	vst v0;
	v0 =	vmul.f32 $8.000000000e+00, v4;
	v4 =	vld [tilespmem:s10+$0x40]  }
0x18d: {  	[tilespmem:s10+$0xFFFFFFD0] =	vst v1;
	v1 =	vmul.f32 $8.000000000e+00, v5;
	v5 =	vld [tilespmem:s10+$0x50]  }
0x18e: {  	[tilespmem:s10+$0xFFFFFFE0] =	vst v0;
	v0 =	vmul.f32 $8.000000000e+00, v6;
	v6 =	vld [tilespmem:s10+$0x60]  }
0x18f: {  	[tilespmem:s10+$0x0] =	vst v1;
	v1 =	vmul.f32 $8.000000000e+00, v2;
	v2 =	vld [tilespmem:s10+$0x70]  }
0x190: {  	[tilespmem:s10+$0x10] =	vst v0;
	v0 =	vmul.f32 $8.000000000e+00, v3;
	v3 =	vld [tilespmem:s10+$0x80]  }
0x191: {  	[tilespmem:s10+$0x20] =	vst v1;
	v1 =	vmul.f32 $8.000000000e+00, v4;
	v4 =	vld [tilespmem:s10+$0x90]  }
0x192: {  	[tilespmem:s10+$0x30] =	vst v0;
	v0 =	vmul.f32 $8.000000000e+00, v5;
	v5 =	vld [tilespmem:s10+$0xA0]  }
0x193: {  	[tilespmem:s10+$0x40] =	vst v1;
	v1 =	vmul.f32 $8.000000000e+00, v6;
	v6 =	vld [tilespmem:s10+$0xB0]  }
0x194: {  	[tilespmem:s10+$0x50] =	vst v0;
	v2 =	vmul.f32 $8.000000000e+00, v2;
	v0 =	vld [tilespmem:s10+$0xC0]  }
0x195: {  	[tilespmem:s10+$0x60] =	vst v1;
	v3 =	vmul.f32 $8.000000000e+00, v3;
	v1 =	vld [tilespmem:s10+$0xD0]  }
0x196: {  	[tilespmem:s10+$0x70] =	vst v2;
	v7 =	vmul.f32 $8.000000000e+00, v4;
	v2 =	vld [tilespmem:s10+$0xE0]  }
0x197: {  	[tilespmem:s10+$0x80] =	vst v3;
	v3 =	vld [tilespmem:s10+$0xF0];
	v5 =	vmul.f32 $8.000000000e+00, v5  }
0x198: {  	s7 =	simm.s32 $0x6700;
	s11 =	simm.s32 $0x0;
	v4 =	vld [tilespmem:s10+$0xFFFFFFF0];
	[tilespmem:s10+$0x90] =	vst v7;
	v6 =	vmul.f32 $8.000000000e+00, v6  }
.LBB2_11:
0x199: {  	v7 =	vld [tilespmem:s7+$0xFFFFFF00];
	[tilespmem:s10+$0xA0] =	vst v5;
	v0 =	vmul.f32 $8.000000000e+00, v0  }
0x19a: {  	v5 =	vld [tilespmem:s7+$0xFFFFFF10];
	[tilespmem:s10+$0xB0] =	vst v6;
	v1 =	vmul.f32 $8.000000000e+00, v1  }
0x19b: {  	v6 =	vld [tilespmem:s7+$0xFFFFFF20];
	[tilespmem:s10+$0xC0] =	vst v0;
	v0 =	vmul.f32 $8.000000000e+00, v2  }
0x19c: {  	v2 =	vld [tilespmem:s7+$0xFFFFFF30];
	[tilespmem:s10+$0xD0] =	vst v1;
	v1 =	vmul.f32 $8.000000000e+00, v3  }
0x19d: {  	v3 =	vld [tilespmem:s7+$0xFFFFFF40];
	v4 =	vmul.f32 $8.000000000e+00, v4;
	[tilespmem:s10+$0xE0] =	vst v0  }
0x19e: {  	v0 =	vmul.f32 $8.000000000e+00, v7;
	v7 =	vld [tilespmem:s7+$0xFFFFFF50];
	[tilespmem:s10+$0xF0] =	vst v1  }
0x19f: {  	v1 =	vmul.f32 $8.000000000e+00, v5;
	v5 =	vld [tilespmem:s7+$0xFFFFFF60];
	[tilespmem:s10+$0xFFFFFFF0] =	vst v4;
	s10 =	smov.u32 s7  }
0x1a0: {  	[tilespmem:s7+$0xFFFFFF00] =	vst v0;
	v0 =	vmul.f32 $8.000000000e+00, v6;
	v4 =	vld [tilespmem:s7+$0xFFFFFF70]  }
0x1a1: {  	[tilespmem:s7+$0xFFFFFF10] =	vst v1;
	v1 =	vmul.f32 $8.000000000e+00, v2;
	v2 =	vld [tilespmem:s7+$0xFFFFFF80]  }
0x1a2: {  	[tilespmem:s7+$0xFFFFFF20] =	vst v0;
	v0 =	vmul.f32 $8.000000000e+00, v3;
	v3 =	vld [tilespmem:s7+$0xFFFFFF90]  }
0x1a3: {  	[tilespmem:s7+$0xFFFFFF30] =	vst v1;
	v1 =	vmul.f32 $8.000000000e+00, v7;
	v6 =	vld [tilespmem:s7+$0xFFFFFFA0]  }
0x1a4: {  	[tilespmem:s7+$0xFFFFFF40] =	vst v0;
	v0 =	vmul.f32 $8.000000000e+00, v5;
	v5 =	vld [tilespmem:s7+$0xFFFFFFB0]  }
0x1a5: {  	[tilespmem:s7+$0xFFFFFF50] =	vst v1;
	v1 =	vmul.f32 $8.000000000e+00, v4;
	v4 =	vld [tilespmem:s7+$0xFFFFFFC0]  }
0x1a6: {  	[tilespmem:s7+$0xFFFFFF60] =	vst v0;
	v0 =	vmul.f32 $8.000000000e+00, v2;
	v2 =	vld [tilespmem:s7+$0xFFFFFFD0]  }
0x1a7: {  	[tilespmem:s7+$0xFFFFFF70] =	vst v1;
	v1 =	vmul.f32 $8.000000000e+00, v3;
	v3 =	vld [tilespmem:s7+$0xFFFFFFE0]  }
0x1a8: {  	[tilespmem:s7+$0xFFFFFF80] =	vst v0;
	v0 =	vmul.f32 $8.000000000e+00, v6;
	v6 =	vld [tilespmem:s7+$0x0]  }
0x1a9: {  	[tilespmem:s7+$0xFFFFFF90] =	vst v1;
	v1 =	vmul.f32 $8.000000000e+00, v5;
	v5 =	vld [tilespmem:s7+$0x10]  }
0x1aa: {  	[tilespmem:s7+$0xFFFFFFA0] =	vst v0;
	v0 =	vmul.f32 $8.000000000e+00, v4;
	v4 =	vld [tilespmem:s7+$0x20]  }
0x1ab: {  	[tilespmem:s7+$0xFFFFFFB0] =	vst v1;
	v1 =	vmul.f32 $8.000000000e+00, v2;
	v2 =	vld [tilespmem:s7+$0x30]  }
0x1ac: {  	[tilespmem:s7+$0xFFFFFFC0] =	vst v0;
	v0 =	vmul.f32 $8.000000000e+00, v3;
	v3 =	vld [tilespmem:s7+$0x40]  }
0x1ad: {  	[tilespmem:s7+$0xFFFFFFD0] =	vst v1;
	v1 =	vmul.f32 $8.000000000e+00, v6;
	v6 =	vld [tilespmem:s7+$0x50]  }
0x1ae: {  	[tilespmem:s7+$0xFFFFFFE0] =	vst v0;
	v0 =	vmul.f32 $8.000000000e+00, v5;
	v5 =	vld [tilespmem:s7+$0x60]  }
0x1af: {  	[tilespmem:s7+$0x0] =	vst v1;
	v1 =	vmul.f32 $8.000000000e+00, v4;
	v4 =	vld [tilespmem:s7+$0x70]  }
0x1b0: {  	[tilespmem:s7+$0x10] =	vst v0;
	v0 =	vmul.f32 $8.000000000e+00, v2;
	v2 =	vld [tilespmem:s7+$0x80]  }
0x1b1: {  	[tilespmem:s7+$0x20] =	vst v1;
	v1 =	vmul.f32 $8.000000000e+00, v3;
	v3 =	vld [tilespmem:s7+$0x90]  }
0x1b2: {  	s11 =	sadd.s32 $0x8, s11;
	[tilespmem:s7+$0x30] =	vst v0;
	v0 =	vmul.f32 $8.000000000e+00, v6;
	v6 =	vld [tilespmem:s7+$0xA0]  }
0x1b3: {  	p0 =	slt.u32 s11, $0xC0;
	[tilespmem:s7+$0x40] =	vst v1;
	v1 =	vmul.f32 $8.000000000e+00, v5;
	v7 =	vld [tilespmem:s7+$0xB0]  }
.Ltmp4:
0x1b4: {  	[tilespmem:s7+$0x50] =	vst v0;
	v4 =	vmul.f32 $8.000000000e+00, v4;
	v0 =	vld [tilespmem:s7+$0xC0];
	(pc) =	sbr.rel @p0 .LBB2_11-.Ltmp4, $4  }
0x1b5: {  	[tilespmem:s7+$0x60] =	vst v1;
	v5 =	vmul.f32 $8.000000000e+00, v2;
	v1 =	vld [tilespmem:s7+$0xD0]  }
0x1b6: {  	[tilespmem:s7+$0x70] =	vst v4;
	v8 =	vmul.f32 $8.000000000e+00, v3;
	v2 =	vld [tilespmem:s7+$0xE0]  }
0x1b7: {  	[tilespmem:s7+$0x80] =	vst v5;
	v5 =	vmul.f32 $8.000000000e+00, v6;
	v3 =	vld [tilespmem:s7+$0xF0]  }
0x1b8: {  	s7 =	sadd.s32 $0x200, s7;
	v4 =	vld [tilespmem:s10+$0xFFFFFFF0];
	[tilespmem:s10+$0x90] =	vst v8;
	v6 =	vmul.f32 $8.000000000e+00, v7  }
0x1b9: {  	[tilespmem:s10+$0xA0] =	vst v5;
	v0 =	vmul.f32 $8.000000000e+00, v0  }
0x1ba: {  	[tilespmem:s10+$0xB0] =	vst v6;
	v1 =	vmul.f32 $8.000000000e+00, v1  }
0x1bb: {  	[tilespmem:s10+$0xC0] =	vst v0;
	v0 =	vmul.f32 $8.000000000e+00, v2  }
0x1bc: {  	s5 =	sadd.s32 s6, s5;
	[tilespmem:s10+$0xD0] =	vst v1;
	v1 =	vmul.f32 $8.000000000e+00, v3  }
0x1bd: {  	s5 =	smul.u32 $0x640, s5;
	v2 =	vmul.f32 $8.000000000e+00, v4;
	[tilespmem:s10+$0xE0] =	vst v0  }
0x1be: {  	[tilespmem:s10+$0xF0] =	vst v1  }
0x1bf: {  	s5 =	sadd.s32 s2, s5;
	[tilespmem:s10+$0xFFFFFFF0] =	vst v2  }
0x1c0: {  	[hbm4b:s5+s3] =	stream.linear.scatter [tilespmem:s14], [sflag:$0x5], $0x3200, $0x38;
	[tilespmem:$0x12C00] =	vst v63  }
0x1c1: {  	_ =	swait.ge [sflag:s23], $0x3200  }
0x1c2: {  	[sflag:s23] =	ssyncset.done $0x0  }
0x1c3: {  	s10 =	sadd.s32 $0x578, s9;
	[sflag:s23] =	ssyncadd.s32 $0xFFFFCE00  }
0x1c4: {  	[tilespmem:s28], [sflag:$0x4] =	stream.indirect.gather [hbm4b:s4+s13], $0x40, s10, s13, $0xb8;
	[tilespmem:$0x12C00] =	vst v63  }
0x1c5: {  	s11 =	sadd.s32 $0x5F8, s9  }
0x1c6: {  	[tilespmem:s30], [sflag:$0x4] =	stream.indirect.gather [hbm4b:s4+s15], $0x40, s11, s15, $0xb8;
	[tilespmem:$0x12C00] =	vst v63  }
0x1c7: {  	_ =	swait.ge [sflag:s31], $0x2000  }
0x1c8: {  	[sflag:s31] =	ssyncset.done $0x0  }
0x1c9: {  	[sflag:s31] =	ssyncadd.s32 $0xFFFFE000  }
0x1ca: {  	_ =	swait.ge [sflag:s31], $0x1200  }
0x1cb: {  	[sflag:s31] =	ssyncset.done $0x0  }
0x1cc: {  	s5 =	simm.s32 $0x9700;
	[sflag:s31] =	ssyncadd.s32 $0xFFFFEE00  }
0x1cd: {  	v0 =	vld [tilespmem:s5+$0xFFFFFF00]  }
0x1ce: {  	v1 =	vld [tilespmem:s5+$0xFFFFFF10]  }
0x1cf: {  	v2 =	vld [tilespmem:s5+$0xFFFFFF20]  }
0x1d0: {  	v3 =	vld [tilespmem:s5+$0xFFFFFF30]  }
0x1d1: {  	v4 =	vld [tilespmem:s5+$0xFFFFFF40]  }
0x1d2: {  	v5 =	vld [tilespmem:s5+$0xFFFFFF50];
	v0 =	vmul.f32 $8.000000000e+00, v0  }
0x1d3: {  	v6 =	vld [tilespmem:s5+$0xFFFFFF60];
	v1 =	vmul.f32 $8.000000000e+00, v1  }
0x1d4: {  	[tilespmem:s5+$0xFFFFFF00] =	vst v0;
	v0 =	vmul.f32 $8.000000000e+00, v2;
	v2 =	vld [tilespmem:s5+$0xFFFFFF70]  }
0x1d5: {  	[tilespmem:s5+$0xFFFFFF10] =	vst v1;
	v1 =	vmul.f32 $8.000000000e+00, v3;
	v3 =	vld [tilespmem:s5+$0xFFFFFF80]  }
0x1d6: {  	[tilespmem:s5+$0xFFFFFF20] =	vst v0;
	v0 =	vmul.f32 $8.000000000e+00, v4;
	v4 =	vld [tilespmem:s5+$0xFFFFFF90]  }
0x1d7: {  	[tilespmem:s5+$0xFFFFFF30] =	vst v1;
	v1 =	vmul.f32 $8.000000000e+00, v5;
	v5 =	vld [tilespmem:s5+$0xFFFFFFA0]  }
0x1d8: {  	[tilespmem:s5+$0xFFFFFF40] =	vst v0;
	v0 =	vmul.f32 $8.000000000e+00, v6;
	v6 =	vld [tilespmem:s5+$0xFFFFFFB0]  }
0x1d9: {  	[tilespmem:s5+$0xFFFFFF50] =	vst v1;
	v1 =	vmul.f32 $8.000000000e+00, v2;
	v2 =	vld [tilespmem:s5+$0xFFFFFFC0]  }
0x1da: {  	[tilespmem:s5+$0xFFFFFF60] =	vst v0;
	v0 =	vmul.f32 $8.000000000e+00, v3;
	v3 =	vld [tilespmem:s5+$0xFFFFFFD0]  }
0x1db: {  	[tilespmem:s5+$0xFFFFFF70] =	vst v1;
	v1 =	vmul.f32 $8.000000000e+00, v4;
	v4 =	vld [tilespmem:s5+$0xFFFFFFE0]  }
0x1dc: {  	[tilespmem:s5+$0xFFFFFF80] =	vst v0;
	v0 =	vmul.f32 $8.000000000e+00, v5;
	v5 =	vld [tilespmem:s5+$0x0]  }
0x1dd: {  	[tilespmem:s5+$0xFFFFFF90] =	vst v1;
	v1 =	vmul.f32 $8.000000000e+00, v6;
	v6 =	vld [tilespmem:s5+$0x10]  }
0x1de: {  	[tilespmem:s5+$0xFFFFFFA0] =	vst v0;
	v0 =	vmul.f32 $8.000000000e+00, v2;
	v2 =	vld [tilespmem:s5+$0x20]  }
0x1df: {  	[tilespmem:s5+$0xFFFFFFB0] =	vst v1;
	v1 =	vmul.f32 $8.000000000e+00, v3;
	v3 =	vld [tilespmem:s5+$0x30]  }
0x1e0: {  	[tilespmem:s5+$0xFFFFFFC0] =	vst v0;
	v0 =	vmul.f32 $8.000000000e+00, v4;
	v4 =	vld [tilespmem:s5+$0x40]  }
0x1e1: {  	[tilespmem:s5+$0xFFFFFFD0] =	vst v1;
	v1 =	vmul.f32 $8.000000000e+00, v5;
	v5 =	vld [tilespmem:s5+$0x50]  }
0x1e2: {  	[tilespmem:s5+$0xFFFFFFE0] =	vst v0;
	v0 =	vmul.f32 $8.000000000e+00, v6;
	v6 =	vld [tilespmem:s5+$0x60]  }
0x1e3: {  	[tilespmem:s5+$0x0] =	vst v1;
	v1 =	vmul.f32 $8.000000000e+00, v2;
	v2 =	vld [tilespmem:s5+$0x70]  }
0x1e4: {  	[tilespmem:s5+$0x10] =	vst v0;
	v0 =	vmul.f32 $8.000000000e+00, v3;
	v3 =	vld [tilespmem:s5+$0x80]  }
0x1e5: {  	[tilespmem:s5+$0x20] =	vst v1;
	v1 =	vmul.f32 $8.000000000e+00, v4;
	v4 =	vld [tilespmem:s5+$0x90]  }
0x1e6: {  	[tilespmem:s5+$0x30] =	vst v0;
	v0 =	vmul.f32 $8.000000000e+00, v5;
	v5 =	vld [tilespmem:s5+$0xA0]  }
0x1e7: {  	[tilespmem:s5+$0x40] =	vst v1;
	v1 =	vmul.f32 $8.000000000e+00, v6;
	v6 =	vld [tilespmem:s5+$0xB0]  }
0x1e8: {  	[tilespmem:s5+$0x50] =	vst v0;
	v2 =	vmul.f32 $8.000000000e+00, v2;
	v0 =	vld [tilespmem:s5+$0xC0]  }
0x1e9: {  	[tilespmem:s5+$0x60] =	vst v1;
	v3 =	vmul.f32 $8.000000000e+00, v3;
	v1 =	vld [tilespmem:s5+$0xD0]  }
0x1ea: {  	[tilespmem:s5+$0x70] =	vst v2;
	v7 =	vmul.f32 $8.000000000e+00, v4;
	v2 =	vld [tilespmem:s5+$0xE0]  }
0x1eb: {  	[tilespmem:s5+$0x80] =	vst v3;
	v3 =	vld [tilespmem:s5+$0xF0];
	v5 =	vmul.f32 $8.000000000e+00, v5  }
0x1ec: {  	s7 =	simm.s32 $0x9900;
	s9 =	simm.s32 $0x0;
	v4 =	vld [tilespmem:s5+$0xFFFFFFF0];
	[tilespmem:s5+$0x90] =	vst v7;
	v6 =	vmul.f32 $8.000000000e+00, v6  }
.LBB2_13:
0x1ed: {  	v7 =	vld [tilespmem:s7+$0xFFFFFF00];
	[tilespmem:s5+$0xA0] =	vst v5;
	v0 =	vmul.f32 $8.000000000e+00, v0  }
0x1ee: {  	v5 =	vld [tilespmem:s7+$0xFFFFFF10];
	[tilespmem:s5+$0xB0] =	vst v6;
	v1 =	vmul.f32 $8.000000000e+00, v1  }
0x1ef: {  	v6 =	vld [tilespmem:s7+$0xFFFFFF20];
	[tilespmem:s5+$0xC0] =	vst v0;
	v0 =	vmul.f32 $8.000000000e+00, v2  }
0x1f0: {  	v2 =	vld [tilespmem:s7+$0xFFFFFF30];
	[tilespmem:s5+$0xD0] =	vst v1;
	v1 =	vmul.f32 $8.000000000e+00, v3  }
0x1f1: {  	v3 =	vld [tilespmem:s7+$0xFFFFFF40];
	v4 =	vmul.f32 $8.000000000e+00, v4;
	[tilespmem:s5+$0xE0] =	vst v0  }
0x1f2: {  	v0 =	vmul.f32 $8.000000000e+00, v7;
	v7 =	vld [tilespmem:s7+$0xFFFFFF50];
	[tilespmem:s5+$0xF0] =	vst v1  }
0x1f3: {  	v1 =	vmul.f32 $8.000000000e+00, v5;
	v5 =	vld [tilespmem:s7+$0xFFFFFF60];
	[tilespmem:s5+$0xFFFFFFF0] =	vst v4;
	s5 =	smov.u32 s7  }
0x1f4: {  	[tilespmem:s7+$0xFFFFFF00] =	vst v0;
	v0 =	vmul.f32 $8.000000000e+00, v6;
	v4 =	vld [tilespmem:s7+$0xFFFFFF70]  }
0x1f5: {  	[tilespmem:s7+$0xFFFFFF10] =	vst v1;
	v1 =	vmul.f32 $8.000000000e+00, v2;
	v2 =	vld [tilespmem:s7+$0xFFFFFF80]  }
0x1f6: {  	[tilespmem:s7+$0xFFFFFF20] =	vst v0;
	v0 =	vmul.f32 $8.000000000e+00, v3;
	v3 =	vld [tilespmem:s7+$0xFFFFFF90]  }
0x1f7: {  	[tilespmem:s7+$0xFFFFFF30] =	vst v1;
	v1 =	vmul.f32 $8.000000000e+00, v7;
	v6 =	vld [tilespmem:s7+$0xFFFFFFA0]  }
0x1f8: {  	[tilespmem:s7+$0xFFFFFF40] =	vst v0;
	v0 =	vmul.f32 $8.000000000e+00, v5;
	v5 =	vld [tilespmem:s7+$0xFFFFFFB0]  }
0x1f9: {  	[tilespmem:s7+$0xFFFFFF50] =	vst v1;
	v1 =	vmul.f32 $8.000000000e+00, v4;
	v4 =	vld [tilespmem:s7+$0xFFFFFFC0]  }
0x1fa: {  	[tilespmem:s7+$0xFFFFFF60] =	vst v0;
	v0 =	vmul.f32 $8.000000000e+00, v2;
	v2 =	vld [tilespmem:s7+$0xFFFFFFD0]  }
0x1fb: {  	[tilespmem:s7+$0xFFFFFF70] =	vst v1;
	v1 =	vmul.f32 $8.000000000e+00, v3;
	v3 =	vld [tilespmem:s7+$0xFFFFFFE0]  }
0x1fc: {  	[tilespmem:s7+$0xFFFFFF80] =	vst v0;
	v0 =	vmul.f32 $8.000000000e+00, v6;
	v6 =	vld [tilespmem:s7+$0x0]  }
0x1fd: {  	[tilespmem:s7+$0xFFFFFF90] =	vst v1;
	v1 =	vmul.f32 $8.000000000e+00, v5;
	v5 =	vld [tilespmem:s7+$0x10]  }
0x1fe: {  	[tilespmem:s7+$0xFFFFFFA0] =	vst v0;
	v0 =	vmul.f32 $8.000000000e+00, v4;
	v4 =	vld [tilespmem:s7+$0x20]  }
0x1ff: {  	[tilespmem:s7+$0xFFFFFFB0] =	vst v1;
	v1 =	vmul.f32 $8.000000000e+00, v2;
	v2 =	vld [tilespmem:s7+$0x30]  }
0x200: {  	[tilespmem:s7+$0xFFFFFFC0] =	vst v0;
	v0 =	vmul.f32 $8.000000000e+00, v3;
	v3 =	vld [tilespmem:s7+$0x40]  }
0x201: {  	[tilespmem:s7+$0xFFFFFFD0] =	vst v1;
	v1 =	vmul.f32 $8.000000000e+00, v6;
	v6 =	vld [tilespmem:s7+$0x50]  }
0x202: {  	[tilespmem:s7+$0xFFFFFFE0] =	vst v0;
	v0 =	vmul.f32 $8.000000000e+00, v5;
	v5 =	vld [tilespmem:s7+$0x60]  }
0x203: {  	[tilespmem:s7+$0x0] =	vst v1;
	v1 =	vmul.f32 $8.000000000e+00, v4;
	v4 =	vld [tilespmem:s7+$0x70]  }
0x204: {  	[tilespmem:s7+$0x10] =	vst v0;
	v0 =	vmul.f32 $8.000000000e+00, v2;
	v2 =	vld [tilespmem:s7+$0x80]  }
0x205: {  	[tilespmem:s7+$0x20] =	vst v1;
	v1 =	vmul.f32 $8.000000000e+00, v3;
	v3 =	vld [tilespmem:s7+$0x90]  }
0x206: {  	s9 =	sadd.s32 $0x8, s9;
	[tilespmem:s7+$0x30] =	vst v0;
	v0 =	vmul.f32 $8.000000000e+00, v6;
	v6 =	vld [tilespmem:s7+$0xA0]  }
0x207: {  	p0 =	slt.u32 s9, $0xC0;
	[tilespmem:s7+$0x40] =	vst v1;
	v1 =	vmul.f32 $8.000000000e+00, v5;
	v7 =	vld [tilespmem:s7+$0xB0]  }
.Ltmp5:
0x208: {  	[tilespmem:s7+$0x50] =	vst v0;
	v4 =	vmul.f32 $8.000000000e+00, v4;
	v0 =	vld [tilespmem:s7+$0xC0];
	(pc) =	sbr.rel @p0 .LBB2_13-.Ltmp5, $4  }
0x209: {  	[tilespmem:s7+$0x60] =	vst v1;
	v5 =	vmul.f32 $8.000000000e+00, v2;
	v1 =	vld [tilespmem:s7+$0xD0]  }
0x20a: {  	[tilespmem:s7+$0x70] =	vst v4;
	v8 =	vmul.f32 $8.000000000e+00, v3;
	v2 =	vld [tilespmem:s7+$0xE0]  }
0x20b: {  	[tilespmem:s7+$0x80] =	vst v5;
	v5 =	vmul.f32 $8.000000000e+00, v6;
	v3 =	vld [tilespmem:s7+$0xF0]  }
0x20c: {  	s7 =	sadd.s32 $0x200, s7;
	v4 =	vld [tilespmem:s5+$0xFFFFFFF0];
	[tilespmem:s5+$0x90] =	vst v8;
	v6 =	vmul.f32 $8.000000000e+00, v7  }
0x20d: {  	[tilespmem:s5+$0xA0] =	vst v5;
	v0 =	vmul.f32 $8.000000000e+00, v0  }
0x20e: {  	s29 =	sadd.s32 $0x1, s29;
	[tilespmem:s5+$0xB0] =	vst v6;
	v1 =	vmul.f32 $8.000000000e+00, v1  }
0x20f: {  	p0 =	sne.s32 s29, $0x1F;
	[tilespmem:s5+$0xC0] =	vst v0;
	v61 =	vmul.f32 $8.000000000e+00, v2  }
.Ltmp6:
0x210: {  	s7 =	sadd.s32 s6, s8;
	[tilespmem:s5+$0xD0] =	vst v1;
	v62 =	vmul.f32 $8.000000000e+00, v3;
	(pc) =	sbr.rel @p0 .LBB2_6-.Ltmp6, $4  }
0x211: {  	s7 =	smul.u32 $0x640, s7;
	v63 =	vmul.f32 $8.000000000e+00, v4;
	[tilespmem:s5+$0xE0] =	vst v61  }
0x212: {  	[tilespmem:s5+$0xF0] =	vst v62  }
0x213: {  	s11 =	sadd.s32 s2, s7;
	[tilespmem:s5+$0xFFFFFFF0] =	vst v63  }
0x214: {  	[hbm4b:s11+s3] =	stream.linear.scatter [tilespmem:s18], [sflag:$0x6], $0x3200, $0x38;
	[tilespmem:$0x12C00] =	vst v63  }
0x215: {  	_ =	swait.ge [sflag:s1], $0x3200  }
0x216: {  	[sflag:s1] =	ssyncset.done $0x0  }
0x217: {  	[sflag:s1] =	ssyncadd.s32 $0xFFFFCE00  }
0x218: {  	_ =	swait.ge [sflag:s0], $0x2000  }
0x219: {  	[sflag:s0] =	ssyncset.done $0x0  }
0x21a: {  	[sflag:s0] =	ssyncadd.s32 $0xFFFFE000  }
0x21b: {  	_ =	swait.ge [sflag:s0], $0x1200  }
0x21c: {  	[sflag:s0] =	ssyncset.done $0x0  }
0x21d: {  	s5 =	simm.s32 $0xC900;
	[sflag:s0] =	ssyncadd.s32 $0xFFFFEE00  }
0x21e: {  	v0 =	vld [tilespmem:s5+$0xFFFFFF00]  }
0x21f: {  	v1 =	vld [tilespmem:s5+$0xFFFFFF10]  }
0x220: {  	v2 =	vld [tilespmem:s5+$0xFFFFFF20]  }
0x221: {  	v3 =	vld [tilespmem:s5+$0xFFFFFF30]  }
0x222: {  	v4 =	vld [tilespmem:s5+$0xFFFFFF40]  }
0x223: {  	v5 =	vld [tilespmem:s5+$0xFFFFFF50];
	v0 =	vmul.f32 $8.000000000e+00, v0  }
0x224: {  	v6 =	vld [tilespmem:s5+$0xFFFFFF60];
	v1 =	vmul.f32 $8.000000000e+00, v1  }
0x225: {  	[tilespmem:s5+$0xFFFFFF00] =	vst v0;
	v0 =	vmul.f32 $8.000000000e+00, v2;
	v2 =	vld [tilespmem:s5+$0xFFFFFF70]  }
0x226: {  	[tilespmem:s5+$0xFFFFFF10] =	vst v1;
	v1 =	vmul.f32 $8.000000000e+00, v3;
	v3 =	vld [tilespmem:s5+$0xFFFFFF80]  }
0x227: {  	[tilespmem:s5+$0xFFFFFF20] =	vst v0;
	v0 =	vmul.f32 $8.000000000e+00, v4;
	v4 =	vld [tilespmem:s5+$0xFFFFFF90]  }
0x228: {  	[tilespmem:s5+$0xFFFFFF30] =	vst v1;
	v1 =	vmul.f32 $8.000000000e+00, v5;
	v5 =	vld [tilespmem:s5+$0xFFFFFFA0]  }
0x229: {  	[tilespmem:s5+$0xFFFFFF40] =	vst v0;
	v0 =	vmul.f32 $8.000000000e+00, v6;
	v6 =	vld [tilespmem:s5+$0xFFFFFFB0]  }
0x22a: {  	[tilespmem:s5+$0xFFFFFF50] =	vst v1;
	v1 =	vmul.f32 $8.000000000e+00, v2;
	v2 =	vld [tilespmem:s5+$0xFFFFFFC0]  }
0x22b: {  	[tilespmem:s5+$0xFFFFFF60] =	vst v0;
	v0 =	vmul.f32 $8.000000000e+00, v3;
	v3 =	vld [tilespmem:s5+$0xFFFFFFD0]  }
0x22c: {  	[tilespmem:s5+$0xFFFFFF70] =	vst v1;
	v1 =	vmul.f32 $8.000000000e+00, v4;
	v4 =	vld [tilespmem:s5+$0xFFFFFFE0]  }
0x22d: {  	[tilespmem:s5+$0xFFFFFF80] =	vst v0;
	v0 =	vmul.f32 $8.000000000e+00, v5;
	v5 =	vld [tilespmem:s5+$0x0]  }
0x22e: {  	[tilespmem:s5+$0xFFFFFF90] =	vst v1;
	v1 =	vmul.f32 $8.000000000e+00, v6;
	v6 =	vld [tilespmem:s5+$0x10]  }
0x22f: {  	[tilespmem:s5+$0xFFFFFFA0] =	vst v0;
	v0 =	vmul.f32 $8.000000000e+00, v2;
	v2 =	vld [tilespmem:s5+$0x20]  }
0x230: {  	[tilespmem:s5+$0xFFFFFFB0] =	vst v1;
	v1 =	vmul.f32 $8.000000000e+00, v3;
	v3 =	vld [tilespmem:s5+$0x30]  }
0x231: {  	[tilespmem:s5+$0xFFFFFFC0] =	vst v0;
	v0 =	vmul.f32 $8.000000000e+00, v4;
	v4 =	vld [tilespmem:s5+$0x40]  }
0x232: {  	[tilespmem:s5+$0xFFFFFFD0] =	vst v1;
	v1 =	vmul.f32 $8.000000000e+00, v5;
	v5 =	vld [tilespmem:s5+$0x50]  }
0x233: {  	[tilespmem:s5+$0xFFFFFFE0] =	vst v0;
	v0 =	vmul.f32 $8.000000000e+00, v6;
	v6 =	vld [tilespmem:s5+$0x60]  }
0x234: {  	[tilespmem:s5+$0x0] =	vst v1;
	v1 =	vmul.f32 $8.000000000e+00, v2;
	v2 =	vld [tilespmem:s5+$0x70]  }
0x235: {  	[tilespmem:s5+$0x10] =	vst v0;
	v0 =	vmul.f32 $8.000000000e+00, v3;
	v3 =	vld [tilespmem:s5+$0x80]  }
0x236: {  	[tilespmem:s5+$0x20] =	vst v1;
	v1 =	vmul.f32 $8.000000000e+00, v4;
	v4 =	vld [tilespmem:s5+$0x90]  }
0x237: {  	[tilespmem:s5+$0x30] =	vst v0;
	v0 =	vmul.f32 $8.000000000e+00, v5;
	v5 =	vld [tilespmem:s5+$0xA0]  }
0x238: {  	[tilespmem:s5+$0x40] =	vst v1;
	v1 =	vmul.f32 $8.000000000e+00, v6;
	v6 =	vld [tilespmem:s5+$0xB0]  }
0x239: {  	[tilespmem:s5+$0x50] =	vst v0;
	v2 =	vmul.f32 $8.000000000e+00, v2;
	v0 =	vld [tilespmem:s5+$0xC0]  }
0x23a: {  	[tilespmem:s5+$0x60] =	vst v1;
	v3 =	vmul.f32 $8.000000000e+00, v3;
	v1 =	vld [tilespmem:s5+$0xD0]  }
0x23b: {  	[tilespmem:s5+$0x70] =	vst v2;
	v7 =	vmul.f32 $8.000000000e+00, v4;
	v2 =	vld [tilespmem:s5+$0xE0]  }
0x23c: {  	[tilespmem:s5+$0x80] =	vst v3;
	v3 =	vld [tilespmem:s5+$0xF0];
	v5 =	vmul.f32 $8.000000000e+00, v5  }
0x23d: {  	s8 =	simm.s32 $0x0;
	s7 =	simm.s32 $0xCB00;
	v4 =	vld [tilespmem:s5+$0xFFFFFFF0];
	[tilespmem:s5+$0x90] =	vst v7;
	v6 =	vmul.f32 $8.000000000e+00, v6  }
.LBB2_16:
0x23e: {  	v7 =	vld [tilespmem:s7+$0xFFFFFF00];
	[tilespmem:s5+$0xA0] =	vst v5;
	v0 =	vmul.f32 $8.000000000e+00, v0  }
0x23f: {  	v5 =	vld [tilespmem:s7+$0xFFFFFF10];
	[tilespmem:s5+$0xB0] =	vst v6;
	v1 =	vmul.f32 $8.000000000e+00, v1  }
0x240: {  	v6 =	vld [tilespmem:s7+$0xFFFFFF20];
	[tilespmem:s5+$0xC0] =	vst v0;
	v0 =	vmul.f32 $8.000000000e+00, v2  }
0x241: {  	v2 =	vld [tilespmem:s7+$0xFFFFFF30];
	[tilespmem:s5+$0xD0] =	vst v1;
	v1 =	vmul.f32 $8.000000000e+00, v3  }
0x242: {  	v3 =	vld [tilespmem:s7+$0xFFFFFF40];
	v4 =	vmul.f32 $8.000000000e+00, v4;
	[tilespmem:s5+$0xE0] =	vst v0  }
0x243: {  	v0 =	vmul.f32 $8.000000000e+00, v7;
	v7 =	vld [tilespmem:s7+$0xFFFFFF50];
	[tilespmem:s5+$0xF0] =	vst v1  }
0x244: {  	v1 =	vmul.f32 $8.000000000e+00, v5;
	v5 =	vld [tilespmem:s7+$0xFFFFFF60];
	[tilespmem:s5+$0xFFFFFFF0] =	vst v4;
	s5 =	smov.u32 s7  }
0x245: {  	[tilespmem:s7+$0xFFFFFF00] =	vst v0;
	v0 =	vmul.f32 $8.000000000e+00, v6;
	v4 =	vld [tilespmem:s7+$0xFFFFFF70]  }
0x246: {  	[tilespmem:s7+$0xFFFFFF10] =	vst v1;
	v1 =	vmul.f32 $8.000000000e+00, v2;
	v2 =	vld [tilespmem:s7+$0xFFFFFF80]  }
0x247: {  	[tilespmem:s7+$0xFFFFFF20] =	vst v0;
	v0 =	vmul.f32 $8.000000000e+00, v3;
	v3 =	vld [tilespmem:s7+$0xFFFFFF90]  }
0x248: {  	[tilespmem:s7+$0xFFFFFF30] =	vst v1;
	v1 =	vmul.f32 $8.000000000e+00, v7;
	v6 =	vld [tilespmem:s7+$0xFFFFFFA0]  }
0x249: {  	[tilespmem:s7+$0xFFFFFF40] =	vst v0;
	v0 =	vmul.f32 $8.000000000e+00, v5;
	v5 =	vld [tilespmem:s7+$0xFFFFFFB0]  }
0x24a: {  	[tilespmem:s7+$0xFFFFFF50] =	vst v1;
	v1 =	vmul.f32 $8.000000000e+00, v4;
	v4 =	vld [tilespmem:s7+$0xFFFFFFC0]  }
0x24b: {  	[tilespmem:s7+$0xFFFFFF60] =	vst v0;
	v0 =	vmul.f32 $8.000000000e+00, v2;
	v2 =	vld [tilespmem:s7+$0xFFFFFFD0]  }
0x24c: {  	[tilespmem:s7+$0xFFFFFF70] =	vst v1;
	v1 =	vmul.f32 $8.000000000e+00, v3;
	v3 =	vld [tilespmem:s7+$0xFFFFFFE0]  }
0x24d: {  	[tilespmem:s7+$0xFFFFFF80] =	vst v0;
	v0 =	vmul.f32 $8.000000000e+00, v6;
	v6 =	vld [tilespmem:s7+$0x0]  }
0x24e: {  	[tilespmem:s7+$0xFFFFFF90] =	vst v1;
	v1 =	vmul.f32 $8.000000000e+00, v5;
	v5 =	vld [tilespmem:s7+$0x10]  }
0x24f: {  	[tilespmem:s7+$0xFFFFFFA0] =	vst v0;
	v0 =	vmul.f32 $8.000000000e+00, v4;
	v4 =	vld [tilespmem:s7+$0x20]  }
0x250: {  	[tilespmem:s7+$0xFFFFFFB0] =	vst v1;
	v1 =	vmul.f32 $8.000000000e+00, v2;
	v2 =	vld [tilespmem:s7+$0x30]  }
0x251: {  	[tilespmem:s7+$0xFFFFFFC0] =	vst v0;
	v0 =	vmul.f32 $8.000000000e+00, v3;
	v3 =	vld [tilespmem:s7+$0x40]  }
0x252: {  	[tilespmem:s7+$0xFFFFFFD0] =	vst v1;
	v1 =	vmul.f32 $8.000000000e+00, v6;
	v6 =	vld [tilespmem:s7+$0x50]  }
0x253: {  	[tilespmem:s7+$0xFFFFFFE0] =	vst v0;
	v0 =	vmul.f32 $8.000000000e+00, v5;
	v5 =	vld [tilespmem:s7+$0x60]  }
0x254: {  	[tilespmem:s7+$0x0] =	vst v1;
	v1 =	vmul.f32 $8.000000000e+00, v4;
	v4 =	vld [tilespmem:s7+$0x70]  }
0x255: {  	[tilespmem:s7+$0x10] =	vst v0;
	v0 =	vmul.f32 $8.000000000e+00, v2;
	v2 =	vld [tilespmem:s7+$0x80]  }
0x256: {  	[tilespmem:s7+$0x20] =	vst v1;
	v1 =	vmul.f32 $8.000000000e+00, v3;
	v3 =	vld [tilespmem:s7+$0x90]  }
0x257: {  	s8 =	sadd.s32 $0x8, s8;
	[tilespmem:s7+$0x30] =	vst v0;
	v0 =	vmul.f32 $8.000000000e+00, v6;
	v6 =	vld [tilespmem:s7+$0xA0]  }
0x258: {  	p0 =	slt.u32 s8, $0xC0;
	[tilespmem:s7+$0x40] =	vst v1;
	v1 =	vmul.f32 $8.000000000e+00, v5;
	v7 =	vld [tilespmem:s7+$0xB0]  }
.Ltmp7:
0x259: {  	[tilespmem:s7+$0x50] =	vst v0;
	v4 =	vmul.f32 $8.000000000e+00, v4;
	v0 =	vld [tilespmem:s7+$0xC0];
	(pc) =	sbr.rel @p0 .LBB2_16-.Ltmp7, $4  }
0x25a: {  	[tilespmem:s7+$0x60] =	vst v1;
	v5 =	vmul.f32 $8.000000000e+00, v2;
	v1 =	vld [tilespmem:s7+$0xD0]  }
0x25b: {  	[tilespmem:s7+$0x70] =	vst v4;
	v8 =	vmul.f32 $8.000000000e+00, v3;
	v2 =	vld [tilespmem:s7+$0xE0]  }
0x25c: {  	[tilespmem:s7+$0x80] =	vst v5;
	v5 =	vmul.f32 $8.000000000e+00, v6;
	v3 =	vld [tilespmem:s7+$0xF0]  }
0x25d: {  	s7 =	sadd.s32 $0x200, s7;
	v4 =	vld [tilespmem:s5+$0xFFFFFFF0];
	[tilespmem:s5+$0x90] =	vst v8;
	v6 =	vmul.f32 $8.000000000e+00, v7  }
0x25e: {  	[tilespmem:s5+$0xA0] =	vst v5;
	v0 =	vmul.f32 $8.000000000e+00, v0  }
0x25f: {  	[tilespmem:s5+$0xB0] =	vst v6;
	v1 =	vmul.f32 $8.000000000e+00, v1  }
0x260: {  	[tilespmem:s5+$0xC0] =	vst v0;
	v0 =	vmul.f32 $8.000000000e+00, v2  }
0x261: {  	[tilespmem:s5+$0xD0] =	vst v1;
	v1 =	vmul.f32 $8.000000000e+00, v3  }
0x262: {  	v2 =	vmul.f32 $8.000000000e+00, v4;
	[tilespmem:s5+$0xE0] =	vst v0  }
0x263: {  	[tilespmem:s5+$0xF0] =	vst v1  }
0x264: {  	s29 =	rddreg [dreg:$0x6];
	[tilespmem:s5+$0xFFFFFFF0] =	vst v2  }
0x265: {  	[hbm4b:s29+s3] =	stream.linear.scatter [tilespmem:s22], [sflag:$0x7], $0x3200, $0x38;
	[tilespmem:$0x12C00] =	vst v63  }
0x266: {  	_ =	swait.ge [sflag:s17], $0x3200  }
0x267: {  	[sflag:s17] =	ssyncset.done $0x0  }
0x268: {  	[sflag:s17] =	ssyncadd.s32 $0xFFFFCE00  }
0x269: {  	_ =	swait.ge [sflag:s19], $0x2000  }
0x26a: {  	[sflag:s19] =	ssyncset.done $0x0  }
0x26b: {  	[sflag:s19] =	ssyncadd.s32 $0xFFFFE000  }
0x26c: {  	_ =	swait.ge [sflag:s19], $0x1200  }
0x26d: {  	[sflag:s19] =	ssyncset.done $0x0  }
0x26e: {  	s5 =	simm.s32 $0xFB00;
	[sflag:s19] =	ssyncadd.s32 $0xFFFFEE00  }
0x26f: {  	v0 =	vld [tilespmem:s5+$0xFFFFFF00]  }
0x270: {  	v1 =	vld [tilespmem:s5+$0xFFFFFF10]  }
0x271: {  	v2 =	vld [tilespmem:s5+$0xFFFFFF20]  }
0x272: {  	v3 =	vld [tilespmem:s5+$0xFFFFFF30]  }
0x273: {  	v4 =	vld [tilespmem:s5+$0xFFFFFF40]  }
0x274: {  	v5 =	vld [tilespmem:s5+$0xFFFFFF50];
	v0 =	vmul.f32 $8.000000000e+00, v0  }
0x275: {  	v6 =	vld [tilespmem:s5+$0xFFFFFF60];
	v1 =	vmul.f32 $8.000000000e+00, v1  }
0x276: {  	[tilespmem:s5+$0xFFFFFF00] =	vst v0;
	v0 =	vmul.f32 $8.000000000e+00, v2;
	v2 =	vld [tilespmem:s5+$0xFFFFFF70]  }
0x277: {  	[tilespmem:s5+$0xFFFFFF10] =	vst v1;
	v1 =	vmul.f32 $8.000000000e+00, v3;
	v3 =	vld [tilespmem:s5+$0xFFFFFF80]  }
0x278: {  	[tilespmem:s5+$0xFFFFFF20] =	vst v0;
	v0 =	vmul.f32 $8.000000000e+00, v4;
	v4 =	vld [tilespmem:s5+$0xFFFFFF90]  }
0x279: {  	[tilespmem:s5+$0xFFFFFF30] =	vst v1;
	v1 =	vmul.f32 $8.000000000e+00, v5;
	v5 =	vld [tilespmem:s5+$0xFFFFFFA0]  }
0x27a: {  	[tilespmem:s5+$0xFFFFFF40] =	vst v0;
	v0 =	vmul.f32 $8.000000000e+00, v6;
	v6 =	vld [tilespmem:s5+$0xFFFFFFB0]  }
0x27b: {  	[tilespmem:s5+$0xFFFFFF50] =	vst v1;
	v1 =	vmul.f32 $8.000000000e+00, v2;
	v2 =	vld [tilespmem:s5+$0xFFFFFFC0]  }
0x27c: {  	[tilespmem:s5+$0xFFFFFF60] =	vst v0;
	v0 =	vmul.f32 $8.000000000e+00, v3;
	v3 =	vld [tilespmem:s5+$0xFFFFFFD0]  }
0x27d: {  	[tilespmem:s5+$0xFFFFFF70] =	vst v1;
	v1 =	vmul.f32 $8.000000000e+00, v4;
	v4 =	vld [tilespmem:s5+$0xFFFFFFE0]  }
0x27e: {  	[tilespmem:s5+$0xFFFFFF80] =	vst v0;
	v0 =	vmul.f32 $8.000000000e+00, v5;
	v5 =	vld [tilespmem:s5+$0x0]  }
0x27f: {  	[tilespmem:s5+$0xFFFFFF90] =	vst v1;
	v1 =	vmul.f32 $8.000000000e+00, v6;
	v6 =	vld [tilespmem:s5+$0x10]  }
0x280: {  	[tilespmem:s5+$0xFFFFFFA0] =	vst v0;
	v0 =	vmul.f32 $8.000000000e+00, v2;
	v2 =	vld [tilespmem:s5+$0x20]  }
0x281: {  	[tilespmem:s5+$0xFFFFFFB0] =	vst v1;
	v1 =	vmul.f32 $8.000000000e+00, v3;
	v3 =	vld [tilespmem:s5+$0x30]  }
0x282: {  	[tilespmem:s5+$0xFFFFFFC0] =	vst v0;
	v0 =	vmul.f32 $8.000000000e+00, v4;
	v4 =	vld [tilespmem:s5+$0x40]  }
0x283: {  	[tilespmem:s5+$0xFFFFFFD0] =	vst v1;
	v1 =	vmul.f32 $8.000000000e+00, v5;
	v5 =	vld [tilespmem:s5+$0x50]  }
0x284: {  	[tilespmem:s5+$0xFFFFFFE0] =	vst v0;
	v0 =	vmul.f32 $8.000000000e+00, v6;
	v6 =	vld [tilespmem:s5+$0x60]  }
0x285: {  	[tilespmem:s5+$0x0] =	vst v1;
	v1 =	vmul.f32 $8.000000000e+00, v2;
	v2 =	vld [tilespmem:s5+$0x70]  }
0x286: {  	[tilespmem:s5+$0x10] =	vst v0;
	v0 =	vmul.f32 $8.000000000e+00, v3;
	v3 =	vld [tilespmem:s5+$0x80]  }
0x287: {  	[tilespmem:s5+$0x20] =	vst v1;
	v1 =	vmul.f32 $8.000000000e+00, v4;
	v4 =	vld [tilespmem:s5+$0x90]  }
0x288: {  	[tilespmem:s5+$0x30] =	vst v0;
	v0 =	vmul.f32 $8.000000000e+00, v5;
	v5 =	vld [tilespmem:s5+$0xA0]  }
0x289: {  	[tilespmem:s5+$0x40] =	vst v1;
	v1 =	vmul.f32 $8.000000000e+00, v6;
	v6 =	vld [tilespmem:s5+$0xB0]  }
0x28a: {  	[tilespmem:s5+$0x50] =	vst v0;
	v2 =	vmul.f32 $8.000000000e+00, v2;
	v0 =	vld [tilespmem:s5+$0xC0]  }
0x28b: {  	[tilespmem:s5+$0x60] =	vst v1;
	v3 =	vmul.f32 $8.000000000e+00, v3;
	v1 =	vld [tilespmem:s5+$0xD0]  }
0x28c: {  	[tilespmem:s5+$0x70] =	vst v2;
	v7 =	vmul.f32 $8.000000000e+00, v4;
	v2 =	vld [tilespmem:s5+$0xE0]  }
0x28d: {  	[tilespmem:s5+$0x80] =	vst v3;
	v3 =	vld [tilespmem:s5+$0xF0];
	v5 =	vmul.f32 $8.000000000e+00, v5  }
0x28e: {  	s8 =	simm.s32 $0x0;
	s7 =	simm.s32 $0xFD00;
	v4 =	vld [tilespmem:s5+$0xFFFFFFF0];
	[tilespmem:s5+$0x90] =	vst v7;
	v6 =	vmul.f32 $8.000000000e+00, v6  }
.LBB2_18:
0x28f: {  	v7 =	vld [tilespmem:s7+$0xFFFFFF00];
	[tilespmem:s5+$0xA0] =	vst v5;
	v0 =	vmul.f32 $8.000000000e+00, v0  }
0x290: {  	v5 =	vld [tilespmem:s7+$0xFFFFFF10];
	[tilespmem:s5+$0xB0] =	vst v6;
	v1 =	vmul.f32 $8.000000000e+00, v1  }
0x291: {  	v6 =	vld [tilespmem:s7+$0xFFFFFF20];
	[tilespmem:s5+$0xC0] =	vst v0;
	v0 =	vmul.f32 $8.000000000e+00, v2  }
0x292: {  	v2 =	vld [tilespmem:s7+$0xFFFFFF30];
	[tilespmem:s5+$0xD0] =	vst v1;
	v1 =	vmul.f32 $8.000000000e+00, v3  }
0x293: {  	v3 =	vld [tilespmem:s7+$0xFFFFFF40];
	v4 =	vmul.f32 $8.000000000e+00, v4;
	[tilespmem:s5+$0xE0] =	vst v0  }
0x294: {  	v0 =	vmul.f32 $8.000000000e+00, v7;
	v7 =	vld [tilespmem:s7+$0xFFFFFF50];
	[tilespmem:s5+$0xF0] =	vst v1  }
0x295: {  	v1 =	vmul.f32 $8.000000000e+00, v5;
	v5 =	vld [tilespmem:s7+$0xFFFFFF60];
	[tilespmem:s5+$0xFFFFFFF0] =	vst v4;
	s5 =	smov.u32 s7  }
0x296: {  	[tilespmem:s7+$0xFFFFFF00] =	vst v0;
	v0 =	vmul.f32 $8.000000000e+00, v6;
	v4 =	vld [tilespmem:s7+$0xFFFFFF70]  }
0x297: {  	[tilespmem:s7+$0xFFFFFF10] =	vst v1;
	v1 =	vmul.f32 $8.000000000e+00, v2;
	v2 =	vld [tilespmem:s7+$0xFFFFFF80]  }
0x298: {  	[tilespmem:s7+$0xFFFFFF20] =	vst v0;
	v0 =	vmul.f32 $8.000000000e+00, v3;
	v3 =	vld [tilespmem:s7+$0xFFFFFF90]  }
0x299: {  	[tilespmem:s7+$0xFFFFFF30] =	vst v1;
	v1 =	vmul.f32 $8.000000000e+00, v7;
	v6 =	vld [tilespmem:s7+$0xFFFFFFA0]  }
0x29a: {  	[tilespmem:s7+$0xFFFFFF40] =	vst v0;
	v0 =	vmul.f32 $8.000000000e+00, v5;
	v5 =	vld [tilespmem:s7+$0xFFFFFFB0]  }
0x29b: {  	[tilespmem:s7+$0xFFFFFF50] =	vst v1;
	v1 =	vmul.f32 $8.000000000e+00, v4;
	v4 =	vld [tilespmem:s7+$0xFFFFFFC0]  }
0x29c: {  	[tilespmem:s7+$0xFFFFFF60] =	vst v0;
	v0 =	vmul.f32 $8.000000000e+00, v2;
	v2 =	vld [tilespmem:s7+$0xFFFFFFD0]  }
0x29d: {  	[tilespmem:s7+$0xFFFFFF70] =	vst v1;
	v1 =	vmul.f32 $8.000000000e+00, v3;
	v3 =	vld [tilespmem:s7+$0xFFFFFFE0]  }
0x29e: {  	[tilespmem:s7+$0xFFFFFF80] =	vst v0;
	v0 =	vmul.f32 $8.000000000e+00, v6;
	v6 =	vld [tilespmem:s7+$0x0]  }
0x29f: {  	[tilespmem:s7+$0xFFFFFF90] =	vst v1;
	v1 =	vmul.f32 $8.000000000e+00, v5;
	v5 =	vld [tilespmem:s7+$0x10]  }
0x2a0: {  	[tilespmem:s7+$0xFFFFFFA0] =	vst v0;
	v0 =	vmul.f32 $8.000000000e+00, v4;
	v4 =	vld [tilespmem:s7+$0x20]  }
0x2a1: {  	[tilespmem:s7+$0xFFFFFFB0] =	vst v1;
	v1 =	vmul.f32 $8.000000000e+00, v2;
	v2 =	vld [tilespmem:s7+$0x30]  }
0x2a2: {  	[tilespmem:s7+$0xFFFFFFC0] =	vst v0;
	v0 =	vmul.f32 $8.000000000e+00, v3;
	v3 =	vld [tilespmem:s7+$0x40]  }
0x2a3: {  	[tilespmem:s7+$0xFFFFFFD0] =	vst v1;
	v1 =	vmul.f32 $8.000000000e+00, v6;
	v6 =	vld [tilespmem:s7+$0x50]  }
0x2a4: {  	[tilespmem:s7+$0xFFFFFFE0] =	vst v0;
	v0 =	vmul.f32 $8.000000000e+00, v5;
	v5 =	vld [tilespmem:s7+$0x60]  }
0x2a5: {  	[tilespmem:s7+$0x0] =	vst v1;
	v1 =	vmul.f32 $8.000000000e+00, v4;
	v4 =	vld [tilespmem:s7+$0x70]  }
0x2a6: {  	[tilespmem:s7+$0x10] =	vst v0;
	v0 =	vmul.f32 $8.000000000e+00, v2;
	v2 =	vld [tilespmem:s7+$0x80]  }
0x2a7: {  	[tilespmem:s7+$0x20] =	vst v1;
	v1 =	vmul.f32 $8.000000000e+00, v3;
	v3 =	vld [tilespmem:s7+$0x90]  }
0x2a8: {  	s8 =	sadd.s32 $0x8, s8;
	[tilespmem:s7+$0x30] =	vst v0;
	v0 =	vmul.f32 $8.000000000e+00, v6;
	v6 =	vld [tilespmem:s7+$0xA0]  }
0x2a9: {  	p0 =	slt.u32 s8, $0xC0;
	[tilespmem:s7+$0x40] =	vst v1;
	v1 =	vmul.f32 $8.000000000e+00, v5;
	v7 =	vld [tilespmem:s7+$0xB0]  }
.Ltmp8:
0x2aa: {  	[tilespmem:s7+$0x50] =	vst v0;
	v4 =	vmul.f32 $8.000000000e+00, v4;
	v0 =	vld [tilespmem:s7+$0xC0];
	(pc) =	sbr.rel @p0 .LBB2_18-.Ltmp8, $4  }
0x2ab: {  	[tilespmem:s7+$0x60] =	vst v1;
	v5 =	vmul.f32 $8.000000000e+00, v2;
	v1 =	vld [tilespmem:s7+$0xD0]  }
0x2ac: {  	[tilespmem:s7+$0x70] =	vst v4;
	v8 =	vmul.f32 $8.000000000e+00, v3;
	v2 =	vld [tilespmem:s7+$0xE0]  }
0x2ad: {  	[tilespmem:s7+$0x80] =	vst v5;
	v5 =	vmul.f32 $8.000000000e+00, v6;
	v3 =	vld [tilespmem:s7+$0xF0]  }
0x2ae: {  	s7 =	sadd.s32 $0x200, s7;
	v4 =	vld [tilespmem:s5+$0xFFFFFFF0];
	[tilespmem:s5+$0x90] =	vst v8;
	v6 =	vmul.f32 $8.000000000e+00, v7  }
0x2af: {  	[tilespmem:s5+$0xA0] =	vst v5;
	v0 =	vmul.f32 $8.000000000e+00, v0  }
0x2b0: {  	[tilespmem:s5+$0xB0] =	vst v6;
	v1 =	vmul.f32 $8.000000000e+00, v1  }
0x2b1: {  	[tilespmem:s5+$0xC0] =	vst v0;
	v61 =	vmul.f32 $8.000000000e+00, v2  }
0x2b2: {  	[tilespmem:s5+$0xD0] =	vst v1;
	v62 =	vmul.f32 $8.000000000e+00, v3  }
0x2b3: {  	v63 =	vmul.f32 $8.000000000e+00, v4;
	[tilespmem:s5+$0xE0] =	vst v61  }
0x2b4: {  	[tilespmem:s5+$0xF0] =	vst v62  }
0x2b5: {  	s11 =	rddreg [dreg:$0x7];
	[tilespmem:s5+$0xFFFFFFF0] =	vst v63  }
0x2b6: {  	[hbm4b:s11+s3] =	stream.linear.scatter [tilespmem:s28], [sflag:$0x8], $0x3200, $0x38;
	[tilespmem:$0x12C00] =	vst v63  }
0x2b7: {  	_ =	swait.ge [sflag:s21], $0x3200  }
0x2b8: {  	[sflag:s21] =	ssyncset.done $0x0  }
0x2b9: {  	[sflag:s21] =	ssyncadd.s32 $0xFFFFCE00  }
0x2ba: {  	_ =	swait.ge [sflag:s23], $0x3200  }
0x2bb: {  	s26 =	sadd.s32 $0x1, s26;
	s29 =	rddreg [dreg:$0x8]  }
0x2bc: {  	p0 =	sne.s32 s26, s29  }
.Ltmp9:
0x2bd: {  	_ = 	snop;
	(pc) =	sbr.rel @p0 .LBB2_1-.Ltmp9, $3  }
0x2be: {  	_ =	sdelay $0x1  }
0x2bf: {  	[sflag:s23] =	ssyncset.done $0x0  }
0x2c0: {  	[sflag:s23] =	ssyncadd.s32 $0xFFFFCE00  }
0x2c1: {  	_ =	sfence.sel $0x180000  }
0x2c2: {  	[bflag:$0x0] =	sbarrier.arrive $0xFFFF  }
0x2c3: {  	_ =	strace $0x90000047  }
0x2c4: {  	s0 =	stileid.u32;
	[bflag:$0x2] =	sbarrier.arrive $0xFFFF  }
0x2c5: {  	p0 =	sne.s32 s0, $0x0;
	s0 =	rddreg [dreg:$0x2]  }
0x2c6: {  	s0 =	sadd.s32 @!p0 $0x100000, s0  }
0x2c7: {  	[sflag:s0] =	ssyncadd.tile.s32 @!p0 $0x1;
	_ =	shalt  }
.Lfunc_end2:
_tile_overlayer_lowered:
.L_overlay_start_2:
0x2c8: {  	(tag) =	ssettag $0x2  }
0x2c9: {  	s0 =	rddreg [dreg:$0x0];
	s2 =	stileid.u32  }
0x2ca: {  	s1 =	rddreg [dreg:$0x1];
	p0 =	sne.s32 s2, $0x0  }
0x2cb: {  	s3 =	rddreg [dreg:$0x2];
	[bflag:$0x3] =	sbarrier.arrive $0xFFFF;
	s2 =	simm.s32 @!p0 $0x1C09  }
0x2cc: {  	[timem:s3], [sflag:s2] =	dma.local @!p0 [hbm:s0], s1  }
0x2cd: {  	s0 =	simm.s32 @!p0 $0x9  }
0x2ce: {  	_ =	swait.ge @!p0 [sflag:s0], s1  }
0x2cf: {  	s1 =	ssub.s32 @!p0 $0x0, s1;
	[sflag:s0] =	ssyncset.done @!p0 $0x0  }
0x2d0: {  	[sflag:s0] =	ssyncadd.s32 @!p0 s1  }
0x2d1: {  	[bflag:$0x3] =	sbarrier.arrive $0xFFFF  }
0x2d2: {  	_ =	shalt  }

// kernel: sparse-core-data-format-call.cloned.1.call-start
scs
called_computation_lowered:
.L_overlay_start_0:
0x0: {  	s2 =	sld [smem:$0x3FD9]  }
0x1: {  	s3 =	sld [smem:$0x3FFE];
	_ =	sdelay $0x1  }
0x2: {  	s1 =	srdreg.scid  }
0x3: {  	s0 =	sand.u32 $0x1, s1  }
0x4: {  	s18 =	sshll.u32 s0, $0xA;
	s2 =	sadd.s32 s3, s2  }
0x5: {  	s2 =	sadd.s32 s2, s18  }
0x6: {  	[smem:$0x3FC6] =	sst s2  }
0x7: {  	_ = 	snop  }
0x8: {  	s2 =	sld [smem:$0x3FD0];
	(tm) =	ssettm $0x1  }
0x9: {  	s19 =	sld [smem:$0x3FFB];
	_ =	sdelay $0x3  }
0xa: {  	_ =	strace s19  }
0xb: {  	s3 =	sld [smem:$0x3FFC];
	_ =	sdelay $0x3  }
0xc: {  	_ =	strace s3  }
0xd: {  	s3 =	sld [smem:$0x3FFD];
	_ =	sdelay $0x3  }
0xe: {  	_ =	strace s3  }
0xf: {  	_ =	strace $0x8FFFFFFF  }
0x10: {  	s20 =	sld [smem:$0x3FDB];
	_ =	sdelay $0x1  }
0x11: {  	s4 =	simm.s32 $_scs_section_size  }
0x12: {  	s5 =	simm.s32 $_size__tile_overlayer_lowered;
	s6 =	simm.s32 $_tile_overlayer_lowered  }
0x13: {  	s23 =	simm.s32 $0x1BFF;
	s22 =	sshll.u32 s6, $0x1;
	s3 =	sadd.s32 s4, s20  }
0x14: {  	s7 =	simm.s32 $0x0;
	s21 =	sshll.u32 s5, $0x1;
	s5 =	sadd.s32 s22, s3  }
0x15: {  	[timem:s7], [sflag:s23] =	dma.local [hbm:s5], s21  }
0x16: {  	_ =	swait.ge [sflag:s23], s21  }
0x17: {  	s4 =	ssub.s32 $0x0, s21;
	[sflag:s23] =	ssyncset.done $0x0  }
0x18: {  	[sflag:s23] =	ssyncadd.s32 s4;
	_ =	sdelay $0x1  }
0x19: {  	s24 =	simm.s32 $0x1B8B  }
0x1a: {  	_ =	swait.ge [sflag:s24], $0x1  }
0x1b: {  	[sflag:s24] =	ssyncset.done $0x0  }
0x1c: {  	s26 =	simm.s32 $0x1B8E;
	s25 =	sld [smem:$0x3FFE];
	[sflag:s24] =	ssyncadd.s32 $0xFFFFFFFF  }
0x1d: {  	s27 =	simm.s32 $execute0_lowered;
	[smem:$0x3FD2] =	sst s26  }
0x1e: {  	s5 =	sshll.u32 s27, $0x1;
	_ =	strace $0x80000049;
	[dreg:$0x1] =	wrdreg $0xFFFFFFFF  }
0x1f: {  	s28 =	simm.s32 $_size_execute0_lowered;
	s3 =	sadd.s32 s3, s5;
	[dreg:$0x0] =	wrdreg $0x0  }
0x20: {  	s5 =	sshll.u32 s28, $0x1;
	[dreg:$0x2] =	wrdreg s3  }
0x21: {  	[dreg:$0x3] =	wrdreg s5  }
0x22: {  	[dreg:$0x4] =	wrdreg $0xC0  }
0x23: {  	_ =	task [dreg:s7], $0x5FFFF  }
0x24: {  	[dreg:$0x1] =	wrdreg $0xFFFFFFFF  }
0x25: {  	[dreg:$0x0] =	wrdreg $0x60  }
0x26: {  	[dreg:$0x2] =	wrdreg s25  }
0x27: {  	[dreg:$0x3] =	wrdreg s2  }
0x28: {  	[dreg:$0x4] =	wrdreg $0x9  }
0x29: {  	_ =	task.clear_ibuf [dreg:s7], $0x5FFFF;
	_ =	strace $0x90000049  }
0x2a: {  	s29 =	simm.s32 $0x9;
	_ =	strace $0x8000004B  }
0x2b: {  	_ =	swait.ge [sflag:s29], $0x1  }
0x2c: {  	[sflag:s29] =	ssyncadd.s32 $0xFFFFFFFF  }
0x2d: {  	_ =	strace $0x9000004B  }
0x2e: {  	_ =	sfence  }
0x2f: {  	s30 =	sld [smem:$0x0];
	_ =	sdelay $0x2  }
0x30: {  	s31 =	sshll.u32 s1, $0xD;
	s1 =	sshrl.u32 s1, $0x2  }
0x31: {  	s3 =	sand.u32 $0x4000, s31;
	s1 =	sadd.s32 s1, s30  }
0x32: {  	s0 =	sor.u32 s3, s0;
	s1 =	sshll.u32 s1, $0x11  }
0x33: {  	s0 =	sor.u32 s1, s0  }
0x34: {  	s0 =	sadd.s32 $0x8F2B, s0  }
0x35: {  	[sflag:s0] =	ssyncadd.remote.s32 $0x1  }
0x36: {  	_ =	sfence.sel $0xFFFF  }
0x37: {  	[dreg:$0x0] =	wrdreg $0xFFFFFFFF;
	(pc) =	sbr.abs _section_cstart, $3  }
0x38: {  	[dreg:$0x1] =	wrdreg $0xFFFFFFFF  }
0x39: {  	_ =	task.clear_ibuf [dreg:s7], $0x2FFFF;
	_ =	strace $0x9FFFFFFF  }
0x3a: {  	(tm) =	ssettm $0x7FFFFFFF  }
0x3b: {  	_ =	shalt  }
tec
execute0_lowered:
.L_overlay_start_1:
0x0: {  	(tag) =	ssettag $0x1  }
0x1: {  	s0 =	srdreg.scid  }
0x2: {  	s1 =	sshll.u32 s0, $0x4  }
0x3: {  	s0 =	stileid.u32;
	s1 =	sand.u32 $0x10, s1  }
0x4: {  	s1 =	sor.u32 s0, s1  }
0x5: {  	s6 =	rddreg [dreg:$0x0];
	s4 =	simm.s32 $0x1;
	s2 =	sshll.u32 s1, $0x7  }
0x6: {  	s7 =	simm.s32 $0x2;
	s12 =	simm.s32 $0x0;
	s1 =	ssub.s32 $0x1000, s2  }
0x7: {  	s8 =	simm.s32 $0x8000;
	s13 =	simm.s32 $0x0;
	s3 =	sand.u32 $0xF80, s1  }
0x8: {  	s9 =	simm.s32 $0x0;
	s5 =	sshrl.u32 s1, $0xC;
	p0 =	sne.s32 s3, $0x0  }
.Ltmp0:
0x9: {  	s1 =	rddreg [dreg:$0x2];
	s4 =	simm.s32 @!p0 $0x0;
	(pc) =	sbr.rel .LBB1_1-.Ltmp0, $4  }
0xa: {  	s11 =	simm.s32 $0x0;
	s3 =	rddreg [dreg:$0x1];
	s5 =	sadd.s32 s4, s5  }
0xb: {  	_ =	strace $0x8000004A;
	s4 =	simm.s32 $0x1;
	s5 =	smul.u32 $0xC8, s5  }
0xc: {  	s6 =	sadd.s32 $0xA00, s6;
	s10 =	smov.u32 s2;
	[sflag:s4] =	ssyncpa.u1 $0x0  }
0xd: {  	p0 =	por $0x0, $0x0;
	[sflag:s7] =	ssyncpa.u1 $0x0;
	s7 =	sor.u32 $0x1, s5  }
.LBB1_4:
0xe: {  	s16 =	sshll.u32 s13, $0x3;
	s17 =	sand.u32 $0x78, s13  }
0xf: {  	s30 =	sand.u32 $0x7E00, s13;
	s12 =	sshll.u32 s12, $0xF;
	s16 =	sand.u32 $0xC00, s16  }
0x10: {  	[tilespmem:s15+$0x810 ss:$0x81] =	vst.msk $0xffff, v2;
	s31 =	sand.u32 $0x7, s13;
	s16 =	sor.u32 s17, s16;
	s17 =	sadd.s32 s3, s30  }
0x11: {  	[tilespmem:s15+$0x1020 ss:$0x81] =	vst.msk $0xffff, v0;
	s13 =	sshll.u32 s31, $0x12;
	s12 =	sadd.s32 s12, s17;
	s16 =	sshrl.u32 s16, $0x3  }
0x12: {  	[tilespmem:s15+$0x0 ss:$0x81] =	vst.msk $0xffff, v1;
	s13 =	sor.u32 $0x400, s13;
	s12 =	sadd.s32 s16, s12  }
0x13: {  	[hbm4b:s12+s13] =	stream.strided.scatter [tilespmem:s14], [sflag:$0x2], $0x2000, s8, s13, $0x20;
	[tilespmem:$0x8080] =	vst v63  }
.LBB1_5:
0x14: {  	s14 =	sadd.s32 $0x1, s9  }
0x15: {  	s12 =	sadd.s32 $0x1000, s10;
	s16 =	smov.u32 s10;
	p2 =	sgt.s32 s14, $0xC7  }
0x16: {  	s16 =	smov.u32 @p2 s12  }
0x17: {  	s14 =	simm.s32 @p2 $0x0;
	p2 =	sgt.s32 s16, $0xFFF  }
0x18: {  	s16 =	smov.u32 @p2 s2;
	p2 =	sne.s32 s11, s7  }
.Ltmp1:
0x19: {  	p1 =	slt.u32 s11, $0x2;
	(pc) =	sbr.rel @!p2 .LBB1_6-.Ltmp1, $4  }
0x1a: {  	s15 =	simm.s32 @!p1 $0x2  }
0x1b: {  	s13 =	smov.u32 s10;
	p0 =	por !p0, !p0;
	_ =	swait.ge @!p1 [sflag:s15], $0x2000  }
0x1c: {  	s12 =	smov.u32 s9;
	[sflag:s15] =	ssyncset.done @!p1 $0x0;
	s9 =	smov.u32 s14  }
0x1d: {  	s11 =	sadd.s32 $0x1, s11;
	[sflag:s15] =	ssyncadd.s32 @!p1 $0xFFFFE000;
	s10 =	smov.u32 s16  }
.LBB1_1:
0x1e: {  	p1 =	sge.u32 s11, s5  }
0x1f: {  	s14 =	sand.u32 @!p1 $0x1FFFFFF, s9  }
0x20: {  	s15 =	smulhi.u32 @!p1 $0x147AE15, s14;
	_ =	sdelay $0x1  }
0x21: {  	s15 =	smul.u32 @!p1 $0xC8, s15  }
0x22: {  	s16 =	sxor.u32 @!p1 $0xFFFFFFFF, s11;
	s17 =	smul.u32 @!p1 $0xC80, s10  }
0x23: {  	s31 =	sadd.s32 $0xFFFFFFFF, s11;
	s16 =	sshll.u32 @!p1 s16, $0xD;
	s14 =	ssub.s32 @!p1 s14, s15  }
0x24: {  	s15 =	sand.u32 @!p1 $0x2000, s16;
	s16 =	sadd.s32 @!p1 s6, s17;
	s14 =	sshll.u32 @!p1 s14, $0x4  }
0x25: {  	s17 =	simm.s32 @!p1 $0x6400;
	s14 =	sadd.s32 @!p1 s14, s16;
	s16 =	simm.s32 @!p1 $0x40  }
0x26: {  	[tilespmem:s15], [sflag:$0x1] =	stream.strided.gather @!p1 [hbm4b:s14+s16], $0x2000, s17, s16, $0x38;
	[tilespmem:$0x8080] =	vst v63  }
0x27: {  	p1 =	sge.u32 s31, s5  }
.Ltmp2:
0x28: {  	_ = 	snop;
	(pc) =	sbr.rel @p1 .LBB1_5-.Ltmp2, $1  }
0x29: {  	_ =	sdelay $0x3  }
0x2a: {  	s14 =	simm.s32 $0x1  }
0x2b: {  	_ =	swait.ge [sflag:s4], $0x2000;
	s14 =	simm.s32 @!p0 $0x0  }
0x2c: {  	[sflag:s4] =	ssyncset.done $0x0;
	s15 =	sshll.u32 s14, $0xD  }
0x2d: {  	[sflag:s4] =	ssyncadd.s32 $0xFFFFE000;
	s18 =	sor.u32 $0x20, s15  }
0x2e: {  	s14 =	smul.u32 $0x8100, s14;
	v3 =	vld [tilespmem:s18+$0x10]  }
0x2f: {  	s30 =	sand.u32 $0x1, s11;
	v2 =	vld [tilespmem:s18+$0xFFFFFFF0]  }
0x30: {  	s15 =	smul.u32 $0x8100, s30;
	s14 =	sshrl.u32 s14, $0x2;
	v0 =	vld [tilespmem:s18+$0x0]  }
0x31: {  	v1 =	vld [tilespmem:s18+$0xFFFFFFE0];
	s16 =	sor.u32 $0x4000, s14  }
0x32: {  	s31 =	sshrl.u32 s15, $0x2;
	s15 =	sadd.s32 $0x0, s16  }
0x33: {  	s17 =	simm.s32 $0x4;
	s18 =	sadd.s32 $0x40, s18;
	s14 =	sor.u32 $0x4000, s31;
	[tilespmem:s15+$0x1830 ss:$0x81] =	vst.msk $0xffff, v3  }
.LBB1_3:
0x34: {  	v3 =	vld [tilespmem:s18+$0x10];
	p1 =	sne.s32 s17, $0x1FC;
	[tilespmem:s15+$0x810 ss:$0x81] =	vst.msk $0xffff, v2;
	s19 =	smov.u32 s17;
	s17 =	sadd.s32 $0x4, s17  }
.Ltmp3:
0x35: {  	v2 =	vld [tilespmem:s18+$0xFFFFFFF0];
	[tilespmem:s15+$0x1020 ss:$0x81] =	vst.msk $0xffff, v0;
	(pc) =	sbr.rel @p1 .LBB1_3-.Ltmp3, $4  }
0x36: {  	v0 =	vld [tilespmem:s18+$0x0];
	[tilespmem:s15+$0x0 ss:$0x81] =	vst.msk $0xffff, v1  }
0x37: {  	s15 =	sshra.s32 s19, $0x2;
	v1 =	vld [tilespmem:s18+$0xFFFFFFE0]  }
0x38: {  	s15 =	sadd.s32 s15, s16  }
0x39: {  	s18 =	sadd.s32 $0x40, s18;
	[tilespmem:s15+$0x1830 ss:$0x81] =	vst.msk $0xffff, v3  }
.Ltmp4:
0x3a: {  	_ = 	snop;
	(pc) =	sbr.rel .LBB1_4-.Ltmp4, $1  }
0x3b: {  	_ =	sdelay $0x3  }
.LBB1_6:
0x3c: {  	_ =	sfence.sel $0x180000  }
0x3d: {  	s2 =	simm.s32 $0x1;
	[bflag:$0x0] =	sbarrier.arrive $0xFFFF  }
0x3e: {  	s31 =	simm.s32 $0x2;
	[sflag:s2] =	ssyncpa.u1 $0x1  }
0x3f: {  	[sflag:s31] =	ssyncpa.u1 $0x1  }
0x40: {  	p0 =	sne.s32 s0, $0x0;
	_ =	strace $0x9000004A  }
0x41: {  	s0 =	sadd.s32 @!p0 $0x100000, s1;
	[bflag:$0x2] =	sbarrier.arrive $0xFFFF  }
0x42: {  	[sflag:s0] =	ssyncadd.tile.s32 @!p0 $0x1;
	_ =	shalt  }
.Lfunc_end1:
_tile_overlayer_lowered:
.L_overlay_start_2:
0x43: {  	(tag) =	ssettag $0x2  }
0x44: {  	s0 =	rddreg [dreg:$0x0];
	s2 =	stileid.u32  }
0x45: {  	s1 =	rddreg [dreg:$0x1];
	p0 =	sne.s32 s2, $0x0  }
0x46: {  	s3 =	rddreg [dreg:$0x2];
	[bflag:$0x3] =	sbarrier.arrive $0xFFFF;
	s2 =	simm.s32 @!p0 $0x1C01  }
0x47: {  	[timem:s3], [sflag:s2] =	dma.local @!p0 [hbm:s0], s1  }
0x48: {  	s0 =	simm.s32 @!p0 $0x1  }
0x49: {  	_ =	swait.ge @!p0 [sflag:s0], s1  }
0x4a: {  	s1 =	ssub.s32 @!p0 $0x0, s1;
	[sflag:s0] =	ssyncset.done @!p0 $0x0  }
0x4b: {  	[sflag:s0] =	ssyncadd.s32 @!p0 s1  }
0x4c: {  	[bflag:$0x3] =	sbarrier.arrive $0xFFFF  }
0x4d: {  	_ =	shalt  }

</sc_bundles>
